<compile_context>
chip_gen: v7x
topology: tpu7x:2x2x1
jax: 0.10.2.dev20260603
libtpu: 0.0.44.dev20260713+nightly
codegen_flags: <defaults>
</compile_context>

<pallas_src>
import functools

import jax
import jax.numpy as jnp
from jax import lax
from jax.experimental import pallas as pl
from jax.experimental.pallas import tpu as pltpu
from jax.experimental.pallas import tpu_sc as plsc

NC = 2
NS = 16
NW = NC * NS
LANES = 16
CHUNK = 8
NBUF = 4
LOOKAHEAD = 3


def _make_sc_kernel(N, E, V):
    rows_per_worker = N // NW
    n_chunks = rows_per_worker // CHUNK
    mesh = plsc.VectorSubcoreMesh(core_axis_name="c", subcore_axis_name="s")

    @functools.partial(
        pl.kernel,
        out_type=jax.ShapeDtypeStruct((N, E), jnp.float32),
        mesh=mesh,
        scratch_types=[
            pltpu.VMEM((n_chunks, CHUNK), jnp.int32),
            pltpu.VMEM((NBUF, CHUNK, E), jnp.float32),
            pltpu.VMEM((NBUF, CHUNK, E), jnp.float32),
            pltpu.VMEM((NBUF, CHUNK, E), jnp.float32),
            pltpu.SemaphoreType.DMA((NBUF,)),
            pltpu.SemaphoreType.DMA((NBUF,)),
            pltpu.SemaphoreType.DMA((NBUF,)),
        ],
    )
    def body(tok_hbm, idx_hbm, table_hbm, out_hbm, idx_v, gat_v, tok_v,
             o_v, gsem, tsem, osem):
        wid = lax.axis_index("s") * NC + lax.axis_index("c")
        base = wid * rows_per_worker
        pltpu.sync_copy(idx_hbm.at[wid], idx_v)

        def start_in(i, b):
            pltpu.async_copy(table_hbm.at[idx_v.at[i]], gat_v.at[b],
                             gsem.at[b])
            pltpu.async_copy(tok_hbm.at[pl.ds(base + i * CHUNK, CHUNK), :],
                             tok_v.at[b], tsem.at[b])

        def wait_in(i, b):
            pltpu.make_async_copy(table_hbm.at[idx_v.at[i]], gat_v.at[b],
                                  gsem.at[b]).wait()
            pltpu.make_async_copy(
                tok_hbm.at[pl.ds(base + i * CHUNK, CHUNK), :],
                tok_v.at[b], tsem.at[b]).wait()

        def start_out(i, b):
            pltpu.async_copy(o_v.at[b],
                             out_hbm.at[pl.ds(base + i * CHUNK, CHUNK), :],
                             osem.at[b])

        def wait_out(i, b):
            pltpu.make_async_copy(
                o_v.at[b],
                out_hbm.at[pl.ds(base + i * CHUNK, CHUNK), :],
                osem.at[b]).wait()

        for b in range(LOOKAHEAD):
            start_in(b, b)

        @pl.loop(0, n_chunks, step=NBUF)
        def quad(i0):
            for b in range(NBUF):
                i = i0 + b

                @pl.when(i + LOOKAHEAD < n_chunks)
                def _():
                    start_in(i + LOOKAHEAD, (b + LOOKAHEAD) % NBUF)

                wait_in(i, b)

                @pl.when(i >= NBUF)
                def _():
                    wait_out(i - NBUF, b)

                for r in range(CHUNK):
                    @plsc.parallel_loop(0, E // LANES, unroll=8)
                    def col(j):
                        sl = pl.ds(j * LANES, LANES)
                        o_v[b, r, sl] = gat_v[b, r, sl] + tok_v[b, r, sl]

                start_out(i, b)

        for k in range(NBUF):
            wait_out(n_chunks - NBUF + k, (n_chunks - NBUF + k) % NBUF)

    return body


def kernel(token_embedding, pos, pos_table):
    B, L, E = token_embedding.shape
    V = pos_table.shape[0]
    N = B * L
    tok = token_embedding.reshape(N, E)
    idx = pos.reshape(NW, N // (NW * CHUNK), CHUNK).astype(jnp.int32)
    out = _make_sc_kernel(N, E, V)(tok, idx, pos_table)
    return out.reshape(B, L, E)

# --- scband reference (transcript-rebuilt; emitter-appended) ---
"""Pipeline reference for scband-positional-embedding-7310034338032 (READ-ONLY COPY).

The authoritative reference and input builder live on the scoring server;
editing this copy changes nothing except your own understanding.
"""

import jax, jax.numpy as jnp
import numpy as np

MAXLEN = 4096
EMB = 1024
B = 4
L = 4096

def setup_inputs(seed: int = 0) -> dict:
    key = jax.random.key(seed)
    k1, k2, k3 = jax.random.split(key, 3)
    token_embedding = jax.random.normal(k1, (B, L, EMB), dtype=jnp.float32)
    pos = jax.random.randint(k2, (B, L), 0, MAXLEN, dtype=jnp.int64)
    pos_table = jax.random.normal(k3, (MAXLEN, EMB), dtype=jnp.float32) * 0.02
    return {"token_embedding": token_embedding, "pos": pos, "pos_table": pos_table}

def reference(token_embedding, pos, pos_table):
    # nn.Embedding lookup: pos_table[pos] -> [B, L, EMB]
    pos_emb = jnp.take(pos_table, pos.astype(jnp.int32), axis=0)
    out = token_embedding + pos_emb
    # dropout with p=0.0 is identity (eval / p=0)
    return out

if __name__ == "__main__":
    import jax
    _d = setup_inputs()
    print(jax.jit(kernel)(*tuple(_d.values())))

</pallas_src>

<mosaic_0001>
#map = affine_map<(d0, d1) -> (0, 0)>
#map1 = affine_map<(d0, d1) -> (0, 0, 0)>
module attributes {stable_mosaic.version = 14 : i64} {
  func.func @body(%arg0: i32, %arg1: i32, %arg2: memref<16384x1024xf32, #tpu.memory_space<hbm>>, %arg3: memref<32x64x8xi32, #tpu.memory_space<hbm>>, %arg4: memref<4096x1024xf32, #tpu.memory_space<hbm>>, %arg5: memref<16384x1024xf32, #tpu.memory_space<hbm>>, %arg6: memref<64x8xi32, #tpu.memory_space<vmem>>, %arg7: memref<4x8x1024xf32, #tpu.memory_space<vmem>>, %arg8: memref<4x8x1024xf32, #tpu.memory_space<vmem>>, %arg9: memref<4x8x1024xf32, #tpu.memory_space<vmem>>, %arg10: memref<4x!tpu.dma_semaphore, #tpu.memory_space<semaphore_mem>>, %arg11: memref<4x!tpu.dma_semaphore, #tpu.memory_space<semaphore_mem>>, %arg12: memref<4x!tpu.dma_semaphore, #tpu.memory_space<semaphore_mem>>) attributes {dimension_semantics = [#tpu.dimension_semantics<core_parallel>, #tpu.dimension_semantics<subcore_parallel>], iteration_bounds = array<i64: 2, 16>, scalar_prefetch = 0 : i64, scratch_operands = 7 : i64, tpu.core_type = #tpu.core_type<sc_vector_subcore>, window_params = [{transform_indices = #map}, {transform_indices = #map1}, {transform_indices = #map}, {transform_indices = #map}]} {
    %mul3A = arith.constant 2 : i32
    %mul3A_0 = arith.muli %arg1, %mul3A : i32
    %add3A = arith.addi %mul3A_0, %arg0 : i32
    %mul3A_1 = arith.constant 512 : i32
    %mul3A_2 = arith.muli %add3A, %mul3A_1 : i32
    "tpu.region"() ({
      %run_scoped3A = tpu.sem_alloc : memref<!tpu.dma_semaphore, #tpu.memory_space<semaphore_mem>>
      %dma_start3A_176 = arith.constant 0 : i32
      %dma_start3A_177 = arith.constant 0 : i32
      %dma_start3A_178 = tpu.memref_slice %arg3[%add3A, %dma_start3A_176, %dma_start3A_177] : memref<32x64x8xi32, #tpu.memory_space<hbm>> -> memref<1x64x8xi32, #tpu.memory_space<hbm>>
      %dma_start3A_179 = tpu.memref_squeeze %dma_start3A_178 : memref<1x64x8xi32, #tpu.memory_space<hbm>> -> memref<64x8xi32, #tpu.memory_space<hbm>>
      %dma_start3A_180 = arith.constant 0 : i32
      %dma_start3A_181 = arith.constant 0 : i32
      %dma_start3A_182 = tpu.memref_slice %arg3[%add3A, %dma_start3A_180, %dma_start3A_181] : memref<32x64x8xi32, #tpu.memory_space<hbm>> -> memref<1x64x8xi32, #tpu.memory_space<hbm>>
      %dma_start3A_183 = tpu.memref_squeeze %dma_start3A_182 : memref<1x64x8xi32, #tpu.memory_space<hbm>> -> memref<64x8xi32, #tpu.memory_space<hbm>>
      tpu.enqueue_dma source(%dma_start3A_183 : memref<64x8xi32, #tpu.memory_space<hbm>>) target(%arg6 : memref<64x8xi32, #tpu.memory_space<vmem>>) target_semaphore(%run_scoped3A : memref<!tpu.dma_semaphore, #tpu.memory_space<semaphore_mem>>)
      %dma_wait3A_184 = arith.constant 0 : i32
      %dma_wait3A_185 = arith.constant 0 : i32
      %dma_wait3A_186 = tpu.memref_slice %arg3[%add3A, %dma_wait3A_184, %dma_wait3A_185] : memref<32x64x8xi32, #tpu.memory_space<hbm>> -> memref<1x64x8xi32, #tpu.memory_space<hbm>>
      %dma_wait3A_187 = tpu.memref_squeeze %dma_wait3A_186 : memref<1x64x8xi32, #tpu.memory_space<hbm>> -> memref<64x8xi32, #tpu.memory_space<hbm>>
      %dma_wait3A_188 = arith.constant 0 : i32
      %dma_wait3A_189 = arith.constant 0 : i32
      %dma_wait3A_190 = tpu.memref_slice %arg3[%add3A, %dma_wait3A_188, %dma_wait3A_189] : memref<32x64x8xi32, #tpu.memory_space<hbm>> -> memref<1x64x8xi32, #tpu.memory_space<hbm>>
      %dma_wait3A_191 = tpu.memref_squeeze %dma_wait3A_190 : memref<1x64x8xi32, #tpu.memory_space<hbm>> -> memref<64x8xi32, #tpu.memory_space<hbm>>
      tpu.wait_dma2 semaphore(%run_scoped3A : memref<!tpu.dma_semaphore, #tpu.memory_space<semaphore_mem>>) src(%dma_wait3A_191 : memref<64x8xi32, #tpu.memory_space<hbm>>) dst(%arg6 : memref<64x8xi32, #tpu.memory_space<vmem>>)
      tpu.yield
    }) : () -> ()
    %dma_start3A = arith.constant 0 : i32
    %dma_start3A_3 = arith.constant 0 : i32
    %dma_start3A_4 = arith.constant 0 : i32
    %dma_start3A_5 = arith.constant 0 : i32
    %dma_start3A_6 = arith.constant 0 : i32
    %dma_start3A_7 = tpu.memref_slice %arg7[%dma_start3A_3, %dma_start3A_5, %dma_start3A_6] : memref<4x8x1024xf32, #tpu.memory_space<vmem>> -> memref<1x8x1024xf32, #tpu.memory_space<vmem>>
    %dma_start3A_8 = tpu.memref_squeeze %dma_start3A_7 : memref<1x8x1024xf32, #tpu.memory_space<vmem>> -> memref<8x1024xf32, #tpu.memory_space<vmem>>
    %dma_start3A_9 = arith.constant 0 : i32
    %dma_start3A_10 = tpu.memref_slice %arg6[%dma_start3A, %dma_start3A_9] : memref<64x8xi32, #tpu.memory_space<vmem>> -> memref<1x8xi32, #tpu.memory_space<vmem>>
    %dma_start3A_11 = tpu.memref_squeeze %dma_start3A_10 : memref<1x8xi32, #tpu.memory_space<vmem>> -> memref<8xi32, #tpu.memory_space<vmem>>
    %dma_start3A_12 = arith.constant 0 : i32
    %dma_start3A_13 = arith.constant 0 : i32
    %dma_start3A_14 = tpu.memref_slice %arg4[%dma_start3A_12, %dma_start3A_13] : memref<4096x1024xf32, #tpu.memory_space<hbm>> -> memref<4096x1024xf32, #tpu.memory_space<hbm>>
    %dma_start3A_15 = tpu.memref_slice %arg10[%dma_start3A_4] : memref<4x!tpu.dma_semaphore, #tpu.memory_space<semaphore_mem>> -> memref<1x!tpu.dma_semaphore, #tpu.memory_space<semaphore_mem>>
    %dma_start3A_16 = tpu.memref_squeeze %dma_start3A_15 : memref<1x!tpu.dma_semaphore, #tpu.memory_space<semaphore_mem>> -> memref<!tpu.dma_semaphore, #tpu.memory_space<semaphore_mem>>
    tpu.enqueue_indirect_dma source(%dma_start3A_14 : memref<4096x1024xf32, #tpu.memory_space<hbm>>) target(%dma_start3A_8 : memref<8x1024xf32, #tpu.memory_space<vmem>>) offsets(%dma_start3A_11 : memref<8xi32, #tpu.memory_space<vmem>>) semaphore(%dma_start3A_16 : memref<!tpu.dma_semaphore, #tpu.memory_space<semaphore_mem>>)
    %add3A_17 = arith.constant 0 : i32
    %add3A_18 = arith.addi %mul3A_2, %add3A_17 : i32
    %dma_start3A_19 = arith.constant 0 : i32
    %dma_start3A_20 = arith.constant 0 : i32
    %dma_start3A_21 = arith.constant 0 : i32
    %dma_start3A_22 = arith.constant 0 : i32
    %dma_start3A_23 = tpu.memref_slice %arg8[%dma_start3A_19, %dma_start3A_21, %dma_start3A_22] : memref<4x8x1024xf32, #tpu.memory_space<vmem>> -> memref<1x8x1024xf32, #tpu.memory_space<vmem>>
    %dma_start3A_24 = tpu.memref_squeeze %dma_start3A_23 : memref<1x8x1024xf32, #tpu.memory_space<vmem>> -> memref<8x1024xf32, #tpu.memory_space<vmem>>
    %dma_start3A_25 = arith.constant 0 : i32
    %dma_start3A_26 = tpu.memref_slice %arg2[%add3A_18, %dma_start3A_25] : memref<16384x1024xf32, #tpu.memory_space<hbm>> -> memref<8x1024xf32, #tpu.memory_space<hbm>>
    %dma_start3A_27 = tpu.memref_slice %arg11[%dma_start3A_20] : memref<4x!tpu.dma_semaphore, #tpu.memory_space<semaphore_mem>> -> memref<1x!tpu.dma_semaphore, #tpu.memory_space<semaphore_mem>>
    %dma_start3A_28 = tpu.memref_squeeze %dma_start3A_27 : memref<1x!tpu.dma_semaphore, #tpu.memory_space<semaphore_mem>> -> memref<!tpu.dma_semaphore, #tpu.memory_space<semaphore_mem>>
    %dma_start3A_29 = arith.constant 0 : i32
    %dma_start3A_30 = arith.constant 0 : i32
    %dma_start3A_31 = tpu.memref_slice %arg8[%dma_start3A_19, %dma_start3A_29, %dma_start3A_30] : memref<4x8x1024xf32, #tpu.memory_space<vmem>> -> memref<1x8x1024xf32, #tpu.memory_space<vmem>>
    %dma_start3A_32 = tpu.memref_squeeze %dma_start3A_31 : memref<1x8x1024xf32, #tpu.memory_space<vmem>> -> memref<8x1024xf32, #tpu.memory_space<vmem>>
    %dma_start3A_33 = arith.constant 0 : i32
    %dma_start3A_34 = tpu.memref_slice %arg2[%add3A_18, %dma_start3A_33] : memref<16384x1024xf32, #tpu.memory_space<hbm>> -> memref<8x1024xf32, #tpu.memory_space<hbm>>
    tpu.enqueue_dma source(%dma_start3A_34 : memref<8x1024xf32, #tpu.memory_space<hbm>>) target(%dma_start3A_32 : memref<8x1024xf32, #tpu.memory_space<vmem>>) target_semaphore(%dma_start3A_28 : memref<!tpu.dma_semaphore, #tpu.memory_space<semaphore_mem>>)
    %dma_start3A_35 = arith.constant 1 : i32
    %dma_start3A_36 = arith.constant 1 : i32
    %dma_start3A_37 = arith.constant 1 : i32
    %dma_start3A_38 = arith.constant 0 : i32
    %dma_start3A_39 = arith.constant 0 : i32
    %dma_start3A_40 = tpu.memref_slice %arg7[%dma_start3A_36, %dma_start3A_38, %dma_start3A_39] : memref<4x8x1024xf32, #tpu.memory_space<vmem>> -> memref<1x8x1024xf32, #tpu.memory_space<vmem>>
    %dma_start3A_41 = tpu.memref_squeeze %dma_start3A_40 : memref<1x8x1024xf32, #tpu.memory_space<vmem>> -> memref<8x1024xf32, #tpu.memory_space<vmem>>
    %dma_start3A_42 = arith.constant 0 : i32
    %dma_start3A_43 = tpu.memref_slice %arg6[%dma_start3A_35, %dma_start3A_42] : memref<64x8xi32, #tpu.memory_space<vmem>> -> memref<1x8xi32, #tpu.memory_space<vmem>>
    %dma_start3A_44 = tpu.memref_squeeze %dma_start3A_43 : memref<1x8xi32, #tpu.memory_space<vmem>> -> memref<8xi32, #tpu.memory_space<vmem>>
    %dma_start3A_45 = arith.constant 0 : i32
    %dma_start3A_46 = arith.constant 0 : i32
    %dma_start3A_47 = tpu.memref_slice %arg4[%dma_start3A_45, %dma_start3A_46] : memref<4096x1024xf32, #tpu.memory_space<hbm>> -> memref<4096x1024xf32, #tpu.memory_space<hbm>>
    %dma_start3A_48 = tpu.memref_slice %arg10[%dma_start3A_37] : memref<4x!tpu.dma_semaphore, #tpu.memory_space<semaphore_mem>> -> memref<1x!tpu.dma_semaphore, #tpu.memory_space<semaphore_mem>>
    %dma_start3A_49 = tpu.memref_squeeze %dma_start3A_48 : memref<1x!tpu.dma_semaphore, #tpu.memory_space<semaphore_mem>> -> memref<!tpu.dma_semaphore, #tpu.memory_space<semaphore_mem>>
    tpu.enqueue_indirect_dma source(%dma_start3A_47 : memref<4096x1024xf32, #tpu.memory_space<hbm>>) target(%dma_start3A_41 : memref<8x1024xf32, #tpu.memory_space<vmem>>) offsets(%dma_start3A_44 : memref<8xi32, #tpu.memory_space<vmem>>) semaphore(%dma_start3A_49 : memref<!tpu.dma_semaphore, #tpu.memory_space<semaphore_mem>>)
    %add3A_50 = arith.constant 8 : i32
    %add3A_51 = arith.addi %mul3A_2, %add3A_50 : i32
    %dma_start3A_52 = arith.constant 1 : i32
    %dma_start3A_53 = arith.constant 1 : i32
    %dma_start3A_54 = arith.constant 0 : i32
    %dma_start3A_55 = arith.constant 0 : i32
    %dma_start3A_56 = tpu.memref_slice %arg8[%dma_start3A_52, %dma_start3A_54, %dma_start3A_55] : memref<4x8x1024xf32, #tpu.memory_space<vmem>> -> memref<1x8x1024xf32, #tpu.memory_space<vmem>>
    %dma_start3A_57 = tpu.memref_squeeze %dma_start3A_56 : memref<1x8x1024xf32, #tpu.memory_space<vmem>> -> memref<8x1024xf32, #tpu.memory_space<vmem>>
    %dma_start3A_58 = arith.constant 0 : i32
    %dma_start3A_59 = tpu.memref_slice %arg2[%add3A_51, %dma_start3A_58] : memref<16384x1024xf32, #tpu.memory_space<hbm>> -> memref<8x1024xf32, #tpu.memory_space<hbm>>
    %dma_start3A_60 = tpu.memref_slice %arg11[%dma_start3A_53] : memref<4x!tpu.dma_semaphore, #tpu.memory_space<semaphore_mem>> -> memref<1x!tpu.dma_semaphore, #tpu.memory_space<semaphore_mem>>
    %dma_start3A_61 = tpu.memref_squeeze %dma_start3A_60 : memref<1x!tpu.dma_semaphore, #tpu.memory_space<semaphore_mem>> -> memref<!tpu.dma_semaphore, #tpu.memory_space<semaphore_mem>>
    %dma_start3A_62 = arith.constant 0 : i32
    %dma_start3A_63 = arith.constant 0 : i32
    %dma_start3A_64 = tpu.memref_slice %arg8[%dma_start3A_52, %dma_start3A_62, %dma_start3A_63] : memref<4x8x1024xf32, #tpu.memory_space<vmem>> -> memref<1x8x1024xf32, #tpu.memory_space<vmem>>
    %dma_start3A_65 = tpu.memref_squeeze %dma_start3A_64 : memref<1x8x1024xf32, #tpu.memory_space<vmem>> -> memref<8x1024xf32, #tpu.memory_space<vmem>>
    %dma_start3A_66 = arith.constant 0 : i32
    %dma_start3A_67 = tpu.memref_slice %arg2[%add3A_51, %dma_start3A_66] : memref<16384x1024xf32, #tpu.memory_space<hbm>> -> memref<8x1024xf32, #tpu.memory_space<hbm>>
    tpu.enqueue_dma source(%dma_start3A_67 : memref<8x1024xf32, #tpu.memory_space<hbm>>) target(%dma_start3A_65 : memref<8x1024xf32, #tpu.memory_space<vmem>>) target_semaphore(%dma_start3A_61 : memref<!tpu.dma_semaphore, #tpu.memory_space<semaphore_mem>>)
    %dma_start3A_68 = arith.constant 2 : i32
    %dma_start3A_69 = arith.constant 2 : i32
    %dma_start3A_70 = arith.constant 2 : i32
    %dma_start3A_71 = arith.constant 0 : i32
    %dma_start3A_72 = arith.constant 0 : i32
    %dma_start3A_73 = tpu.memref_slice %arg7[%dma_start3A_69, %dma_start3A_71, %dma_start3A_72] : memref<4x8x1024xf32, #tpu.memory_space<vmem>> -> memref<1x8x1024xf32, #tpu.memory_space<vmem>>
    %dma_start3A_74 = tpu.memref_squeeze %dma_start3A_73 : memref<1x8x1024xf32, #tpu.memory_space<vmem>> -> memref<8x1024xf32, #tpu.memory_space<vmem>>
    %dma_start3A_75 = arith.constant 0 : i32
    %dma_start3A_76 = tpu.memref_slice %arg6[%dma_start3A_68, %dma_start3A_75] : memref<64x8xi32, #tpu.memory_space<vmem>> -> memref<1x8xi32, #tpu.memory_space<vmem>>
    %dma_start3A_77 = tpu.memref_squeeze %dma_start3A_76 : memref<1x8xi32, #tpu.memory_space<vmem>> -> memref<8xi32, #tpu.memory_space<vmem>>
    %dma_start3A_78 = arith.constant 0 : i32
    %dma_start3A_79 = arith.constant 0 : i32
    %dma_start3A_80 = tpu.memref_slice %arg4[%dma_start3A_78, %dma_start3A_79] : memref<4096x1024xf32, #tpu.memory_space<hbm>> -> memref<4096x1024xf32, #tpu.memory_space<hbm>>
    %dma_start3A_81 = tpu.memref_slice %arg10[%dma_start3A_70] : memref<4x!tpu.dma_semaphore, #tpu.memory_space<semaphore_mem>> -> memref<1x!tpu.dma_semaphore, #tpu.memory_space<semaphore_mem>>
    %dma_start3A_82 = tpu.memref_squeeze %dma_start3A_81 : memref<1x!tpu.dma_semaphore, #tpu.memory_space<semaphore_mem>> -> memref<!tpu.dma_semaphore, #tpu.memory_space<semaphore_mem>>
    tpu.enqueue_indirect_dma source(%dma_start3A_80 : memref<4096x1024xf32, #tpu.memory_space<hbm>>) target(%dma_start3A_74 : memref<8x1024xf32, #tpu.memory_space<vmem>>) offsets(%dma_start3A_77 : memref<8xi32, #tpu.memory_space<vmem>>) semaphore(%dma_start3A_82 : memref<!tpu.dma_semaphore, #tpu.memory_space<semaphore_mem>>)
    %add3A_83 = arith.constant 16 : i32
    %add3A_84 = arith.addi %mul3A_2, %add3A_83 : i32
    %dma_start3A_85 = arith.constant 2 : i32
    %dma_start3A_86 = arith.constant 2 : i32
    %dma_start3A_87 = arith.constant 0 : i32
    %dma_start3A_88 = arith.constant 0 : i32
    %dma_start3A_89 = tpu.memref_slice %arg8[%dma_start3A_85, %dma_start3A_87, %dma_start3A_88] : memref<4x8x1024xf32, #tpu.memory_space<vmem>> -> memref<1x8x1024xf32, #tpu.memory_space<vmem>>
    %dma_start3A_90 = tpu.memref_squeeze %dma_start3A_89 : memref<1x8x1024xf32, #tpu.memory_space<vmem>> -> memref<8x1024xf32, #tpu.memory_space<vmem>>
    %dma_start3A_91 = arith.constant 0 : i32
    %dma_start3A_92 = tpu.memref_slice %arg2[%add3A_84, %dma_start3A_91] : memref<16384x1024xf32, #tpu.memory_space<hbm>> -> memref<8x1024xf32, #tpu.memory_space<hbm>>
    %dma_start3A_93 = tpu.memref_slice %arg11[%dma_start3A_86] : memref<4x!tpu.dma_semaphore, #tpu.memory_space<semaphore_mem>> -> memref<1x!tpu.dma_semaphore, #tpu.memory_space<semaphore_mem>>
    %dma_start3A_94 = tpu.memref_squeeze %dma_start3A_93 : memref<1x!tpu.dma_semaphore, #tpu.memory_space<semaphore_mem>> -> memref<!tpu.dma_semaphore, #tpu.memory_space<semaphore_mem>>
    %dma_start3A_95 = arith.constant 0 : i32
    %dma_start3A_96 = arith.constant 0 : i32
    %dma_start3A_97 = tpu.memref_slice %arg8[%dma_start3A_85, %dma_start3A_95, %dma_start3A_96] : memref<4x8x1024xf32, #tpu.memory_space<vmem>> -> memref<1x8x1024xf32, #tpu.memory_space<vmem>>
    %dma_start3A_98 = tpu.memref_squeeze %dma_start3A_97 : memref<1x8x1024xf32, #tpu.memory_space<vmem>> -> memref<8x1024xf32, #tpu.memory_space<vmem>>
    %dma_start3A_99 = arith.constant 0 : i32
    %dma_start3A_100 = tpu.memref_slice %arg2[%add3A_84, %dma_start3A_99] : memref<16384x1024xf32, #tpu.memory_space<hbm>> -> memref<8x1024xf32, #tpu.memory_space<hbm>>
    tpu.enqueue_dma source(%dma_start3A_100 : memref<8x1024xf32, #tpu.memory_space<hbm>>) target(%dma_start3A_98 : memref<8x1024xf32, #tpu.memory_space<vmem>>) target_semaphore(%dma_start3A_94 : memref<!tpu.dma_semaphore, #tpu.memory_space<semaphore_mem>>)
    %scan3A = arith.constant 0 : i32
    %scan3A_101 = arith.constant 16 : i32
    %scan3A_102 = arith.addi %scan3A, %scan3A_101 : i32
    %scan3A_103 = arith.constant 1 : i32
    scf.for %scan3A_176 = %scan3A to %scan3A_102 step %scan3A_103  : i32 {
      %mul3A_177 = arith.constant 4 : i32
      %mul3A_178 = arith.muli %scan3A_176, %mul3A_177 : i32
      %add3A_179 = arith.constant 0 : i32
      %add3A_180 = arith.addi %add3A_179, %mul3A_178 : i32
      %add3A_181 = arith.constant 0 : i32
      %add3A_182 = arith.addi %add3A_180, %add3A_181 : i32
      %add3A_183 = arith.constant 3 : i32
      %add3A_184 = arith.addi %add3A_182, %add3A_183 : i32
      %lt3A = arith.constant 64 : i32
      %lt3A_185 = arith.cmpi slt, %add3A_184, %lt3A : i32
      %convert_element_type3A = arith.extui %lt3A_185 : i1 to i32
      %cond3A = arith.constant 0 : i32
      %cond3A_186 = arith.cmpi ne, %convert_element_type3A, %cond3A : i32
      scf.if %cond3A_186 {
        %add3A_536 = arith.constant 3 : i32
        %add3A_537 = arith.addi %add3A_182, %add3A_536 : i32
        %dma_start3A_538 = arith.constant 3 : i32
        %dma_start3A_539 = arith.constant 3 : i32
        %dma_start3A_540 = arith.constant 0 : i32
        %dma_start3A_541 = arith.constant 0 : i32
        %dma_start3A_542 = tpu.memref_slice %arg7[%dma_start3A_538, %dma_start3A_540, %dma_start3A_541] : memref<4x8x1024xf32, #tpu.memory_space<vmem>> -> memref<1x8x1024xf32, #tpu.memory_space<vmem>>
        %dma_start3A_543 = tpu.memref_squeeze %dma_start3A_542 : memref<1x8x1024xf32, #tpu.memory_space<vmem>> -> memref<8x1024xf32, #tpu.memory_space<vmem>>
        %dma_start3A_544 = arith.constant 0 : i32
        %dma_start3A_545 = tpu.memref_slice %arg6[%add3A_537, %dma_start3A_544] : memref<64x8xi32, #tpu.memory_space<vmem>> -> memref<1x8xi32, #tpu.memory_space<vmem>>
        %dma_start3A_546 = tpu.memref_squeeze %dma_start3A_545 : memref<1x8xi32, #tpu.memory_space<vmem>> -> memref<8xi32, #tpu.memory_space<vmem>>
        %dma_start3A_547 = arith.constant 0 : i32
        %dma_start3A_548 = arith.constant 0 : i32
        %dma_start3A_549 = tpu.memref_slice %arg4[%dma_start3A_547, %dma_start3A_548] : memref<4096x1024xf32, #tpu.memory_space<hbm>> -> memref<4096x1024xf32, #tpu.memory_space<hbm>>
        %dma_start3A_550 = tpu.memref_slice %arg10[%dma_start3A_539] : memref<4x!tpu.dma_semaphore, #tpu.memory_space<semaphore_mem>> -> memref<1x!tpu.dma_semaphore, #tpu.memory_space<semaphore_mem>>
        %dma_start3A_551 = tpu.memref_squeeze %dma_start3A_550 : memref<1x!tpu.dma_semaphore, #tpu.memory_space<semaphore_mem>> -> memref<!tpu.dma_semaphore, #tpu.memory_space<semaphore_mem>>
        tpu.enqueue_indirect_dma source(%dma_start3A_549 : memref<4096x1024xf32, #tpu.memory_space<hbm>>) target(%dma_start3A_543 : memref<8x1024xf32, #tpu.memory_space<vmem>>) offsets(%dma_start3A_546 : memref<8xi32, #tpu.memory_space<vmem>>) semaphore(%dma_start3A_551 : memref<!tpu.dma_semaphore, #tpu.memory_space<semaphore_mem>>)
        %mul3A_552 = arith.constant 8 : i32
        %mul3A_553 = arith.muli %add3A_537, %mul3A_552 : i32
        %add3A_554 = arith.addi %mul3A_2, %mul3A_553 : i32
        %dma_start3A_555 = arith.constant 3 : i32
        %dma_start3A_556 = arith.constant 3 : i32
        %dma_start3A_557 = arith.constant 0 : i32
        %dma_start3A_558 = arith.constant 0 : i32
        %dma_start3A_559 = tpu.memref_slice %arg8[%dma_start3A_555, %dma_start3A_557, %dma_start3A_558] : memref<4x8x1024xf32, #tpu.memory_space<vmem>> -> memref<1x8x1024xf32, #tpu.memory_space<vmem>>
        %dma_start3A_560 = tpu.memref_squeeze %dma_start3A_559 : memref<1x8x1024xf32, #tpu.memory_space<vmem>> -> memref<8x1024xf32, #tpu.memory_space<vmem>>
        %dma_start3A_561 = arith.constant 0 : i32
        %dma_start3A_562 = tpu.memref_slice %arg2[%add3A_554, %dma_start3A_561] : memref<16384x1024xf32, #tpu.memory_space<hbm>> -> memref<8x1024xf32, #tpu.memory_space<hbm>>
        %dma_start3A_563 = tpu.memref_slice %arg11[%dma_start3A_556] : memref<4x!tpu.dma_semaphore, #tpu.memory_space<semaphore_mem>> -> memref<1x!tpu.dma_semaphore, #tpu.memory_space<semaphore_mem>>
        %dma_start3A_564 = tpu.memref_squeeze %dma_start3A_563 : memref<1x!tpu.dma_semaphore, #tpu.memory_space<semaphore_mem>> -> memref<!tpu.dma_semaphore, #tpu.memory_space<semaphore_mem>>
        %dma_start3A_565 = arith.constant 0 : i32
        %dma_start3A_566 = arith.constant 0 : i32
        %dma_start3A_567 = tpu.memref_slice %arg8[%dma_start3A_555, %dma_start3A_565, %dma_start3A_566] : memref<4x8x1024xf32, #tpu.memory_space<vmem>> -> memref<1x8x1024xf32, #tpu.memory_space<vmem>>
        %dma_start3A_568 = tpu.memref_squeeze %dma_start3A_567 : memref<1x8x1024xf32, #tpu.memory_space<vmem>> -> memref<8x1024xf32, #tpu.memory_space<vmem>>
        %dma_start3A_569 = arith.constant 0 : i32
        %dma_start3A_570 = tpu.memref_slice %arg2[%add3A_554, %dma_start3A_569] : memref<16384x1024xf32, #tpu.memory_space<hbm>> -> memref<8x1024xf32, #tpu.memory_space<hbm>>
        tpu.enqueue_dma source(%dma_start3A_570 : memref<8x1024xf32, #tpu.memory_space<hbm>>) target(%dma_start3A_568 : memref<8x1024xf32, #tpu.memory_space<vmem>>) target_semaphore(%dma_start3A_564 : memref<!tpu.dma_semaphore, #tpu.memory_space<semaphore_mem>>)
      } else {
      }
      %dma_wait3A_187 = arith.constant 0 : i32
      %dma_wait3A_188 = arith.constant 0 : i32
      %dma_wait3A_189 = arith.constant 0 : i32
      %dma_wait3A_190 = arith.constant 0 : i32
      %dma_wait3A_191 = tpu.memref_slice %arg7[%dma_wait3A_187, %dma_wait3A_189, %dma_wait3A_190] : memref<4x8x1024xf32, #tpu.memory_space<vmem>> -> memref<1x8x1024xf32, #tpu.memory_space<vmem>>
      %dma_wait3A_192 = tpu.memref_squeeze %dma_wait3A_191 : memref<1x8x1024xf32, #tpu.memory_space<vmem>> -> memref<8x1024xf32, #tpu.memory_space<vmem>>
      %dma_wait3A_193 = arith.constant 0 : i32
      %dma_wait3A_194 = tpu.memref_slice %arg6[%add3A_182, %dma_wait3A_193] : memref<64x8xi32, #tpu.memory_space<vmem>> -> memref<1x8xi32, #tpu.memory_space<vmem>>
      %dma_wait3A_195 = tpu.memref_squeeze %dma_wait3A_194 : memref<1x8xi32, #tpu.memory_space<vmem>> -> memref<8xi32, #tpu.memory_space<vmem>>
      %dma_wait3A_196 = arith.constant 0 : i32
      %dma_wait3A_197 = arith.constant 0 : i32
      %dma_wait3A_198 = tpu.memref_slice %arg4[%dma_wait3A_196, %dma_wait3A_197] : memref<4096x1024xf32, #tpu.memory_space<hbm>> -> memref<4096x1024xf32, #tpu.memory_space<hbm>>
      %dma_wait3A_199 = tpu.memref_slice %arg10[%dma_wait3A_188] : memref<4x!tpu.dma_semaphore, #tpu.memory_space<semaphore_mem>> -> memref<1x!tpu.dma_semaphore, #tpu.memory_space<semaphore_mem>>
      %dma_wait3A_200 = tpu.memref_squeeze %dma_wait3A_199 : memref<1x!tpu.dma_semaphore, #tpu.memory_space<semaphore_mem>> -> memref<!tpu.dma_semaphore, #tpu.memory_space<semaphore_mem>>
      tpu.wait_indirect_dma semaphore(%dma_wait3A_200 : memref<!tpu.dma_semaphore, #tpu.memory_space<semaphore_mem>>) src(%dma_wait3A_198 : memref<4096x1024xf32, #tpu.memory_space<hbm>>) dst(%dma_wait3A_192 : memref<8x1024xf32, #tpu.memory_space<vmem>>)
      %mul3A_201 = arith.constant 8 : i32
      %mul3A_202 = arith.muli %add3A_182, %mul3A_201 : i32
      %add3A_203 = arith.addi %mul3A_2, %mul3A_202 : i32
      %dma_wait3A_204 = arith.constant 0 : i32
      %dma_wait3A_205 = arith.constant 0 : i32
      %dma_wait3A_206 = arith.constant 0 : i32
      %dma_wait3A_207 = arith.constant 0 : i32
      %dma_wait3A_208 = tpu.memref_slice %arg8[%dma_wait3A_204, %dma_wait3A_206, %dma_wait3A_207] : memref<4x8x1024xf32, #tpu.memory_space<vmem>> -> memref<1x8x1024xf32, #tpu.memory_space<vmem>>
      %dma_wait3A_209 = tpu.memref_squeeze %dma_wait3A_208 : memref<1x8x1024xf32, #tpu.memory_space<vmem>> -> memref<8x1024xf32, #tpu.memory_space<vmem>>
      %dma_wait3A_210 = arith.constant 0 : i32
      %dma_wait3A_211 = tpu.memref_slice %arg2[%add3A_203, %dma_wait3A_210] : memref<16384x1024xf32, #tpu.memory_space<hbm>> -> memref<8x1024xf32, #tpu.memory_space<hbm>>
      %dma_wait3A_212 = tpu.memref_slice %arg11[%dma_wait3A_205] : memref<4x!tpu.dma_semaphore, #tpu.memory_space<semaphore_mem>> -> memref<1x!tpu.dma_semaphore, #tpu.memory_space<semaphore_mem>>
      %dma_wait3A_213 = tpu.memref_squeeze %dma_wait3A_212 : memref<1x!tpu.dma_semaphore, #tpu.memory_space<semaphore_mem>> -> memref<!tpu.dma_semaphore, #tpu.memory_space<semaphore_mem>>
      %dma_wait3A_214 = arith.constant 0 : i32
      %dma_wait3A_215 = arith.constant 0 : i32
      %dma_wait3A_216 = tpu.memref_slice %arg8[%dma_wait3A_204, %dma_wait3A_214, %dma_wait3A_215] : memref<4x8x1024xf32, #tpu.memory_space<vmem>> -> memref<1x8x1024xf32, #tpu.memory_space<vmem>>
      %dma_wait3A_217 = tpu.memref_squeeze %dma_wait3A_216 : memref<1x8x1024xf32, #tpu.memory_space<vmem>> -> memref<8x1024xf32, #tpu.memory_space<vmem>>
      %dma_wait3A_218 = arith.constant 0 : i32
      %dma_wait3A_219 = tpu.memref_slice %arg2[%add3A_203, %dma_wait3A_218] : memref<16384x1024xf32, #tpu.memory_space<hbm>> -> memref<8x1024xf32, #tpu.memory_space<hbm>>
      tpu.wait_dma2 semaphore(%dma_wait3A_213 : memref<!tpu.dma_semaphore, #tpu.memory_space<semaphore_mem>>) src(%dma_wait3A_219 : memref<8x1024xf32, #tpu.memory_space<hbm>>) dst(%dma_wait3A_217 : memref<8x1024xf32, #tpu.memory_space<vmem>>)
      %ge3A = arith.constant 4 : i32
      %ge3A_220 = arith.cmpi sge, %add3A_182, %ge3A : i32
      %convert_element_type3A_221 = arith.extui %ge3A_220 : i1 to i32
      %cond3A_222 = arith.constant 0 : i32
      %cond3A_223 = arith.cmpi ne, %convert_element_type3A_221, %cond3A_222 : i32
      scf.if %cond3A_223 {
        %sub3A = arith.constant 4 : i32
        %sub3A_536 = arith.subi %add3A_182, %sub3A : i32
        %mul3A_537 = arith.constant 8 : i32
        %mul3A_538 = arith.muli %sub3A_536, %mul3A_537 : i32
        %add3A_539 = arith.addi %mul3A_2, %mul3A_538 : i32
        %dma_wait3A_540 = arith.constant 0 : i32
        %dma_wait3A_541 = arith.constant 0 : i32
        %dma_wait3A_542 = arith.constant 0 : i32
        %dma_wait3A_543 = arith.constant 0 : i32
        %dma_wait3A_544 = tpu.memref_slice %arg9[%dma_wait3A_540, %dma_wait3A_542, %dma_wait3A_543] : memref<4x8x1024xf32, #tpu.memory_space<vmem>> -> memref<1x8x1024xf32, #tpu.memory_space<vmem>>
        %dma_wait3A_545 = tpu.memref_squeeze %dma_wait3A_544 : memref<1x8x1024xf32, #tpu.memory_space<vmem>> -> memref<8x1024xf32, #tpu.memory_space<vmem>>
        %dma_wait3A_546 = arith.constant 0 : i32
        %dma_wait3A_547 = tpu.memref_slice %arg5[%add3A_539, %dma_wait3A_546] : memref<16384x1024xf32, #tpu.memory_space<hbm>> -> memref<8x1024xf32, #tpu.memory_space<hbm>>
        %dma_wait3A_548 = tpu.memref_slice %arg12[%dma_wait3A_541] : memref<4x!tpu.dma_semaphore, #tpu.memory_space<semaphore_mem>> -> memref<1x!tpu.dma_semaphore, #tpu.memory_space<semaphore_mem>>
        %dma_wait3A_549 = tpu.memref_squeeze %dma_wait3A_548 : memref<1x!tpu.dma_semaphore, #tpu.memory_space<semaphore_mem>> -> memref<!tpu.dma_semaphore, #tpu.memory_space<semaphore_mem>>
        %dma_wait3A_550 = arith.constant 0 : i32
        %dma_wait3A_551 = tpu.memref_slice %arg5[%add3A_539, %dma_wait3A_550] : memref<16384x1024xf32, #tpu.memory_space<hbm>> -> memref<8x1024xf32, #tpu.memory_space<hbm>>
        %dma_wait3A_552 = arith.constant 0 : i32
        %dma_wait3A_553 = arith.constant 0 : i32
        %dma_wait3A_554 = tpu.memref_slice %arg9[%dma_wait3A_540, %dma_wait3A_552, %dma_wait3A_553] : memref<4x8x1024xf32, #tpu.memory_space<vmem>> -> memref<1x8x1024xf32, #tpu.memory_space<vmem>>
        %dma_wait3A_555 = tpu.memref_squeeze %dma_wait3A_554 : memref<1x8x1024xf32, #tpu.memory_space<vmem>> -> memref<8x1024xf32, #tpu.memory_space<vmem>>
        tpu.wait_dma2 semaphore(%dma_wait3A_549 : memref<!tpu.dma_semaphore, #tpu.memory_space<semaphore_mem>>) src(%dma_wait3A_555 : memref<8x1024xf32, #tpu.memory_space<vmem>>) dst(%dma_wait3A_551 : memref<8x1024xf32, #tpu.memory_space<hbm>>)
      } else {
      }
      %parallel_loop3A = arith.constant 0 : i32
      %parallel_loop3A_224 = arith.constant 64 : i32
      %parallel_loop3A_225 = arith.constant 1 : i32
      scf.for %parallel_loop3A_536 = %parallel_loop3A to %parallel_loop3A_224 step %parallel_loop3A_225  : i32 {
        %parallel_loop3A_537 = arith.constant 16 : i32
        %parallel_loop3A_538 = arith.muli %parallel_loop3A_536, %parallel_loop3A_537 : i32
        %parallel_loop3A_539 = arith.constant 0 : i32
        %parallel_loop3A_540 = arith.constant 0 : i32
        %parallel_loop3A_541 = arith.index_cast %parallel_loop3A_539 : i32 to index
        %parallel_loop3A_542 = arith.index_cast %parallel_loop3A_540 : i32 to index
        %parallel_loop3A_543 = arith.index_cast %parallel_loop3A_538 : i32 to index
        %parallel_loop3A_544 = tpu.vector_load %arg7[%parallel_loop3A_541, %parallel_loop3A_542, %parallel_loop3A_543] {strides = array<i32>} : memref<4x8x1024xf32, #tpu.memory_space<vmem>>, vector<1x1x16xf32>,
        %parallel_loop3A_545 = vector.shape_cast %parallel_loop3A_544 : vector<1x1x16xf32> to vector<16xf32>
        %parallel_loop3A_546 = arith.constant 0 : i32
        %parallel_loop3A_547 = arith.constant 0 : i32
        %parallel_loop3A_548 = arith.index_cast %parallel_loop3A_546 : i32 to index
        %parallel_loop3A_549 = arith.index_cast %parallel_loop3A_547 : i32 to index
        %parallel_loop3A_550 = arith.index_cast %parallel_loop3A_538 : i32 to index
        %parallel_loop3A_551 = tpu.vector_load %arg8[%parallel_loop3A_548, %parallel_loop3A_549, %parallel_loop3A_550] {strides = array<i32>} : memref<4x8x1024xf32, #tpu.memory_space<vmem>>, vector<1x1x16xf32>,
        %parallel_loop3A_552 = vector.shape_cast %parallel_loop3A_551 : vector<1x1x16xf32> to vector<16xf32>
        %parallel_loop3A_553 = arith.addf %parallel_loop3A_545, %parallel_loop3A_552 : vector<16xf32>
        %parallel_loop3A_554 = arith.constant 0 : i32
        %parallel_loop3A_555 = arith.constant 0 : i32
        %parallel_loop3A_556 = arith.index_cast %parallel_loop3A_554 : i32 to index
        %parallel_loop3A_557 = arith.index_cast %parallel_loop3A_555 : i32 to index
        %parallel_loop3A_558 = arith.index_cast %parallel_loop3A_538 : i32 to index
        %parallel_loop3A_559 = tpu.vector_load %arg9[%parallel_loop3A_556, %parallel_loop3A_557, %parallel_loop3A_558] {strides = array<i32>} : memref<4x8x1024xf32, #tpu.memory_space<vmem>>, vector<1x1x16xf32>,
        %parallel_loop3A_560 = vector.shape_cast %parallel_loop3A_559 : vector<1x1x16xf32> to vector<16xf32>
        %parallel_loop3A_561 = vector.shape_cast %parallel_loop3A_553 : vector<16xf32> to vector<1x1x16xf32>
        tpu.vector_store %arg9[%parallel_loop3A_556, %parallel_loop3A_557, %parallel_loop3A_558], %parallel_loop3A_561 {strides = array<i32>} : memref<4x8x1024xf32, #tpu.memory_space<vmem>>, vector<1x1x16xf32>,
      } {sc.loop_unroll_factor = 8 : i64, sc.parallel_access}
      %parallel_loop3A_226 = arith.constant 0 : i32
      %parallel_loop3A_227 = arith.constant 64 : i32
      %parallel_loop3A_228 = arith.constant 1 : i32
      scf.for %parallel_loop3A_536 = %parallel_loop3A_226 to %parallel_loop3A_227 step %parallel_loop3A_228  : i32 {
        %parallel_loop3A_537 = arith.constant 16 : i32
        %parallel_loop3A_538 = arith.muli %parallel_loop3A_536, %parallel_loop3A_537 : i32
        %parallel_loop3A_539 = arith.constant 0 : i32
        %parallel_loop3A_540 = arith.constant 1 : i32
        %parallel_loop3A_541 = arith.index_cast %parallel_loop3A_539 : i32 to index
        %parallel_loop3A_542 = arith.index_cast %parallel_loop3A_540 : i32 to index
        %parallel_loop3A_543 = arith.index_cast %parallel_loop3A_538 : i32 to index
        %parallel_loop3A_544 = tpu.vector_load %arg7[%parallel_loop3A_541, %parallel_loop3A_542, %parallel_loop3A_543] {strides = array<i32>} : memref<4x8x1024xf32, #tpu.memory_space<vmem>>, vector<1x1x16xf32>,
        %parallel_loop3A_545 = vector.shape_cast %parallel_loop3A_544 : vector<1x1x16xf32> to vector<16xf32>
        %parallel_loop3A_546 = arith.constant 0 : i32
        %parallel_loop3A_547 = arith.constant 1 : i32
        %parallel_loop3A_548 = arith.index_cast %parallel_loop3A_546 : i32 to index
        %parallel_loop3A_549 = arith.index_cast %parallel_loop3A_547 : i32 to index
        %parallel_loop3A_550 = arith.index_cast %parallel_loop3A_538 : i32 to index
        %parallel_loop3A_551 = tpu.vector_load %arg8[%parallel_loop3A_548, %parallel_loop3A_549, %parallel_loop3A_550] {strides = array<i32>} : memref<4x8x1024xf32, #tpu.memory_space<vmem>>, vector<1x1x16xf32>,
        %parallel_loop3A_552 = vector.shape_cast %parallel_loop3A_551 : vector<1x1x16xf32> to vector<16xf32>
        %parallel_loop3A_553 = arith.addf %parallel_loop3A_545, %parallel_loop3A_552 : vector<16xf32>
        %parallel_loop3A_554 = arith.constant 0 : i32
        %parallel_loop3A_555 = arith.constant 1 : i32
        %parallel_loop3A_556 = arith.index_cast %parallel_loop3A_554 : i32 to index
        %parallel_loop3A_557 = arith.index_cast %parallel_loop3A_555 : i32 to index
        %parallel_loop3A_558 = arith.index_cast %parallel_loop3A_538 : i32 to index
        %parallel_loop3A_559 = tpu.vector_load %arg9[%parallel_loop3A_556, %parallel_loop3A_557, %parallel_loop3A_558] {strides = array<i32>} : memref<4x8x1024xf32, #tpu.memory_space<vmem>>, vector<1x1x16xf32>,
        %parallel_loop3A_560 = vector.shape_cast %parallel_loop3A_559 : vector<1x1x16xf32> to vector<16xf32>
        %parallel_loop3A_561 = vector.shape_cast %parallel_loop3A_553 : vector<16xf32> to vector<1x1x16xf32>
        tpu.vector_store %arg9[%parallel_loop3A_556, %parallel_loop3A_557, %parallel_loop3A_558], %parallel_loop3A_561 {strides = array<i32>} : memref<4x8x1024xf32, #tpu.memory_space<vmem>>, vector<1x1x16xf32>,
      } {sc.loop_unroll_factor = 8 : i64, sc.parallel_access}
      %parallel_loop3A_229 = arith.constant 0 : i32
      %parallel_loop3A_230 = arith.constant 64 : i32
      %parallel_loop3A_231 = arith.constant 1 : i32
      scf.for %parallel_loop3A_536 = %parallel_loop3A_229 to %parallel_loop3A_230 step %parallel_loop3A_231  : i32 {
        %parallel_loop3A_537 = arith.constant 16 : i32
        %parallel_loop3A_538 = arith.muli %parallel_loop3A_536, %parallel_loop3A_537 : i32
        %parallel_loop3A_539 = arith.constant 0 : i32
        %parallel_loop3A_540 = arith.constant 2 : i32
        %parallel_loop3A_541 = arith.index_cast %parallel_loop3A_539 : i32 to index
        %parallel_loop3A_542 = arith.index_cast %parallel_loop3A_540 : i32 to index
        %parallel_loop3A_543 = arith.index_cast %parallel_loop3A_538 : i32 to index
        %parallel_loop3A_544 = tpu.vector_load %arg7[%parallel_loop3A_541, %parallel_loop3A_542, %parallel_loop3A_543] {strides = array<i32>} : memref<4x8x1024xf32, #tpu.memory_space<vmem>>, vector<1x1x16xf32>,
        %parallel_loop3A_545 = vector.shape_cast %parallel_loop3A_544 : vector<1x1x16xf32> to vector<16xf32>
        %parallel_loop3A_546 = arith.constant 0 : i32
        %parallel_loop3A_547 = arith.constant 2 : i32
        %parallel_loop3A_548 = arith.index_cast %parallel_loop3A_546 : i32 to index
        %parallel_loop3A_549 = arith.index_cast %parallel_loop3A_547 : i32 to index
        %parallel_loop3A_550 = arith.index_cast %parallel_loop3A_538 : i32 to index
        %parallel_loop3A_551 = tpu.vector_load %arg8[%parallel_loop3A_548, %parallel_loop3A_549, %parallel_loop3A_550] {strides = array<i32>} : memref<4x8x1024xf32, #tpu.memory_space<vmem>>, vector<1x1x16xf32>,
        %parallel_loop3A_552 = vector.shape_cast %parallel_loop3A_551 : vector<1x1x16xf32> to vector<16xf32>
        %parallel_loop3A_553 = arith.addf %parallel_loop3A_545, %parallel_loop3A_552 : vector<16xf32>
        %parallel_loop3A_554 = arith.constant 0 : i32
        %parallel_loop3A_555 = arith.constant 2 : i32
        %parallel_loop3A_556 = arith.index_cast %parallel_loop3A_554 : i32 to index
        %parallel_loop3A_557 = arith.index_cast %parallel_loop3A_555 : i32 to index
        %parallel_loop3A_558 = arith.index_cast %parallel_loop3A_538 : i32 to index
        %parallel_loop3A_559 = tpu.vector_load %arg9[%parallel_loop3A_556, %parallel_loop3A_557, %parallel_loop3A_558] {strides = array<i32>} : memref<4x8x1024xf32, #tpu.memory_space<vmem>>, vector<1x1x16xf32>,
        %parallel_loop3A_560 = vector.shape_cast %parallel_loop3A_559 : vector<1x1x16xf32> to vector<16xf32>
        %parallel_loop3A_561 = vector.shape_cast %parallel_loop3A_553 : vector<16xf32> to vector<1x1x16xf32>
        tpu.vector_store %arg9[%parallel_loop3A_556, %parallel_loop3A_557, %parallel_loop3A_558], %parallel_loop3A_561 {strides = array<i32>} : memref<4x8x1024xf32, #tpu.memory_space<vmem>>, vector<1x1x16xf32>,
      } {sc.loop_unroll_factor = 8 : i64, sc.parallel_access}
      %parallel_loop3A_232 = arith.constant 0 : i32
      %parallel_loop3A_233 = arith.constant 64 : i32
      %parallel_loop3A_234 = arith.constant 1 : i32
      scf.for %parallel_loop3A_536 = %parallel_loop3A_232 to %parallel_loop3A_233 step %parallel_loop3A_234  : i32 {
        %parallel_loop3A_537 = arith.constant 16 : i32
        %parallel_loop3A_538 = arith.muli %parallel_loop3A_536, %parallel_loop3A_537 : i32
        %parallel_loop3A_539 = arith.constant 0 : i32
        %parallel_loop3A_540 = arith.constant 3 : i32
        %parallel_loop3A_541 = arith.index_cast %parallel_loop3A_539 : i32 to index
        %parallel_loop3A_542 = arith.index_cast %parallel_loop3A_540 : i32 to index
        %parallel_loop3A_543 = arith.index_cast %parallel_loop3A_538 : i32 to index
        %parallel_loop3A_544 = tpu.vector_load %arg7[%parallel_loop3A_541, %parallel_loop3A_542, %parallel_loop3A_543] {strides = array<i32>} : memref<4x8x1024xf32, #tpu.memory_space<vmem>>, vector<1x1x16xf32>,
        %parallel_loop3A_545 = vector.shape_cast %parallel_loop3A_544 : vector<1x1x16xf32> to vector<16xf32>
        %parallel_loop3A_546 = arith.constant 0 : i32
        %parallel_loop3A_547 = arith.constant 3 : i32
        %parallel_loop3A_548 = arith.index_cast %parallel_loop3A_546 : i32 to index
        %parallel_loop3A_549 = arith.index_cast %parallel_loop3A_547 : i32 to index
        %parallel_loop3A_550 = arith.index_cast %parallel_loop3A_538 : i32 to index
        %parallel_loop3A_551 = tpu.vector_load %arg8[%parallel_loop3A_548, %parallel_loop3A_549, %parallel_loop3A_550] {strides = array<i32>} : memref<4x8x1024xf32, #tpu.memory_space<vmem>>, vector<1x1x16xf32>,
        %parallel_loop3A_552 = vector.shape_cast %parallel_loop3A_551 : vector<1x1x16xf32> to vector<16xf32>
        %parallel_loop3A_553 = arith.addf %parallel_loop3A_545, %parallel_loop3A_552 : vector<16xf32>
        %parallel_loop3A_554 = arith.constant 0 : i32
        %parallel_loop3A_555 = arith.constant 3 : i32
        %parallel_loop3A_556 = arith.index_cast %parallel_loop3A_554 : i32 to index
        %parallel_loop3A_557 = arith.index_cast %parallel_loop3A_555 : i32 to index
        %parallel_loop3A_558 = arith.index_cast %parallel_loop3A_538 : i32 to index
        %parallel_loop3A_559 = tpu.vector_load %arg9[%parallel_loop3A_556, %parallel_loop3A_557, %parallel_loop3A_558] {strides = array<i32>} : memref<4x8x1024xf32, #tpu.memory_space<vmem>>, vector<1x1x16xf32>,
        %parallel_loop3A_560 = vector.shape_cast %parallel_loop3A_559 : vector<1x1x16xf32> to vector<16xf32>
        %parallel_loop3A_561 = vector.shape_cast %parallel_loop3A_553 : vector<16xf32> to vector<1x1x16xf32>
        tpu.vector_store %arg9[%parallel_loop3A_556, %parallel_loop3A_557, %parallel_loop3A_558], %parallel_loop3A_561 {strides = array<i32>} : memref<4x8x1024xf32, #tpu.memory_space<vmem>>, vector<1x1x16xf32>,
      } {sc.loop_unroll_factor = 8 : i64, sc.parallel_access}
      %parallel_loop3A_235 = arith.constant 0 : i32
      %parallel_loop3A_236 = arith.constant 64 : i32
      %parallel_loop3A_237 = arith.constant 1 : i32
      scf.for %parallel_loop3A_536 = %parallel_loop3A_235 to %parallel_loop3A_236 step %parallel_loop3A_237  : i32 {
        %parallel_loop3A_537 = arith.constant 16 : i32
        %parallel_loop3A_538 = arith.muli %parallel_loop3A_536, %parallel_loop3A_537 : i32
        %parallel_loop3A_539 = arith.constant 0 : i32
        %parallel_loop3A_540 = arith.constant 4 : i32
        %parallel_loop3A_541 = arith.index_cast %parallel_loop3A_539 : i32 to index
        %parallel_loop3A_542 = arith.index_cast %parallel_loop3A_540 : i32 to index
        %parallel_loop3A_543 = arith.index_cast %parallel_loop3A_538 : i32 to index
        %parallel_loop3A_544 = tpu.vector_load %arg7[%parallel_loop3A_541, %parallel_loop3A_542, %parallel_loop3A_543] {strides = array<i32>} : memref<4x8x1024xf32, #tpu.memory_space<vmem>>, vector<1x1x16xf32>,
        %parallel_loop3A_545 = vector.shape_cast %parallel_loop3A_544 : vector<1x1x16xf32> to vector<16xf32>
        %parallel_loop3A_546 = arith.constant 0 : i32
        %parallel_loop3A_547 = arith.constant 4 : i32
        %parallel_loop3A_548 = arith.index_cast %parallel_loop3A_546 : i32 to index
        %parallel_loop3A_549 = arith.index_cast %parallel_loop3A_547 : i32 to index
        %parallel_loop3A_550 = arith.index_cast %parallel_loop3A_538 : i32 to index
        %parallel_loop3A_551 = tpu.vector_load %arg8[%parallel_loop3A_548, %parallel_loop3A_549, %parallel_loop3A_550] {strides = array<i32>} : memref<4x8x1024xf32, #tpu.memory_space<vmem>>, vector<1x1x16xf32>,
        %parallel_loop3A_552 = vector.shape_cast %parallel_loop3A_551 : vector<1x1x16xf32> to vector<16xf32>
        %parallel_loop3A_553 = arith.addf %parallel_loop3A_545, %parallel_loop3A_552 : vector<16xf32>
        %parallel_loop3A_554 = arith.constant 0 : i32
        %parallel_loop3A_555 = arith.constant 4 : i32
        %parallel_loop3A_556 = arith.index_cast %parallel_loop3A_554 : i32 to index
        %parallel_loop3A_557 = arith.index_cast %parallel_loop3A_555 : i32 to index
        %parallel_loop3A_558 = arith.index_cast %parallel_loop3A_538 : i32 to index
        %parallel_loop3A_559 = tpu.vector_load %arg9[%parallel_loop3A_556, %parallel_loop3A_557, %parallel_loop3A_558] {strides = array<i32>} : memref<4x8x1024xf32, #tpu.memory_space<vmem>>, vector<1x1x16xf32>,
        %parallel_loop3A_560 = vector.shape_cast %parallel_loop3A_559 : vector<1x1x16xf32> to vector<16xf32>
        %parallel_loop3A_561 = vector.shape_cast %parallel_loop3A_553 : vector<16xf32> to vector<1x1x16xf32>
        tpu.vector_store %arg9[%parallel_loop3A_556, %parallel_loop3A_557, %parallel_loop3A_558], %parallel_loop3A_561 {strides = array<i32>} : memref<4x8x1024xf32, #tpu.memory_space<vmem>>, vector<1x1x16xf32>,
      } {sc.loop_unroll_factor = 8 : i64, sc.parallel_access}
      %parallel_loop3A_238 = arith.constant 0 : i32
      %parallel_loop3A_239 = arith.constant 64 : i32
      %parallel_loop3A_240 = arith.constant 1 : i32
      scf.for %parallel_loop3A_536 = %parallel_loop3A_238 to %parallel_loop3A_239 step %parallel_loop3A_240  : i32 {
        %parallel_loop3A_537 = arith.constant 16 : i32
        %parallel_loop3A_538 = arith.muli %parallel_loop3A_536, %parallel_loop3A_537 : i32
        %parallel_loop3A_539 = arith.constant 0 : i32
        %parallel_loop3A_540 = arith.constant 5 : i32
        %parallel_loop3A_541 = arith.index_cast %parallel_loop3A_539 : i32 to index
        %parallel_loop3A_542 = arith.index_cast %parallel_loop3A_540 : i32 to index
        %parallel_loop3A_543 = arith.index_cast %parallel_loop3A_538 : i32 to index
        %parallel_loop3A_544 = tpu.vector_load %arg7[%parallel_loop3A_541, %parallel_loop3A_542, %parallel_loop3A_543] {strides = array<i32>} : memref<4x8x1024xf32, #tpu.memory_space<vmem>>, vector<1x1x16xf32>,
        %parallel_loop3A_545 = vector.shape_cast %parallel_loop3A_544 : vector<1x1x16xf32> to vector<16xf32>
        %parallel_loop3A_546 = arith.constant 0 : i32
        %parallel_loop3A_547 = arith.constant 5 : i32
        %parallel_loop3A_548 = arith.index_cast %parallel_loop3A_546 : i32 to index
        %parallel_loop3A_549 = arith.index_cast %parallel_loop3A_547 : i32 to index
        %parallel_loop3A_550 = arith.index_cast %parallel_loop3A_538 : i32 to index
        %parallel_loop3A_551 = tpu.vector_load %arg8[%parallel_loop3A_548, %parallel_loop3A_549, %parallel_loop3A_550] {strides = array<i32>} : memref<4x8x1024xf32, #tpu.memory_space<vmem>>, vector<1x1x16xf32>,
        %parallel_loop3A_552 = vector.shape_cast %parallel_loop3A_551 : vector<1x1x16xf32> to vector<16xf32>
        %parallel_loop3A_553 = arith.addf %parallel_loop3A_545, %parallel_loop3A_552 : vector<16xf32>
        %parallel_loop3A_554 = arith.constant 0 : i32
        %parallel_loop3A_555 = arith.constant 5 : i32
        %parallel_loop3A_556 = arith.index_cast %parallel_loop3A_554 : i32 to index
        %parallel_loop3A_557 = arith.index_cast %parallel_loop3A_555 : i32 to index
        %parallel_loop3A_558 = arith.index_cast %parallel_loop3A_538 : i32 to index
        %parallel_loop3A_559 = tpu.vector_load %arg9[%parallel_loop3A_556, %parallel_loop3A_557, %parallel_loop3A_558] {strides = array<i32>} : memref<4x8x1024xf32, #tpu.memory_space<vmem>>, vector<1x1x16xf32>,
        %parallel_loop3A_560 = vector.shape_cast %parallel_loop3A_559 : vector<1x1x16xf32> to vector<16xf32>
        %parallel_loop3A_561 = vector.shape_cast %parallel_loop3A_553 : vector<16xf32> to vector<1x1x16xf32>
        tpu.vector_store %arg9[%parallel_loop3A_556, %parallel_loop3A_557, %parallel_loop3A_558], %parallel_loop3A_561 {strides = array<i32>} : memref<4x8x1024xf32, #tpu.memory_space<vmem>>, vector<1x1x16xf32>,
      } {sc.loop_unroll_factor = 8 : i64, sc.parallel_access}
      %parallel_loop3A_241 = arith.constant 0 : i32
      %parallel_loop3A_242 = arith.constant 64 : i32
      %parallel_loop3A_243 = arith.constant 1 : i32
      scf.for %parallel_loop3A_536 = %parallel_loop3A_241 to %parallel_loop3A_242 step %parallel_loop3A_243  : i32 {
        %parallel_loop3A_537 = arith.constant 16 : i32
        %parallel_loop3A_538 = arith.muli %parallel_loop3A_536, %parallel_loop3A_537 : i32
        %parallel_loop3A_539 = arith.constant 0 : i32
        %parallel_loop3A_540 = arith.constant 6 : i32
        %parallel_loop3A_541 = arith.index_cast %parallel_loop3A_539 : i32 to index
        %parallel_loop3A_542 = arith.index_cast %parallel_loop3A_540 : i32 to index
        %parallel_loop3A_543 = arith.index_cast %parallel_loop3A_538 : i32 to index
        %parallel_loop3A_544 = tpu.vector_load %arg7[%parallel_loop3A_541, %parallel_loop3A_542, %parallel_loop3A_543] {strides = array<i32>} : memref<4x8x1024xf32, #tpu.memory_space<vmem>>, vector<1x1x16xf32>,
        %parallel_loop3A_545 = vector.shape_cast %parallel_loop3A_544 : vector<1x1x16xf32> to vector<16xf32>
        %parallel_loop3A_546 = arith.constant 0 : i32
        %parallel_loop3A_547 = arith.constant 6 : i32
        %parallel_loop3A_548 = arith.index_cast %parallel_loop3A_546 : i32 to index
        %parallel_loop3A_549 = arith.index_cast %parallel_loop3A_547 : i32 to index
        %parallel_loop3A_550 = arith.index_cast %parallel_loop3A_538 : i32 to index
        %parallel_loop3A_551 = tpu.vector_load %arg8[%parallel_loop3A_548, %parallel_loop3A_549, %parallel_loop3A_550] {strides = array<i32>} : memref<4x8x1024xf32, #tpu.memory_space<vmem>>, vector<1x1x16xf32>,
        %parallel_loop3A_552 = vector.shape_cast %parallel_loop3A_551 : vector<1x1x16xf32> to vector<16xf32>
        %parallel_loop3A_553 = arith.addf %parallel_loop3A_545, %parallel_loop3A_552 : vector<16xf32>
        %parallel_loop3A_554 = arith.constant 0 : i32
        %parallel_loop3A_555 = arith.constant 6 : i32
        %parallel_loop3A_556 = arith.index_cast %parallel_loop3A_554 : i32 to index
        %parallel_loop3A_557 = arith.index_cast %parallel_loop3A_555 : i32 to index
        %parallel_loop3A_558 = arith.index_cast %parallel_loop3A_538 : i32 to index
        %parallel_loop3A_559 = tpu.vector_load %arg9[%parallel_loop3A_556, %parallel_loop3A_557, %parallel_loop3A_558] {strides = array<i32>} : memref<4x8x1024xf32, #tpu.memory_space<vmem>>, vector<1x1x16xf32>,
        %parallel_loop3A_560 = vector.shape_cast %parallel_loop3A_559 : vector<1x1x16xf32> to vector<16xf32>
        %parallel_loop3A_561 = vector.shape_cast %parallel_loop3A_553 : vector<16xf32> to vector<1x1x16xf32>
        tpu.vector_store %arg9[%parallel_loop3A_556, %parallel_loop3A_557, %parallel_loop3A_558], %parallel_loop3A_561 {strides = array<i32>} : memref<4x8x1024xf32, #tpu.memory_space<vmem>>, vector<1x1x16xf32>,
      } {sc.loop_unroll_factor = 8 : i64, sc.parallel_access}
      %parallel_loop3A_244 = arith.constant 0 : i32
      %parallel_loop3A_245 = arith.constant 64 : i32
      %parallel_loop3A_246 = arith.constant 1 : i32
      scf.for %parallel_loop3A_536 = %parallel_loop3A_244 to %parallel_loop3A_245 step %parallel_loop3A_246  : i32 {
        %parallel_loop3A_537 = arith.constant 16 : i32
        %parallel_loop3A_538 = arith.muli %parallel_loop3A_536, %parallel_loop3A_537 : i32
        %parallel_loop3A_539 = arith.constant 0 : i32
        %parallel_loop3A_540 = arith.constant 7 : i32
        %parallel_loop3A_541 = arith.index_cast %parallel_loop3A_539 : i32 to index
        %parallel_loop3A_542 = arith.index_cast %parallel_loop3A_540 : i32 to index
        %parallel_loop3A_543 = arith.index_cast %parallel_loop3A_538 : i32 to index
        %parallel_loop3A_544 = tpu.vector_load %arg7[%parallel_loop3A_541, %parallel_loop3A_542, %parallel_loop3A_543] {strides = array<i32>} : memref<4x8x1024xf32, #tpu.memory_space<vmem>>, vector<1x1x16xf32>,
        %parallel_loop3A_545 = vector.shape_cast %parallel_loop3A_544 : vector<1x1x16xf32> to vector<16xf32>
        %parallel_loop3A_546 = arith.constant 0 : i32
        %parallel_loop3A_547 = arith.constant 7 : i32
        %parallel_loop3A_548 = arith.index_cast %parallel_loop3A_546 : i32 to index
        %parallel_loop3A_549 = arith.index_cast %parallel_loop3A_547 : i32 to index
        %parallel_loop3A_550 = arith.index_cast %parallel_loop3A_538 : i32 to index
        %parallel_loop3A_551 = tpu.vector_load %arg8[%parallel_loop3A_548, %parallel_loop3A_549, %parallel_loop3A_550] {strides = array<i32>} : memref<4x8x1024xf32, #tpu.memory_space<vmem>>, vector<1x1x16xf32>,
        %parallel_loop3A_552 = vector.shape_cast %parallel_loop3A_551 : vector<1x1x16xf32> to vector<16xf32>
        %parallel_loop3A_553 = arith.addf %parallel_loop3A_545, %parallel_loop3A_552 : vector<16xf32>
        %parallel_loop3A_554 = arith.constant 0 : i32
        %parallel_loop3A_555 = arith.constant 7 : i32
        %parallel_loop3A_556 = arith.index_cast %parallel_loop3A_554 : i32 to index
        %parallel_loop3A_557 = arith.index_cast %parallel_loop3A_555 : i32 to index
        %parallel_loop3A_558 = arith.index_cast %parallel_loop3A_538 : i32 to index
        %parallel_loop3A_559 = tpu.vector_load %arg9[%parallel_loop3A_556, %parallel_loop3A_557, %parallel_loop3A_558] {strides = array<i32>} : memref<4x8x1024xf32, #tpu.memory_space<vmem>>, vector<1x1x16xf32>,
        %parallel_loop3A_560 = vector.shape_cast %parallel_loop3A_559 : vector<1x1x16xf32> to vector<16xf32>
        %parallel_loop3A_561 = vector.shape_cast %parallel_loop3A_553 : vector<16xf32> to vector<1x1x16xf32>
        tpu.vector_store %arg9[%parallel_loop3A_556, %parallel_loop3A_557, %parallel_loop3A_558], %parallel_loop3A_561 {strides = array<i32>} : memref<4x8x1024xf32, #tpu.memory_space<vmem>>, vector<1x1x16xf32>,
      } {sc.loop_unroll_factor = 8 : i64, sc.parallel_access}
      %mul3A_247 = arith.constant 8 : i32
      %mul3A_248 = arith.muli %add3A_182, %mul3A_247 : i32
      %add3A_249 = arith.addi %mul3A_2, %mul3A_248 : i32
      %dma_start3A_250 = arith.constant 0 : i32
      %dma_start3A_251 = arith.constant 0 : i32
      %dma_start3A_252 = arith.constant 0 : i32
      %dma_start3A_253 = arith.constant 0 : i32
      %dma_start3A_254 = tpu.memref_slice %arg9[%dma_start3A_250, %dma_start3A_252, %dma_start3A_253] : memref<4x8x1024xf32, #tpu.memory_space<vmem>> -> memref<1x8x1024xf32, #tpu.memory_space<vmem>>
      %dma_start3A_255 = tpu.memref_squeeze %dma_start3A_254 : memref<1x8x1024xf32, #tpu.memory_space<vmem>> -> memref<8x1024xf32, #tpu.memory_space<vmem>>
      %dma_start3A_256 = arith.constant 0 : i32
      %dma_start3A_257 = tpu.memref_slice %arg5[%add3A_249, %dma_start3A_256] : memref<16384x1024xf32, #tpu.memory_space<hbm>> -> memref<8x1024xf32, #tpu.memory_space<hbm>>
      %dma_start3A_258 = tpu.memref_slice %arg12[%dma_start3A_251] : memref<4x!tpu.dma_semaphore, #tpu.memory_space<semaphore_mem>> -> memref<1x!tpu.dma_semaphore, #tpu.memory_space<semaphore_mem>>
      %dma_start3A_259 = tpu.memref_squeeze %dma_start3A_258 : memref<1x!tpu.dma_semaphore, #tpu.memory_space<semaphore_mem>> -> memref<!tpu.dma_semaphore, #tpu.memory_space<semaphore_mem>>
      %dma_start3A_260 = arith.constant 0 : i32
      %dma_start3A_261 = tpu.memref_slice %arg5[%add3A_249, %dma_start3A_260] : memref<16384x1024xf32, #tpu.memory_space<hbm>> -> memref<8x1024xf32, #tpu.memory_space<hbm>>
      %dma_start3A_262 = arith.constant 0 : i32
      %dma_start3A_263 = arith.constant 0 : i32
      %dma_start3A_264 = tpu.memref_slice %arg9[%dma_start3A_250, %dma_start3A_262, %dma_start3A_263] : memref<4x8x1024xf32, #tpu.memory_space<vmem>> -> memref<1x8x1024xf32, #tpu.memory_space<vmem>>
      %dma_start3A_265 = tpu.memref_squeeze %dma_start3A_264 : memref<1x8x1024xf32, #tpu.memory_space<vmem>> -> memref<8x1024xf32, #tpu.memory_space<vmem>>
      tpu.enqueue_dma source(%dma_start3A_265 : memref<8x1024xf32, #tpu.memory_space<vmem>>) target(%dma_start3A_261 : memref<8x1024xf32, #tpu.memory_space<hbm>>) target_semaphore(%dma_start3A_259 : memref<!tpu.dma_semaphore, #tpu.memory_space<semaphore_mem>>)
      %add3A_266 = arith.constant 1 : i32
      %add3A_267 = arith.addi %add3A_180, %add3A_266 : i32
      %add3A_268 = arith.constant 3 : i32
      %add3A_269 = arith.addi %add3A_267, %add3A_268 : i32
      %lt3A_270 = arith.constant 64 : i32
      %lt3A_271 = arith.cmpi slt, %add3A_269, %lt3A_270 : i32
      %convert_element_type3A_272 = arith.extui %lt3A_271 : i1 to i32
      %cond3A_273 = arith.constant 0 : i32
      %cond3A_274 = arith.cmpi ne, %convert_element_type3A_272, %cond3A_273 : i32
      scf.if %cond3A_274 {
        %add3A_536 = arith.constant 3 : i32
        %add3A_537 = arith.addi %add3A_267, %add3A_536 : i32
        %dma_start3A_538 = arith.constant 0 : i32
        %dma_start3A_539 = arith.constant 0 : i32
        %dma_start3A_540 = arith.constant 0 : i32
        %dma_start3A_541 = arith.constant 0 : i32
        %dma_start3A_542 = tpu.memref_slice %arg7[%dma_start3A_538, %dma_start3A_540, %dma_start3A_541] : memref<4x8x1024xf32, #tpu.memory_space<vmem>> -> memref<1x8x1024xf32, #tpu.memory_space<vmem>>
        %dma_start3A_543 = tpu.memref_squeeze %dma_start3A_542 : memref<1x8x1024xf32, #tpu.memory_space<vmem>> -> memref<8x1024xf32, #tpu.memory_space<vmem>>
        %dma_start3A_544 = arith.constant 0 : i32
        %dma_start3A_545 = tpu.memref_slice %arg6[%add3A_537, %dma_start3A_544] : memref<64x8xi32, #tpu.memory_space<vmem>> -> memref<1x8xi32, #tpu.memory_space<vmem>>
        %dma_start3A_546 = tpu.memref_squeeze %dma_start3A_545 : memref<1x8xi32, #tpu.memory_space<vmem>> -> memref<8xi32, #tpu.memory_space<vmem>>
        %dma_start3A_547 = arith.constant 0 : i32
        %dma_start3A_548 = arith.constant 0 : i32
        %dma_start3A_549 = tpu.memref_slice %arg4[%dma_start3A_547, %dma_start3A_548] : memref<4096x1024xf32, #tpu.memory_space<hbm>> -> memref<4096x1024xf32, #tpu.memory_space<hbm>>
        %dma_start3A_550 = tpu.memref_slice %arg10[%dma_start3A_539] : memref<4x!tpu.dma_semaphore, #tpu.memory_space<semaphore_mem>> -> memref<1x!tpu.dma_semaphore, #tpu.memory_space<semaphore_mem>>
        %dma_start3A_551 = tpu.memref_squeeze %dma_start3A_550 : memref<1x!tpu.dma_semaphore, #tpu.memory_space<semaphore_mem>> -> memref<!tpu.dma_semaphore, #tpu.memory_space<semaphore_mem>>
        tpu.enqueue_indirect_dma source(%dma_start3A_549 : memref<4096x1024xf32, #tpu.memory_space<hbm>>) target(%dma_start3A_543 : memref<8x1024xf32, #tpu.memory_space<vmem>>) offsets(%dma_start3A_546 : memref<8xi32, #tpu.memory_space<vmem>>) semaphore(%dma_start3A_551 : memref<!tpu.dma_semaphore, #tpu.memory_space<semaphore_mem>>)
        %mul3A_552 = arith.constant 8 : i32
        %mul3A_553 = arith.muli %add3A_537, %mul3A_552 : i32
        %add3A_554 = arith.addi %mul3A_2, %mul3A_553 : i32
        %dma_start3A_555 = arith.constant 0 : i32
        %dma_start3A_556 = arith.constant 0 : i32
        %dma_start3A_557 = arith.constant 0 : i32
        %dma_start3A_558 = arith.constant 0 : i32
        %dma_start3A_559 = tpu.memref_slice %arg8[%dma_start3A_555, %dma_start3A_557, %dma_start3A_558] : memref<4x8x1024xf32, #tpu.memory_space<vmem>> -> memref<1x8x1024xf32, #tpu.memory_space<vmem>>
        %dma_start3A_560 = tpu.memref_squeeze %dma_start3A_559 : memref<1x8x1024xf32, #tpu.memory_space<vmem>> -> memref<8x1024xf32, #tpu.memory_space<vmem>>
        %dma_start3A_561 = arith.constant 0 : i32
        %dma_start3A_562 = tpu.memref_slice %arg2[%add3A_554, %dma_start3A_561] : memref<16384x1024xf32, #tpu.memory_space<hbm>> -> memref<8x1024xf32, #tpu.memory_space<hbm>>
        %dma_start3A_563 = tpu.memref_slice %arg11[%dma_start3A_556] : memref<4x!tpu.dma_semaphore, #tpu.memory_space<semaphore_mem>> -> memref<1x!tpu.dma_semaphore, #tpu.memory_space<semaphore_mem>>
        %dma_start3A_564 = tpu.memref_squeeze %dma_start3A_563 : memref<1x!tpu.dma_semaphore, #tpu.memory_space<semaphore_mem>> -> memref<!tpu.dma_semaphore, #tpu.memory_space<semaphore_mem>>
        %dma_start3A_565 = arith.constant 0 : i32
        %dma_start3A_566 = arith.constant 0 : i32
        %dma_start3A_567 = tpu.memref_slice %arg8[%dma_start3A_555, %dma_start3A_565, %dma_start3A_566] : memref<4x8x1024xf32, #tpu.memory_space<vmem>> -> memref<1x8x1024xf32, #tpu.memory_space<vmem>>
        %dma_start3A_568 = tpu.memref_squeeze %dma_start3A_567 : memref<1x8x1024xf32, #tpu.memory_space<vmem>> -> memref<8x1024xf32, #tpu.memory_space<vmem>>
        %dma_start3A_569 = arith.constant 0 : i32
        %dma_start3A_570 = tpu.memref_slice %arg2[%add3A_554, %dma_start3A_569] : memref<16384x1024xf32, #tpu.memory_space<hbm>> -> memref<8x1024xf32, #tpu.memory_space<hbm>>
        tpu.enqueue_dma source(%dma_start3A_570 : memref<8x1024xf32, #tpu.memory_space<hbm>>) target(%dma_start3A_568 : memref<8x1024xf32, #tpu.memory_space<vmem>>) target_semaphore(%dma_start3A_564 : memref<!tpu.dma_semaphore, #tpu.memory_space<semaphore_mem>>)
      } else {
      }
      %dma_wait3A_275 = arith.constant 1 : i32
      %dma_wait3A_276 = arith.constant 1 : i32
      %dma_wait3A_277 = arith.constant 0 : i32
      %dma_wait3A_278 = arith.constant 0 : i32
      %dma_wait3A_279 = tpu.memref_slice %arg7[%dma_wait3A_275, %dma_wait3A_277, %dma_wait3A_278] : memref<4x8x1024xf32, #tpu.memory_space<vmem>> -> memref<1x8x1024xf32, #tpu.memory_space<vmem>>
      %dma_wait3A_280 = tpu.memref_squeeze %dma_wait3A_279 : memref<1x8x1024xf32, #tpu.memory_space<vmem>> -> memref<8x1024xf32, #tpu.memory_space<vmem>>
      %dma_wait3A_281 = arith.constant 0 : i32
      %dma_wait3A_282 = tpu.memref_slice %arg6[%add3A_267, %dma_wait3A_281] : memref<64x8xi32, #tpu.memory_space<vmem>> -> memref<1x8xi32, #tpu.memory_space<vmem>>
      %dma_wait3A_283 = tpu.memref_squeeze %dma_wait3A_282 : memref<1x8xi32, #tpu.memory_space<vmem>> -> memref<8xi32, #tpu.memory_space<vmem>>
      %dma_wait3A_284 = arith.constant 0 : i32
      %dma_wait3A_285 = arith.constant 0 : i32
      %dma_wait3A_286 = tpu.memref_slice %arg4[%dma_wait3A_284, %dma_wait3A_285] : memref<4096x1024xf32, #tpu.memory_space<hbm>> -> memref<4096x1024xf32, #tpu.memory_space<hbm>>
      %dma_wait3A_287 = tpu.memref_slice %arg10[%dma_wait3A_276] : memref<4x!tpu.dma_semaphore, #tpu.memory_space<semaphore_mem>> -> memref<1x!tpu.dma_semaphore, #tpu.memory_space<semaphore_mem>>
      %dma_wait3A_288 = tpu.memref_squeeze %dma_wait3A_287 : memref<1x!tpu.dma_semaphore, #tpu.memory_space<semaphore_mem>> -> memref<!tpu.dma_semaphore, #tpu.memory_space<semaphore_mem>>
      tpu.wait_indirect_dma semaphore(%dma_wait3A_288 : memref<!tpu.dma_semaphore, #tpu.memory_space<semaphore_mem>>) src(%dma_wait3A_286 : memref<4096x1024xf32, #tpu.memory_space<hbm>>) dst(%dma_wait3A_280 : memref<8x1024xf32, #tpu.memory_space<vmem>>)
      %mul3A_289 = arith.constant 8 : i32
      %mul3A_290 = arith.muli %add3A_267, %mul3A_289 : i32
      %add3A_291 = arith.addi %mul3A_2, %mul3A_290 : i32
      %dma_wait3A_292 = arith.constant 1 : i32
      %dma_wait3A_293 = arith.constant 1 : i32
      %dma_wait3A_294 = arith.constant 0 : i32
      %dma_wait3A_295 = arith.constant 0 : i32
      %dma_wait3A_296 = tpu.memref_slice %arg8[%dma_wait3A_292, %dma_wait3A_294, %dma_wait3A_295] : memref<4x8x1024xf32, #tpu.memory_space<vmem>> -> memref<1x8x1024xf32, #tpu.memory_space<vmem>>
      %dma_wait3A_297 = tpu.memref_squeeze %dma_wait3A_296 : memref<1x8x1024xf32, #tpu.memory_space<vmem>> -> memref<8x1024xf32, #tpu.memory_space<vmem>>
      %dma_wait3A_298 = arith.constant 0 : i32
      %dma_wait3A_299 = tpu.memref_slice %arg2[%add3A_291, %dma_wait3A_298] : memref<16384x1024xf32, #tpu.memory_space<hbm>> -> memref<8x1024xf32, #tpu.memory_space<hbm>>
      %dma_wait3A_300 = tpu.memref_slice %arg11[%dma_wait3A_293] : memref<4x!tpu.dma_semaphore, #tpu.memory_space<semaphore_mem>> -> memref<1x!tpu.dma_semaphore, #tpu.memory_space<semaphore_mem>>
      %dma_wait3A_301 = tpu.memref_squeeze %dma_wait3A_300 : memref<1x!tpu.dma_semaphore, #tpu.memory_space<semaphore_mem>> -> memref<!tpu.dma_semaphore, #tpu.memory_space<semaphore_mem>>
      %dma_wait3A_302 = arith.constant 0 : i32
      %dma_wait3A_303 = arith.constant 0 : i32
      %dma_wait3A_304 = tpu.memref_slice %arg8[%dma_wait3A_292, %dma_wait3A_302, %dma_wait3A_303] : memref<4x8x1024xf32, #tpu.memory_space<vmem>> -> memref<1x8x1024xf32, #tpu.memory_space<vmem>>
      %dma_wait3A_305 = tpu.memref_squeeze %dma_wait3A_304 : memref<1x8x1024xf32, #tpu.memory_space<vmem>> -> memref<8x1024xf32, #tpu.memory_space<vmem>>
      %dma_wait3A_306 = arith.constant 0 : i32
      %dma_wait3A_307 = tpu.memref_slice %arg2[%add3A_291, %dma_wait3A_306] : memref<16384x1024xf32, #tpu.memory_space<hbm>> -> memref<8x1024xf32, #tpu.memory_space<hbm>>
      tpu.wait_dma2 semaphore(%dma_wait3A_301 : memref<!tpu.dma_semaphore, #tpu.memory_space<semaphore_mem>>) src(%dma_wait3A_307 : memref<8x1024xf32, #tpu.memory_space<hbm>>) dst(%dma_wait3A_305 : memref<8x1024xf32, #tpu.memory_space<vmem>>)
      %ge3A_308 = arith.constant 4 : i32
      %ge3A_309 = arith.cmpi sge, %add3A_267, %ge3A_308 : i32
      %convert_element_type3A_310 = arith.extui %ge3A_309 : i1 to i32
      %cond3A_311 = arith.constant 0 : i32
      %cond3A_312 = arith.cmpi ne, %convert_element_type3A_310, %cond3A_311 : i32
      scf.if %cond3A_312 {
        %sub3A = arith.constant 4 : i32
        %sub3A_536 = arith.subi %add3A_267, %sub3A : i32
        %mul3A_537 = arith.constant 8 : i32
        %mul3A_538 = arith.muli %sub3A_536, %mul3A_537 : i32
        %add3A_539 = arith.addi %mul3A_2, %mul3A_538 : i32
        %dma_wait3A_540 = arith.constant 1 : i32
        %dma_wait3A_541 = arith.constant 1 : i32
        %dma_wait3A_542 = arith.constant 0 : i32
        %dma_wait3A_543 = arith.constant 0 : i32
        %dma_wait3A_544 = tpu.memref_slice %arg9[%dma_wait3A_540, %dma_wait3A_542, %dma_wait3A_543] : memref<4x8x1024xf32, #tpu.memory_space<vmem>> -> memref<1x8x1024xf32, #tpu.memory_space<vmem>>
        %dma_wait3A_545 = tpu.memref_squeeze %dma_wait3A_544 : memref<1x8x1024xf32, #tpu.memory_space<vmem>> -> memref<8x1024xf32, #tpu.memory_space<vmem>>
        %dma_wait3A_546 = arith.constant 0 : i32
        %dma_wait3A_547 = tpu.memref_slice %arg5[%add3A_539, %dma_wait3A_546] : memref<16384x1024xf32, #tpu.memory_space<hbm>> -> memref<8x1024xf32, #tpu.memory_space<hbm>>
        %dma_wait3A_548 = tpu.memref_slice %arg12[%dma_wait3A_541] : memref<4x!tpu.dma_semaphore, #tpu.memory_space<semaphore_mem>> -> memref<1x!tpu.dma_semaphore, #tpu.memory_space<semaphore_mem>>
        %dma_wait3A_549 = tpu.memref_squeeze %dma_wait3A_548 : memref<1x!tpu.dma_semaphore, #tpu.memory_space<semaphore_mem>> -> memref<!tpu.dma_semaphore, #tpu.memory_space<semaphore_mem>>
        %dma_wait3A_550 = arith.constant 0 : i32
        %dma_wait3A_551 = tpu.memref_slice %arg5[%add3A_539, %dma_wait3A_550] : memref<16384x1024xf32, #tpu.memory_space<hbm>> -> memref<8x1024xf32, #tpu.memory_space<hbm>>
        %dma_wait3A_552 = arith.constant 0 : i32
        %dma_wait3A_553 = arith.constant 0 : i32
        %dma_wait3A_554 = tpu.memref_slice %arg9[%dma_wait3A_540, %dma_wait3A_552, %dma_wait3A_553] : memref<4x8x1024xf32, #tpu.memory_space<vmem>> -> memref<1x8x1024xf32, #tpu.memory_space<vmem>>
        %dma_wait3A_555 = tpu.memref_squeeze %dma_wait3A_554 : memref<1x8x1024xf32, #tpu.memory_space<vmem>> -> memref<8x1024xf32, #tpu.memory_space<vmem>>
        tpu.wait_dma2 semaphore(%dma_wait3A_549 : memref<!tpu.dma_semaphore, #tpu.memory_space<semaphore_mem>>) src(%dma_wait3A_555 : memref<8x1024xf32, #tpu.memory_space<vmem>>) dst(%dma_wait3A_551 : memref<8x1024xf32, #tpu.memory_space<hbm>>)
      } else {
      }
      %parallel_loop3A_313 = arith.constant 0 : i32
      %parallel_loop3A_314 = arith.constant 64 : i32
      %parallel_loop3A_315 = arith.constant 1 : i32
      scf.for %parallel_loop3A_536 = %parallel_loop3A_313 to %parallel_loop3A_314 step %parallel_loop3A_315  : i32 {
        %parallel_loop3A_537 = arith.constant 16 : i32
        %parallel_loop3A_538 = arith.muli %parallel_loop3A_536, %parallel_loop3A_537 : i32
        %parallel_loop3A_539 = arith.constant 1 : i32
        %parallel_loop3A_540 = arith.constant 0 : i32
        %parallel_loop3A_541 = arith.index_cast %parallel_loop3A_539 : i32 to index
        %parallel_loop3A_542 = arith.index_cast %parallel_loop3A_540 : i32 to index
        %parallel_loop3A_543 = arith.index_cast %parallel_loop3A_538 : i32 to index
        %parallel_loop3A_544 = tpu.vector_load %arg7[%parallel_loop3A_541, %parallel_loop3A_542, %parallel_loop3A_543] {strides = array<i32>} : memref<4x8x1024xf32, #tpu.memory_space<vmem>>, vector<1x1x16xf32>,
        %parallel_loop3A_545 = vector.shape_cast %parallel_loop3A_544 : vector<1x1x16xf32> to vector<16xf32>
        %parallel_loop3A_546 = arith.constant 1 : i32
        %parallel_loop3A_547 = arith.constant 0 : i32
        %parallel_loop3A_548 = arith.index_cast %parallel_loop3A_546 : i32 to index
        %parallel_loop3A_549 = arith.index_cast %parallel_loop3A_547 : i32 to index
        %parallel_loop3A_550 = arith.index_cast %parallel_loop3A_538 : i32 to index
        %parallel_loop3A_551 = tpu.vector_load %arg8[%parallel_loop3A_548, %parallel_loop3A_549, %parallel_loop3A_550] {strides = array<i32>} : memref<4x8x1024xf32, #tpu.memory_space<vmem>>, vector<1x1x16xf32>,
        %parallel_loop3A_552 = vector.shape_cast %parallel_loop3A_551 : vector<1x1x16xf32> to vector<16xf32>
        %parallel_loop3A_553 = arith.addf %parallel_loop3A_545, %parallel_loop3A_552 : vector<16xf32>
        %parallel_loop3A_554 = arith.constant 1 : i32
        %parallel_loop3A_555 = arith.constant 0 : i32
        %parallel_loop3A_556 = arith.index_cast %parallel_loop3A_554 : i32 to index
        %parallel_loop3A_557 = arith.index_cast %parallel_loop3A_555 : i32 to index
        %parallel_loop3A_558 = arith.index_cast %parallel_loop3A_538 : i32 to index
        %parallel_loop3A_559 = tpu.vector_load %arg9[%parallel_loop3A_556, %parallel_loop3A_557, %parallel_loop3A_558] {strides = array<i32>} : memref<4x8x1024xf32, #tpu.memory_space<vmem>>, vector<1x1x16xf32>,
        %parallel_loop3A_560 = vector.shape_cast %parallel_loop3A_559 : vector<1x1x16xf32> to vector<16xf32>
        %parallel_loop3A_561 = vector.shape_cast %parallel_loop3A_553 : vector<16xf32> to vector<1x1x16xf32>
        tpu.vector_store %arg9[%parallel_loop3A_556, %parallel_loop3A_557, %parallel_loop3A_558], %parallel_loop3A_561 {strides = array<i32>} : memref<4x8x1024xf32, #tpu.memory_space<vmem>>, vector<1x1x16xf32>,
      } {sc.loop_unroll_factor = 8 : i64, sc.parallel_access}
      %parallel_loop3A_316 = arith.constant 0 : i32
      %parallel_loop3A_317 = arith.constant 64 : i32
      %parallel_loop3A_318 = arith.constant 1 : i32
      scf.for %parallel_loop3A_536 = %parallel_loop3A_316 to %parallel_loop3A_317 step %parallel_loop3A_318  : i32 {
        %parallel_loop3A_537 = arith.constant 16 : i32
        %parallel_loop3A_538 = arith.muli %parallel_loop3A_536, %parallel_loop3A_537 : i32
        %parallel_loop3A_539 = arith.constant 1 : i32
        %parallel_loop3A_540 = arith.constant 1 : i32
        %parallel_loop3A_541 = arith.index_cast %parallel_loop3A_539 : i32 to index
        %parallel_loop3A_542 = arith.index_cast %parallel_loop3A_540 : i32 to index
        %parallel_loop3A_543 = arith.index_cast %parallel_loop3A_538 : i32 to index
        %parallel_loop3A_544 = tpu.vector_load %arg7[%parallel_loop3A_541, %parallel_loop3A_542, %parallel_loop3A_543] {strides = array<i32>} : memref<4x8x1024xf32, #tpu.memory_space<vmem>>, vector<1x1x16xf32>,
        %parallel_loop3A_545 = vector.shape_cast %parallel_loop3A_544 : vector<1x1x16xf32> to vector<16xf32>
        %parallel_loop3A_546 = arith.constant 1 : i32
        %parallel_loop3A_547 = arith.constant 1 : i32
        %parallel_loop3A_548 = arith.index_cast %parallel_loop3A_546 : i32 to index
        %parallel_loop3A_549 = arith.index_cast %parallel_loop3A_547 : i32 to index
        %parallel_loop3A_550 = arith.index_cast %parallel_loop3A_538 : i32 to index
        %parallel_loop3A_551 = tpu.vector_load %arg8[%parallel_loop3A_548, %parallel_loop3A_549, %parallel_loop3A_550] {strides = array<i32>} : memref<4x8x1024xf32, #tpu.memory_space<vmem>>, vector<1x1x16xf32>,
        %parallel_loop3A_552 = vector.shape_cast %parallel_loop3A_551 : vector<1x1x16xf32> to vector<16xf32>
        %parallel_loop3A_553 = arith.addf %parallel_loop3A_545, %parallel_loop3A_552 : vector<16xf32>
        %parallel_loop3A_554 = arith.constant 1 : i32
        %parallel_loop3A_555 = arith.constant 1 : i32
        %parallel_loop3A_556 = arith.index_cast %parallel_loop3A_554 : i32 to index
        %parallel_loop3A_557 = arith.index_cast %parallel_loop3A_555 : i32 to index
        %parallel_loop3A_558 = arith.index_cast %parallel_loop3A_538 : i32 to index
        %parallel_loop3A_559 = tpu.vector_load %arg9[%parallel_loop3A_556, %parallel_loop3A_557, %parallel_loop3A_558] {strides = array<i32>} : memref<4x8x1024xf32, #tpu.memory_space<vmem>>, vector<1x1x16xf32>,
        %parallel_loop3A_560 = vector.shape_cast %parallel_loop3A_559 : vector<1x1x16xf32> to vector<16xf32>
        %parallel_loop3A_561 = vector.shape_cast %parallel_loop3A_553 : vector<16xf32> to vector<1x1x16xf32>
        tpu.vector_store %arg9[%parallel_loop3A_556, %parallel_loop3A_557, %parallel_loop3A_558], %parallel_loop3A_561 {strides = array<i32>} : memref<4x8x1024xf32, #tpu.memory_space<vmem>>, vector<1x1x16xf32>,
      } {sc.loop_unroll_factor = 8 : i64, sc.parallel_access}
      %parallel_loop3A_319 = arith.constant 0 : i32
      %parallel_loop3A_320 = arith.constant 64 : i32
      %parallel_loop3A_321 = arith.constant 1 : i32
      scf.for %parallel_loop3A_536 = %parallel_loop3A_319 to %parallel_loop3A_320 step %parallel_loop3A_321  : i32 {
        %parallel_loop3A_537 = arith.constant 16 : i32
        %parallel_loop3A_538 = arith.muli %parallel_loop3A_536, %parallel_loop3A_537 : i32
        %parallel_loop3A_539 = arith.constant 1 : i32
        %parallel_loop3A_540 = arith.constant 2 : i32
        %parallel_loop3A_541 = arith.index_cast %parallel_loop3A_539 : i32 to index
        %parallel_loop3A_542 = arith.index_cast %parallel_loop3A_540 : i32 to index
        %parallel_loop3A_543 = arith.index_cast %parallel_loop3A_538 : i32 to index
        %parallel_loop3A_544 = tpu.vector_load %arg7[%parallel_loop3A_541, %parallel_loop3A_542, %parallel_loop3A_543] {strides = array<i32>} : memref<4x8x1024xf32, #tpu.memory_space<vmem>>, vector<1x1x16xf32>,
        %parallel_loop3A_545 = vector.shape_cast %parallel_loop3A_544 : vector<1x1x16xf32> to vector<16xf32>
        %parallel_loop3A_546 = arith.constant 1 : i32
        %parallel_loop3A_547 = arith.constant 2 : i32
        %parallel_loop3A_548 = arith.index_cast %parallel_loop3A_546 : i32 to index
        %parallel_loop3A_549 = arith.index_cast %parallel_loop3A_547 : i32 to index
        %parallel_loop3A_550 = arith.index_cast %parallel_loop3A_538 : i32 to index
        %parallel_loop3A_551 = tpu.vector_load %arg8[%parallel_loop3A_548, %parallel_loop3A_549, %parallel_loop3A_550] {strides = array<i32>} : memref<4x8x1024xf32, #tpu.memory_space<vmem>>, vector<1x1x16xf32>,
        %parallel_loop3A_552 = vector.shape_cast %parallel_loop3A_551 : vector<1x1x16xf32> to vector<16xf32>
        %parallel_loop3A_553 = arith.addf %parallel_loop3A_545, %parallel_loop3A_552 : vector<16xf32>
        %parallel_loop3A_554 = arith.constant 1 : i32
        %parallel_loop3A_555 = arith.constant 2 : i32
        %parallel_loop3A_556 = arith.index_cast %parallel_loop3A_554 : i32 to index
        %parallel_loop3A_557 = arith.index_cast %parallel_loop3A_555 : i32 to index
        %parallel_loop3A_558 = arith.index_cast %parallel_loop3A_538 : i32 to index
        %parallel_loop3A_559 = tpu.vector_load %arg9[%parallel_loop3A_556, %parallel_loop3A_557, %parallel_loop3A_558] {strides = array<i32>} : memref<4x8x1024xf32, #tpu.memory_space<vmem>>, vector<1x1x16xf32>,
        %parallel_loop3A_560 = vector.shape_cast %parallel_loop3A_559 : vector<1x1x16xf32> to vector<16xf32>
        %parallel_loop3A_561 = vector.shape_cast %parallel_loop3A_553 : vector<16xf32> to vector<1x1x16xf32>
        tpu.vector_store %arg9[%parallel_loop3A_556, %parallel_loop3A_557, %parallel_loop3A_558], %parallel_loop3A_561 {strides = array<i32>} : memref<4x8x1024xf32, #tpu.memory_space<vmem>>, vector<1x1x16xf32>,
      } {sc.loop_unroll_factor = 8 : i64, sc.parallel_access}
      %parallel_loop3A_322 = arith.constant 0 : i32
      %parallel_loop3A_323 = arith.constant 64 : i32
      %parallel_loop3A_324 = arith.constant 1 : i32
      scf.for %parallel_loop3A_536 = %parallel_loop3A_322 to %parallel_loop3A_323 step %parallel_loop3A_324  : i32 {
        %parallel_loop3A_537 = arith.constant 16 : i32
        %parallel_loop3A_538 = arith.muli %parallel_loop3A_536, %parallel_loop3A_537 : i32
        %parallel_loop3A_539 = arith.constant 1 : i32
        %parallel_loop3A_540 = arith.constant 3 : i32
        %parallel_loop3A_541 = arith.index_cast %parallel_loop3A_539 : i32 to index
        %parallel_loop3A_542 = arith.index_cast %parallel_loop3A_540 : i32 to index
        %parallel_loop3A_543 = arith.index_cast %parallel_loop3A_538 : i32 to index
        %parallel_loop3A_544 = tpu.vector_load %arg7[%parallel_loop3A_541, %parallel_loop3A_542, %parallel_loop3A_543] {strides = array<i32>} : memref<4x8x1024xf32, #tpu.memory_space<vmem>>, vector<1x1x16xf32>,
        %parallel_loop3A_545 = vector.shape_cast %parallel_loop3A_544 : vector<1x1x16xf32> to vector<16xf32>
        %parallel_loop3A_546 = arith.constant 1 : i32
        %parallel_loop3A_547 = arith.constant 3 : i32
        %parallel_loop3A_548 = arith.index_cast %parallel_loop3A_546 : i32 to index
        %parallel_loop3A_549 = arith.index_cast %parallel_loop3A_547 : i32 to index
        %parallel_loop3A_550 = arith.index_cast %parallel_loop3A_538 : i32 to index
        %parallel_loop3A_551 = tpu.vector_load %arg8[%parallel_loop3A_548, %parallel_loop3A_549, %parallel_loop3A_550] {strides = array<i32>} : memref<4x8x1024xf32, #tpu.memory_space<vmem>>, vector<1x1x16xf32>,
        %parallel_loop3A_552 = vector.shape_cast %parallel_loop3A_551 : vector<1x1x16xf32> to vector<16xf32>
        %parallel_loop3A_553 = arith.addf %parallel_loop3A_545, %parallel_loop3A_552 : vector<16xf32>
        %parallel_loop3A_554 = arith.constant 1 : i32
        %parallel_loop3A_555 = arith.constant 3 : i32
        %parallel_loop3A_556 = arith.index_cast %parallel_loop3A_554 : i32 to index
        %parallel_loop3A_557 = arith.index_cast %parallel_loop3A_555 : i32 to index
        %parallel_loop3A_558 = arith.index_cast %parallel_loop3A_538 : i32 to index
        %parallel_loop3A_559 = tpu.vector_load %arg9[%parallel_loop3A_556, %parallel_loop3A_557, %parallel_loop3A_558] {strides = array<i32>} : memref<4x8x1024xf32, #tpu.memory_space<vmem>>, vector<1x1x16xf32>,
        %parallel_loop3A_560 = vector.shape_cast %parallel_loop3A_559 : vector<1x1x16xf32> to vector<16xf32>
        %parallel_loop3A_561 = vector.shape_cast %parallel_loop3A_553 : vector<16xf32> to vector<1x1x16xf32>
        tpu.vector_store %arg9[%parallel_loop3A_556, %parallel_loop3A_557, %parallel_loop3A_558], %parallel_loop3A_561 {strides = array<i32>} : memref<4x8x1024xf32, #tpu.memory_space<vmem>>, vector<1x1x16xf32>,
      } {sc.loop_unroll_factor = 8 : i64, sc.parallel_access}
      %parallel_loop3A_325 = arith.constant 0 : i32
      %parallel_loop3A_326 = arith.constant 64 : i32
      %parallel_loop3A_327 = arith.constant 1 : i32
      scf.for %parallel_loop3A_536 = %parallel_loop3A_325 to %parallel_loop3A_326 step %parallel_loop3A_327  : i32 {
        %parallel_loop3A_537 = arith.constant 16 : i32
        %parallel_loop3A_538 = arith.muli %parallel_loop3A_536, %parallel_loop3A_537 : i32
        %parallel_loop3A_539 = arith.constant 1 : i32
        %parallel_loop3A_540 = arith.constant 4 : i32
        %parallel_loop3A_541 = arith.index_cast %parallel_loop3A_539 : i32 to index
        %parallel_loop3A_542 = arith.index_cast %parallel_loop3A_540 : i32 to index
        %parallel_loop3A_543 = arith.index_cast %parallel_loop3A_538 : i32 to index
        %parallel_loop3A_544 = tpu.vector_load %arg7[%parallel_loop3A_541, %parallel_loop3A_542, %parallel_loop3A_543] {strides = array<i32>} : memref<4x8x1024xf32, #tpu.memory_space<vmem>>, vector<1x1x16xf32>,
        %parallel_loop3A_545 = vector.shape_cast %parallel_loop3A_544 : vector<1x1x16xf32> to vector<16xf32>
        %parallel_loop3A_546 = arith.constant 1 : i32
        %parallel_loop3A_547 = arith.constant 4 : i32
        %parallel_loop3A_548 = arith.index_cast %parallel_loop3A_546 : i32 to index
        %parallel_loop3A_549 = arith.index_cast %parallel_loop3A_547 : i32 to index
        %parallel_loop3A_550 = arith.index_cast %parallel_loop3A_538 : i32 to index
        %parallel_loop3A_551 = tpu.vector_load %arg8[%parallel_loop3A_548, %parallel_loop3A_549, %parallel_loop3A_550] {strides = array<i32>} : memref<4x8x1024xf32, #tpu.memory_space<vmem>>, vector<1x1x16xf32>,
        %parallel_loop3A_552 = vector.shape_cast %parallel_loop3A_551 : vector<1x1x16xf32> to vector<16xf32>
        %parallel_loop3A_553 = arith.addf %parallel_loop3A_545, %parallel_loop3A_552 : vector<16xf32>
        %parallel_loop3A_554 = arith.constant 1 : i32
        %parallel_loop3A_555 = arith.constant 4 : i32
        %parallel_loop3A_556 = arith.index_cast %parallel_loop3A_554 : i32 to index
        %parallel_loop3A_557 = arith.index_cast %parallel_loop3A_555 : i32 to index
        %parallel_loop3A_558 = arith.index_cast %parallel_loop3A_538 : i32 to index
        %parallel_loop3A_559 = tpu.vector_load %arg9[%parallel_loop3A_556, %parallel_loop3A_557, %parallel_loop3A_558] {strides = array<i32>} : memref<4x8x1024xf32, #tpu.memory_space<vmem>>, vector<1x1x16xf32>,
        %parallel_loop3A_560 = vector.shape_cast %parallel_loop3A_559 : vector<1x1x16xf32> to vector<16xf32>
        %parallel_loop3A_561 = vector.shape_cast %parallel_loop3A_553 : vector<16xf32> to vector<1x1x16xf32>
        tpu.vector_store %arg9[%parallel_loop3A_556, %parallel_loop3A_557, %parallel_loop3A_558], %parallel_loop3A_561 {strides = array<i32>} : memref<4x8x1024xf32, #tpu.memory_space<vmem>>, vector<1x1x16xf32>,
      } {sc.loop_unroll_factor = 8 : i64, sc.parallel_access}
      %parallel_loop3A_328 = arith.constant 0 : i32
      %parallel_loop3A_329 = arith.constant 64 : i32
      %parallel_loop3A_330 = arith.constant 1 : i32
      scf.for %parallel_loop3A_536 = %parallel_loop3A_328 to %parallel_loop3A_329 step %parallel_loop3A_330  : i32 {
        %parallel_loop3A_537 = arith.constant 16 : i32
        %parallel_loop3A_538 = arith.muli %parallel_loop3A_536, %parallel_loop3A_537 : i32
        %parallel_loop3A_539 = arith.constant 1 : i32
        %parallel_loop3A_540 = arith.constant 5 : i32
        %parallel_loop3A_541 = arith.index_cast %parallel_loop3A_539 : i32 to index
        %parallel_loop3A_542 = arith.index_cast %parallel_loop3A_540 : i32 to index
        %parallel_loop3A_543 = arith.index_cast %parallel_loop3A_538 : i32 to index
        %parallel_loop3A_544 = tpu.vector_load %arg7[%parallel_loop3A_541, %parallel_loop3A_542, %parallel_loop3A_543] {strides = array<i32>} : memref<4x8x1024xf32, #tpu.memory_space<vmem>>, vector<1x1x16xf32>,
        %parallel_loop3A_545 = vector.shape_cast %parallel_loop3A_544 : vector<1x1x16xf32> to vector<16xf32>
        %parallel_loop3A_546 = arith.constant 1 : i32
        %parallel_loop3A_547 = arith.constant 5 : i32
        %parallel_loop3A_548 = arith.index_cast %parallel_loop3A_546 : i32 to index
        %parallel_loop3A_549 = arith.index_cast %parallel_loop3A_547 : i32 to index
        %parallel_loop3A_550 = arith.index_cast %parallel_loop3A_538 : i32 to index
        %parallel_loop3A_551 = tpu.vector_load %arg8[%parallel_loop3A_548, %parallel_loop3A_549, %parallel_loop3A_550] {strides = array<i32>} : memref<4x8x1024xf32, #tpu.memory_space<vmem>>, vector<1x1x16xf32>,
        %parallel_loop3A_552 = vector.shape_cast %parallel_loop3A_551 : vector<1x1x16xf32> to vector<16xf32>
        %parallel_loop3A_553 = arith.addf %parallel_loop3A_545, %parallel_loop3A_552 : vector<16xf32>
        %parallel_loop3A_554 = arith.constant 1 : i32
        %parallel_loop3A_555 = arith.constant 5 : i32
        %parallel_loop3A_556 = arith.index_cast %parallel_loop3A_554 : i32 to index
        %parallel_loop3A_557 = arith.index_cast %parallel_loop3A_555 : i32 to index
        %parallel_loop3A_558 = arith.index_cast %parallel_loop3A_538 : i32 to index
        %parallel_loop3A_559 = tpu.vector_load %arg9[%parallel_loop3A_556, %parallel_loop3A_557, %parallel_loop3A_558] {strides = array<i32>} : memref<4x8x1024xf32, #tpu.memory_space<vmem>>, vector<1x1x16xf32>,
        %parallel_loop3A_560 = vector.shape_cast %parallel_loop3A_559 : vector<1x1x16xf32> to vector<16xf32>
        %parallel_loop3A_561 = vector.shape_cast %parallel_loop3A_553 : vector<16xf32> to vector<1x1x16xf32>
        tpu.vector_store %arg9[%parallel_loop3A_556, %parallel_loop3A_557, %parallel_loop3A_558], %parallel_loop3A_561 {strides = array<i32>} : memref<4x8x1024xf32, #tpu.memory_space<vmem>>, vector<1x1x16xf32>,
      } {sc.loop_unroll_factor = 8 : i64, sc.parallel_access}
      %parallel_loop3A_331 = arith.constant 0 : i32
      %parallel_loop3A_332 = arith.constant 64 : i32
      %parallel_loop3A_333 = arith.constant 1 : i32
      scf.for %parallel_loop3A_536 = %parallel_loop3A_331 to %parallel_loop3A_332 step %parallel_loop3A_333  : i32 {
        %parallel_loop3A_537 = arith.constant 16 : i32
        %parallel_loop3A_538 = arith.muli %parallel_loop3A_536, %parallel_loop3A_537 : i32
        %parallel_loop3A_539 = arith.constant 1 : i32
        %parallel_loop3A_540 = arith.constant 6 : i32
        %parallel_loop3A_541 = arith.index_cast %parallel_loop3A_539 : i32 to index
        %parallel_loop3A_542 = arith.index_cast %parallel_loop3A_540 : i32 to index
        %parallel_loop3A_543 = arith.index_cast %parallel_loop3A_538 : i32 to index
        %parallel_loop3A_544 = tpu.vector_load %arg7[%parallel_loop3A_541, %parallel_loop3A_542, %parallel_loop3A_543] {strides = array<i32>} : memref<4x8x1024xf32, #tpu.memory_space<vmem>>, vector<1x1x16xf32>,
        %parallel_loop3A_545 = vector.shape_cast %parallel_loop3A_544 : vector<1x1x16xf32> to vector<16xf32>
        %parallel_loop3A_546 = arith.constant 1 : i32
        %parallel_loop3A_547 = arith.constant 6 : i32
        %parallel_loop3A_548 = arith.index_cast %parallel_loop3A_546 : i32 to index
        %parallel_loop3A_549 = arith.index_cast %parallel_loop3A_547 : i32 to index
        %parallel_loop3A_550 = arith.index_cast %parallel_loop3A_538 : i32 to index
        %parallel_loop3A_551 = tpu.vector_load %arg8[%parallel_loop3A_548, %parallel_loop3A_549, %parallel_loop3A_550] {strides = array<i32>} : memref<4x8x1024xf32, #tpu.memory_space<vmem>>, vector<1x1x16xf32>,
        %parallel_loop3A_552 = vector.shape_cast %parallel_loop3A_551 : vector<1x1x16xf32> to vector<16xf32>
        %parallel_loop3A_553 = arith.addf %parallel_loop3A_545, %parallel_loop3A_552 : vector<16xf32>
        %parallel_loop3A_554 = arith.constant 1 : i32
        %parallel_loop3A_555 = arith.constant 6 : i32
        %parallel_loop3A_556 = arith.index_cast %parallel_loop3A_554 : i32 to index
        %parallel_loop3A_557 = arith.index_cast %parallel_loop3A_555 : i32 to index
        %parallel_loop3A_558 = arith.index_cast %parallel_loop3A_538 : i32 to index
        %parallel_loop3A_559 = tpu.vector_load %arg9[%parallel_loop3A_556, %parallel_loop3A_557, %parallel_loop3A_558] {strides = array<i32>} : memref<4x8x1024xf32, #tpu.memory_space<vmem>>, vector<1x1x16xf32>,
        %parallel_loop3A_560 = vector.shape_cast %parallel_loop3A_559 : vector<1x1x16xf32> to vector<16xf32>
        %parallel_loop3A_561 = vector.shape_cast %parallel_loop3A_553 : vector<16xf32> to vector<1x1x16xf32>
        tpu.vector_store %arg9[%parallel_loop3A_556, %parallel_loop3A_557, %parallel_loop3A_558], %parallel_loop3A_561 {strides = array<i32>} : memref<4x8x1024xf32, #tpu.memory_space<vmem>>, vector<1x1x16xf32>,
      } {sc.loop_unroll_factor = 8 : i64, sc.parallel_access}
      %parallel_loop3A_334 = arith.constant 0 : i32
      %parallel_loop3A_335 = arith.constant 64 : i32
      %parallel_loop3A_336 = arith.constant 1 : i32
      scf.for %parallel_loop3A_536 = %parallel_loop3A_334 to %parallel_loop3A_335 step %parallel_loop3A_336  : i32 {
        %parallel_loop3A_537 = arith.constant 16 : i32
        %parallel_loop3A_538 = arith.muli %parallel_loop3A_536, %parallel_loop3A_537 : i32
        %parallel_loop3A_539 = arith.constant 1 : i32
        %parallel_loop3A_540 = arith.constant 7 : i32
        %parallel_loop3A_541 = arith.index_cast %parallel_loop3A_539 : i32 to index
        %parallel_loop3A_542 = arith.index_cast %parallel_loop3A_540 : i32 to index
        %parallel_loop3A_543 = arith.index_cast %parallel_loop3A_538 : i32 to index
        %parallel_loop3A_544 = tpu.vector_load %arg7[%parallel_loop3A_541, %parallel_loop3A_542, %parallel_loop3A_543] {strides = array<i32>} : memref<4x8x1024xf32, #tpu.memory_space<vmem>>, vector<1x1x16xf32>,
        %parallel_loop3A_545 = vector.shape_cast %parallel_loop3A_544 : vector<1x1x16xf32> to vector<16xf32>
        %parallel_loop3A_546 = arith.constant 1 : i32
        %parallel_loop3A_547 = arith.constant 7 : i32
        %parallel_loop3A_548 = arith.index_cast %parallel_loop3A_546 : i32 to index
        %parallel_loop3A_549 = arith.index_cast %parallel_loop3A_547 : i32 to index
        %parallel_loop3A_550 = arith.index_cast %parallel_loop3A_538 : i32 to index
        %parallel_loop3A_551 = tpu.vector_load %arg8[%parallel_loop3A_548, %parallel_loop3A_549, %parallel_loop3A_550] {strides = array<i32>} : memref<4x8x1024xf32, #tpu.memory_space<vmem>>, vector<1x1x16xf32>,
        %parallel_loop3A_552 = vector.shape_cast %parallel_loop3A_551 : vector<1x1x16xf32> to vector<16xf32>
        %parallel_loop3A_553 = arith.addf %parallel_loop3A_545, %parallel_loop3A_552 : vector<16xf32>
        %parallel_loop3A_554 = arith.constant 1 : i32
        %parallel_loop3A_555 = arith.constant 7 : i32
        %parallel_loop3A_556 = arith.index_cast %parallel_loop3A_554 : i32 to index
        %parallel_loop3A_557 = arith.index_cast %parallel_loop3A_555 : i32 to index
        %parallel_loop3A_558 = arith.index_cast %parallel_loop3A_538 : i32 to index
        %parallel_loop3A_559 = tpu.vector_load %arg9[%parallel_loop3A_556, %parallel_loop3A_557, %parallel_loop3A_558] {strides = array<i32>} : memref<4x8x1024xf32, #tpu.memory_space<vmem>>, vector<1x1x16xf32>,
        %parallel_loop3A_560 = vector.shape_cast %parallel_loop3A_559 : vector<1x1x16xf32> to vector<16xf32>
        %parallel_loop3A_561 = vector.shape_cast %parallel_loop3A_553 : vector<16xf32> to vector<1x1x16xf32>
        tpu.vector_store %arg9[%parallel_loop3A_556, %parallel_loop3A_557, %parallel_loop3A_558], %parallel_loop3A_561 {strides = array<i32>} : memref<4x8x1024xf32, #tpu.memory_space<vmem>>, vector<1x1x16xf32>,
      } {sc.loop_unroll_factor = 8 : i64, sc.parallel_access}
      %mul3A_337 = arith.constant 8 : i32
      %mul3A_338 = arith.muli %add3A_267, %mul3A_337 : i32
      %add3A_339 = arith.addi %mul3A_2, %mul3A_338 : i32
      %dma_start3A_340 = arith.constant 1 : i32
      %dma_start3A_341 = arith.constant 1 : i32
      %dma_start3A_342 = arith.constant 0 : i32
      %dma_start3A_343 = arith.constant 0 : i32
      %dma_start3A_344 = tpu.memref_slice %arg9[%dma_start3A_340, %dma_start3A_342, %dma_start3A_343] : memref<4x8x1024xf32, #tpu.memory_space<vmem>> -> memref<1x8x1024xf32, #tpu.memory_space<vmem>>
      %dma_start3A_345 = tpu.memref_squeeze %dma_start3A_344 : memref<1x8x1024xf32, #tpu.memory_space<vmem>> -> memref<8x1024xf32, #tpu.memory_space<vmem>>
      %dma_start3A_346 = arith.constant 0 : i32
      %dma_start3A_347 = tpu.memref_slice %arg5[%add3A_339, %dma_start3A_346] : memref<16384x1024xf32, #tpu.memory_space<hbm>> -> memref<8x1024xf32, #tpu.memory_space<hbm>>
      %dma_start3A_348 = tpu.memref_slice %arg12[%dma_start3A_341] : memref<4x!tpu.dma_semaphore, #tpu.memory_space<semaphore_mem>> -> memref<1x!tpu.dma_semaphore, #tpu.memory_space<semaphore_mem>>
      %dma_start3A_349 = tpu.memref_squeeze %dma_start3A_348 : memref<1x!tpu.dma_semaphore, #tpu.memory_space<semaphore_mem>> -> memref<!tpu.dma_semaphore, #tpu.memory_space<semaphore_mem>>
      %dma_start3A_350 = arith.constant 0 : i32
      %dma_start3A_351 = tpu.memref_slice %arg5[%add3A_339, %dma_start3A_350] : memref<16384x1024xf32, #tpu.memory_space<hbm>> -> memref<8x1024xf32, #tpu.memory_space<hbm>>
      %dma_start3A_352 = arith.constant 0 : i32
      %dma_start3A_353 = arith.constant 0 : i32
      %dma_start3A_354 = tpu.memref_slice %arg9[%dma_start3A_340, %dma_start3A_352, %dma_start3A_353] : memref<4x8x1024xf32, #tpu.memory_space<vmem>> -> memref<1x8x1024xf32, #tpu.memory_space<vmem>>
      %dma_start3A_355 = tpu.memref_squeeze %dma_start3A_354 : memref<1x8x1024xf32, #tpu.memory_space<vmem>> -> memref<8x1024xf32, #tpu.memory_space<vmem>>
      tpu.enqueue_dma source(%dma_start3A_355 : memref<8x1024xf32, #tpu.memory_space<vmem>>) target(%dma_start3A_351 : memref<8x1024xf32, #tpu.memory_space<hbm>>) target_semaphore(%dma_start3A_349 : memref<!tpu.dma_semaphore, #tpu.memory_space<semaphore_mem>>)
      %add3A_356 = arith.constant 2 : i32
      %add3A_357 = arith.addi %add3A_180, %add3A_356 : i32
      %add3A_358 = arith.constant 3 : i32
      %add3A_359 = arith.addi %add3A_357, %add3A_358 : i32
      %lt3A_360 = arith.constant 64 : i32
      %lt3A_361 = arith.cmpi slt, %add3A_359, %lt3A_360 : i32
      %convert_element_type3A_362 = arith.extui %lt3A_361 : i1 to i32
      %cond3A_363 = arith.constant 0 : i32
      %cond3A_364 = arith.cmpi ne, %convert_element_type3A_362, %cond3A_363 : i32
      scf.if %cond3A_364 {
        %add3A_536 = arith.constant 3 : i32
        %add3A_537 = arith.addi %add3A_357, %add3A_536 : i32
        %dma_start3A_538 = arith.constant 1 : i32
        %dma_start3A_539 = arith.constant 1 : i32
        %dma_start3A_540 = arith.constant 0 : i32
        %dma_start3A_541 = arith.constant 0 : i32
        %dma_start3A_542 = tpu.memref_slice %arg7[%dma_start3A_538, %dma_start3A_540, %dma_start3A_541] : memref<4x8x1024xf32, #tpu.memory_space<vmem>> -> memref<1x8x1024xf32, #tpu.memory_space<vmem>>
        %dma_start3A_543 = tpu.memref_squeeze %dma_start3A_542 : memref<1x8x1024xf32, #tpu.memory_space<vmem>> -> memref<8x1024xf32, #tpu.memory_space<vmem>>
        %dma_start3A_544 = arith.constant 0 : i32
        %dma_start3A_545 = tpu.memref_slice %arg6[%add3A_537, %dma_start3A_544] : memref<64x8xi32, #tpu.memory_space<vmem>> -> memref<1x8xi32, #tpu.memory_space<vmem>>
        %dma_start3A_546 = tpu.memref_squeeze %dma_start3A_545 : memref<1x8xi32, #tpu.memory_space<vmem>> -> memref<8xi32, #tpu.memory_space<vmem>>
        %dma_start3A_547 = arith.constant 0 : i32
        %dma_start3A_548 = arith.constant 0 : i32
        %dma_start3A_549 = tpu.memref_slice %arg4[%dma_start3A_547, %dma_start3A_548] : memref<4096x1024xf32, #tpu.memory_space<hbm>> -> memref<4096x1024xf32, #tpu.memory_space<hbm>>
        %dma_start3A_550 = tpu.memref_slice %arg10[%dma_start3A_539] : memref<4x!tpu.dma_semaphore, #tpu.memory_space<semaphore_mem>> -> memref<1x!tpu.dma_semaphore, #tpu.memory_space<semaphore_mem>>
        %dma_start3A_551 = tpu.memref_squeeze %dma_start3A_550 : memref<1x!tpu.dma_semaphore, #tpu.memory_space<semaphore_mem>> -> memref<!tpu.dma_semaphore, #tpu.memory_space<semaphore_mem>>
        tpu.enqueue_indirect_dma source(%dma_start3A_549 : memref<4096x1024xf32, #tpu.memory_space<hbm>>) target(%dma_start3A_543 : memref<8x1024xf32, #tpu.memory_space<vmem>>) offsets(%dma_start3A_546 : memref<8xi32, #tpu.memory_space<vmem>>) semaphore(%dma_start3A_551 : memref<!tpu.dma_semaphore, #tpu.memory_space<semaphore_mem>>)
        %mul3A_552 = arith.constant 8 : i32
        %mul3A_553 = arith.muli %add3A_537, %mul3A_552 : i32
        %add3A_554 = arith.addi %mul3A_2, %mul3A_553 : i32
        %dma_start3A_555 = arith.constant 1 : i32
        %dma_start3A_556 = arith.constant 1 : i32
        %dma_start3A_557 = arith.constant 0 : i32
        %dma_start3A_558 = arith.constant 0 : i32
        %dma_start3A_559 = tpu.memref_slice %arg8[%dma_start3A_555, %dma_start3A_557, %dma_start3A_558] : memref<4x8x1024xf32, #tpu.memory_space<vmem>> -> memref<1x8x1024xf32, #tpu.memory_space<vmem>>
        %dma_start3A_560 = tpu.memref_squeeze %dma_start3A_559 : memref<1x8x1024xf32, #tpu.memory_space<vmem>> -> memref<8x1024xf32, #tpu.memory_space<vmem>>
        %dma_start3A_561 = arith.constant 0 : i32
        %dma_start3A_562 = tpu.memref_slice %arg2[%add3A_554, %dma_start3A_561] : memref<16384x1024xf32, #tpu.memory_space<hbm>> -> memref<8x1024xf32, #tpu.memory_space<hbm>>
        %dma_start3A_563 = tpu.memref_slice %arg11[%dma_start3A_556] : memref<4x!tpu.dma_semaphore, #tpu.memory_space<semaphore_mem>> -> memref<1x!tpu.dma_semaphore, #tpu.memory_space<semaphore_mem>>
        %dma_start3A_564 = tpu.memref_squeeze %dma_start3A_563 : memref<1x!tpu.dma_semaphore, #tpu.memory_space<semaphore_mem>> -> memref<!tpu.dma_semaphore, #tpu.memory_space<semaphore_mem>>
        %dma_start3A_565 = arith.constant 0 : i32
        %dma_start3A_566 = arith.constant 0 : i32
        %dma_start3A_567 = tpu.memref_slice %arg8[%dma_start3A_555, %dma_start3A_565, %dma_start3A_566] : memref<4x8x1024xf32, #tpu.memory_space<vmem>> -> memref<1x8x1024xf32, #tpu.memory_space<vmem>>
        %dma_start3A_568 = tpu.memref_squeeze %dma_start3A_567 : memref<1x8x1024xf32, #tpu.memory_space<vmem>> -> memref<8x1024xf32, #tpu.memory_space<vmem>>
        %dma_start3A_569 = arith.constant 0 : i32
        %dma_start3A_570 = tpu.memref_slice %arg2[%add3A_554, %dma_start3A_569] : memref<16384x1024xf32, #tpu.memory_space<hbm>> -> memref<8x1024xf32, #tpu.memory_space<hbm>>
        tpu.enqueue_dma source(%dma_start3A_570 : memref<8x1024xf32, #tpu.memory_space<hbm>>) target(%dma_start3A_568 : memref<8x1024xf32, #tpu.memory_space<vmem>>) target_semaphore(%dma_start3A_564 : memref<!tpu.dma_semaphore, #tpu.memory_space<semaphore_mem>>)
      } else {
      }
      %dma_wait3A_365 = arith.constant 2 : i32
      %dma_wait3A_366 = arith.constant 2 : i32
      %dma_wait3A_367 = arith.constant 0 : i32
      %dma_wait3A_368 = arith.constant 0 : i32
      %dma_wait3A_369 = tpu.memref_slice %arg7[%dma_wait3A_365, %dma_wait3A_367, %dma_wait3A_368] : memref<4x8x1024xf32, #tpu.memory_space<vmem>> -> memref<1x8x1024xf32, #tpu.memory_space<vmem>>
      %dma_wait3A_370 = tpu.memref_squeeze %dma_wait3A_369 : memref<1x8x1024xf32, #tpu.memory_space<vmem>> -> memref<8x1024xf32, #tpu.memory_space<vmem>>
      %dma_wait3A_371 = arith.constant 0 : i32
      %dma_wait3A_372 = tpu.memref_slice %arg6[%add3A_357, %dma_wait3A_371] : memref<64x8xi32, #tpu.memory_space<vmem>> -> memref<1x8xi32, #tpu.memory_space<vmem>>
      %dma_wait3A_373 = tpu.memref_squeeze %dma_wait3A_372 : memref<1x8xi32, #tpu.memory_space<vmem>> -> memref<8xi32, #tpu.memory_space<vmem>>
      %dma_wait3A_374 = arith.constant 0 : i32
      %dma_wait3A_375 = arith.constant 0 : i32
      %dma_wait3A_376 = tpu.memref_slice %arg4[%dma_wait3A_374, %dma_wait3A_375] : memref<4096x1024xf32, #tpu.memory_space<hbm>> -> memref<4096x1024xf32, #tpu.memory_space<hbm>>
      %dma_wait3A_377 = tpu.memref_slice %arg10[%dma_wait3A_366] : memref<4x!tpu.dma_semaphore, #tpu.memory_space<semaphore_mem>> -> memref<1x!tpu.dma_semaphore, #tpu.memory_space<semaphore_mem>>
      %dma_wait3A_378 = tpu.memref_squeeze %dma_wait3A_377 : memref<1x!tpu.dma_semaphore, #tpu.memory_space<semaphore_mem>> -> memref<!tpu.dma_semaphore, #tpu.memory_space<semaphore_mem>>
      tpu.wait_indirect_dma semaphore(%dma_wait3A_378 : memref<!tpu.dma_semaphore, #tpu.memory_space<semaphore_mem>>) src(%dma_wait3A_376 : memref<4096x1024xf32, #tpu.memory_space<hbm>>) dst(%dma_wait3A_370 : memref<8x1024xf32, #tpu.memory_space<vmem>>)
      %mul3A_379 = arith.constant 8 : i32
      %mul3A_380 = arith.muli %add3A_357, %mul3A_379 : i32
      %add3A_381 = arith.addi %mul3A_2, %mul3A_380 : i32
      %dma_wait3A_382 = arith.constant 2 : i32
      %dma_wait3A_383 = arith.constant 2 : i32
      %dma_wait3A_384 = arith.constant 0 : i32
      %dma_wait3A_385 = arith.constant 0 : i32
      %dma_wait3A_386 = tpu.memref_slice %arg8[%dma_wait3A_382, %dma_wait3A_384, %dma_wait3A_385] : memref<4x8x1024xf32, #tpu.memory_space<vmem>> -> memref<1x8x1024xf32, #tpu.memory_space<vmem>>
      %dma_wait3A_387 = tpu.memref_squeeze %dma_wait3A_386 : memref<1x8x1024xf32, #tpu.memory_space<vmem>> -> memref<8x1024xf32, #tpu.memory_space<vmem>>
      %dma_wait3A_388 = arith.constant 0 : i32
      %dma_wait3A_389 = tpu.memref_slice %arg2[%add3A_381, %dma_wait3A_388] : memref<16384x1024xf32, #tpu.memory_space<hbm>> -> memref<8x1024xf32, #tpu.memory_space<hbm>>
      %dma_wait3A_390 = tpu.memref_slice %arg11[%dma_wait3A_383] : memref<4x!tpu.dma_semaphore, #tpu.memory_space<semaphore_mem>> -> memref<1x!tpu.dma_semaphore, #tpu.memory_space<semaphore_mem>>
      %dma_wait3A_391 = tpu.memref_squeeze %dma_wait3A_390 : memref<1x!tpu.dma_semaphore, #tpu.memory_space<semaphore_mem>> -> memref<!tpu.dma_semaphore, #tpu.memory_space<semaphore_mem>>
      %dma_wait3A_392 = arith.constant 0 : i32
      %dma_wait3A_393 = arith.constant 0 : i32
      %dma_wait3A_394 = tpu.memref_slice %arg8[%dma_wait3A_382, %dma_wait3A_392, %dma_wait3A_393] : memref<4x8x1024xf32, #tpu.memory_space<vmem>> -> memref<1x8x1024xf32, #tpu.memory_space<vmem>>
      %dma_wait3A_395 = tpu.memref_squeeze %dma_wait3A_394 : memref<1x8x1024xf32, #tpu.memory_space<vmem>> -> memref<8x1024xf32, #tpu.memory_space<vmem>>
      %dma_wait3A_396 = arith.constant 0 : i32
      %dma_wait3A_397 = tpu.memref_slice %arg2[%add3A_381, %dma_wait3A_396] : memref<16384x1024xf32, #tpu.memory_space<hbm>> -> memref<8x1024xf32, #tpu.memory_space<hbm>>
      tpu.wait_dma2 semaphore(%dma_wait3A_391 : memref<!tpu.dma_semaphore, #tpu.memory_space<semaphore_mem>>) src(%dma_wait3A_397 : memref<8x1024xf32, #tpu.memory_space<hbm>>) dst(%dma_wait3A_395 : memref<8x1024xf32, #tpu.memory_space<vmem>>)
      %ge3A_398 = arith.constant 4 : i32
      %ge3A_399 = arith.cmpi sge, %add3A_357, %ge3A_398 : i32
      %convert_element_type3A_400 = arith.extui %ge3A_399 : i1 to i32
      %cond3A_401 = arith.constant 0 : i32
      %cond3A_402 = arith.cmpi ne, %convert_element_type3A_400, %cond3A_401 : i32
      scf.if %cond3A_402 {
        %sub3A = arith.constant 4 : i32
        %sub3A_536 = arith.subi %add3A_357, %sub3A : i32
        %mul3A_537 = arith.constant 8 : i32
        %mul3A_538 = arith.muli %sub3A_536, %mul3A_537 : i32
        %add3A_539 = arith.addi %mul3A_2, %mul3A_538 : i32
        %dma_wait3A_540 = arith.constant 2 : i32
        %dma_wait3A_541 = arith.constant 2 : i32
        %dma_wait3A_542 = arith.constant 0 : i32
        %dma_wait3A_543 = arith.constant 0 : i32
        %dma_wait3A_544 = tpu.memref_slice %arg9[%dma_wait3A_540, %dma_wait3A_542, %dma_wait3A_543] : memref<4x8x1024xf32, #tpu.memory_space<vmem>> -> memref<1x8x1024xf32, #tpu.memory_space<vmem>>
        %dma_wait3A_545 = tpu.memref_squeeze %dma_wait3A_544 : memref<1x8x1024xf32, #tpu.memory_space<vmem>> -> memref<8x1024xf32, #tpu.memory_space<vmem>>
        %dma_wait3A_546 = arith.constant 0 : i32
        %dma_wait3A_547 = tpu.memref_slice %arg5[%add3A_539, %dma_wait3A_546] : memref<16384x1024xf32, #tpu.memory_space<hbm>> -> memref<8x1024xf32, #tpu.memory_space<hbm>>
        %dma_wait3A_548 = tpu.memref_slice %arg12[%dma_wait3A_541] : memref<4x!tpu.dma_semaphore, #tpu.memory_space<semaphore_mem>> -> memref<1x!tpu.dma_semaphore, #tpu.memory_space<semaphore_mem>>
        %dma_wait3A_549 = tpu.memref_squeeze %dma_wait3A_548 : memref<1x!tpu.dma_semaphore, #tpu.memory_space<semaphore_mem>> -> memref<!tpu.dma_semaphore, #tpu.memory_space<semaphore_mem>>
        %dma_wait3A_550 = arith.constant 0 : i32
        %dma_wait3A_551 = tpu.memref_slice %arg5[%add3A_539, %dma_wait3A_550] : memref<16384x1024xf32, #tpu.memory_space<hbm>> -> memref<8x1024xf32, #tpu.memory_space<hbm>>
        %dma_wait3A_552 = arith.constant 0 : i32
        %dma_wait3A_553 = arith.constant 0 : i32
        %dma_wait3A_554 = tpu.memref_slice %arg9[%dma_wait3A_540, %dma_wait3A_552, %dma_wait3A_553] : memref<4x8x1024xf32, #tpu.memory_space<vmem>> -> memref<1x8x1024xf32, #tpu.memory_space<vmem>>
        %dma_wait3A_555 = tpu.memref_squeeze %dma_wait3A_554 : memref<1x8x1024xf32, #tpu.memory_space<vmem>> -> memref<8x1024xf32, #tpu.memory_space<vmem>>
        tpu.wait_dma2 semaphore(%dma_wait3A_549 : memref<!tpu.dma_semaphore, #tpu.memory_space<semaphore_mem>>) src(%dma_wait3A_555 : memref<8x1024xf32, #tpu.memory_space<vmem>>) dst(%dma_wait3A_551 : memref<8x1024xf32, #tpu.memory_space<hbm>>)
      } else {
      }
      %parallel_loop3A_403 = arith.constant 0 : i32
      %parallel_loop3A_404 = arith.constant 64 : i32
      %parallel_loop3A_405 = arith.constant 1 : i32
      scf.for %parallel_loop3A_536 = %parallel_loop3A_403 to %parallel_loop3A_404 step %parallel_loop3A_405  : i32 {
        %parallel_loop3A_537 = arith.constant 16 : i32
        %parallel_loop3A_538 = arith.muli %parallel_loop3A_536, %parallel_loop3A_537 : i32
        %parallel_loop3A_539 = arith.constant 2 : i32
        %parallel_loop3A_540 = arith.constant 0 : i32
        %parallel_loop3A_541 = arith.index_cast %parallel_loop3A_539 : i32 to index
        %parallel_loop3A_542 = arith.index_cast %parallel_loop3A_540 : i32 to index
        %parallel_loop3A_543 = arith.index_cast %parallel_loop3A_538 : i32 to index
        %parallel_loop3A_544 = tpu.vector_load %arg7[%parallel_loop3A_541, %parallel_loop3A_542, %parallel_loop3A_543] {strides = array<i32>} : memref<4x8x1024xf32, #tpu.memory_space<vmem>>, vector<1x1x16xf32>,
        %parallel_loop3A_545 = vector.shape_cast %parallel_loop3A_544 : vector<1x1x16xf32> to vector<16xf32>
        %parallel_loop3A_546 = arith.constant 2 : i32
        %parallel_loop3A_547 = arith.constant 0 : i32
        %parallel_loop3A_548 = arith.index_cast %parallel_loop3A_546 : i32 to index
        %parallel_loop3A_549 = arith.index_cast %parallel_loop3A_547 : i32 to index
        %parallel_loop3A_550 = arith.index_cast %parallel_loop3A_538 : i32 to index
        %parallel_loop3A_551 = tpu.vector_load %arg8[%parallel_loop3A_548, %parallel_loop3A_549, %parallel_loop3A_550] {strides = array<i32>} : memref<4x8x1024xf32, #tpu.memory_space<vmem>>, vector<1x1x16xf32>,
        %parallel_loop3A_552 = vector.shape_cast %parallel_loop3A_551 : vector<1x1x16xf32> to vector<16xf32>
        %parallel_loop3A_553 = arith.addf %parallel_loop3A_545, %parallel_loop3A_552 : vector<16xf32>
        %parallel_loop3A_554 = arith.constant 2 : i32
        %parallel_loop3A_555 = arith.constant 0 : i32
        %parallel_loop3A_556 = arith.index_cast %parallel_loop3A_554 : i32 to index
        %parallel_loop3A_557 = arith.index_cast %parallel_loop3A_555 : i32 to index
        %parallel_loop3A_558 = arith.index_cast %parallel_loop3A_538 : i32 to index
        %parallel_loop3A_559 = tpu.vector_load %arg9[%parallel_loop3A_556, %parallel_loop3A_557, %parallel_loop3A_558] {strides = array<i32>} : memref<4x8x1024xf32, #tpu.memory_space<vmem>>, vector<1x1x16xf32>,
        %parallel_loop3A_560 = vector.shape_cast %parallel_loop3A_559 : vector<1x1x16xf32> to vector<16xf32>
        %parallel_loop3A_561 = vector.shape_cast %parallel_loop3A_553 : vector<16xf32> to vector<1x1x16xf32>
        tpu.vector_store %arg9[%parallel_loop3A_556, %parallel_loop3A_557, %parallel_loop3A_558], %parallel_loop3A_561 {strides = array<i32>} : memref<4x8x1024xf32, #tpu.memory_space<vmem>>, vector<1x1x16xf32>,
      } {sc.loop_unroll_factor = 8 : i64, sc.parallel_access}
      %parallel_loop3A_406 = arith.constant 0 : i32
      %parallel_loop3A_407 = arith.constant 64 : i32
      %parallel_loop3A_408 = arith.constant 1 : i32
      scf.for %parallel_loop3A_536 = %parallel_loop3A_406 to %parallel_loop3A_407 step %parallel_loop3A_408  : i32 {
        %parallel_loop3A_537 = arith.constant 16 : i32
        %parallel_loop3A_538 = arith.muli %parallel_loop3A_536, %parallel_loop3A_537 : i32
        %parallel_loop3A_539 = arith.constant 2 : i32
        %parallel_loop3A_540 = arith.constant 1 : i32
        %parallel_loop3A_541 = arith.index_cast %parallel_loop3A_539 : i32 to index
        %parallel_loop3A_542 = arith.index_cast %parallel_loop3A_540 : i32 to index
        %parallel_loop3A_543 = arith.index_cast %parallel_loop3A_538 : i32 to index
        %parallel_loop3A_544 = tpu.vector_load %arg7[%parallel_loop3A_541, %parallel_loop3A_542, %parallel_loop3A_543] {strides = array<i32>} : memref<4x8x1024xf32, #tpu.memory_space<vmem>>, vector<1x1x16xf32>,
        %parallel_loop3A_545 = vector.shape_cast %parallel_loop3A_544 : vector<1x1x16xf32> to vector<16xf32>
        %parallel_loop3A_546 = arith.constant 2 : i32
        %parallel_loop3A_547 = arith.constant 1 : i32
        %parallel_loop3A_548 = arith.index_cast %parallel_loop3A_546 : i32 to index
        %parallel_loop3A_549 = arith.index_cast %parallel_loop3A_547 : i32 to index
        %parallel_loop3A_550 = arith.index_cast %parallel_loop3A_538 : i32 to index
        %parallel_loop3A_551 = tpu.vector_load %arg8[%parallel_loop3A_548, %parallel_loop3A_549, %parallel_loop3A_550] {strides = array<i32>} : memref<4x8x1024xf32, #tpu.memory_space<vmem>>, vector<1x1x16xf32>,
        %parallel_loop3A_552 = vector.shape_cast %parallel_loop3A_551 : vector<1x1x16xf32> to vector<16xf32>
        %parallel_loop3A_553 = arith.addf %parallel_loop3A_545, %parallel_loop3A_552 : vector<16xf32>
        %parallel_loop3A_554 = arith.constant 2 : i32
        %parallel_loop3A_555 = arith.constant 1 : i32
        %parallel_loop3A_556 = arith.index_cast %parallel_loop3A_554 : i32 to index
        %parallel_loop3A_557 = arith.index_cast %parallel_loop3A_555 : i32 to index
        %parallel_loop3A_558 = arith.index_cast %parallel_loop3A_538 : i32 to index
        %parallel_loop3A_559 = tpu.vector_load %arg9[%parallel_loop3A_556, %parallel_loop3A_557, %parallel_loop3A_558] {strides = array<i32>} : memref<4x8x1024xf32, #tpu.memory_space<vmem>>, vector<1x1x16xf32>,
        %parallel_loop3A_560 = vector.shape_cast %parallel_loop3A_559 : vector<1x1x16xf32> to vector<16xf32>
        %parallel_loop3A_561 = vector.shape_cast %parallel_loop3A_553 : vector<16xf32> to vector<1x1x16xf32>
        tpu.vector_store %arg9[%parallel_loop3A_556, %parallel_loop3A_557, %parallel_loop3A_558], %parallel_loop3A_561 {strides = array<i32>} : memref<4x8x1024xf32, #tpu.memory_space<vmem>>, vector<1x1x16xf32>,
      } {sc.loop_unroll_factor = 8 : i64, sc.parallel_access}
      %parallel_loop3A_409 = arith.constant 0 : i32
      %parallel_loop3A_410 = arith.constant 64 : i32
      %parallel_loop3A_411 = arith.constant 1 : i32
      scf.for %parallel_loop3A_536 = %parallel_loop3A_409 to %parallel_loop3A_410 step %parallel_loop3A_411  : i32 {
        %parallel_loop3A_537 = arith.constant 16 : i32
        %parallel_loop3A_538 = arith.muli %parallel_loop3A_536, %parallel_loop3A_537 : i32
        %parallel_loop3A_539 = arith.constant 2 : i32
        %parallel_loop3A_540 = arith.constant 2 : i32
        %parallel_loop3A_541 = arith.index_cast %parallel_loop3A_539 : i32 to index
        %parallel_loop3A_542 = arith.index_cast %parallel_loop3A_540 : i32 to index
        %parallel_loop3A_543 = arith.index_cast %parallel_loop3A_538 : i32 to index
        %parallel_loop3A_544 = tpu.vector_load %arg7[%parallel_loop3A_541, %parallel_loop3A_542, %parallel_loop3A_543] {strides = array<i32>} : memref<4x8x1024xf32, #tpu.memory_space<vmem>>, vector<1x1x16xf32>,
        %parallel_loop3A_545 = vector.shape_cast %parallel_loop3A_544 : vector<1x1x16xf32> to vector<16xf32>
        %parallel_loop3A_546 = arith.constant 2 : i32
        %parallel_loop3A_547 = arith.constant 2 : i32
        %parallel_loop3A_548 = arith.index_cast %parallel_loop3A_546 : i32 to index
        %parallel_loop3A_549 = arith.index_cast %parallel_loop3A_547 : i32 to index
        %parallel_loop3A_550 = arith.index_cast %parallel_loop3A_538 : i32 to index
        %parallel_loop3A_551 = tpu.vector_load %arg8[%parallel_loop3A_548, %parallel_loop3A_549, %parallel_loop3A_550] {strides = array<i32>} : memref<4x8x1024xf32, #tpu.memory_space<vmem>>, vector<1x1x16xf32>,
        %parallel_loop3A_552 = vector.shape_cast %parallel_loop3A_551 : vector<1x1x16xf32> to vector<16xf32>
        %parallel_loop3A_553 = arith.addf %parallel_loop3A_545, %parallel_loop3A_552 : vector<16xf32>
        %parallel_loop3A_554 = arith.constant 2 : i32
        %parallel_loop3A_555 = arith.constant 2 : i32
        %parallel_loop3A_556 = arith.index_cast %parallel_loop3A_554 : i32 to index
        %parallel_loop3A_557 = arith.index_cast %parallel_loop3A_555 : i32 to index
        %parallel_loop3A_558 = arith.index_cast %parallel_loop3A_538 : i32 to index
        %parallel_loop3A_559 = tpu.vector_load %arg9[%parallel_loop3A_556, %parallel_loop3A_557, %parallel_loop3A_558] {strides = array<i32>} : memref<4x8x1024xf32, #tpu.memory_space<vmem>>, vector<1x1x16xf32>,
        %parallel_loop3A_560 = vector.shape_cast %parallel_loop3A_559 : vector<1x1x16xf32> to vector<16xf32>
        %parallel_loop3A_561 = vector.shape_cast %parallel_loop3A_553 : vector<16xf32> to vector<1x1x16xf32>
        tpu.vector_store %arg9[%parallel_loop3A_556, %parallel_loop3A_557, %parallel_loop3A_558], %parallel_loop3A_561 {strides = array<i32>} : memref<4x8x1024xf32, #tpu.memory_space<vmem>>, vector<1x1x16xf32>,
      } {sc.loop_unroll_factor = 8 : i64, sc.parallel_access}
      %parallel_loop3A_412 = arith.constant 0 : i32
      %parallel_loop3A_413 = arith.constant 64 : i32
      %parallel_loop3A_414 = arith.constant 1 : i32
      scf.for %parallel_loop3A_536 = %parallel_loop3A_412 to %parallel_loop3A_413 step %parallel_loop3A_414  : i32 {
        %parallel_loop3A_537 = arith.constant 16 : i32
        %parallel_loop3A_538 = arith.muli %parallel_loop3A_536, %parallel_loop3A_537 : i32
        %parallel_loop3A_539 = arith.constant 2 : i32
        %parallel_loop3A_540 = arith.constant 3 : i32
        %parallel_loop3A_541 = arith.index_cast %parallel_loop3A_539 : i32 to index
        %parallel_loop3A_542 = arith.index_cast %parallel_loop3A_540 : i32 to index
        %parallel_loop3A_543 = arith.index_cast %parallel_loop3A_538 : i32 to index
        %parallel_loop3A_544 = tpu.vector_load %arg7[%parallel_loop3A_541, %parallel_loop3A_542, %parallel_loop3A_543] {strides = array<i32>} : memref<4x8x1024xf32, #tpu.memory_space<vmem>>, vector<1x1x16xf32>,
        %parallel_loop3A_545 = vector.shape_cast %parallel_loop3A_544 : vector<1x1x16xf32> to vector<16xf32>
        %parallel_loop3A_546 = arith.constant 2 : i32
        %parallel_loop3A_547 = arith.constant 3 : i32
        %parallel_loop3A_548 = arith.index_cast %parallel_loop3A_546 : i32 to index
        %parallel_loop3A_549 = arith.index_cast %parallel_loop3A_547 : i32 to index
        %parallel_loop3A_550 = arith.index_cast %parallel_loop3A_538 : i32 to index
        %parallel_loop3A_551 = tpu.vector_load %arg8[%parallel_loop3A_548, %parallel_loop3A_549, %parallel_loop3A_550] {strides = array<i32>} : memref<4x8x1024xf32, #tpu.memory_space<vmem>>, vector<1x1x16xf32>,
        %parallel_loop3A_552 = vector.shape_cast %parallel_loop3A_551 : vector<1x1x16xf32> to vector<16xf32>
        %parallel_loop3A_553 = arith.addf %parallel_loop3A_545, %parallel_loop3A_552 : vector<16xf32>
        %parallel_loop3A_554 = arith.constant 2 : i32
        %parallel_loop3A_555 = arith.constant 3 : i32
        %parallel_loop3A_556 = arith.index_cast %parallel_loop3A_554 : i32 to index
        %parallel_loop3A_557 = arith.index_cast %parallel_loop3A_555 : i32 to index
        %parallel_loop3A_558 = arith.index_cast %parallel_loop3A_538 : i32 to index
        %parallel_loop3A_559 = tpu.vector_load %arg9[%parallel_loop3A_556, %parallel_loop3A_557, %parallel_loop3A_558] {strides = array<i32>} : memref<4x8x1024xf32, #tpu.memory_space<vmem>>, vector<1x1x16xf32>,
        %parallel_loop3A_560 = vector.shape_cast %parallel_loop3A_559 : vector<1x1x16xf32> to vector<16xf32>
        %parallel_loop3A_561 = vector.shape_cast %parallel_loop3A_553 : vector<16xf32> to vector<1x1x16xf32>
        tpu.vector_store %arg9[%parallel_loop3A_556, %parallel_loop3A_557, %parallel_loop3A_558], %parallel_loop3A_561 {strides = array<i32>} : memref<4x8x1024xf32, #tpu.memory_space<vmem>>, vector<1x1x16xf32>,
      } {sc.loop_unroll_factor = 8 : i64, sc.parallel_access}
      %parallel_loop3A_415 = arith.constant 0 : i32
      %parallel_loop3A_416 = arith.constant 64 : i32
      %parallel_loop3A_417 = arith.constant 1 : i32
      scf.for %parallel_loop3A_536 = %parallel_loop3A_415 to %parallel_loop3A_416 step %parallel_loop3A_417  : i32 {
        %parallel_loop3A_537 = arith.constant 16 : i32
        %parallel_loop3A_538 = arith.muli %parallel_loop3A_536, %parallel_loop3A_537 : i32
        %parallel_loop3A_539 = arith.constant 2 : i32
        %parallel_loop3A_540 = arith.constant 4 : i32
        %parallel_loop3A_541 = arith.index_cast %parallel_loop3A_539 : i32 to index
        %parallel_loop3A_542 = arith.index_cast %parallel_loop3A_540 : i32 to index
        %parallel_loop3A_543 = arith.index_cast %parallel_loop3A_538 : i32 to index
        %parallel_loop3A_544 = tpu.vector_load %arg7[%parallel_loop3A_541, %parallel_loop3A_542, %parallel_loop3A_543] {strides = array<i32>} : memref<4x8x1024xf32, #tpu.memory_space<vmem>>, vector<1x1x16xf32>,
        %parallel_loop3A_545 = vector.shape_cast %parallel_loop3A_544 : vector<1x1x16xf32> to vector<16xf32>
        %parallel_loop3A_546 = arith.constant 2 : i32
        %parallel_loop3A_547 = arith.constant 4 : i32
        %parallel_loop3A_548 = arith.index_cast %parallel_loop3A_546 : i32 to index
        %parallel_loop3A_549 = arith.index_cast %parallel_loop3A_547 : i32 to index
        %parallel_loop3A_550 = arith.index_cast %parallel_loop3A_538 : i32 to index
        %parallel_loop3A_551 = tpu.vector_load %arg8[%parallel_loop3A_548, %parallel_loop3A_549, %parallel_loop3A_550] {strides = array<i32>} : memref<4x8x1024xf32, #tpu.memory_space<vmem>>, vector<1x1x16xf32>,
        %parallel_loop3A_552 = vector.shape_cast %parallel_loop3A_551 : vector<1x1x16xf32> to vector<16xf32>
        %parallel_loop3A_553 = arith.addf %parallel_loop3A_545, %parallel_loop3A_552 : vector<16xf32>
        %parallel_loop3A_554 = arith.constant 2 : i32
        %parallel_loop3A_555 = arith.constant 4 : i32
        %parallel_loop3A_556 = arith.index_cast %parallel_loop3A_554 : i32 to index
        %parallel_loop3A_557 = arith.index_cast %parallel_loop3A_555 : i32 to index
        %parallel_loop3A_558 = arith.index_cast %parallel_loop3A_538 : i32 to index
        %parallel_loop3A_559 = tpu.vector_load %arg9[%parallel_loop3A_556, %parallel_loop3A_557, %parallel_loop3A_558] {strides = array<i32>} : memref<4x8x1024xf32, #tpu.memory_space<vmem>>, vector<1x1x16xf32>,
        %parallel_loop3A_560 = vector.shape_cast %parallel_loop3A_559 : vector<1x1x16xf32> to vector<16xf32>
        %parallel_loop3A_561 = vector.shape_cast %parallel_loop3A_553 : vector<16xf32> to vector<1x1x16xf32>
        tpu.vector_store %arg9[%parallel_loop3A_556, %parallel_loop3A_557, %parallel_loop3A_558], %parallel_loop3A_561 {strides = array<i32>} : memref<4x8x1024xf32, #tpu.memory_space<vmem>>, vector<1x1x16xf32>,
      } {sc.loop_unroll_factor = 8 : i64, sc.parallel_access}
      %parallel_loop3A_418 = arith.constant 0 : i32
      %parallel_loop3A_419 = arith.constant 64 : i32
      %parallel_loop3A_420 = arith.constant 1 : i32
      scf.for %parallel_loop3A_536 = %parallel_loop3A_418 to %parallel_loop3A_419 step %parallel_loop3A_420  : i32 {
        %parallel_loop3A_537 = arith.constant 16 : i32
        %parallel_loop3A_538 = arith.muli %parallel_loop3A_536, %parallel_loop3A_537 : i32
        %parallel_loop3A_539 = arith.constant 2 : i32
        %parallel_loop3A_540 = arith.constant 5 : i32
        %parallel_loop3A_541 = arith.index_cast %parallel_loop3A_539 : i32 to index
        %parallel_loop3A_542 = arith.index_cast %parallel_loop3A_540 : i32 to index
        %parallel_loop3A_543 = arith.index_cast %parallel_loop3A_538 : i32 to index
        %parallel_loop3A_544 = tpu.vector_load %arg7[%parallel_loop3A_541, %parallel_loop3A_542, %parallel_loop3A_543] {strides = array<i32>} : memref<4x8x1024xf32, #tpu.memory_space<vmem>>, vector<1x1x16xf32>,
        %parallel_loop3A_545 = vector.shape_cast %parallel_loop3A_544 : vector<1x1x16xf32> to vector<16xf32>
        %parallel_loop3A_546 = arith.constant 2 : i32
        %parallel_loop3A_547 = arith.constant 5 : i32
        %parallel_loop3A_548 = arith.index_cast %parallel_loop3A_546 : i32 to index
        %parallel_loop3A_549 = arith.index_cast %parallel_loop3A_547 : i32 to index
        %parallel_loop3A_550 = arith.index_cast %parallel_loop3A_538 : i32 to index
        %parallel_loop3A_551 = tpu.vector_load %arg8[%parallel_loop3A_548, %parallel_loop3A_549, %parallel_loop3A_550] {strides = array<i32>} : memref<4x8x1024xf32, #tpu.memory_space<vmem>>, vector<1x1x16xf32>,
        %parallel_loop3A_552 = vector.shape_cast %parallel_loop3A_551 : vector<1x1x16xf32> to vector<16xf32>
        %parallel_loop3A_553 = arith.addf %parallel_loop3A_545, %parallel_loop3A_552 : vector<16xf32>
        %parallel_loop3A_554 = arith.constant 2 : i32
        %parallel_loop3A_555 = arith.constant 5 : i32
        %parallel_loop3A_556 = arith.index_cast %parallel_loop3A_554 : i32 to index
        %parallel_loop3A_557 = arith.index_cast %parallel_loop3A_555 : i32 to index
        %parallel_loop3A_558 = arith.index_cast %parallel_loop3A_538 : i32 to index
        %parallel_loop3A_559 = tpu.vector_load %arg9[%parallel_loop3A_556, %parallel_loop3A_557, %parallel_loop3A_558] {strides = array<i32>} : memref<4x8x1024xf32, #tpu.memory_space<vmem>>, vector<1x1x16xf32>,
        %parallel_loop3A_560 = vector.shape_cast %parallel_loop3A_559 : vector<1x1x16xf32> to vector<16xf32>
        %parallel_loop3A_561 = vector.shape_cast %parallel_loop3A_553 : vector<16xf32> to vector<1x1x16xf32>
        tpu.vector_store %arg9[%parallel_loop3A_556, %parallel_loop3A_557, %parallel_loop3A_558], %parallel_loop3A_561 {strides = array<i32>} : memref<4x8x1024xf32, #tpu.memory_space<vmem>>, vector<1x1x16xf32>,
      } {sc.loop_unroll_factor = 8 : i64, sc.parallel_access}
      %parallel_loop3A_421 = arith.constant 0 : i32
      %parallel_loop3A_422 = arith.constant 64 : i32
      %parallel_loop3A_423 = arith.constant 1 : i32
      scf.for %parallel_loop3A_536 = %parallel_loop3A_421 to %parallel_loop3A_422 step %parallel_loop3A_423  : i32 {
        %parallel_loop3A_537 = arith.constant 16 : i32
        %parallel_loop3A_538 = arith.muli %parallel_loop3A_536, %parallel_loop3A_537 : i32
        %parallel_loop3A_539 = arith.constant 2 : i32
        %parallel_loop3A_540 = arith.constant 6 : i32
        %parallel_loop3A_541 = arith.index_cast %parallel_loop3A_539 : i32 to index
        %parallel_loop3A_542 = arith.index_cast %parallel_loop3A_540 : i32 to index
        %parallel_loop3A_543 = arith.index_cast %parallel_loop3A_538 : i32 to index
        %parallel_loop3A_544 = tpu.vector_load %arg7[%parallel_loop3A_541, %parallel_loop3A_542, %parallel_loop3A_543] {strides = array<i32>} : memref<4x8x1024xf32, #tpu.memory_space<vmem>>, vector<1x1x16xf32>,
        %parallel_loop3A_545 = vector.shape_cast %parallel_loop3A_544 : vector<1x1x16xf32> to vector<16xf32>
        %parallel_loop3A_546 = arith.constant 2 : i32
        %parallel_loop3A_547 = arith.constant 6 : i32
        %parallel_loop3A_548 = arith.index_cast %parallel_loop3A_546 : i32 to index
        %parallel_loop3A_549 = arith.index_cast %parallel_loop3A_547 : i32 to index
        %parallel_loop3A_550 = arith.index_cast %parallel_loop3A_538 : i32 to index
        %parallel_loop3A_551 = tpu.vector_load %arg8[%parallel_loop3A_548, %parallel_loop3A_549, %parallel_loop3A_550] {strides = array<i32>} : memref<4x8x1024xf32, #tpu.memory_space<vmem>>, vector<1x1x16xf32>,
        %parallel_loop3A_552 = vector.shape_cast %parallel_loop3A_551 : vector<1x1x16xf32> to vector<16xf32>
        %parallel_loop3A_553 = arith.addf %parallel_loop3A_545, %parallel_loop3A_552 : vector<16xf32>
        %parallel_loop3A_554 = arith.constant 2 : i32
        %parallel_loop3A_555 = arith.constant 6 : i32
        %parallel_loop3A_556 = arith.index_cast %parallel_loop3A_554 : i32 to index
        %parallel_loop3A_557 = arith.index_cast %parallel_loop3A_555 : i32 to index
        %parallel_loop3A_558 = arith.index_cast %parallel_loop3A_538 : i32 to index
        %parallel_loop3A_559 = tpu.vector_load %arg9[%parallel_loop3A_556, %parallel_loop3A_557, %parallel_loop3A_558] {strides = array<i32>} : memref<4x8x1024xf32, #tpu.memory_space<vmem>>, vector<1x1x16xf32>,
        %parallel_loop3A_560 = vector.shape_cast %parallel_loop3A_559 : vector<1x1x16xf32> to vector<16xf32>
        %parallel_loop3A_561 = vector.shape_cast %parallel_loop3A_553 : vector<16xf32> to vector<1x1x16xf32>
        tpu.vector_store %arg9[%parallel_loop3A_556, %parallel_loop3A_557, %parallel_loop3A_558], %parallel_loop3A_561 {strides = array<i32>} : memref<4x8x1024xf32, #tpu.memory_space<vmem>>, vector<1x1x16xf32>,
      } {sc.loop_unroll_factor = 8 : i64, sc.parallel_access}
      %parallel_loop3A_424 = arith.constant 0 : i32
      %parallel_loop3A_425 = arith.constant 64 : i32
      %parallel_loop3A_426 = arith.constant 1 : i32
      scf.for %parallel_loop3A_536 = %parallel_loop3A_424 to %parallel_loop3A_425 step %parallel_loop3A_426  : i32 {
        %parallel_loop3A_537 = arith.constant 16 : i32
        %parallel_loop3A_538 = arith.muli %parallel_loop3A_536, %parallel_loop3A_537 : i32
        %parallel_loop3A_539 = arith.constant 2 : i32
        %parallel_loop3A_540 = arith.constant 7 : i32
        %parallel_loop3A_541 = arith.index_cast %parallel_loop3A_539 : i32 to index
        %parallel_loop3A_542 = arith.index_cast %parallel_loop3A_540 : i32 to index
        %parallel_loop3A_543 = arith.index_cast %parallel_loop3A_538 : i32 to index
        %parallel_loop3A_544 = tpu.vector_load %arg7[%parallel_loop3A_541, %parallel_loop3A_542, %parallel_loop3A_543] {strides = array<i32>} : memref<4x8x1024xf32, #tpu.memory_space<vmem>>, vector<1x1x16xf32>,
        %parallel_loop3A_545 = vector.shape_cast %parallel_loop3A_544 : vector<1x1x16xf32> to vector<16xf32>
        %parallel_loop3A_546 = arith.constant 2 : i32
        %parallel_loop3A_547 = arith.constant 7 : i32
        %parallel_loop3A_548 = arith.index_cast %parallel_loop3A_546 : i32 to index
        %parallel_loop3A_549 = arith.index_cast %parallel_loop3A_547 : i32 to index
        %parallel_loop3A_550 = arith.index_cast %parallel_loop3A_538 : i32 to index
        %parallel_loop3A_551 = tpu.vector_load %arg8[%parallel_loop3A_548, %parallel_loop3A_549, %parallel_loop3A_550] {strides = array<i32>} : memref<4x8x1024xf32, #tpu.memory_space<vmem>>, vector<1x1x16xf32>,
        %parallel_loop3A_552 = vector.shape_cast %parallel_loop3A_551 : vector<1x1x16xf32> to vector<16xf32>
        %parallel_loop3A_553 = arith.addf %parallel_loop3A_545, %parallel_loop3A_552 : vector<16xf32>
        %parallel_loop3A_554 = arith.constant 2 : i32
        %parallel_loop3A_555 = arith.constant 7 : i32
        %parallel_loop3A_556 = arith.index_cast %parallel_loop3A_554 : i32 to index
        %parallel_loop3A_557 = arith.index_cast %parallel_loop3A_555 : i32 to index
        %parallel_loop3A_558 = arith.index_cast %parallel_loop3A_538 : i32 to index
        %parallel_loop3A_559 = tpu.vector_load %arg9[%parallel_loop3A_556, %parallel_loop3A_557, %parallel_loop3A_558] {strides = array<i32>} : memref<4x8x1024xf32, #tpu.memory_space<vmem>>, vector<1x1x16xf32>,
        %parallel_loop3A_560 = vector.shape_cast %parallel_loop3A_559 : vector<1x1x16xf32> to vector<16xf32>
        %parallel_loop3A_561 = vector.shape_cast %parallel_loop3A_553 : vector<16xf32> to vector<1x1x16xf32>
        tpu.vector_store %arg9[%parallel_loop3A_556, %parallel_loop3A_557, %parallel_loop3A_558], %parallel_loop3A_561 {strides = array<i32>} : memref<4x8x1024xf32, #tpu.memory_space<vmem>>, vector<1x1x16xf32>,
      } {sc.loop_unroll_factor = 8 : i64, sc.parallel_access}
      %mul3A_427 = arith.constant 8 : i32
      %mul3A_428 = arith.muli %add3A_357, %mul3A_427 : i32
      %add3A_429 = arith.addi %mul3A_2, %mul3A_428 : i32
      %dma_start3A_430 = arith.constant 2 : i32
      %dma_start3A_431 = arith.constant 2 : i32
      %dma_start3A_432 = arith.constant 0 : i32
      %dma_start3A_433 = arith.constant 0 : i32
      %dma_start3A_434 = tpu.memref_slice %arg9[%dma_start3A_430, %dma_start3A_432, %dma_start3A_433] : memref<4x8x1024xf32, #tpu.memory_space<vmem>> -> memref<1x8x1024xf32, #tpu.memory_space<vmem>>
      %dma_start3A_435 = tpu.memref_squeeze %dma_start3A_434 : memref<1x8x1024xf32, #tpu.memory_space<vmem>> -> memref<8x1024xf32, #tpu.memory_space<vmem>>
      %dma_start3A_436 = arith.constant 0 : i32
      %dma_start3A_437 = tpu.memref_slice %arg5[%add3A_429, %dma_start3A_436] : memref<16384x1024xf32, #tpu.memory_space<hbm>> -> memref<8x1024xf32, #tpu.memory_space<hbm>>
      %dma_start3A_438 = tpu.memref_slice %arg12[%dma_start3A_431] : memref<4x!tpu.dma_semaphore, #tpu.memory_space<semaphore_mem>> -> memref<1x!tpu.dma_semaphore, #tpu.memory_space<semaphore_mem>>
      %dma_start3A_439 = tpu.memref_squeeze %dma_start3A_438 : memref<1x!tpu.dma_semaphore, #tpu.memory_space<semaphore_mem>> -> memref<!tpu.dma_semaphore, #tpu.memory_space<semaphore_mem>>
      %dma_start3A_440 = arith.constant 0 : i32
      %dma_start3A_441 = tpu.memref_slice %arg5[%add3A_429, %dma_start3A_440] : memref<16384x1024xf32, #tpu.memory_space<hbm>> -> memref<8x1024xf32, #tpu.memory_space<hbm>>
      %dma_start3A_442 = arith.constant 0 : i32
      %dma_start3A_443 = arith.constant 0 : i32
      %dma_start3A_444 = tpu.memref_slice %arg9[%dma_start3A_430, %dma_start3A_442, %dma_start3A_443] : memref<4x8x1024xf32, #tpu.memory_space<vmem>> -> memref<1x8x1024xf32, #tpu.memory_space<vmem>>
      %dma_start3A_445 = tpu.memref_squeeze %dma_start3A_444 : memref<1x8x1024xf32, #tpu.memory_space<vmem>> -> memref<8x1024xf32, #tpu.memory_space<vmem>>
      tpu.enqueue_dma source(%dma_start3A_445 : memref<8x1024xf32, #tpu.memory_space<vmem>>) target(%dma_start3A_441 : memref<8x1024xf32, #tpu.memory_space<hbm>>) target_semaphore(%dma_start3A_439 : memref<!tpu.dma_semaphore, #tpu.memory_space<semaphore_mem>>)
      %add3A_446 = arith.constant 3 : i32
      %add3A_447 = arith.addi %add3A_180, %add3A_446 : i32
      %add3A_448 = arith.constant 3 : i32
      %add3A_449 = arith.addi %add3A_447, %add3A_448 : i32
      %lt3A_450 = arith.constant 64 : i32
      %lt3A_451 = arith.cmpi slt, %add3A_449, %lt3A_450 : i32
      %convert_element_type3A_452 = arith.extui %lt3A_451 : i1 to i32
      %cond3A_453 = arith.constant 0 : i32
      %cond3A_454 = arith.cmpi ne, %convert_element_type3A_452, %cond3A_453 : i32
      scf.if %cond3A_454 {
        %add3A_536 = arith.constant 3 : i32
        %add3A_537 = arith.addi %add3A_447, %add3A_536 : i32
        %dma_start3A_538 = arith.constant 2 : i32
        %dma_start3A_539 = arith.constant 2 : i32
        %dma_start3A_540 = arith.constant 0 : i32
        %dma_start3A_541 = arith.constant 0 : i32
        %dma_start3A_542 = tpu.memref_slice %arg7[%dma_start3A_538, %dma_start3A_540, %dma_start3A_541] : memref<4x8x1024xf32, #tpu.memory_space<vmem>> -> memref<1x8x1024xf32, #tpu.memory_space<vmem>>
        %dma_start3A_543 = tpu.memref_squeeze %dma_start3A_542 : memref<1x8x1024xf32, #tpu.memory_space<vmem>> -> memref<8x1024xf32, #tpu.memory_space<vmem>>
        %dma_start3A_544 = arith.constant 0 : i32
        %dma_start3A_545 = tpu.memref_slice %arg6[%add3A_537, %dma_start3A_544] : memref<64x8xi32, #tpu.memory_space<vmem>> -> memref<1x8xi32, #tpu.memory_space<vmem>>
        %dma_start3A_546 = tpu.memref_squeeze %dma_start3A_545 : memref<1x8xi32, #tpu.memory_space<vmem>> -> memref<8xi32, #tpu.memory_space<vmem>>
        %dma_start3A_547 = arith.constant 0 : i32
        %dma_start3A_548 = arith.constant 0 : i32
        %dma_start3A_549 = tpu.memref_slice %arg4[%dma_start3A_547, %dma_start3A_548] : memref<4096x1024xf32, #tpu.memory_space<hbm>> -> memref<4096x1024xf32, #tpu.memory_space<hbm>>
        %dma_start3A_550 = tpu.memref_slice %arg10[%dma_start3A_539] : memref<4x!tpu.dma_semaphore, #tpu.memory_space<semaphore_mem>> -> memref<1x!tpu.dma_semaphore, #tpu.memory_space<semaphore_mem>>
        %dma_start3A_551 = tpu.memref_squeeze %dma_start3A_550 : memref<1x!tpu.dma_semaphore, #tpu.memory_space<semaphore_mem>> -> memref<!tpu.dma_semaphore, #tpu.memory_space<semaphore_mem>>
        tpu.enqueue_indirect_dma source(%dma_start3A_549 : memref<4096x1024xf32, #tpu.memory_space<hbm>>) target(%dma_start3A_543 : memref<8x1024xf32, #tpu.memory_space<vmem>>) offsets(%dma_start3A_546 : memref<8xi32, #tpu.memory_space<vmem>>) semaphore(%dma_start3A_551 : memref<!tpu.dma_semaphore, #tpu.memory_space<semaphore_mem>>)
        %mul3A_552 = arith.constant 8 : i32
        %mul3A_553 = arith.muli %add3A_537, %mul3A_552 : i32
        %add3A_554 = arith.addi %mul3A_2, %mul3A_553 : i32
        %dma_start3A_555 = arith.constant 2 : i32
        %dma_start3A_556 = arith.constant 2 : i32
        %dma_start3A_557 = arith.constant 0 : i32
        %dma_start3A_558 = arith.constant 0 : i32
        %dma_start3A_559 = tpu.memref_slice %arg8[%dma_start3A_555, %dma_start3A_557, %dma_start3A_558] : memref<4x8x1024xf32, #tpu.memory_space<vmem>> -> memref<1x8x1024xf32, #tpu.memory_space<vmem>>
        %dma_start3A_560 = tpu.memref_squeeze %dma_start3A_559 : memref<1x8x1024xf32, #tpu.memory_space<vmem>> -> memref<8x1024xf32, #tpu.memory_space<vmem>>
        %dma_start3A_561 = arith.constant 0 : i32
        %dma_start3A_562 = tpu.memref_slice %arg2[%add3A_554, %dma_start3A_561] : memref<16384x1024xf32, #tpu.memory_space<hbm>> -> memref<8x1024xf32, #tpu.memory_space<hbm>>
        %dma_start3A_563 = tpu.memref_slice %arg11[%dma_start3A_556] : memref<4x!tpu.dma_semaphore, #tpu.memory_space<semaphore_mem>> -> memref<1x!tpu.dma_semaphore, #tpu.memory_space<semaphore_mem>>
        %dma_start3A_564 = tpu.memref_squeeze %dma_start3A_563 : memref<1x!tpu.dma_semaphore, #tpu.memory_space<semaphore_mem>> -> memref<!tpu.dma_semaphore, #tpu.memory_space<semaphore_mem>>
        %dma_start3A_565 = arith.constant 0 : i32
        %dma_start3A_566 = arith.constant 0 : i32
        %dma_start3A_567 = tpu.memref_slice %arg8[%dma_start3A_555, %dma_start3A_565, %dma_start3A_566] : memref<4x8x1024xf32, #tpu.memory_space<vmem>> -> memref<1x8x1024xf32, #tpu.memory_space<vmem>>
        %dma_start3A_568 = tpu.memref_squeeze %dma_start3A_567 : memref<1x8x1024xf32, #tpu.memory_space<vmem>> -> memref<8x1024xf32, #tpu.memory_space<vmem>>
        %dma_start3A_569 = arith.constant 0 : i32
        %dma_start3A_570 = tpu.memref_slice %arg2[%add3A_554, %dma_start3A_569] : memref<16384x1024xf32, #tpu.memory_space<hbm>> -> memref<8x1024xf32, #tpu.memory_space<hbm>>
        tpu.enqueue_dma source(%dma_start3A_570 : memref<8x1024xf32, #tpu.memory_space<hbm>>) target(%dma_start3A_568 : memref<8x1024xf32, #tpu.memory_space<vmem>>) target_semaphore(%dma_start3A_564 : memref<!tpu.dma_semaphore, #tpu.memory_space<semaphore_mem>>)
      } else {
      }
      %dma_wait3A_455 = arith.constant 3 : i32
      %dma_wait3A_456 = arith.constant 3 : i32
      %dma_wait3A_457 = arith.constant 0 : i32
      %dma_wait3A_458 = arith.constant 0 : i32
      %dma_wait3A_459 = tpu.memref_slice %arg7[%dma_wait3A_455, %dma_wait3A_457, %dma_wait3A_458] : memref<4x8x1024xf32, #tpu.memory_space<vmem>> -> memref<1x8x1024xf32, #tpu.memory_space<vmem>>
      %dma_wait3A_460 = tpu.memref_squeeze %dma_wait3A_459 : memref<1x8x1024xf32, #tpu.memory_space<vmem>> -> memref<8x1024xf32, #tpu.memory_space<vmem>>
      %dma_wait3A_461 = arith.constant 0 : i32
      %dma_wait3A_462 = tpu.memref_slice %arg6[%add3A_447, %dma_wait3A_461] : memref<64x8xi32, #tpu.memory_space<vmem>> -> memref<1x8xi32, #tpu.memory_space<vmem>>
      %dma_wait3A_463 = tpu.memref_squeeze %dma_wait3A_462 : memref<1x8xi32, #tpu.memory_space<vmem>> -> memref<8xi32, #tpu.memory_space<vmem>>
      %dma_wait3A_464 = arith.constant 0 : i32
      %dma_wait3A_465 = arith.constant 0 : i32
      %dma_wait3A_466 = tpu.memref_slice %arg4[%dma_wait3A_464, %dma_wait3A_465] : memref<4096x1024xf32, #tpu.memory_space<hbm>> -> memref<4096x1024xf32, #tpu.memory_space<hbm>>
      %dma_wait3A_467 = tpu.memref_slice %arg10[%dma_wait3A_456] : memref<4x!tpu.dma_semaphore, #tpu.memory_space<semaphore_mem>> -> memref<1x!tpu.dma_semaphore, #tpu.memory_space<semaphore_mem>>
      %dma_wait3A_468 = tpu.memref_squeeze %dma_wait3A_467 : memref<1x!tpu.dma_semaphore, #tpu.memory_space<semaphore_mem>> -> memref<!tpu.dma_semaphore, #tpu.memory_space<semaphore_mem>>
      tpu.wait_indirect_dma semaphore(%dma_wait3A_468 : memref<!tpu.dma_semaphore, #tpu.memory_space<semaphore_mem>>) src(%dma_wait3A_466 : memref<4096x1024xf32, #tpu.memory_space<hbm>>) dst(%dma_wait3A_460 : memref<8x1024xf32, #tpu.memory_space<vmem>>)
      %mul3A_469 = arith.constant 8 : i32
      %mul3A_470 = arith.muli %add3A_447, %mul3A_469 : i32
      %add3A_471 = arith.addi %mul3A_2, %mul3A_470 : i32
      %dma_wait3A_472 = arith.constant 3 : i32
      %dma_wait3A_473 = arith.constant 3 : i32
      %dma_wait3A_474 = arith.constant 0 : i32
      %dma_wait3A_475 = arith.constant 0 : i32
      %dma_wait3A_476 = tpu.memref_slice %arg8[%dma_wait3A_472, %dma_wait3A_474, %dma_wait3A_475] : memref<4x8x1024xf32, #tpu.memory_space<vmem>> -> memref<1x8x1024xf32, #tpu.memory_space<vmem>>
      %dma_wait3A_477 = tpu.memref_squeeze %dma_wait3A_476 : memref<1x8x1024xf32, #tpu.memory_space<vmem>> -> memref<8x1024xf32, #tpu.memory_space<vmem>>
      %dma_wait3A_478 = arith.constant 0 : i32
      %dma_wait3A_479 = tpu.memref_slice %arg2[%add3A_471, %dma_wait3A_478] : memref<16384x1024xf32, #tpu.memory_space<hbm>> -> memref<8x1024xf32, #tpu.memory_space<hbm>>
      %dma_wait3A_480 = tpu.memref_slice %arg11[%dma_wait3A_473] : memref<4x!tpu.dma_semaphore, #tpu.memory_space<semaphore_mem>> -> memref<1x!tpu.dma_semaphore, #tpu.memory_space<semaphore_mem>>
      %dma_wait3A_481 = tpu.memref_squeeze %dma_wait3A_480 : memref<1x!tpu.dma_semaphore, #tpu.memory_space<semaphore_mem>> -> memref<!tpu.dma_semaphore, #tpu.memory_space<semaphore_mem>>
      %dma_wait3A_482 = arith.constant 0 : i32
      %dma_wait3A_483 = arith.constant 0 : i32
      %dma_wait3A_484 = tpu.memref_slice %arg8[%dma_wait3A_472, %dma_wait3A_482, %dma_wait3A_483] : memref<4x8x1024xf32, #tpu.memory_space<vmem>> -> memref<1x8x1024xf32, #tpu.memory_space<vmem>>
      %dma_wait3A_485 = tpu.memref_squeeze %dma_wait3A_484 : memref<1x8x1024xf32, #tpu.memory_space<vmem>> -> memref<8x1024xf32, #tpu.memory_space<vmem>>
      %dma_wait3A_486 = arith.constant 0 : i32
      %dma_wait3A_487 = tpu.memref_slice %arg2[%add3A_471, %dma_wait3A_486] : memref<16384x1024xf32, #tpu.memory_space<hbm>> -> memref<8x1024xf32, #tpu.memory_space<hbm>>
      tpu.wait_dma2 semaphore(%dma_wait3A_481 : memref<!tpu.dma_semaphore, #tpu.memory_space<semaphore_mem>>) src(%dma_wait3A_487 : memref<8x1024xf32, #tpu.memory_space<hbm>>) dst(%dma_wait3A_485 : memref<8x1024xf32, #tpu.memory_space<vmem>>)
      %ge3A_488 = arith.constant 4 : i32
      %ge3A_489 = arith.cmpi sge, %add3A_447, %ge3A_488 : i32
      %convert_element_type3A_490 = arith.extui %ge3A_489 : i1 to i32
      %cond3A_491 = arith.constant 0 : i32
      %cond3A_492 = arith.cmpi ne, %convert_element_type3A_490, %cond3A_491 : i32
      scf.if %cond3A_492 {
        %sub3A = arith.constant 4 : i32
        %sub3A_536 = arith.subi %add3A_447, %sub3A : i32
        %mul3A_537 = arith.constant 8 : i32
        %mul3A_538 = arith.muli %sub3A_536, %mul3A_537 : i32
        %add3A_539 = arith.addi %mul3A_2, %mul3A_538 : i32
        %dma_wait3A_540 = arith.constant 3 : i32
        %dma_wait3A_541 = arith.constant 3 : i32
        %dma_wait3A_542 = arith.constant 0 : i32
        %dma_wait3A_543 = arith.constant 0 : i32
        %dma_wait3A_544 = tpu.memref_slice %arg9[%dma_wait3A_540, %dma_wait3A_542, %dma_wait3A_543] : memref<4x8x1024xf32, #tpu.memory_space<vmem>> -> memref<1x8x1024xf32, #tpu.memory_space<vmem>>
        %dma_wait3A_545 = tpu.memref_squeeze %dma_wait3A_544 : memref<1x8x1024xf32, #tpu.memory_space<vmem>> -> memref<8x1024xf32, #tpu.memory_space<vmem>>
        %dma_wait3A_546 = arith.constant 0 : i32
        %dma_wait3A_547 = tpu.memref_slice %arg5[%add3A_539, %dma_wait3A_546] : memref<16384x1024xf32, #tpu.memory_space<hbm>> -> memref<8x1024xf32, #tpu.memory_space<hbm>>
        %dma_wait3A_548 = tpu.memref_slice %arg12[%dma_wait3A_541] : memref<4x!tpu.dma_semaphore, #tpu.memory_space<semaphore_mem>> -> memref<1x!tpu.dma_semaphore, #tpu.memory_space<semaphore_mem>>
        %dma_wait3A_549 = tpu.memref_squeeze %dma_wait3A_548 : memref<1x!tpu.dma_semaphore, #tpu.memory_space<semaphore_mem>> -> memref<!tpu.dma_semaphore, #tpu.memory_space<semaphore_mem>>
        %dma_wait3A_550 = arith.constant 0 : i32
        %dma_wait3A_551 = tpu.memref_slice %arg5[%add3A_539, %dma_wait3A_550] : memref<16384x1024xf32, #tpu.memory_space<hbm>> -> memref<8x1024xf32, #tpu.memory_space<hbm>>
        %dma_wait3A_552 = arith.constant 0 : i32
        %dma_wait3A_553 = arith.constant 0 : i32
        %dma_wait3A_554 = tpu.memref_slice %arg9[%dma_wait3A_540, %dma_wait3A_552, %dma_wait3A_553] : memref<4x8x1024xf32, #tpu.memory_space<vmem>> -> memref<1x8x1024xf32, #tpu.memory_space<vmem>>
        %dma_wait3A_555 = tpu.memref_squeeze %dma_wait3A_554 : memref<1x8x1024xf32, #tpu.memory_space<vmem>> -> memref<8x1024xf32, #tpu.memory_space<vmem>>
        tpu.wait_dma2 semaphore(%dma_wait3A_549 : memref<!tpu.dma_semaphore, #tpu.memory_space<semaphore_mem>>) src(%dma_wait3A_555 : memref<8x1024xf32, #tpu.memory_space<vmem>>) dst(%dma_wait3A_551 : memref<8x1024xf32, #tpu.memory_space<hbm>>)
      } else {
      }
      %parallel_loop3A_493 = arith.constant 0 : i32
      %parallel_loop3A_494 = arith.constant 64 : i32
      %parallel_loop3A_495 = arith.constant 1 : i32
      scf.for %parallel_loop3A_536 = %parallel_loop3A_493 to %parallel_loop3A_494 step %parallel_loop3A_495  : i32 {
        %parallel_loop3A_537 = arith.constant 16 : i32
        %parallel_loop3A_538 = arith.muli %parallel_loop3A_536, %parallel_loop3A_537 : i32
        %parallel_loop3A_539 = arith.constant 3 : i32
        %parallel_loop3A_540 = arith.constant 0 : i32
        %parallel_loop3A_541 = arith.index_cast %parallel_loop3A_539 : i32 to index
        %parallel_loop3A_542 = arith.index_cast %parallel_loop3A_540 : i32 to index
        %parallel_loop3A_543 = arith.index_cast %parallel_loop3A_538 : i32 to index
        %parallel_loop3A_544 = tpu.vector_load %arg7[%parallel_loop3A_541, %parallel_loop3A_542, %parallel_loop3A_543] {strides = array<i32>} : memref<4x8x1024xf32, #tpu.memory_space<vmem>>, vector<1x1x16xf32>,
        %parallel_loop3A_545 = vector.shape_cast %parallel_loop3A_544 : vector<1x1x16xf32> to vector<16xf32>
        %parallel_loop3A_546 = arith.constant 3 : i32
        %parallel_loop3A_547 = arith.constant 0 : i32
        %parallel_loop3A_548 = arith.index_cast %parallel_loop3A_546 : i32 to index
        %parallel_loop3A_549 = arith.index_cast %parallel_loop3A_547 : i32 to index
        %parallel_loop3A_550 = arith.index_cast %parallel_loop3A_538 : i32 to index
        %parallel_loop3A_551 = tpu.vector_load %arg8[%parallel_loop3A_548, %parallel_loop3A_549, %parallel_loop3A_550] {strides = array<i32>} : memref<4x8x1024xf32, #tpu.memory_space<vmem>>, vector<1x1x16xf32>,
        %parallel_loop3A_552 = vector.shape_cast %parallel_loop3A_551 : vector<1x1x16xf32> to vector<16xf32>
        %parallel_loop3A_553 = arith.addf %parallel_loop3A_545, %parallel_loop3A_552 : vector<16xf32>
        %parallel_loop3A_554 = arith.constant 3 : i32
        %parallel_loop3A_555 = arith.constant 0 : i32
        %parallel_loop3A_556 = arith.index_cast %parallel_loop3A_554 : i32 to index
        %parallel_loop3A_557 = arith.index_cast %parallel_loop3A_555 : i32 to index
        %parallel_loop3A_558 = arith.index_cast %parallel_loop3A_538 : i32 to index
        %parallel_loop3A_559 = tpu.vector_load %arg9[%parallel_loop3A_556, %parallel_loop3A_557, %parallel_loop3A_558] {strides = array<i32>} : memref<4x8x1024xf32, #tpu.memory_space<vmem>>, vector<1x1x16xf32>,
        %parallel_loop3A_560 = vector.shape_cast %parallel_loop3A_559 : vector<1x1x16xf32> to vector<16xf32>
        %parallel_loop3A_561 = vector.shape_cast %parallel_loop3A_553 : vector<16xf32> to vector<1x1x16xf32>
        tpu.vector_store %arg9[%parallel_loop3A_556, %parallel_loop3A_557, %parallel_loop3A_558], %parallel_loop3A_561 {strides = array<i32>} : memref<4x8x1024xf32, #tpu.memory_space<vmem>>, vector<1x1x16xf32>,
      } {sc.loop_unroll_factor = 8 : i64, sc.parallel_access}
      %parallel_loop3A_496 = arith.constant 0 : i32
      %parallel_loop3A_497 = arith.constant 64 : i32
      %parallel_loop3A_498 = arith.constant 1 : i32
      scf.for %parallel_loop3A_536 = %parallel_loop3A_496 to %parallel_loop3A_497 step %parallel_loop3A_498  : i32 {
        %parallel_loop3A_537 = arith.constant 16 : i32
        %parallel_loop3A_538 = arith.muli %parallel_loop3A_536, %parallel_loop3A_537 : i32
        %parallel_loop3A_539 = arith.constant 3 : i32
        %parallel_loop3A_540 = arith.constant 1 : i32
        %parallel_loop3A_541 = arith.index_cast %parallel_loop3A_539 : i32 to index
        %parallel_loop3A_542 = arith.index_cast %parallel_loop3A_540 : i32 to index
        %parallel_loop3A_543 = arith.index_cast %parallel_loop3A_538 : i32 to index
        %parallel_loop3A_544 = tpu.vector_load %arg7[%parallel_loop3A_541, %parallel_loop3A_542, %parallel_loop3A_543] {strides = array<i32>} : memref<4x8x1024xf32, #tpu.memory_space<vmem>>, vector<1x1x16xf32>,
        %parallel_loop3A_545 = vector.shape_cast %parallel_loop3A_544 : vector<1x1x16xf32> to vector<16xf32>
        %parallel_loop3A_546 = arith.constant 3 : i32
        %parallel_loop3A_547 = arith.constant 1 : i32
        %parallel_loop3A_548 = arith.index_cast %parallel_loop3A_546 : i32 to index
        %parallel_loop3A_549 = arith.index_cast %parallel_loop3A_547 : i32 to index
        %parallel_loop3A_550 = arith.index_cast %parallel_loop3A_538 : i32 to index
        %parallel_loop3A_551 = tpu.vector_load %arg8[%parallel_loop3A_548, %parallel_loop3A_549, %parallel_loop3A_550] {strides = array<i32>} : memref<4x8x1024xf32, #tpu.memory_space<vmem>>, vector<1x1x16xf32>,
        %parallel_loop3A_552 = vector.shape_cast %parallel_loop3A_551 : vector<1x1x16xf32> to vector<16xf32>
        %parallel_loop3A_553 = arith.addf %parallel_loop3A_545, %parallel_loop3A_552 : vector<16xf32>
        %parallel_loop3A_554 = arith.constant 3 : i32
        %parallel_loop3A_555 = arith.constant 1 : i32
        %parallel_loop3A_556 = arith.index_cast %parallel_loop3A_554 : i32 to index
        %parallel_loop3A_557 = arith.index_cast %parallel_loop3A_555 : i32 to index
        %parallel_loop3A_558 = arith.index_cast %parallel_loop3A_538 : i32 to index
        %parallel_loop3A_559 = tpu.vector_load %arg9[%parallel_loop3A_556, %parallel_loop3A_557, %parallel_loop3A_558] {strides = array<i32>} : memref<4x8x1024xf32, #tpu.memory_space<vmem>>, vector<1x1x16xf32>,
        %parallel_loop3A_560 = vector.shape_cast %parallel_loop3A_559 : vector<1x1x16xf32> to vector<16xf32>
        %parallel_loop3A_561 = vector.shape_cast %parallel_loop3A_553 : vector<16xf32> to vector<1x1x16xf32>
        tpu.vector_store %arg9[%parallel_loop3A_556, %parallel_loop3A_557, %parallel_loop3A_558], %parallel_loop3A_561 {strides = array<i32>} : memref<4x8x1024xf32, #tpu.memory_space<vmem>>, vector<1x1x16xf32>,
      } {sc.loop_unroll_factor = 8 : i64, sc.parallel_access}
      %parallel_loop3A_499 = arith.constant 0 : i32
      %parallel_loop3A_500 = arith.constant 64 : i32
      %parallel_loop3A_501 = arith.constant 1 : i32
      scf.for %parallel_loop3A_536 = %parallel_loop3A_499 to %parallel_loop3A_500 step %parallel_loop3A_501  : i32 {
        %parallel_loop3A_537 = arith.constant 16 : i32
        %parallel_loop3A_538 = arith.muli %parallel_loop3A_536, %parallel_loop3A_537 : i32
        %parallel_loop3A_539 = arith.constant 3 : i32
        %parallel_loop3A_540 = arith.constant 2 : i32
        %parallel_loop3A_541 = arith.index_cast %parallel_loop3A_539 : i32 to index
        %parallel_loop3A_542 = arith.index_cast %parallel_loop3A_540 : i32 to index
        %parallel_loop3A_543 = arith.index_cast %parallel_loop3A_538 : i32 to index
        %parallel_loop3A_544 = tpu.vector_load %arg7[%parallel_loop3A_541, %parallel_loop3A_542, %parallel_loop3A_543] {strides = array<i32>} : memref<4x8x1024xf32, #tpu.memory_space<vmem>>, vector<1x1x16xf32>,
        %parallel_loop3A_545 = vector.shape_cast %parallel_loop3A_544 : vector<1x1x16xf32> to vector<16xf32>
        %parallel_loop3A_546 = arith.constant 3 : i32
        %parallel_loop3A_547 = arith.constant 2 : i32
        %parallel_loop3A_548 = arith.index_cast %parallel_loop3A_546 : i32 to index
        %parallel_loop3A_549 = arith.index_cast %parallel_loop3A_547 : i32 to index
        %parallel_loop3A_550 = arith.index_cast %parallel_loop3A_538 : i32 to index
        %parallel_loop3A_551 = tpu.vector_load %arg8[%parallel_loop3A_548, %parallel_loop3A_549, %parallel_loop3A_550] {strides = array<i32>} : memref<4x8x1024xf32, #tpu.memory_space<vmem>>, vector<1x1x16xf32>,
        %parallel_loop3A_552 = vector.shape_cast %parallel_loop3A_551 : vector<1x1x16xf32> to vector<16xf32>
        %parallel_loop3A_553 = arith.addf %parallel_loop3A_545, %parallel_loop3A_552 : vector<16xf32>
        %parallel_loop3A_554 = arith.constant 3 : i32
        %parallel_loop3A_555 = arith.constant 2 : i32
        %parallel_loop3A_556 = arith.index_cast %parallel_loop3A_554 : i32 to index
        %parallel_loop3A_557 = arith.index_cast %parallel_loop3A_555 : i32 to index
        %parallel_loop3A_558 = arith.index_cast %parallel_loop3A_538 : i32 to index
        %parallel_loop3A_559 = tpu.vector_load %arg9[%parallel_loop3A_556, %parallel_loop3A_557, %parallel_loop3A_558] {strides = array<i32>} : memref<4x8x1024xf32, #tpu.memory_space<vmem>>, vector<1x1x16xf32>,
        %parallel_loop3A_560 = vector.shape_cast %parallel_loop3A_559 : vector<1x1x16xf32> to vector<16xf32>
        %parallel_loop3A_561 = vector.shape_cast %parallel_loop3A_553 : vector<16xf32> to vector<1x1x16xf32>
        tpu.vector_store %arg9[%parallel_loop3A_556, %parallel_loop3A_557, %parallel_loop3A_558], %parallel_loop3A_561 {strides = array<i32>} : memref<4x8x1024xf32, #tpu.memory_space<vmem>>, vector<1x1x16xf32>,
      } {sc.loop_unroll_factor = 8 : i64, sc.parallel_access}
      %parallel_loop3A_502 = arith.constant 0 : i32
      %parallel_loop3A_503 = arith.constant 64 : i32
      %parallel_loop3A_504 = arith.constant 1 : i32
      scf.for %parallel_loop3A_536 = %parallel_loop3A_502 to %parallel_loop3A_503 step %parallel_loop3A_504  : i32 {
        %parallel_loop3A_537 = arith.constant 16 : i32
        %parallel_loop3A_538 = arith.muli %parallel_loop3A_536, %parallel_loop3A_537 : i32
        %parallel_loop3A_539 = arith.constant 3 : i32
        %parallel_loop3A_540 = arith.constant 3 : i32
        %parallel_loop3A_541 = arith.index_cast %parallel_loop3A_539 : i32 to index
        %parallel_loop3A_542 = arith.index_cast %parallel_loop3A_540 : i32 to index
        %parallel_loop3A_543 = arith.index_cast %parallel_loop3A_538 : i32 to index
        %parallel_loop3A_544 = tpu.vector_load %arg7[%parallel_loop3A_541, %parallel_loop3A_542, %parallel_loop3A_543] {strides = array<i32>} : memref<4x8x1024xf32, #tpu.memory_space<vmem>>, vector<1x1x16xf32>,
        %parallel_loop3A_545 = vector.shape_cast %parallel_loop3A_544 : vector<1x1x16xf32> to vector<16xf32>
        %parallel_loop3A_546 = arith.constant 3 : i32
        %parallel_loop3A_547 = arith.constant 3 : i32
        %parallel_loop3A_548 = arith.index_cast %parallel_loop3A_546 : i32 to index
        %parallel_loop3A_549 = arith.index_cast %parallel_loop3A_547 : i32 to index
        %parallel_loop3A_550 = arith.index_cast %parallel_loop3A_538 : i32 to index
        %parallel_loop3A_551 = tpu.vector_load %arg8[%parallel_loop3A_548, %parallel_loop3A_549, %parallel_loop3A_550] {strides = array<i32>} : memref<4x8x1024xf32, #tpu.memory_space<vmem>>, vector<1x1x16xf32>,
        %parallel_loop3A_552 = vector.shape_cast %parallel_loop3A_551 : vector<1x1x16xf32> to vector<16xf32>
        %parallel_loop3A_553 = arith.addf %parallel_loop3A_545, %parallel_loop3A_552 : vector<16xf32>
        %parallel_loop3A_554 = arith.constant 3 : i32
        %parallel_loop3A_555 = arith.constant 3 : i32
        %parallel_loop3A_556 = arith.index_cast %parallel_loop3A_554 : i32 to index
        %parallel_loop3A_557 = arith.index_cast %parallel_loop3A_555 : i32 to index
        %parallel_loop3A_558 = arith.index_cast %parallel_loop3A_538 : i32 to index
        %parallel_loop3A_559 = tpu.vector_load %arg9[%parallel_loop3A_556, %parallel_loop3A_557, %parallel_loop3A_558] {strides = array<i32>} : memref<4x8x1024xf32, #tpu.memory_space<vmem>>, vector<1x1x16xf32>,
        %parallel_loop3A_560 = vector.shape_cast %parallel_loop3A_559 : vector<1x1x16xf32> to vector<16xf32>
        %parallel_loop3A_561 = vector.shape_cast %parallel_loop3A_553 : vector<16xf32> to vector<1x1x16xf32>
        tpu.vector_store %arg9[%parallel_loop3A_556, %parallel_loop3A_557, %parallel_loop3A_558], %parallel_loop3A_561 {strides = array<i32>} : memref<4x8x1024xf32, #tpu.memory_space<vmem>>, vector<1x1x16xf32>,
      } {sc.loop_unroll_factor = 8 : i64, sc.parallel_access}
      %parallel_loop3A_505 = arith.constant 0 : i32
      %parallel_loop3A_506 = arith.constant 64 : i32
      %parallel_loop3A_507 = arith.constant 1 : i32
      scf.for %parallel_loop3A_536 = %parallel_loop3A_505 to %parallel_loop3A_506 step %parallel_loop3A_507  : i32 {
        %parallel_loop3A_537 = arith.constant 16 : i32
        %parallel_loop3A_538 = arith.muli %parallel_loop3A_536, %parallel_loop3A_537 : i32
        %parallel_loop3A_539 = arith.constant 3 : i32
        %parallel_loop3A_540 = arith.constant 4 : i32
        %parallel_loop3A_541 = arith.index_cast %parallel_loop3A_539 : i32 to index
        %parallel_loop3A_542 = arith.index_cast %parallel_loop3A_540 : i32 to index
        %parallel_loop3A_543 = arith.index_cast %parallel_loop3A_538 : i32 to index
        %parallel_loop3A_544 = tpu.vector_load %arg7[%parallel_loop3A_541, %parallel_loop3A_542, %parallel_loop3A_543] {strides = array<i32>} : memref<4x8x1024xf32, #tpu.memory_space<vmem>>, vector<1x1x16xf32>,
        %parallel_loop3A_545 = vector.shape_cast %parallel_loop3A_544 : vector<1x1x16xf32> to vector<16xf32>
        %parallel_loop3A_546 = arith.constant 3 : i32
        %parallel_loop3A_547 = arith.constant 4 : i32
        %parallel_loop3A_548 = arith.index_cast %parallel_loop3A_546 : i32 to index
        %parallel_loop3A_549 = arith.index_cast %parallel_loop3A_547 : i32 to index
        %parallel_loop3A_550 = arith.index_cast %parallel_loop3A_538 : i32 to index
        %parallel_loop3A_551 = tpu.vector_load %arg8[%parallel_loop3A_548, %parallel_loop3A_549, %parallel_loop3A_550] {strides = array<i32>} : memref<4x8x1024xf32, #tpu.memory_space<vmem>>, vector<1x1x16xf32>,
        %parallel_loop3A_552 = vector.shape_cast %parallel_loop3A_551 : vector<1x1x16xf32> to vector<16xf32>
        %parallel_loop3A_553 = arith.addf %parallel_loop3A_545, %parallel_loop3A_552 : vector<16xf32>
        %parallel_loop3A_554 = arith.constant 3 : i32
        %parallel_loop3A_555 = arith.constant 4 : i32
        %parallel_loop3A_556 = arith.index_cast %parallel_loop3A_554 : i32 to index
        %parallel_loop3A_557 = arith.index_cast %parallel_loop3A_555 : i32 to index
        %parallel_loop3A_558 = arith.index_cast %parallel_loop3A_538 : i32 to index
        %parallel_loop3A_559 = tpu.vector_load %arg9[%parallel_loop3A_556, %parallel_loop3A_557, %parallel_loop3A_558] {strides = array<i32>} : memref<4x8x1024xf32, #tpu.memory_space<vmem>>, vector<1x1x16xf32>,
        %parallel_loop3A_560 = vector.shape_cast %parallel_loop3A_559 : vector<1x1x16xf32> to vector<16xf32>
        %parallel_loop3A_561 = vector.shape_cast %parallel_loop3A_553 : vector<16xf32> to vector<1x1x16xf32>
        tpu.vector_store %arg9[%parallel_loop3A_556, %parallel_loop3A_557, %parallel_loop3A_558], %parallel_loop3A_561 {strides = array<i32>} : memref<4x8x1024xf32, #tpu.memory_space<vmem>>, vector<1x1x16xf32>,
      } {sc.loop_unroll_factor = 8 : i64, sc.parallel_access}
      %parallel_loop3A_508 = arith.constant 0 : i32
      %parallel_loop3A_509 = arith.constant 64 : i32
      %parallel_loop3A_510 = arith.constant 1 : i32
      scf.for %parallel_loop3A_536 = %parallel_loop3A_508 to %parallel_loop3A_509 step %parallel_loop3A_510  : i32 {
        %parallel_loop3A_537 = arith.constant 16 : i32
        %parallel_loop3A_538 = arith.muli %parallel_loop3A_536, %parallel_loop3A_537 : i32
        %parallel_loop3A_539 = arith.constant 3 : i32
        %parallel_loop3A_540 = arith.constant 5 : i32
        %parallel_loop3A_541 = arith.index_cast %parallel_loop3A_539 : i32 to index
        %parallel_loop3A_542 = arith.index_cast %parallel_loop3A_540 : i32 to index
        %parallel_loop3A_543 = arith.index_cast %parallel_loop3A_538 : i32 to index
        %parallel_loop3A_544 = tpu.vector_load %arg7[%parallel_loop3A_541, %parallel_loop3A_542, %parallel_loop3A_543] {strides = array<i32>} : memref<4x8x1024xf32, #tpu.memory_space<vmem>>, vector<1x1x16xf32>,
        %parallel_loop3A_545 = vector.shape_cast %parallel_loop3A_544 : vector<1x1x16xf32> to vector<16xf32>
        %parallel_loop3A_546 = arith.constant 3 : i32
        %parallel_loop3A_547 = arith.constant 5 : i32
        %parallel_loop3A_548 = arith.index_cast %parallel_loop3A_546 : i32 to index
        %parallel_loop3A_549 = arith.index_cast %parallel_loop3A_547 : i32 to index
        %parallel_loop3A_550 = arith.index_cast %parallel_loop3A_538 : i32 to index
        %parallel_loop3A_551 = tpu.vector_load %arg8[%parallel_loop3A_548, %parallel_loop3A_549, %parallel_loop3A_550] {strides = array<i32>} : memref<4x8x1024xf32, #tpu.memory_space<vmem>>, vector<1x1x16xf32>,
        %parallel_loop3A_552 = vector.shape_cast %parallel_loop3A_551 : vector<1x1x16xf32> to vector<16xf32>
        %parallel_loop3A_553 = arith.addf %parallel_loop3A_545, %parallel_loop3A_552 : vector<16xf32>
        %parallel_loop3A_554 = arith.constant 3 : i32
        %parallel_loop3A_555 = arith.constant 5 : i32
        %parallel_loop3A_556 = arith.index_cast %parallel_loop3A_554 : i32 to index
        %parallel_loop3A_557 = arith.index_cast %parallel_loop3A_555 : i32 to index
        %parallel_loop3A_558 = arith.index_cast %parallel_loop3A_538 : i32 to index
        %parallel_loop3A_559 = tpu.vector_load %arg9[%parallel_loop3A_556, %parallel_loop3A_557, %parallel_loop3A_558] {strides = array<i32>} : memref<4x8x1024xf32, #tpu.memory_space<vmem>>, vector<1x1x16xf32>,
        %parallel_loop3A_560 = vector.shape_cast %parallel_loop3A_559 : vector<1x1x16xf32> to vector<16xf32>
        %parallel_loop3A_561 = vector.shape_cast %parallel_loop3A_553 : vector<16xf32> to vector<1x1x16xf32>
        tpu.vector_store %arg9[%parallel_loop3A_556, %parallel_loop3A_557, %parallel_loop3A_558], %parallel_loop3A_561 {strides = array<i32>} : memref<4x8x1024xf32, #tpu.memory_space<vmem>>, vector<1x1x16xf32>,
      } {sc.loop_unroll_factor = 8 : i64, sc.parallel_access}
      %parallel_loop3A_511 = arith.constant 0 : i32
      %parallel_loop3A_512 = arith.constant 64 : i32
      %parallel_loop3A_513 = arith.constant 1 : i32
      scf.for %parallel_loop3A_536 = %parallel_loop3A_511 to %parallel_loop3A_512 step %parallel_loop3A_513  : i32 {
        %parallel_loop3A_537 = arith.constant 16 : i32
        %parallel_loop3A_538 = arith.muli %parallel_loop3A_536, %parallel_loop3A_537 : i32
        %parallel_loop3A_539 = arith.constant 3 : i32
        %parallel_loop3A_540 = arith.constant 6 : i32
        %parallel_loop3A_541 = arith.index_cast %parallel_loop3A_539 : i32 to index
        %parallel_loop3A_542 = arith.index_cast %parallel_loop3A_540 : i32 to index
        %parallel_loop3A_543 = arith.index_cast %parallel_loop3A_538 : i32 to index
        %parallel_loop3A_544 = tpu.vector_load %arg7[%parallel_loop3A_541, %parallel_loop3A_542, %parallel_loop3A_543] {strides = array<i32>} : memref<4x8x1024xf32, #tpu.memory_space<vmem>>, vector<1x1x16xf32>,
        %parallel_loop3A_545 = vector.shape_cast %parallel_loop3A_544 : vector<1x1x16xf32> to vector<16xf32>
        %parallel_loop3A_546 = arith.constant 3 : i32
        %parallel_loop3A_547 = arith.constant 6 : i32
        %parallel_loop3A_548 = arith.index_cast %parallel_loop3A_546 : i32 to index
        %parallel_loop3A_549 = arith.index_cast %parallel_loop3A_547 : i32 to index
        %parallel_loop3A_550 = arith.index_cast %parallel_loop3A_538 : i32 to index
        %parallel_loop3A_551 = tpu.vector_load %arg8[%parallel_loop3A_548, %parallel_loop3A_549, %parallel_loop3A_550] {strides = array<i32>} : memref<4x8x1024xf32, #tpu.memory_space<vmem>>, vector<1x1x16xf32>,
        %parallel_loop3A_552 = vector.shape_cast %parallel_loop3A_551 : vector<1x1x16xf32> to vector<16xf32>
        %parallel_loop3A_553 = arith.addf %parallel_loop3A_545, %parallel_loop3A_552 : vector<16xf32>
        %parallel_loop3A_554 = arith.constant 3 : i32
        %parallel_loop3A_555 = arith.constant 6 : i32
        %parallel_loop3A_556 = arith.index_cast %parallel_loop3A_554 : i32 to index
        %parallel_loop3A_557 = arith.index_cast %parallel_loop3A_555 : i32 to index
        %parallel_loop3A_558 = arith.index_cast %parallel_loop3A_538 : i32 to index
        %parallel_loop3A_559 = tpu.vector_load %arg9[%parallel_loop3A_556, %parallel_loop3A_557, %parallel_loop3A_558] {strides = array<i32>} : memref<4x8x1024xf32, #tpu.memory_space<vmem>>, vector<1x1x16xf32>,
        %parallel_loop3A_560 = vector.shape_cast %parallel_loop3A_559 : vector<1x1x16xf32> to vector<16xf32>
        %parallel_loop3A_561 = vector.shape_cast %parallel_loop3A_553 : vector<16xf32> to vector<1x1x16xf32>
        tpu.vector_store %arg9[%parallel_loop3A_556, %parallel_loop3A_557, %parallel_loop3A_558], %parallel_loop3A_561 {strides = array<i32>} : memref<4x8x1024xf32, #tpu.memory_space<vmem>>, vector<1x1x16xf32>,
      } {sc.loop_unroll_factor = 8 : i64, sc.parallel_access}
      %parallel_loop3A_514 = arith.constant 0 : i32
      %parallel_loop3A_515 = arith.constant 64 : i32
      %parallel_loop3A_516 = arith.constant 1 : i32
      scf.for %parallel_loop3A_536 = %parallel_loop3A_514 to %parallel_loop3A_515 step %parallel_loop3A_516  : i32 {
        %parallel_loop3A_537 = arith.constant 16 : i32
        %parallel_loop3A_538 = arith.muli %parallel_loop3A_536, %parallel_loop3A_537 : i32
        %parallel_loop3A_539 = arith.constant 3 : i32
        %parallel_loop3A_540 = arith.constant 7 : i32
        %parallel_loop3A_541 = arith.index_cast %parallel_loop3A_539 : i32 to index
        %parallel_loop3A_542 = arith.index_cast %parallel_loop3A_540 : i32 to index
        %parallel_loop3A_543 = arith.index_cast %parallel_loop3A_538 : i32 to index
        %parallel_loop3A_544 = tpu.vector_load %arg7[%parallel_loop3A_541, %parallel_loop3A_542, %parallel_loop3A_543] {strides = array<i32>} : memref<4x8x1024xf32, #tpu.memory_space<vmem>>, vector<1x1x16xf32>,
        %parallel_loop3A_545 = vector.shape_cast %parallel_loop3A_544 : vector<1x1x16xf32> to vector<16xf32>
        %parallel_loop3A_546 = arith.constant 3 : i32
        %parallel_loop3A_547 = arith.constant 7 : i32
        %parallel_loop3A_548 = arith.index_cast %parallel_loop3A_546 : i32 to index
        %parallel_loop3A_549 = arith.index_cast %parallel_loop3A_547 : i32 to index
        %parallel_loop3A_550 = arith.index_cast %parallel_loop3A_538 : i32 to index
        %parallel_loop3A_551 = tpu.vector_load %arg8[%parallel_loop3A_548, %parallel_loop3A_549, %parallel_loop3A_550] {strides = array<i32>} : memref<4x8x1024xf32, #tpu.memory_space<vmem>>, vector<1x1x16xf32>,
        %parallel_loop3A_552 = vector.shape_cast %parallel_loop3A_551 : vector<1x1x16xf32> to vector<16xf32>
        %parallel_loop3A_553 = arith.addf %parallel_loop3A_545, %parallel_loop3A_552 : vector<16xf32>
        %parallel_loop3A_554 = arith.constant 3 : i32
        %parallel_loop3A_555 = arith.constant 7 : i32
        %parallel_loop3A_556 = arith.index_cast %parallel_loop3A_554 : i32 to index
        %parallel_loop3A_557 = arith.index_cast %parallel_loop3A_555 : i32 to index
        %parallel_loop3A_558 = arith.index_cast %parallel_loop3A_538 : i32 to index
        %parallel_loop3A_559 = tpu.vector_load %arg9[%parallel_loop3A_556, %parallel_loop3A_557, %parallel_loop3A_558] {strides = array<i32>} : memref<4x8x1024xf32, #tpu.memory_space<vmem>>, vector<1x1x16xf32>,
        %parallel_loop3A_560 = vector.shape_cast %parallel_loop3A_559 : vector<1x1x16xf32> to vector<16xf32>
        %parallel_loop3A_561 = vector.shape_cast %parallel_loop3A_553 : vector<16xf32> to vector<1x1x16xf32>
        tpu.vector_store %arg9[%parallel_loop3A_556, %parallel_loop3A_557, %parallel_loop3A_558], %parallel_loop3A_561 {strides = array<i32>} : memref<4x8x1024xf32, #tpu.memory_space<vmem>>, vector<1x1x16xf32>,
      } {sc.loop_unroll_factor = 8 : i64, sc.parallel_access}
      %mul3A_517 = arith.constant 8 : i32
      %mul3A_518 = arith.muli %add3A_447, %mul3A_517 : i32
      %add3A_519 = arith.addi %mul3A_2, %mul3A_518 : i32
      %dma_start3A_520 = arith.constant 3 : i32
      %dma_start3A_521 = arith.constant 3 : i32
      %dma_start3A_522 = arith.constant 0 : i32
      %dma_start3A_523 = arith.constant 0 : i32
      %dma_start3A_524 = tpu.memref_slice %arg9[%dma_start3A_520, %dma_start3A_522, %dma_start3A_523] : memref<4x8x1024xf32, #tpu.memory_space<vmem>> -> memref<1x8x1024xf32, #tpu.memory_space<vmem>>
      %dma_start3A_525 = tpu.memref_squeeze %dma_start3A_524 : memref<1x8x1024xf32, #tpu.memory_space<vmem>> -> memref<8x1024xf32, #tpu.memory_space<vmem>>
      %dma_start3A_526 = arith.constant 0 : i32
      %dma_start3A_527 = tpu.memref_slice %arg5[%add3A_519, %dma_start3A_526] : memref<16384x1024xf32, #tpu.memory_space<hbm>> -> memref<8x1024xf32, #tpu.memory_space<hbm>>
      %dma_start3A_528 = tpu.memref_slice %arg12[%dma_start3A_521] : memref<4x!tpu.dma_semaphore, #tpu.memory_space<semaphore_mem>> -> memref<1x!tpu.dma_semaphore, #tpu.memory_space<semaphore_mem>>
      %dma_start3A_529 = tpu.memref_squeeze %dma_start3A_528 : memref<1x!tpu.dma_semaphore, #tpu.memory_space<semaphore_mem>> -> memref<!tpu.dma_semaphore, #tpu.memory_space<semaphore_mem>>
      %dma_start3A_530 = arith.constant 0 : i32
      %dma_start3A_531 = tpu.memref_slice %arg5[%add3A_519, %dma_start3A_530] : memref<16384x1024xf32, #tpu.memory_space<hbm>> -> memref<8x1024xf32, #tpu.memory_space<hbm>>
      %dma_start3A_532 = arith.constant 0 : i32
      %dma_start3A_533 = arith.constant 0 : i32
      %dma_start3A_534 = tpu.memref_slice %arg9[%dma_start3A_520, %dma_start3A_532, %dma_start3A_533] : memref<4x8x1024xf32, #tpu.memory_space<vmem>> -> memref<1x8x1024xf32, #tpu.memory_space<vmem>>
      %dma_start3A_535 = tpu.memref_squeeze %dma_start3A_534 : memref<1x8x1024xf32, #tpu.memory_space<vmem>> -> memref<8x1024xf32, #tpu.memory_space<vmem>>
      tpu.enqueue_dma source(%dma_start3A_535 : memref<8x1024xf32, #tpu.memory_space<vmem>>) target(%dma_start3A_531 : memref<8x1024xf32, #tpu.memory_space<hbm>>) target_semaphore(%dma_start3A_529 : memref<!tpu.dma_semaphore, #tpu.memory_space<semaphore_mem>>)
    }
    %scan3A_104 = arith.constant 16 : i32
    %add3A_105 = arith.constant 480 : i32
    %add3A_106 = arith.addi %mul3A_2, %add3A_105 : i32
    %dma_wait3A = arith.constant 0 : i32
    %dma_wait3A_107 = arith.constant 0 : i32
    %dma_wait3A_108 = arith.constant 0 : i32
    %dma_wait3A_109 = arith.constant 0 : i32
    %dma_wait3A_110 = tpu.memref_slice %arg9[%dma_wait3A, %dma_wait3A_108, %dma_wait3A_109] : memref<4x8x1024xf32, #tpu.memory_space<vmem>> -> memref<1x8x1024xf32, #tpu.memory_space<vmem>>
    %dma_wait3A_111 = tpu.memref_squeeze %dma_wait3A_110 : memref<1x8x1024xf32, #tpu.memory_space<vmem>> -> memref<8x1024xf32, #tpu.memory_space<vmem>>
    %dma_wait3A_112 = arith.constant 0 : i32
    %dma_wait3A_113 = tpu.memref_slice %arg5[%add3A_106, %dma_wait3A_112] : memref<16384x1024xf32, #tpu.memory_space<hbm>> -> memref<8x1024xf32, #tpu.memory_space<hbm>>
    %dma_wait3A_114 = tpu.memref_slice %arg12[%dma_wait3A_107] : memref<4x!tpu.dma_semaphore, #tpu.memory_space<semaphore_mem>> -> memref<1x!tpu.dma_semaphore, #tpu.memory_space<semaphore_mem>>
    %dma_wait3A_115 = tpu.memref_squeeze %dma_wait3A_114 : memref<1x!tpu.dma_semaphore, #tpu.memory_space<semaphore_mem>> -> memref<!tpu.dma_semaphore, #tpu.memory_space<semaphore_mem>>
    %dma_wait3A_116 = arith.constant 0 : i32
    %dma_wait3A_117 = tpu.memref_slice %arg5[%add3A_106, %dma_wait3A_116] : memref<16384x1024xf32, #tpu.memory_space<hbm>> -> memref<8x1024xf32, #tpu.memory_space<hbm>>
    %dma_wait3A_118 = arith.constant 0 : i32
    %dma_wait3A_119 = arith.constant 0 : i32
    %dma_wait3A_120 = tpu.memref_slice %arg9[%dma_wait3A, %dma_wait3A_118, %dma_wait3A_119] : memref<4x8x1024xf32, #tpu.memory_space<vmem>> -> memref<1x8x1024xf32, #tpu.memory_space<vmem>>
    %dma_wait3A_121 = tpu.memref_squeeze %dma_wait3A_120 : memref<1x8x1024xf32, #tpu.memory_space<vmem>> -> memref<8x1024xf32, #tpu.memory_space<vmem>>
    tpu.wait_dma2 semaphore(%dma_wait3A_115 : memref<!tpu.dma_semaphore, #tpu.memory_space<semaphore_mem>>) src(%dma_wait3A_121 : memref<8x1024xf32, #tpu.memory_space<vmem>>) dst(%dma_wait3A_117 : memref<8x1024xf32, #tpu.memory_space<hbm>>)
    %add3A_122 = arith.constant 488 : i32
    %add3A_123 = arith.addi %mul3A_2, %add3A_122 : i32
    %dma_wait3A_124 = arith.constant 1 : i32
    %dma_wait3A_125 = arith.constant 1 : i32
    %dma_wait3A_126 = arith.constant 0 : i32
    %dma_wait3A_127 = arith.constant 0 : i32
    %dma_wait3A_128 = tpu.memref_slice %arg9[%dma_wait3A_124, %dma_wait3A_126, %dma_wait3A_127] : memref<4x8x1024xf32, #tpu.memory_space<vmem>> -> memref<1x8x1024xf32, #tpu.memory_space<vmem>>
    %dma_wait3A_129 = tpu.memref_squeeze %dma_wait3A_128 : memref<1x8x1024xf32, #tpu.memory_space<vmem>> -> memref<8x1024xf32, #tpu.memory_space<vmem>>
    %dma_wait3A_130 = arith.constant 0 : i32
    %dma_wait3A_131 = tpu.memref_slice %arg5[%add3A_123, %dma_wait3A_130] : memref<16384x1024xf32, #tpu.memory_space<hbm>> -> memref<8x1024xf32, #tpu.memory_space<hbm>>
    %dma_wait3A_132 = tpu.memref_slice %arg12[%dma_wait3A_125] : memref<4x!tpu.dma_semaphore, #tpu.memory_space<semaphore_mem>> -> memref<1x!tpu.dma_semaphore, #tpu.memory_space<semaphore_mem>>
    %dma_wait3A_133 = tpu.memref_squeeze %dma_wait3A_132 : memref<1x!tpu.dma_semaphore, #tpu.memory_space<semaphore_mem>> -> memref<!tpu.dma_semaphore, #tpu.memory_space<semaphore_mem>>
    %dma_wait3A_134 = arith.constant 0 : i32
    %dma_wait3A_135 = tpu.memref_slice %arg5[%add3A_123, %dma_wait3A_134] : memref<16384x1024xf32, #tpu.memory_space<hbm>> -> memref<8x1024xf32, #tpu.memory_space<hbm>>
    %dma_wait3A_136 = arith.constant 0 : i32
    %dma_wait3A_137 = arith.constant 0 : i32
    %dma_wait3A_138 = tpu.memref_slice %arg9[%dma_wait3A_124, %dma_wait3A_136, %dma_wait3A_137] : memref<4x8x1024xf32, #tpu.memory_space<vmem>> -> memref<1x8x1024xf32, #tpu.memory_space<vmem>>
    %dma_wait3A_139 = tpu.memref_squeeze %dma_wait3A_138 : memref<1x8x1024xf32, #tpu.memory_space<vmem>> -> memref<8x1024xf32, #tpu.memory_space<vmem>>
    tpu.wait_dma2 semaphore(%dma_wait3A_133 : memref<!tpu.dma_semaphore, #tpu.memory_space<semaphore_mem>>) src(%dma_wait3A_139 : memref<8x1024xf32, #tpu.memory_space<vmem>>) dst(%dma_wait3A_135 : memref<8x1024xf32, #tpu.memory_space<hbm>>)
    %add3A_140 = arith.constant 496 : i32
    %add3A_141 = arith.addi %mul3A_2, %add3A_140 : i32
    %dma_wait3A_142 = arith.constant 2 : i32
    %dma_wait3A_143 = arith.constant 2 : i32
    %dma_wait3A_144 = arith.constant 0 : i32
    %dma_wait3A_145 = arith.constant 0 : i32
    %dma_wait3A_146 = tpu.memref_slice %arg9[%dma_wait3A_142, %dma_wait3A_144, %dma_wait3A_145] : memref<4x8x1024xf32, #tpu.memory_space<vmem>> -> memref<1x8x1024xf32, #tpu.memory_space<vmem>>
    %dma_wait3A_147 = tpu.memref_squeeze %dma_wait3A_146 : memref<1x8x1024xf32, #tpu.memory_space<vmem>> -> memref<8x1024xf32, #tpu.memory_space<vmem>>
    %dma_wait3A_148 = arith.constant 0 : i32
    %dma_wait3A_149 = tpu.memref_slice %arg5[%add3A_141, %dma_wait3A_148] : memref<16384x1024xf32, #tpu.memory_space<hbm>> -> memref<8x1024xf32, #tpu.memory_space<hbm>>
    %dma_wait3A_150 = tpu.memref_slice %arg12[%dma_wait3A_143] : memref<4x!tpu.dma_semaphore, #tpu.memory_space<semaphore_mem>> -> memref<1x!tpu.dma_semaphore, #tpu.memory_space<semaphore_mem>>
    %dma_wait3A_151 = tpu.memref_squeeze %dma_wait3A_150 : memref<1x!tpu.dma_semaphore, #tpu.memory_space<semaphore_mem>> -> memref<!tpu.dma_semaphore, #tpu.memory_space<semaphore_mem>>
    %dma_wait3A_152 = arith.constant 0 : i32
    %dma_wait3A_153 = tpu.memref_slice %arg5[%add3A_141, %dma_wait3A_152] : memref<16384x1024xf32, #tpu.memory_space<hbm>> -> memref<8x1024xf32, #tpu.memory_space<hbm>>
    %dma_wait3A_154 = arith.constant 0 : i32
    %dma_wait3A_155 = arith.constant 0 : i32
    %dma_wait3A_156 = tpu.memref_slice %arg9[%dma_wait3A_142, %dma_wait3A_154, %dma_wait3A_155] : memref<4x8x1024xf32, #tpu.memory_space<vmem>> -> memref<1x8x1024xf32, #tpu.memory_space<vmem>>
    %dma_wait3A_157 = tpu.memref_squeeze %dma_wait3A_156 : memref<1x8x1024xf32, #tpu.memory_space<vmem>> -> memref<8x1024xf32, #tpu.memory_space<vmem>>
    tpu.wait_dma2 semaphore(%dma_wait3A_151 : memref<!tpu.dma_semaphore, #tpu.memory_space<semaphore_mem>>) src(%dma_wait3A_157 : memref<8x1024xf32, #tpu.memory_space<vmem>>) dst(%dma_wait3A_153 : memref<8x1024xf32, #tpu.memory_space<hbm>>)
    %add3A_158 = arith.constant 504 : i32
    %add3A_159 = arith.addi %mul3A_2, %add3A_158 : i32
    %dma_wait3A_160 = arith.constant 3 : i32
    %dma_wait3A_161 = arith.constant 3 : i32
    %dma_wait3A_162 = arith.constant 0 : i32
    %dma_wait3A_163 = arith.constant 0 : i32
    %dma_wait3A_164 = tpu.memref_slice %arg9[%dma_wait3A_160, %dma_wait3A_162, %dma_wait3A_163] : memref<4x8x1024xf32, #tpu.memory_space<vmem>> -> memref<1x8x1024xf32, #tpu.memory_space<vmem>>
    %dma_wait3A_165 = tpu.memref_squeeze %dma_wait3A_164 : memref<1x8x1024xf32, #tpu.memory_space<vmem>> -> memref<8x1024xf32, #tpu.memory_space<vmem>>
    %dma_wait3A_166 = arith.constant 0 : i32
    %dma_wait3A_167 = tpu.memref_slice %arg5[%add3A_159, %dma_wait3A_166] : memref<16384x1024xf32, #tpu.memory_space<hbm>> -> memref<8x1024xf32, #tpu.memory_space<hbm>>
    %dma_wait3A_168 = tpu.memref_slice %arg12[%dma_wait3A_161] : memref<4x!tpu.dma_semaphore, #tpu.memory_space<semaphore_mem>> -> memref<1x!tpu.dma_semaphore, #tpu.memory_space<semaphore_mem>>
    %dma_wait3A_169 = tpu.memref_squeeze %dma_wait3A_168 : memref<1x!tpu.dma_semaphore, #tpu.memory_space<semaphore_mem>> -> memref<!tpu.dma_semaphore, #tpu.memory_space<semaphore_mem>>
    %dma_wait3A_170 = arith.constant 0 : i32
    %dma_wait3A_171 = tpu.memref_slice %arg5[%add3A_159, %dma_wait3A_170] : memref<16384x1024xf32, #tpu.memory_space<hbm>> -> memref<8x1024xf32, #tpu.memory_space<hbm>>
    %dma_wait3A_172 = arith.constant 0 : i32
    %dma_wait3A_173 = arith.constant 0 : i32
    %dma_wait3A_174 = tpu.memref_slice %arg9[%dma_wait3A_160, %dma_wait3A_172, %dma_wait3A_173] : memref<4x8x1024xf32, #tpu.memory_space<vmem>> -> memref<1x8x1024xf32, #tpu.memory_space<vmem>>
    %dma_wait3A_175 = tpu.memref_squeeze %dma_wait3A_174 : memref<1x8x1024xf32, #tpu.memory_space<vmem>> -> memref<8x1024xf32, #tpu.memory_space<vmem>>
    tpu.wait_dma2 semaphore(%dma_wait3A_169 : memref<!tpu.dma_semaphore, #tpu.memory_space<semaphore_mem>>) src(%dma_wait3A_175 : memref<8x1024xf32, #tpu.memory_space<vmem>>) dst(%dma_wait3A_171 : memref<8x1024xf32, #tpu.memory_space<hbm>>)
    return
  }
}

</mosaic_0001>

<sc_bundles>
// kernel: kernel.3.cloned.1.call-start
scs
__scs_entry_jumppad:
0x0: {  	(pc) =	sbr.rel $0x88, $3  }
0x1: {  	(tag) =	ssettag $0x0;
	lr =	simm.s32 $0x1  }
0x2: {  	[smem:$0x3F9E] =	sst lr;
	_ =	strace $0xD0000000  }
0x3: {  	_ = 	snop  }
0x4: {  	_ = 	snop  }
0x5: {  	_ = 	snop  }
0x6: {  	_ = 	snop  }
0x7: {  	_ = 	snop  }
__scs_overlays_trampoline_lowered:
0x8: {  	[smem:$0x3FAD] =	sst s0  }
0x9: {  	[smem:$0x3FAE] =	sst s1  }
0xa: {  	[smem:$0x3FAF] =	sst s2  }
0xb: {  	[smem:$0x3FB0] =	sst s3  }
0xc: {  	[smem:$0x3FB1] =	sst s4  }
0xd: {  	[smem:$0x3FB2] =	sst s5  }
0xe: {  	[smem:$0x3FB3] =	sst s6  }
0xf: {  	[smem:$0x3FB4] =	sst s7  }
0x10: {  	[smem:$0x3FB5] =	sst s8  }
0x11: {  	[smem:$0x3FB6] =	sst s9;
	s0 =	simm.s32 @!p0 $0x0  }
0x12: {  	s1 =	sld [smem:$0x3F9C];
	s0 =	simm.s32 @p0 $0x1  }
0x13: {  	[smem:$0x3FB7] =	sst s0;
	s0 =	simm.s32 @!p1 $0x0  }
0x14: {  	s2 =	sld [smem:$0x3F9B];
	s0 =	simm.s32 @p1 $0x1  }
0x15: {  	[smem:$0x3FB8] =	sst s0;
	s0 =	simm.s32 @!p2 $0x0  }
0x16: {  	s3 =	sld [smem:$0x3FDB];
	s0 =	simm.s32 @p2 $0x1  }
0x17: {  	s4 =	simm.s32 $0x1BF5;
	[smem:$0x3FBA] =	sst s0  }
0x18: {  	s0 =	sld [smem:$0x3F9D];
	_ =	swait.ge [sflag:s4], $0x0  }
0x19: {  	s7 =	sld [smem:$0x3F9E]  }
0x1a: {  	s8 =	sadd.s32 $0xFFFFE003, lr  }
0x1b: {  	s9 =	sadd.s32 $0xFFFFFEF7, lr;
	s5 =	simm.s32 $0xFFFFFFFF;
	p2 =	slt.u32 s8, $0xFFFFF086  }
0x1c: {  	p1 =	slt.u32 s9, $0xF7A;
	s5 =	simm.s32 @!p2 $0x0  }
0x1d: {  	s5 =	simm.s32 @p1 $0x1;
	p0 =	seq.s32 s7, s2  }
0x1e: {  	s7 =	smul.u32 @!p0 $0xF7A, s2;
	p2 =	seq.s32 @!p0 s5, $0x0  }
0x1f: {  	s9 =	smul.u32 $0xF7A, s1;
	s8 =	simm.s32 @!p0 $0x1BF5;
	p2 =	por !p2, p0  }
0x20: {  	[sflag:s8] =	ssyncset.s32 @!p0 $0xFFFFF086;
	s6 =	sadd.s32 @!p0 s3, s7;
	s7 =	simm.s32 @!p0 $0x108  }
0x21: {  	s3 =	sadd.s32 s3, s9;
	s6 =	sadd.s32 @!p0 $0x88, s6;
	s7 =	simm.s32 @p2 $0x1082  }
0x22: {  	[simem:s7], [sflag:s8] =	dma.local @!p0 [hbm:s6], $0xF7A  }
0x23: {  	s9 =	sor.u32 $0xD0000000, s2;
	s6 =	simm.s32 $0x108;
	_ =	swait.ge @!p0 [sflag:s8], $0x0  }
0x24: {  	s3 =	sadd.s32 $0x88, s3;
	s6 =	simm.s32 @!p1 $0x1082;
	[sflag:s4] =	ssyncset.s32 $0xFFFFF086  }
0x25: {  	[simem:s6], [sflag:s4] =	dma.local [hbm:s3], $0xF7A  }
0x26: {  	[smem:$0x3F9E] =	sst s1;
	(tag) =	ssettag s2;
	_ =	strace s9  }
0x27: {  	s1 =	sld [smem:$0x3FAE]  }
0x28: {  	s2 =	sld [smem:$0x3FAF]  }
0x29: {  	s4 =	sld [smem:$0x3FB1]  }
0x2a: {  	p0 =	seq.s32 s5, $0x0;
	s5 =	sld [smem:$0x3FB2]  }
0x2b: {  	s6 =	sld [smem:$0x3FB3]  }
0x2c: {  	s7 =	sld [smem:$0x3FB4]  }
0x2d: {  	s3 =	simm.s32 $0x108;
	s8 =	sld [smem:$0x3FB5]  }
0x2e: {  	s3 =	simm.s32 @!p0 $0x1082;
	s9 =	sld [smem:$0x3FB6]  }
0x2f: {  	lr =	sadd.s32 s0, s3;
	s0 =	sld [smem:$0x3FAD]  }
0x30: {  	s3 =	sld [smem:$0x3FB0]  }
0x31: {  	[smem:$0x3FB9] =	sst s10  }
0x32: {  	s10 =	sld [smem:$0x3FB7];
	_ =	sdelay $0x3  }
0x33: {  	p0 =	seq.s32 s10, $0x1;
	s10 =	sld [smem:$0x3FB9];
	_ =	sdelay $0x3  }
0x34: {  	[smem:$0x3FB9] =	sst s10  }
0x35: {  	s10 =	sld [smem:$0x3FB8];
	_ =	sdelay $0x3  }
0x36: {  	p1 =	seq.s32 s10, $0x1;
	s10 =	sld [smem:$0x3FB9];
	_ =	sdelay $0x3  }
0x37: {  	[smem:$0x3FB9] =	sst s10  }
0x38: {  	s10 =	sld [smem:$0x3FBA]  }
0x39: {  	_ = 	snop;
	(pc) =	sbr.ind lr, $3  }
0x3a: {  	_ = 	snop  }
0x3b: {  	_ = 	snop  }
0x3c: {  	p2 =	seq.s32 s10, $0x1;
	s10 =	sld [smem:$0x3FB9]  }
0x3d: {  	_ =	shalt  }
0x3e: {  	_ =	shalt  }
0x3f: {  	_ =	shalt  }
0x40: {  	_ =	shalt  }
0x41: {  	_ =	shalt  }
0x42: {  	_ =	shalt  }
0x43: {  	_ =	shalt  }
0x44: {  	_ =	shalt  }
0x45: {  	_ =	shalt  }
0x46: {  	_ =	shalt  }
0x47: {  	_ =	shalt  }
0x48: {  	_ =	shalt  }
0x49: {  	_ =	shalt  }
0x4a: {  	_ =	shalt  }
0x4b: {  	_ =	shalt  }
0x4c: {  	_ =	shalt  }
0x4d: {  	_ =	shalt  }
0x4e: {  	_ =	shalt  }
0x4f: {  	_ =	shalt  }
0x50: {  	_ =	shalt  }
0x51: {  	_ =	shalt  }
0x52: {  	_ =	shalt  }
0x53: {  	_ =	shalt  }
0x54: {  	_ =	shalt  }
0x55: {  	_ =	shalt  }
0x56: {  	_ =	shalt  }
0x57: {  	_ =	shalt  }
0x58: {  	_ =	shalt  }
0x59: {  	_ =	shalt  }
0x5a: {  	_ =	shalt  }
0x5b: {  	_ =	shalt  }
0x5c: {  	_ =	shalt  }
0x5d: {  	_ =	shalt  }
0x5e: {  	_ =	shalt  }
0x5f: {  	_ =	shalt  }
0x60: {  	_ =	shalt  }
0x61: {  	_ =	shalt  }
0x62: {  	_ =	shalt  }
0x63: {  	_ =	shalt  }
0x64: {  	_ =	shalt  }
0x65: {  	_ =	shalt  }
0x66: {  	_ =	shalt  }
0x67: {  	_ =	shalt  }
0x68: {  	_ =	shalt  }
0x69: {  	_ =	shalt  }
0x6a: {  	_ =	shalt  }
0x6b: {  	_ =	shalt  }
0x6c: {  	_ =	shalt  }
0x6d: {  	_ =	shalt  }
0x6e: {  	_ =	shalt  }
0x6f: {  	_ =	shalt  }
0x70: {  	_ =	shalt  }
0x71: {  	_ =	shalt  }
0x72: {  	_ =	shalt  }
0x73: {  	_ =	shalt  }
0x74: {  	_ =	shalt  }
0x75: {  	_ =	shalt  }
0x76: {  	_ =	shalt  }
0x77: {  	_ =	shalt  }
0x78: {  	_ =	shalt  }
0x79: {  	_ =	shalt  }
0x7a: {  	_ =	shalt  }
0x7b: {  	_ =	shalt  }
0x7c: {  	_ =	shalt  }
0x7d: {  	_ =	shalt  }
0x7e: {  	_ =	shalt  }
0x7f: {  	_ =	shalt  }
0x80: {  	_ =	shalt  }
0x81: {  	_ =	shalt  }
0x82: {  	_ =	shalt  }
0x83: {  	_ =	shalt  }
0x84: {  	_ =	shalt  }
0x85: {  	_ =	shalt  }
0x86: {  	_ =	shalt  }
0x87: {  	_ =	shalt  }
.Lfunc_end0:
.L_simem_size_0:
called_computation_lowered:
.L_overlay_start_0:
0x88: {  	s2 =	sld [smem:$0x3FD9]  }
0x89: {  	s3 =	sld [smem:$0x3FFE];
	_ =	sdelay $0x1  }
0x8a: {  	s1 =	srdreg.scid  }
0x8b: {  	s0 =	sand.u32 $0x1, s1  }
0x8c: {  	s17 =	sshll.u32 s0, $0xA;
	s2 =	sadd.s32 s3, s2  }
0x8d: {  	s2 =	sadd.s32 s2, s17  }
0x8e: {  	[smem:$0x3FC5] =	sst s2  }
0x8f: {  	_ = 	snop  }
0x90: {  	s2 =	sld [smem:$0x3FC9]  }
0x91: {  	s18 =	sld [smem:$0x3FC7]  }
0x92: {  	s4 =	sld [smem:$0x3FD0];
	(tm) =	ssettm $0x1  }
0x93: {  	s5 =	sld [smem:$0x3FFB];
	_ =	sdelay $0x3  }
0x94: {  	_ =	strace s5  }
0x95: {  	s5 =	sld [smem:$0x3FFC];
	_ =	sdelay $0x3  }
0x96: {  	_ =	strace s5  }
0x97: {  	s5 =	sld [smem:$0x3FFD];
	_ =	sdelay $0x3  }
0x98: {  	_ =	strace s5  }
0x99: {  	_ =	strace $0x8FFFFFFF  }
0x9a: {  	s19 =	sld [smem:$0x3FDB];
	_ =	sdelay $0x1  }
0x9b: {  	s6 =	simm.s32 $_scs_section_size  }
0x9c: {  	s7 =	simm.s32 $_size__tile_overlayer_lowered;
	s8 =	simm.s32 $_tile_overlayer_lowered  }
0x9d: {  	s22 =	simm.s32 $0x1BFF;
	s21 =	sshll.u32 s8, $0x1;
	s5 =	sadd.s32 s6, s19  }
0x9e: {  	s9 =	simm.s32 $0x0;
	s20 =	sshll.u32 s7, $0x1;
	s7 =	sadd.s32 s21, s5  }
0x9f: {  	[timem:s9], [sflag:s22] =	dma.local [hbm:s7], s20  }
0xa0: {  	_ =	swait.ge [sflag:s22], s20  }
0xa1: {  	s6 =	ssub.s32 $0x0, s20;
	[sflag:s22] =	ssyncset.done $0x0  }
0xa2: {  	[sflag:s22] =	ssyncadd.s32 s6;
	_ =	sdelay $0x1  }
0xa3: {  	s23 =	simm.s32 $0x1B8B  }
0xa4: {  	_ =	swait.ge [sflag:s23], $0x1  }
0xa5: {  	[sflag:s23] =	ssyncset.done $0x0  }
0xa6: {  	s25 =	simm.s32 $0x1B8E;
	s24 =	sld [smem:$0x3FFE];
	[sflag:s23] =	ssyncadd.s32 $0xFFFFFFFF  }
0xa7: {  	s26 =	simm.s32 $execute0_lowered;
	[smem:$0x3FD2] =	sst s25  }
0xa8: {  	s7 =	sshll.u32 s26, $0x1;
	_ =	strace $0x80000046;
	[dreg:$0x1] =	wrdreg $0xFFFFFFFF  }
0xa9: {  	s28 =	simm.s32 $_size_execute0_lowered;
	s5 =	sadd.s32 s5, s7;
	[dreg:$0x0] =	wrdreg $0x0  }
0xaa: {  	s7 =	sshll.u32 s28, $0x1;
	[dreg:$0x2] =	wrdreg s5  }
0xab: {  	[dreg:$0x3] =	wrdreg s7  }
0xac: {  	[dreg:$0x4] =	wrdreg $0xC0  }
0xad: {  	_ =	task [dreg:s9], $0x5FFFF  }
0xae: {  	[dreg:$0x1] =	wrdreg $0xFFFFFFFF  }
0xaf: {  	[dreg:$0x0] =	wrdreg $0x60  }
0xb0: {  	[dreg:$0x2] =	wrdreg s2  }
0xb1: {  	[dreg:$0x3] =	wrdreg s24  }
0xb2: {  	[dreg:$0x4] =	wrdreg s18  }
0xb3: {  	[dreg:$0x5] =	wrdreg s4  }
0xb4: {  	[dreg:$0x6] =	wrdreg $0x9  }
0xb5: {  	_ =	task.clear_ibuf [dreg:s9], $0x7FFFF;
	_ =	strace $0x90000046  }
0xb6: {  	s29 =	simm.s32 $0x9;
	_ =	strace $0x80000048  }
0xb7: {  	_ =	swait.ge [sflag:s29], $0x1  }
0xb8: {  	[sflag:s29] =	ssyncadd.s32 $0xFFFFFFFF  }
0xb9: {  	_ =	strace $0x90000048  }
0xba: {  	_ =	sfence  }
0xbb: {  	s30 =	sld [smem:$0x0];
	_ =	sdelay $0x2  }
0xbc: {  	s31 =	sshll.u32 s1, $0xD;
	s1 =	sshrl.u32 s1, $0x2  }
0xbd: {  	s3 =	sand.u32 $0x4000, s31;
	s1 =	sadd.s32 s1, s30  }
0xbe: {  	s0 =	sor.u32 s3, s0;
	s1 =	sshll.u32 s1, $0x11  }
0xbf: {  	s0 =	sor.u32 s1, s0  }
0xc0: {  	s0 =	sadd.s32 $0x8F2B, s0  }
0xc1: {  	[sflag:s0] =	ssyncadd.remote.s32 $0x1  }
0xc2: {  	_ =	sfence.sel $0xFFFF  }
0xc3: {  	[dreg:$0x0] =	wrdreg $0xFFFFFFFF;
	(pc) =	sbr.abs _section_cstart, $3  }
0xc4: {  	[dreg:$0x1] =	wrdreg $0xFFFFFFFF  }
0xc5: {  	_ =	task.clear_ibuf [dreg:s9], $0x2FFFF;
	_ =	strace $0x9FFFFFFF  }
0xc6: {  	(tm) =	ssettm $0x7FFFFFFF  }
0xc7: {  	_ =	shalt  }
tec
execute0_lowered:
.L_overlay_start_1:
0x0: {  	(tag) =	ssettag $0x1  }
0x1: {  	s7 =	rddreg [dreg:$0x0]  }
0x2: {  	s0 =	rddreg [dreg:$0x1]  }
0x3: {  	s3 =	rddreg [dreg:$0x2]  }
0x4: {  	s12 =	rddreg [dreg:$0x3]  }
0x5: {  	s1 =	srdreg.scid;
	s2 =	stileid.u32;
	s5 =	simm.s32 $0x0  }
0x6: {  	s23 =	simm.s32 $0x1;
	s24 =	simm.s32 $0x5;
	s28 =	simm.s32 $0x6  }
0x7: {  	s30 =	simm.s32 $0x3;
	s31 =	simm.s32 $0x7;
	s13 =	simm.s32 $0x18000  }
0x8: {  	s14 =	simm.s32 $0x0;
	s1 =	sand.u32 $0x1, s1;
	s2 =	sshll.u32 s2, $0x1  }
0x9: {  	[smem:$0x7FF] =	sst s5;
	s8 =	sadd.s32 $0x100, s3;
	s9 =	sadd.s32 $0x200, s3  }
0xa: {  	s10 =	sadd.s32 $0x300, s3;
	s2 =	sor.u32 s1, s2;
	s1 =	ssub.s32 $0x2, s1  }
0xb: {  	_ =	strace $0x80000047;
	s4 =	sshll.u32 s2, $0xA;
	s6 =	sshrl.u32 s1, $0x1  }
0xc: {  	s0 =	sadd.s32 s4, s0;
	s1 =	ssub.s32 s1, s6;
	s6 =	sshll.u32 s2, $0x10  }
0xd: {  	s2 =	simm.s32 $0x4;
	s0 =	sadd.s32 $0x400, s0;
	s11 =	sadd.s32 s7, s6  }
0xe: {  	s12 =	sadd.s32 s12, s6;
	s29 =	smax.u32 s1, $0x1;
	[dreg:$0x5] =	wrdreg s0  }
0xf: {  	v0 =	vlaneseq.u32;
	s7 =	simm.s32 $0x8;
	s25 =	sadd.s32 $0x400, s11;
	[dreg:$0x8] =	wrdreg s29  }
0x10: {  	v1 =	vshrl.u32 v0, $0x3;
	s26 =	sadd.s32 $0x800, s11;
	s15 =	sadd.s32 $0x400, s12;
	[dreg:$0x6] =	wrdreg s25  }
0x11: {  	vm0 =	vmmov $0xffff;
	v0 =	vand.u32 $0x7, v0;
	v1 =	vmul.u32 $0x8, v1;
	s0 =	simm.s32 $0x16000;
	[dreg:$0x7] =	wrdreg s26;
	s26 =	simm.s32 $0x2  }
.LBB2_1:
0x12: {  	[dreg:$0x9] =	wrdreg s14  }
0x13: {  	s1 =	rddreg [dreg:$0x5];
	s19 =	simm.s32 $0xD  }
0x14: {  	[tilespmem:s5], [sflag:$0xD] =	stream.linear.gather [hbm4b:s1+s5], $0x2000, $0x38;
	[tilespmem:$0x1A000] =	vst v63  }
0x15: {  	_ =	swait.ge [sflag:s19], $0x2000  }
0x16: {  	[sflag:s19] =	ssyncset.done $0x0  }
0x17: {  	[sflag:s19] =	ssyncadd.s32 $0xFFFFE000  }
0x18: {  	v2 =	vld.msk [tilespmem:$0x0], $0xff;
	_ =	sdelay $0x4  }
0x19: {  	v3 =	vshll.u32 v2, $0x3  }
0x1a: {  	v2 =	vand.u32 $0x7, v2;
	v3 =	vand.u32 $0xFFFFFFC0, v3  }
0x1b: {  	v2 =	vor.u32 v2, v3  }
0x1c: {  	v2 =	vperm.xlane v2, v0;
	_ =	sdelay $0x1  }
0x1d: {  	v2 =	vadd.s32 v1, v2;
	_ =	sdelay $0x3  }
0x1e: {  	s20 =	simm.s32 $0x2000  }
0x1f: {  	[tilespmem:s20], [sflag:$0x1] =	stream.indirect_vreg.gather [hbm4b:s3+s5], $0x80, v2, vm0, $0xb8;
	[tilespmem:$0x1A000] =	vst v63  }
0x20: {  	s21 =	simm.s32 $0x2800  }
0x21: {  	[tilespmem:s21], [sflag:$0x1] =	stream.indirect_vreg.gather [hbm4b:s8+s5], $0x80, v2, vm0, $0xb8;
	[tilespmem:$0x1A000] =	vst v63  }
0x22: {  	s22 =	simm.s32 $0x3000  }
0x23: {  	[tilespmem:s22], [sflag:$0x1] =	stream.indirect_vreg.gather [hbm4b:s9+s5], $0x80, v2, vm0, $0xb8;
	[tilespmem:$0x1A000] =	vst v63  }
0x24: {  	s25 =	simm.s32 $0x3800  }
0x25: {  	[tilespmem:s25], [sflag:$0x1] =	stream.indirect_vreg.gather [hbm4b:s10+s5], $0x80, v2, vm0, $0xb8;
	[tilespmem:$0x1A000] =	vst v63  }
0x26: {  	s29 =	simm.s32 $0xA000  }
0x27: {  	[tilespmem:s29], [sflag:$0x5] =	stream.linear.gather [hbm4b:s11+s5], $0x2000, $0x38;
	[tilespmem:$0x1A000] =	vst v63  }
0x28: {  	v2 =	vld.msk [tilespmem:$0x80], $0xff;
	_ =	sdelay $0x4  }
0x29: {  	v3 =	vshll.u32 v2, $0x3  }
0x2a: {  	v2 =	vand.u32 $0x7, v2;
	v3 =	vand.u32 $0xFFFFFFC0, v3  }
0x2b: {  	v2 =	vor.u32 v2, v3  }
0x2c: {  	v2 =	vperm.xlane v2, v0;
	_ =	sdelay $0x1  }
0x2d: {  	v2 =	vadd.s32 v1, v2;
	_ =	sdelay $0x3  }
0x2e: {  	s4 =	simm.s32 $0x4000  }
0x2f: {  	[tilespmem:s4], [sflag:$0x2] =	stream.indirect_vreg.gather [hbm4b:s3+s5], $0x80, v2, vm0, $0xb8;
	[tilespmem:$0x1A000] =	vst v63  }
0x30: {  	s14 =	simm.s32 $0x4800  }
0x31: {  	[tilespmem:s14], [sflag:$0x2] =	stream.indirect_vreg.gather [hbm4b:s8+s5], $0x80, v2, vm0, $0xb8;
	[tilespmem:$0x1A000] =	vst v63  }
0x32: {  	s16 =	simm.s32 $0x5000  }
0x33: {  	[tilespmem:s16], [sflag:$0x2] =	stream.indirect_vreg.gather [hbm4b:s9+s5], $0x80, v2, vm0, $0xb8;
	[tilespmem:$0x1A000] =	vst v63  }
0x34: {  	s17 =	simm.s32 $0x5800  }
0x35: {  	[tilespmem:s17], [sflag:$0x2] =	stream.indirect_vreg.gather [hbm4b:s10+s5], $0x80, v2, vm0, $0xb8;
	[tilespmem:$0x1A000] =	vst v63  }
0x36: {  	s18 =	rddreg [dreg:$0x6];
	s4 =	simm.s32 $0xC000  }
0x37: {  	[tilespmem:s4], [sflag:$0x6] =	stream.linear.gather [hbm4b:s18+s5], $0x2000, $0x38;
	[tilespmem:$0x1A000] =	vst v63  }
0x38: {  	v2 =	vld.msk [tilespmem:$0x100], $0xff;
	_ =	sdelay $0x4  }
0x39: {  	v3 =	vshll.u32 v2, $0x3  }
0x3a: {  	v2 =	vand.u32 $0x7, v2;
	v3 =	vand.u32 $0xFFFFFFC0, v3  }
0x3b: {  	v2 =	vor.u32 v2, v3  }
0x3c: {  	v2 =	vperm.xlane v2, v0;
	_ =	sdelay $0x1  }
0x3d: {  	v2 =	vadd.s32 v1, v2;
	_ =	sdelay $0x3  }
0x3e: {  	s19 =	simm.s32 $0x6000  }
0x3f: {  	[tilespmem:s19], [sflag:$0x3] =	stream.indirect_vreg.gather [hbm4b:s3+s5], $0x80, v2, vm0, $0xb8;
	[tilespmem:$0x1A000] =	vst v63  }
0x40: {  	s20 =	simm.s32 $0x6800  }
0x41: {  	[tilespmem:s20], [sflag:$0x3] =	stream.indirect_vreg.gather [hbm4b:s8+s5], $0x80, v2, vm0, $0xb8;
	[tilespmem:$0x1A000] =	vst v63  }
0x42: {  	s21 =	simm.s32 $0x7000  }
0x43: {  	[tilespmem:s21], [sflag:$0x3] =	stream.indirect_vreg.gather [hbm4b:s9+s5], $0x80, v2, vm0, $0xb8;
	[tilespmem:$0x1A000] =	vst v63  }
0x44: {  	s22 =	simm.s32 $0x7800  }
0x45: {  	[tilespmem:s22], [sflag:$0x3] =	stream.indirect_vreg.gather [hbm4b:s10+s5], $0x80, v2, vm0, $0xb8;
	[tilespmem:$0x1A000] =	vst v63  }
0x46: {  	s25 =	rddreg [dreg:$0x7];
	s29 =	simm.s32 $0xE000;
	s17 =	simm.s32 $0x0  }
0x47: {  	[tilespmem:s29], [sflag:$0x7] =	stream.linear.gather [hbm4b:s25+s5], $0x2000, $0x38;
	[tilespmem:$0x1A000] =	vst v63  }
.LBB2_2:
0x48: {  	s1 =	sshllo.u32 s17, $0x2  }
0x49: {  	s4 =	sshll.u32 s1, $0x7  }
0x4a: {  	s4 =	sand.u32 $0x3FFFFF80, s4  }
0x4b: {  	v2 =	vld.msk [tilespmem:s4+$0x0], $0xff;
	_ =	sdelay $0x4  }
0x4c: {  	v3 =	vshll.u32 v2, $0x3  }
0x4d: {  	v2 =	vand.u32 $0x7, v2;
	v3 =	vand.u32 $0xFFFFFFC0, v3  }
0x4e: {  	v2 =	vor.u32 v2, v3  }
0x4f: {  	v2 =	vperm.xlane v2, v0;
	_ =	sdelay $0x1  }
0x50: {  	v2 =	vadd.s32 v1, v2;
	_ =	sdelay $0x3  }
0x51: {  	s19 =	simm.s32 $0x8000  }
0x52: {  	[tilespmem:s19], [sflag:$0x4] =	stream.indirect_vreg.gather [hbm4b:s3+s5], $0x80, v2, vm0, $0xb8;
	[tilespmem:$0x1A000] =	vst v63  }
0x53: {  	s20 =	simm.s32 $0x8800  }
0x54: {  	[tilespmem:s20], [sflag:$0x4] =	stream.indirect_vreg.gather [hbm4b:s8+s5], $0x80, v2, vm0, $0xb8;
	[tilespmem:$0x1A000] =	vst v63  }
0x55: {  	s21 =	simm.s32 $0x9000;
	s1 =	sshll.u32 s1, $0xA  }
0x56: {  	[tilespmem:s21], [sflag:$0x4] =	stream.indirect_vreg.gather [hbm4b:s9+s5], $0x80, v2, vm0, $0xb8;
	[tilespmem:$0x1A000] =	vst v63  }
0x57: {  	s22 =	simm.s32 $0x9800;
	s25 =	rddreg [dreg:$0x0];
	s14 =	sadd.s32 s6, s1  }
0x58: {  	[tilespmem:s22], [sflag:$0x4] =	stream.indirect_vreg.gather [hbm4b:s10+s5], $0x80, v2, vm0, $0xb8;
	[tilespmem:$0x1A000] =	vst v63  }
0x59: {  	s29 =	simm.s32 $0x10000;
	s1 =	sadd.s32 s25, s14  }
0x5a: {  	[tilespmem:s29], [sflag:$0x8] =	stream.linear.gather [hbm4b:s1+s5], $0x2000, $0x38;
	[tilespmem:$0x1A000] =	vst v63  }
0x5b: {  	_ =	swait.ge [sflag:s23], $0x2000  }
0x5c: {  	[sflag:s23] =	ssyncset.done $0x0  }
0x5d: {  	[sflag:s23] =	ssyncadd.s32 $0xFFFFE000  }
0x5e: {  	_ =	swait.ge [sflag:s24], $0x2000  }
0x5f: {  	p0 =	seq.s32 s17, $0x0;
	[sflag:s24] =	ssyncset.done $0x0  }
0x60: {  	s1 =	simm.s32 @!p0 $0x9;
	[sflag:s24] =	ssyncadd.s32 $0xFFFFE000  }
0x61: {  	_ =	swait.ge @!p0 [sflag:s1], $0x2000  }
0x62: {  	[sflag:s1] =	ssyncset.done @!p0 $0x0  }
0x63: {  	s22 =	simm.s32 $0x2040;
	[sflag:s1] =	ssyncadd.s32 @!p0 $0xFFFFE000  }
0x64: {  	s4 =	simm.s32 $0xA040;
	v3 =	vld [tilespmem:s22+$0x30]  }
0x65: {  	v4 =	vld [tilespmem:s4+$0x30]  }
0x66: {  	v2 =	vld [tilespmem:s4+$0xFFFFFFC0]  }
0x67: {  	v5 =	vld [tilespmem:s22+$0xFFFFFFD0]  }
0x68: {  	v6 =	vld [tilespmem:s4+$0xFFFFFFD0]  }
0x69: {  	v7 =	vld [tilespmem:s22+$0xFFFFFFE0]  }
0x6a: {  	v8 =	vld [tilespmem:s4+$0xFFFFFFE0]  }
0x6b: {  	v9 =	vld [tilespmem:s22+$0xFFFFFFF0]  }
0x6c: {  	v10 =	vld [tilespmem:s4+$0xFFFFFFF0]  }
0x6d: {  	v11 =	vld [tilespmem:s22+$0x0]  }
0x6e: {  	v12 =	vld [tilespmem:s4+$0x0];
	v4 =	vadd.f32 v4, v3  }
0x6f: {  	s19 =	simm.s32 $0x12040;
	v6 =	vadd.f32 v6, v5;
	v3 =	vld [tilespmem:s22+$0x10]  }
0x70: {  	v7 =	vadd.f32 v8, v7;
	v5 =	vld [tilespmem:s4+$0x10];
	[tilespmem:s19+$0x30] =	vst v4  }
0x71: {  	v8 =	vadd.f32 v10, v9;
	[tilespmem:s19+$0xFFFFFFD0] =	vst v6;
	v4 =	vld [tilespmem:s22+$0x20]  }
0x72: {  	s16 =	sshll.u32 s17, $0x2;
	s18 =	simm.s32 $0xA0F0;
	s20 =	simm.s32 $0x0;
	[tilespmem:s19+$0xFFFFFFE0] =	vst v7;
	v6 =	vld [tilespmem:s4+$0x20]  }
0x73: {  	s21 =	simm.s32 $0x20F0;
	s1 =	simm.s32 $0x120F0;
	v7 =	vld [tilespmem:s22+$0xFFFFFFC0];
	[tilespmem:s19+$0xFFFFFFF0] =	vst v8;
	v8 =	vadd.f32 v12, v11;
	s22 =	simm.s32 $0x2440  }
.LBB2_3:
0x74: {  	v9 =	vld [tilespmem:s22+$0x30];
	s4 =	sadd.s32 $0x400, s4  }
0x75: {  	s20 =	sadd.s32 $0x8, s20;
	v10 =	vld [tilespmem:s4+$0x30];
	[tilespmem:s19+$0x0] =	vst v8;
	v3 =	vadd.f32 v5, v3  }
0x76: {  	p1 =	slt.u32 s20, $0x38;
	v5 =	vld [tilespmem:s4+$0xFFFFFFC0]  }
0x77: {  	v8 =	vld [tilespmem:s22+$0xFFFFFFD0];
	[tilespmem:s19+$0x10] =	vst v3;
	v3 =	vadd.f32 v6, v4  }
0x78: {  	v4 =	vld [tilespmem:s4+$0xFFFFFFD0];
	v11 =	vadd.f32 v2, v7  }
0x79: {  	v6 =	vld [tilespmem:s22+$0xFFFFFFE0];
	[tilespmem:s19+$0x20] =	vst v3  }
0x7a: {  	v3 =	vld [tilespmem:s4+$0xFFFFFFE0];
	v7 =	vadd.f32 v10, v9;
	[tilespmem:s19+$0xFFFFFFC0] =	vst v11  }
0x7b: {  	s19 =	sadd.s32 $0x400, s19;
	v9 =	vld [tilespmem:s22+$0xFFFFFFF0];
	v2 =	vmov v5  }
0x7c: {  	v10 =	vld [tilespmem:s4+$0xFFFFFFF0];
	[tilespmem:s19+$0x30] =	vst v7  }
0x7d: {  	v4 =	vadd.f32 v4, v8;
	v8 =	vld [tilespmem:s22+$0x0]  }
0x7e: {  	v11 =	vld [tilespmem:s4+$0x0]  }
.Ltmp0:
0x7f: {  	[tilespmem:s19+$0xFFFFFFD0] =	vst v4;
	v4 =	vadd.f32 v3, v6;
	v3 =	vld [tilespmem:s22+$0x10];
	(pc) =	sbr.rel @p1 .LBB2_3-.Ltmp0, $4  }
0x80: {  	v5 =	vld [tilespmem:s4+$0x10]  }
0x81: {  	[tilespmem:s19+$0xFFFFFFE0] =	vst v4;
	v9 =	vadd.f32 v10, v9;
	v4 =	vld [tilespmem:s22+$0x20]  }
0x82: {  	v6 =	vld [tilespmem:s4+$0x20]  }
0x83: {  	v7 =	vld [tilespmem:s22+$0xFFFFFFC0];
	[tilespmem:s19+$0xFFFFFFF0] =	vst v9;
	v8 =	vadd.f32 v11, v8;
	s22 =	sadd.s32 $0x400, s22  }
0x84: {  	_ =	sdelay $0x1  }
0x85: {  	v3 =	vadd.f32 v5, v3  }
0x86: {  	[tilespmem:s19+$0x0] =	vst v8;
	v4 =	vadd.f32 v6, v4  }
0x87: {  	[tilespmem:s19+$0x10] =	vst v3;
	v2 =	vadd.f32 v2, v7  }
0x88: {  	[tilespmem:s19+$0x20] =	vst v4  }
0x89: {  	[tilespmem:s19+$0xFFFFFFC0] =	vst v2  }
0x8a: {  	v3 =	vld [tilespmem:s21+$0x0]  }
0x8b: {  	v4 =	vld [tilespmem:s18+$0x0]  }
0x8c: {  	v2 =	vld [tilespmem:s18+$0xFFFFFF90]  }
0x8d: {  	v5 =	vld [tilespmem:s21+$0xFFFFFFA0]  }
0x8e: {  	v6 =	vld [tilespmem:s18+$0xFFFFFFA0]  }
0x8f: {  	v7 =	vld [tilespmem:s21+$0xFFFFFFB0]  }
0x90: {  	v8 =	vld [tilespmem:s18+$0xFFFFFFB0]  }
0x91: {  	v9 =	vld [tilespmem:s21+$0xFFFFFFC0]  }
0x92: {  	v10 =	vld [tilespmem:s18+$0xFFFFFFC0]  }
0x93: {  	v11 =	vld [tilespmem:s21+$0xFFFFFFD0]  }
0x94: {  	v12 =	vld [tilespmem:s18+$0xFFFFFFD0];
	v4 =	vadd.f32 v4, v3  }
0x95: {  	v6 =	vadd.f32 v6, v5;
	v3 =	vld [tilespmem:s21+$0xFFFFFFE0]  }
0x96: {  	v7 =	vadd.f32 v8, v7;
	v5 =	vld [tilespmem:s18+$0xFFFFFFE0];
	[tilespmem:s1+$0x0] =	vst v4  }
0x97: {  	v8 =	vadd.f32 v10, v9;
	[tilespmem:s1+$0xFFFFFFA0] =	vst v6;
	v4 =	vld [tilespmem:s21+$0xFFFFFFF0]  }
0x98: {  	s22 =	simm.s32 $0x0;
	s20 =	simm.s32 $0x2170;
	[tilespmem:s1+$0xFFFFFFB0] =	vst v7;
	v6 =	vld [tilespmem:s18+$0xFFFFFFF0]  }
0x99: {  	s4 =	simm.s32 $0x12170;
	s19 =	simm.s32 $0xA170;
	v7 =	vld [tilespmem:s21+$0xFFFFFF90];
	[tilespmem:s1+$0xFFFFFFC0] =	vst v8;
	v8 =	vadd.f32 v12, v11;
	s21 =	simm.s32 $0x24F0  }
.LBB2_5:
0x9a: {  	v9 =	vld [tilespmem:s21+$0x0];
	s18 =	sadd.s32 $0x400, s18  }
0x9b: {  	s22 =	sadd.s32 $0x8, s22;
	v10 =	vld [tilespmem:s18+$0x0];
	[tilespmem:s1+$0xFFFFFFD0] =	vst v8;
	v3 =	vadd.f32 v5, v3  }
0x9c: {  	p1 =	slt.u32 s22, $0x38;
	v5 =	vld [tilespmem:s18+$0xFFFFFF90]  }
0x9d: {  	v8 =	vld [tilespmem:s21+$0xFFFFFFA0];
	[tilespmem:s1+$0xFFFFFFE0] =	vst v3;
	v3 =	vadd.f32 v6, v4  }
0x9e: {  	v4 =	vld [tilespmem:s18+$0xFFFFFFA0];
	v11 =	vadd.f32 v2, v7  }
0x9f: {  	v6 =	vld [tilespmem:s21+$0xFFFFFFB0];
	[tilespmem:s1+$0xFFFFFFF0] =	vst v3  }
0xa0: {  	v3 =	vld [tilespmem:s18+$0xFFFFFFB0];
	v7 =	vadd.f32 v10, v9;
	[tilespmem:s1+$0xFFFFFF90] =	vst v11  }
0xa1: {  	s1 =	sadd.s32 $0x400, s1;
	v9 =	vld [tilespmem:s21+$0xFFFFFFC0];
	v2 =	vmov v5  }
0xa2: {  	v10 =	vld [tilespmem:s18+$0xFFFFFFC0];
	[tilespmem:s1+$0x0] =	vst v7  }
0xa3: {  	v4 =	vadd.f32 v4, v8;
	v8 =	vld [tilespmem:s21+$0xFFFFFFD0]  }
0xa4: {  	v11 =	vld [tilespmem:s18+$0xFFFFFFD0]  }
.Ltmp1:
0xa5: {  	[tilespmem:s1+$0xFFFFFFA0] =	vst v4;
	v4 =	vadd.f32 v3, v6;
	v3 =	vld [tilespmem:s21+$0xFFFFFFE0];
	(pc) =	sbr.rel @p1 .LBB2_5-.Ltmp1, $4  }
0xa6: {  	v5 =	vld [tilespmem:s18+$0xFFFFFFE0]  }
0xa7: {  	[tilespmem:s1+$0xFFFFFFB0] =	vst v4;
	v9 =	vadd.f32 v10, v9;
	v4 =	vld [tilespmem:s21+$0xFFFFFFF0]  }
0xa8: {  	v6 =	vld [tilespmem:s18+$0xFFFFFFF0]  }
0xa9: {  	v7 =	vld [tilespmem:s21+$0xFFFFFF90];
	[tilespmem:s1+$0xFFFFFFC0] =	vst v9;
	v8 =	vadd.f32 v11, v8;
	s21 =	sadd.s32 $0x400, s21  }
0xaa: {  	_ =	sdelay $0x1  }
0xab: {  	v3 =	vadd.f32 v5, v3  }
0xac: {  	[tilespmem:s1+$0xFFFFFFD0] =	vst v8;
	v4 =	vadd.f32 v6, v4  }
0xad: {  	[tilespmem:s1+$0xFFFFFFE0] =	vst v3;
	v2 =	vadd.f32 v2, v7  }
0xae: {  	[tilespmem:s1+$0xFFFFFFF0] =	vst v4  }
0xaf: {  	[tilespmem:s1+$0xFFFFFF90] =	vst v2  }
0xb0: {  	v3 =	vld [tilespmem:s20+$0x0]  }
0xb1: {  	v4 =	vld [tilespmem:s19+$0x0]  }
0xb2: {  	v2 =	vld [tilespmem:s19+$0xFFFFFF90]  }
0xb3: {  	v5 =	vld [tilespmem:s20+$0xFFFFFFA0]  }
0xb4: {  	v6 =	vld [tilespmem:s19+$0xFFFFFFA0]  }
0xb5: {  	v7 =	vld [tilespmem:s20+$0xFFFFFFB0]  }
0xb6: {  	v8 =	vld [tilespmem:s19+$0xFFFFFFB0]  }
0xb7: {  	v9 =	vld [tilespmem:s20+$0xFFFFFFC0]  }
0xb8: {  	v10 =	vld [tilespmem:s19+$0xFFFFFFC0]  }
0xb9: {  	v11 =	vld [tilespmem:s20+$0xFFFFFFD0]  }
0xba: {  	v12 =	vld [tilespmem:s19+$0xFFFFFFD0];
	v4 =	vadd.f32 v4, v3  }
0xbb: {  	v6 =	vadd.f32 v6, v5;
	v3 =	vld [tilespmem:s20+$0xFFFFFFE0]  }
0xbc: {  	v7 =	vadd.f32 v8, v7;
	v5 =	vld [tilespmem:s19+$0xFFFFFFE0];
	[tilespmem:s4+$0x0] =	vst v4  }
0xbd: {  	v8 =	vadd.f32 v10, v9;
	[tilespmem:s4+$0xFFFFFFA0] =	vst v6;
	v4 =	vld [tilespmem:s20+$0xFFFFFFF0]  }
0xbe: {  	s22 =	simm.s32 $0x0;
	s18 =	simm.s32 $0xA1F0;
	[tilespmem:s4+$0xFFFFFFB0] =	vst v7;
	v6 =	vld [tilespmem:s19+$0xFFFFFFF0]  }
0xbf: {  	s21 =	simm.s32 $0x21F0;
	s1 =	simm.s32 $0x121F0;
	v7 =	vld [tilespmem:s20+$0xFFFFFF90];
	[tilespmem:s4+$0xFFFFFFC0] =	vst v8;
	v8 =	vadd.f32 v12, v11;
	s20 =	simm.s32 $0x2570  }
.LBB2_7:
0xc0: {  	v9 =	vld [tilespmem:s20+$0x0];
	s19 =	sadd.s32 $0x400, s19  }
0xc1: {  	s22 =	sadd.s32 $0x8, s22;
	v10 =	vld [tilespmem:s19+$0x0];
	[tilespmem:s4+$0xFFFFFFD0] =	vst v8;
	v3 =	vadd.f32 v5, v3  }
0xc2: {  	p1 =	slt.u32 s22, $0x38;
	v5 =	vld [tilespmem:s19+$0xFFFFFF90]  }
0xc3: {  	v8 =	vld [tilespmem:s20+$0xFFFFFFA0];
	[tilespmem:s4+$0xFFFFFFE0] =	vst v3;
	v3 =	vadd.f32 v6, v4  }
0xc4: {  	v4 =	vld [tilespmem:s19+$0xFFFFFFA0];
	v11 =	vadd.f32 v2, v7  }
0xc5: {  	v6 =	vld [tilespmem:s20+$0xFFFFFFB0];
	[tilespmem:s4+$0xFFFFFFF0] =	vst v3  }
0xc6: {  	v3 =	vld [tilespmem:s19+$0xFFFFFFB0];
	v7 =	vadd.f32 v10, v9;
	[tilespmem:s4+$0xFFFFFF90] =	vst v11  }
0xc7: {  	s4 =	sadd.s32 $0x400, s4;
	v9 =	vld [tilespmem:s20+$0xFFFFFFC0];
	v2 =	vmov v5  }
0xc8: {  	v10 =	vld [tilespmem:s19+$0xFFFFFFC0];
	[tilespmem:s4+$0x0] =	vst v7  }
0xc9: {  	v4 =	vadd.f32 v4, v8;
	v8 =	vld [tilespmem:s20+$0xFFFFFFD0]  }
0xca: {  	v11 =	vld [tilespmem:s19+$0xFFFFFFD0]  }
.Ltmp2:
0xcb: {  	[tilespmem:s4+$0xFFFFFFA0] =	vst v4;
	v4 =	vadd.f32 v3, v6;
	v3 =	vld [tilespmem:s20+$0xFFFFFFE0];
	(pc) =	sbr.rel @p1 .LBB2_7-.Ltmp2, $4  }
0xcc: {  	v5 =	vld [tilespmem:s19+$0xFFFFFFE0]  }
0xcd: {  	[tilespmem:s4+$0xFFFFFFB0] =	vst v4;
	v9 =	vadd.f32 v10, v9;
	v4 =	vld [tilespmem:s20+$0xFFFFFFF0]  }
0xce: {  	v6 =	vld [tilespmem:s19+$0xFFFFFFF0]  }
0xcf: {  	v7 =	vld [tilespmem:s20+$0xFFFFFF90];
	[tilespmem:s4+$0xFFFFFFC0] =	vst v9;
	v8 =	vadd.f32 v11, v8;
	s20 =	sadd.s32 $0x400, s20  }
0xd0: {  	_ =	sdelay $0x1  }
0xd1: {  	v3 =	vadd.f32 v5, v3  }
0xd2: {  	[tilespmem:s4+$0xFFFFFFD0] =	vst v8;
	v4 =	vadd.f32 v6, v4  }
0xd3: {  	[tilespmem:s4+$0xFFFFFFE0] =	vst v3;
	v2 =	vadd.f32 v2, v7  }
0xd4: {  	[tilespmem:s4+$0xFFFFFFF0] =	vst v4  }
0xd5: {  	[tilespmem:s4+$0xFFFFFF90] =	vst v2  }
0xd6: {  	v3 =	vld [tilespmem:s21+$0x0]  }
0xd7: {  	v4 =	vld [tilespmem:s18+$0x0]  }
0xd8: {  	v2 =	vld [tilespmem:s18+$0xFFFFFF90]  }
0xd9: {  	v5 =	vld [tilespmem:s21+$0xFFFFFFA0]  }
0xda: {  	v6 =	vld [tilespmem:s18+$0xFFFFFFA0]  }
0xdb: {  	v7 =	vld [tilespmem:s21+$0xFFFFFFB0]  }
0xdc: {  	v8 =	vld [tilespmem:s18+$0xFFFFFFB0]  }
0xdd: {  	v9 =	vld [tilespmem:s21+$0xFFFFFFC0]  }
0xde: {  	v10 =	vld [tilespmem:s18+$0xFFFFFFC0]  }
0xdf: {  	v11 =	vld [tilespmem:s21+$0xFFFFFFD0]  }
0xe0: {  	v12 =	vld [tilespmem:s18+$0xFFFFFFD0];
	v4 =	vadd.f32 v4, v3  }
0xe1: {  	v6 =	vadd.f32 v6, v5;
	v3 =	vld [tilespmem:s21+$0xFFFFFFE0]  }
0xe2: {  	v7 =	vadd.f32 v8, v7;
	v5 =	vld [tilespmem:s18+$0xFFFFFFE0];
	[tilespmem:s1+$0x0] =	vst v4  }
0xe3: {  	v8 =	vadd.f32 v10, v9;
	[tilespmem:s1+$0xFFFFFFA0] =	vst v6;
	v4 =	vld [tilespmem:s21+$0xFFFFFFF0]  }
0xe4: {  	s22 =	simm.s32 $0x0;
	s20 =	simm.s32 $0x2270;
	[tilespmem:s1+$0xFFFFFFB0] =	vst v7;
	v6 =	vld [tilespmem:s18+$0xFFFFFFF0]  }
0xe5: {  	s19 =	simm.s32 $0xA270;
	s4 =	simm.s32 $0x12270;
	v7 =	vld [tilespmem:s21+$0xFFFFFF90];
	[tilespmem:s1+$0xFFFFFFC0] =	vst v8;
	v8 =	vadd.f32 v12, v11;
	s21 =	simm.s32 $0x25F0  }
.LBB2_9:
0xe6: {  	v9 =	vld [tilespmem:s21+$0x0];
	s18 =	sadd.s32 $0x400, s18  }
0xe7: {  	s22 =	sadd.s32 $0x8, s22;
	v10 =	vld [tilespmem:s18+$0x0];
	[tilespmem:s1+$0xFFFFFFD0] =	vst v8;
	v3 =	vadd.f32 v5, v3  }
0xe8: {  	p1 =	slt.u32 s22, $0x38;
	v5 =	vld [tilespmem:s18+$0xFFFFFF90]  }
0xe9: {  	v8 =	vld [tilespmem:s21+$0xFFFFFFA0];
	[tilespmem:s1+$0xFFFFFFE0] =	vst v3;
	v3 =	vadd.f32 v6, v4  }
0xea: {  	v4 =	vld [tilespmem:s18+$0xFFFFFFA0];
	v11 =	vadd.f32 v2, v7  }
0xeb: {  	v6 =	vld [tilespmem:s21+$0xFFFFFFB0];
	[tilespmem:s1+$0xFFFFFFF0] =	vst v3  }
0xec: {  	v3 =	vld [tilespmem:s18+$0xFFFFFFB0];
	v7 =	vadd.f32 v10, v9;
	[tilespmem:s1+$0xFFFFFF90] =	vst v11  }
0xed: {  	s1 =	sadd.s32 $0x400, s1;
	v9 =	vld [tilespmem:s21+$0xFFFFFFC0];
	v2 =	vmov v5  }
0xee: {  	v10 =	vld [tilespmem:s18+$0xFFFFFFC0];
	[tilespmem:s1+$0x0] =	vst v7  }
0xef: {  	v4 =	vadd.f32 v4, v8;
	v8 =	vld [tilespmem:s21+$0xFFFFFFD0]  }
0xf0: {  	v11 =	vld [tilespmem:s18+$0xFFFFFFD0]  }
.Ltmp3:
0xf1: {  	[tilespmem:s1+$0xFFFFFFA0] =	vst v4;
	v4 =	vadd.f32 v3, v6;
	v3 =	vld [tilespmem:s21+$0xFFFFFFE0];
	(pc) =	sbr.rel @p1 .LBB2_9-.Ltmp3, $4  }
0xf2: {  	v5 =	vld [tilespmem:s18+$0xFFFFFFE0]  }
0xf3: {  	[tilespmem:s1+$0xFFFFFFB0] =	vst v4;
	v9 =	vadd.f32 v10, v9;
	v4 =	vld [tilespmem:s21+$0xFFFFFFF0]  }
0xf4: {  	v6 =	vld [tilespmem:s18+$0xFFFFFFF0]  }
0xf5: {  	v7 =	vld [tilespmem:s21+$0xFFFFFF90];
	[tilespmem:s1+$0xFFFFFFC0] =	vst v9;
	v8 =	vadd.f32 v11, v8;
	s21 =	sadd.s32 $0x400, s21  }
0xf6: {  	_ =	sdelay $0x1  }
0xf7: {  	v3 =	vadd.f32 v5, v3  }
0xf8: {  	[tilespmem:s1+$0xFFFFFFD0] =	vst v8;
	v4 =	vadd.f32 v6, v4  }
0xf9: {  	[tilespmem:s1+$0xFFFFFFE0] =	vst v3;
	v2 =	vadd.f32 v2, v7  }
0xfa: {  	[tilespmem:s1+$0xFFFFFFF0] =	vst v4  }
0xfb: {  	[tilespmem:s1+$0xFFFFFF90] =	vst v2  }
0xfc: {  	v3 =	vld [tilespmem:s20+$0x0]  }
0xfd: {  	v4 =	vld [tilespmem:s19+$0x0]  }
0xfe: {  	v2 =	vld [tilespmem:s19+$0xFFFFFF90]  }
0xff: {  	v5 =	vld [tilespmem:s20+$0xFFFFFFA0]  }
0x100: {  	v6 =	vld [tilespmem:s19+$0xFFFFFFA0]  }
0x101: {  	v7 =	vld [tilespmem:s20+$0xFFFFFFB0]  }
0x102: {  	v8 =	vld [tilespmem:s19+$0xFFFFFFB0]  }
0x103: {  	v9 =	vld [tilespmem:s20+$0xFFFFFFC0]  }
0x104: {  	v10 =	vld [tilespmem:s19+$0xFFFFFFC0]  }
0x105: {  	v11 =	vld [tilespmem:s20+$0xFFFFFFD0]  }
0x106: {  	v12 =	vld [tilespmem:s19+$0xFFFFFFD0];
	v4 =	vadd.f32 v4, v3  }
0x107: {  	v6 =	vadd.f32 v6, v5;
	v3 =	vld [tilespmem:s20+$0xFFFFFFE0]  }
0x108: {  	v7 =	vadd.f32 v8, v7;
	v5 =	vld [tilespmem:s19+$0xFFFFFFE0];
	[tilespmem:s4+$0x0] =	vst v4  }
0x109: {  	v8 =	vadd.f32 v10, v9;
	[tilespmem:s4+$0xFFFFFFA0] =	vst v6;
	v4 =	vld [tilespmem:s20+$0xFFFFFFF0]  }
0x10a: {  	s22 =	simm.s32 $0x0;
	s18 =	simm.s32 $0xA2F0;
	[tilespmem:s4+$0xFFFFFFB0] =	vst v7;
	v6 =	vld [tilespmem:s19+$0xFFFFFFF0]  }
0x10b: {  	s21 =	simm.s32 $0x22F0;
	s1 =	simm.s32 $0x122F0;
	v7 =	vld [tilespmem:s20+$0xFFFFFF90];
	[tilespmem:s4+$0xFFFFFFC0] =	vst v8;
	v8 =	vadd.f32 v12, v11;
	s20 =	simm.s32 $0x2670  }
.LBB2_11:
0x10c: {  	v9 =	vld [tilespmem:s20+$0x0];
	s19 =	sadd.s32 $0x400, s19  }
0x10d: {  	s22 =	sadd.s32 $0x8, s22;
	v10 =	vld [tilespmem:s19+$0x0];
	[tilespmem:s4+$0xFFFFFFD0] =	vst v8;
	v3 =	vadd.f32 v5, v3  }
0x10e: {  	p1 =	slt.u32 s22, $0x38;
	v5 =	vld [tilespmem:s19+$0xFFFFFF90]  }
0x10f: {  	v8 =	vld [tilespmem:s20+$0xFFFFFFA0];
	[tilespmem:s4+$0xFFFFFFE0] =	vst v3;
	v3 =	vadd.f32 v6, v4  }
0x110: {  	v4 =	vld [tilespmem:s19+$0xFFFFFFA0];
	v11 =	vadd.f32 v2, v7  }
0x111: {  	v6 =	vld [tilespmem:s20+$0xFFFFFFB0];
	[tilespmem:s4+$0xFFFFFFF0] =	vst v3  }
0x112: {  	v3 =	vld [tilespmem:s19+$0xFFFFFFB0];
	v7 =	vadd.f32 v10, v9;
	[tilespmem:s4+$0xFFFFFF90] =	vst v11  }
0x113: {  	s4 =	sadd.s32 $0x400, s4;
	v9 =	vld [tilespmem:s20+$0xFFFFFFC0];
	v2 =	vmov v5  }
0x114: {  	v10 =	vld [tilespmem:s19+$0xFFFFFFC0];
	[tilespmem:s4+$0x0] =	vst v7  }
0x115: {  	v4 =	vadd.f32 v4, v8;
	v8 =	vld [tilespmem:s20+$0xFFFFFFD0]  }
0x116: {  	v11 =	vld [tilespmem:s19+$0xFFFFFFD0]  }
.Ltmp4:
0x117: {  	[tilespmem:s4+$0xFFFFFFA0] =	vst v4;
	v4 =	vadd.f32 v3, v6;
	v3 =	vld [tilespmem:s20+$0xFFFFFFE0];
	(pc) =	sbr.rel @p1 .LBB2_11-.Ltmp4, $4  }
0x118: {  	v5 =	vld [tilespmem:s19+$0xFFFFFFE0]  }
0x119: {  	[tilespmem:s4+$0xFFFFFFB0] =	vst v4;
	v9 =	vadd.f32 v10, v9;
	v4 =	vld [tilespmem:s20+$0xFFFFFFF0]  }
0x11a: {  	v6 =	vld [tilespmem:s19+$0xFFFFFFF0]  }
0x11b: {  	v7 =	vld [tilespmem:s20+$0xFFFFFF90];
	[tilespmem:s4+$0xFFFFFFC0] =	vst v9;
	v8 =	vadd.f32 v11, v8;
	s20 =	sadd.s32 $0x400, s20  }
0x11c: {  	_ =	sdelay $0x1  }
0x11d: {  	v3 =	vadd.f32 v5, v3  }
0x11e: {  	[tilespmem:s4+$0xFFFFFFD0] =	vst v8;
	v4 =	vadd.f32 v6, v4  }
0x11f: {  	[tilespmem:s4+$0xFFFFFFE0] =	vst v3;
	v2 =	vadd.f32 v2, v7  }
0x120: {  	[tilespmem:s4+$0xFFFFFFF0] =	vst v4  }
0x121: {  	[tilespmem:s4+$0xFFFFFF90] =	vst v2  }
0x122: {  	v3 =	vld [tilespmem:s21+$0x0]  }
0x123: {  	v4 =	vld [tilespmem:s18+$0x0]  }
0x124: {  	v2 =	vld [tilespmem:s18+$0xFFFFFF90]  }
0x125: {  	v5 =	vld [tilespmem:s21+$0xFFFFFFA0]  }
0x126: {  	v6 =	vld [tilespmem:s18+$0xFFFFFFA0]  }
0x127: {  	v7 =	vld [tilespmem:s21+$0xFFFFFFB0]  }
0x128: {  	v8 =	vld [tilespmem:s18+$0xFFFFFFB0]  }
0x129: {  	v9 =	vld [tilespmem:s21+$0xFFFFFFC0]  }
0x12a: {  	v10 =	vld [tilespmem:s18+$0xFFFFFFC0]  }
0x12b: {  	v11 =	vld [tilespmem:s21+$0xFFFFFFD0]  }
0x12c: {  	v12 =	vld [tilespmem:s18+$0xFFFFFFD0];
	v4 =	vadd.f32 v4, v3  }
0x12d: {  	v6 =	vadd.f32 v6, v5;
	v3 =	vld [tilespmem:s21+$0xFFFFFFE0]  }
0x12e: {  	v7 =	vadd.f32 v8, v7;
	v5 =	vld [tilespmem:s18+$0xFFFFFFE0];
	[tilespmem:s1+$0x0] =	vst v4  }
0x12f: {  	v8 =	vadd.f32 v10, v9;
	[tilespmem:s1+$0xFFFFFFA0] =	vst v6;
	v4 =	vld [tilespmem:s21+$0xFFFFFFF0]  }
0x130: {  	s22 =	simm.s32 $0x0;
	s20 =	simm.s32 $0x2370;
	[tilespmem:s1+$0xFFFFFFB0] =	vst v7;
	v6 =	vld [tilespmem:s18+$0xFFFFFFF0]  }
0x131: {  	s19 =	simm.s32 $0xA370;
	s4 =	simm.s32 $0x12370;
	v7 =	vld [tilespmem:s21+$0xFFFFFF90];
	[tilespmem:s1+$0xFFFFFFC0] =	vst v8;
	v8 =	vadd.f32 v12, v11;
	s21 =	simm.s32 $0x26F0  }
.LBB2_13:
0x132: {  	v9 =	vld [tilespmem:s21+$0x0];
	s18 =	sadd.s32 $0x400, s18  }
0x133: {  	s22 =	sadd.s32 $0x8, s22;
	v10 =	vld [tilespmem:s18+$0x0];
	[tilespmem:s1+$0xFFFFFFD0] =	vst v8;
	v3 =	vadd.f32 v5, v3  }
0x134: {  	p1 =	slt.u32 s22, $0x38;
	v5 =	vld [tilespmem:s18+$0xFFFFFF90]  }
0x135: {  	v8 =	vld [tilespmem:s21+$0xFFFFFFA0];
	[tilespmem:s1+$0xFFFFFFE0] =	vst v3;
	v3 =	vadd.f32 v6, v4  }
0x136: {  	v4 =	vld [tilespmem:s18+$0xFFFFFFA0];
	v11 =	vadd.f32 v2, v7  }
0x137: {  	v6 =	vld [tilespmem:s21+$0xFFFFFFB0];
	[tilespmem:s1+$0xFFFFFFF0] =	vst v3  }
0x138: {  	v3 =	vld [tilespmem:s18+$0xFFFFFFB0];
	v7 =	vadd.f32 v10, v9;
	[tilespmem:s1+$0xFFFFFF90] =	vst v11  }
0x139: {  	s1 =	sadd.s32 $0x400, s1;
	v9 =	vld [tilespmem:s21+$0xFFFFFFC0];
	v2 =	vmov v5  }
0x13a: {  	v10 =	vld [tilespmem:s18+$0xFFFFFFC0];
	[tilespmem:s1+$0x0] =	vst v7  }
0x13b: {  	v4 =	vadd.f32 v4, v8;
	v8 =	vld [tilespmem:s21+$0xFFFFFFD0]  }
0x13c: {  	v11 =	vld [tilespmem:s18+$0xFFFFFFD0]  }
.Ltmp5:
0x13d: {  	[tilespmem:s1+$0xFFFFFFA0] =	vst v4;
	v4 =	vadd.f32 v3, v6;
	v3 =	vld [tilespmem:s21+$0xFFFFFFE0];
	(pc) =	sbr.rel @p1 .LBB2_13-.Ltmp5, $4  }
0x13e: {  	v5 =	vld [tilespmem:s18+$0xFFFFFFE0]  }
0x13f: {  	[tilespmem:s1+$0xFFFFFFB0] =	vst v4;
	v9 =	vadd.f32 v10, v9;
	v4 =	vld [tilespmem:s21+$0xFFFFFFF0]  }
0x140: {  	v6 =	vld [tilespmem:s18+$0xFFFFFFF0]  }
0x141: {  	v7 =	vld [tilespmem:s21+$0xFFFFFF90];
	[tilespmem:s1+$0xFFFFFFC0] =	vst v9;
	v8 =	vadd.f32 v11, v8;
	s21 =	sadd.s32 $0x400, s21  }
0x142: {  	_ =	sdelay $0x1  }
0x143: {  	v3 =	vadd.f32 v5, v3  }
0x144: {  	[tilespmem:s1+$0xFFFFFFD0] =	vst v8;
	v4 =	vadd.f32 v6, v4  }
0x145: {  	[tilespmem:s1+$0xFFFFFFE0] =	vst v3;
	v2 =	vadd.f32 v2, v7  }
0x146: {  	[tilespmem:s1+$0xFFFFFFF0] =	vst v4  }
0x147: {  	[tilespmem:s1+$0xFFFFFF90] =	vst v2  }
0x148: {  	v3 =	vld [tilespmem:s20+$0x0]  }
0x149: {  	v4 =	vld [tilespmem:s19+$0x0]  }
0x14a: {  	v2 =	vld [tilespmem:s19+$0xFFFFFF90]  }
0x14b: {  	v5 =	vld [tilespmem:s20+$0xFFFFFFA0]  }
0x14c: {  	v6 =	vld [tilespmem:s19+$0xFFFFFFA0]  }
0x14d: {  	v7 =	vld [tilespmem:s20+$0xFFFFFFB0]  }
0x14e: {  	v8 =	vld [tilespmem:s19+$0xFFFFFFB0]  }
0x14f: {  	v9 =	vld [tilespmem:s20+$0xFFFFFFC0]  }
0x150: {  	v10 =	vld [tilespmem:s19+$0xFFFFFFC0]  }
0x151: {  	v11 =	vld [tilespmem:s20+$0xFFFFFFD0]  }
0x152: {  	v12 =	vld [tilespmem:s19+$0xFFFFFFD0];
	v4 =	vadd.f32 v4, v3  }
0x153: {  	v6 =	vadd.f32 v6, v5;
	v3 =	vld [tilespmem:s20+$0xFFFFFFE0]  }
0x154: {  	v7 =	vadd.f32 v8, v7;
	v5 =	vld [tilespmem:s19+$0xFFFFFFE0];
	[tilespmem:s4+$0x0] =	vst v4  }
0x155: {  	v8 =	vadd.f32 v10, v9;
	[tilespmem:s4+$0xFFFFFFA0] =	vst v6;
	v4 =	vld [tilespmem:s20+$0xFFFFFFF0]  }
0x156: {  	s22 =	simm.s32 $0x0;
	s18 =	simm.s32 $0xA3F0;
	[tilespmem:s4+$0xFFFFFFB0] =	vst v7;
	v6 =	vld [tilespmem:s19+$0xFFFFFFF0]  }
0x157: {  	s21 =	simm.s32 $0x23F0;
	s1 =	simm.s32 $0x123F0;
	v7 =	vld [tilespmem:s20+$0xFFFFFF90];
	[tilespmem:s4+$0xFFFFFFC0] =	vst v8;
	v8 =	vadd.f32 v12, v11;
	s20 =	simm.s32 $0x2770  }
.LBB2_15:
0x158: {  	v9 =	vld [tilespmem:s20+$0x0];
	s19 =	sadd.s32 $0x400, s19  }
0x159: {  	s22 =	sadd.s32 $0x8, s22;
	v10 =	vld [tilespmem:s19+$0x0];
	[tilespmem:s4+$0xFFFFFFD0] =	vst v8;
	v3 =	vadd.f32 v5, v3  }
0x15a: {  	p1 =	slt.u32 s22, $0x38;
	v5 =	vld [tilespmem:s19+$0xFFFFFF90]  }
0x15b: {  	v8 =	vld [tilespmem:s20+$0xFFFFFFA0];
	[tilespmem:s4+$0xFFFFFFE0] =	vst v3;
	v3 =	vadd.f32 v6, v4  }
0x15c: {  	v4 =	vld [tilespmem:s19+$0xFFFFFFA0];
	v11 =	vadd.f32 v2, v7  }
0x15d: {  	v6 =	vld [tilespmem:s20+$0xFFFFFFB0];
	[tilespmem:s4+$0xFFFFFFF0] =	vst v3  }
0x15e: {  	v3 =	vld [tilespmem:s19+$0xFFFFFFB0];
	v7 =	vadd.f32 v10, v9;
	[tilespmem:s4+$0xFFFFFF90] =	vst v11  }
0x15f: {  	s4 =	sadd.s32 $0x400, s4;
	v9 =	vld [tilespmem:s20+$0xFFFFFFC0];
	v2 =	vmov v5  }
0x160: {  	v10 =	vld [tilespmem:s19+$0xFFFFFFC0];
	[tilespmem:s4+$0x0] =	vst v7  }
0x161: {  	v4 =	vadd.f32 v4, v8;
	v8 =	vld [tilespmem:s20+$0xFFFFFFD0]  }
0x162: {  	v11 =	vld [tilespmem:s19+$0xFFFFFFD0]  }
.Ltmp6:
0x163: {  	[tilespmem:s4+$0xFFFFFFA0] =	vst v4;
	v4 =	vadd.f32 v3, v6;
	v3 =	vld [tilespmem:s20+$0xFFFFFFE0];
	(pc) =	sbr.rel @p1 .LBB2_15-.Ltmp6, $4  }
0x164: {  	v5 =	vld [tilespmem:s19+$0xFFFFFFE0]  }
0x165: {  	[tilespmem:s4+$0xFFFFFFB0] =	vst v4;
	v9 =	vadd.f32 v10, v9;
	v4 =	vld [tilespmem:s20+$0xFFFFFFF0]  }
0x166: {  	v6 =	vld [tilespmem:s19+$0xFFFFFFF0]  }
0x167: {  	v7 =	vld [tilespmem:s20+$0xFFFFFF90];
	[tilespmem:s4+$0xFFFFFFC0] =	vst v9;
	v8 =	vadd.f32 v11, v8;
	s20 =	sadd.s32 $0x400, s20  }
0x168: {  	_ =	sdelay $0x1  }
0x169: {  	v3 =	vadd.f32 v5, v3  }
0x16a: {  	[tilespmem:s4+$0xFFFFFFD0] =	vst v8;
	v4 =	vadd.f32 v6, v4  }
0x16b: {  	[tilespmem:s4+$0xFFFFFFE0] =	vst v3;
	v2 =	vadd.f32 v2, v7  }
0x16c: {  	[tilespmem:s4+$0xFFFFFFF0] =	vst v4  }
0x16d: {  	[tilespmem:s4+$0xFFFFFF90] =	vst v2  }
0x16e: {  	v3 =	vld [tilespmem:s21+$0x0]  }
0x16f: {  	v4 =	vld [tilespmem:s18+$0x0]  }
0x170: {  	v2 =	vld [tilespmem:s18+$0xFFFFFF90]  }
0x171: {  	v5 =	vld [tilespmem:s21+$0xFFFFFFA0]  }
0x172: {  	v6 =	vld [tilespmem:s18+$0xFFFFFFA0]  }
0x173: {  	v7 =	vld [tilespmem:s21+$0xFFFFFFB0]  }
0x174: {  	v8 =	vld [tilespmem:s18+$0xFFFFFFB0]  }
0x175: {  	v9 =	vld [tilespmem:s21+$0xFFFFFFC0]  }
0x176: {  	v10 =	vld [tilespmem:s18+$0xFFFFFFC0]  }
0x177: {  	v11 =	vld [tilespmem:s21+$0xFFFFFFD0]  }
0x178: {  	v12 =	vld [tilespmem:s18+$0xFFFFFFD0];
	v4 =	vadd.f32 v4, v3  }
0x179: {  	v6 =	vadd.f32 v6, v5;
	v3 =	vld [tilespmem:s21+$0xFFFFFFE0]  }
0x17a: {  	v7 =	vadd.f32 v8, v7;
	v5 =	vld [tilespmem:s18+$0xFFFFFFE0];
	[tilespmem:s1+$0x0] =	vst v4  }
0x17b: {  	v8 =	vadd.f32 v10, v9;
	[tilespmem:s1+$0xFFFFFFA0] =	vst v6;
	v4 =	vld [tilespmem:s21+$0xFFFFFFF0]  }
0x17c: {  	[tilespmem:s1+$0xFFFFFFB0] =	vst v7;
	v7 =	vld [tilespmem:s18+$0xFFFFFFF0]  }
0x17d: {  	s19 =	simm.s32 $0x27F0;
	s4 =	simm.s32 $0x0;
	v6 =	vld [tilespmem:s21+$0xFFFFFF90];
	[tilespmem:s1+$0xFFFFFFC0] =	vst v8;
	v8 =	vadd.f32 v12, v11  }
.LBB2_17:
0x17e: {  	v9 =	vld [tilespmem:s19+$0x0];
	s18 =	sadd.s32 $0x400, s18  }
0x17f: {  	s4 =	sadd.s32 $0x8, s4;
	v10 =	vld [tilespmem:s18+$0x0];
	[tilespmem:s1+$0xFFFFFFD0] =	vst v8;
	v3 =	vadd.f32 v5, v3  }
0x180: {  	p1 =	slt.u32 s4, $0x38;
	v5 =	vld [tilespmem:s18+$0xFFFFFF90]  }
0x181: {  	v8 =	vld [tilespmem:s19+$0xFFFFFFA0];
	[tilespmem:s1+$0xFFFFFFE0] =	vst v3;
	v3 =	vadd.f32 v7, v4  }
0x182: {  	v4 =	vld [tilespmem:s18+$0xFFFFFFA0];
	v11 =	vadd.f32 v2, v6  }
0x183: {  	v6 =	vld [tilespmem:s19+$0xFFFFFFB0];
	[tilespmem:s1+$0xFFFFFFF0] =	vst v3  }
0x184: {  	v3 =	vld [tilespmem:s18+$0xFFFFFFB0];
	v7 =	vadd.f32 v10, v9;
	[tilespmem:s1+$0xFFFFFF90] =	vst v11  }
0x185: {  	s1 =	sadd.s32 $0x400, s1;
	v9 =	vld [tilespmem:s19+$0xFFFFFFC0];
	v2 =	vmov v5  }
0x186: {  	v10 =	vld [tilespmem:s18+$0xFFFFFFC0];
	[tilespmem:s1+$0x0] =	vst v7  }
0x187: {  	v4 =	vadd.f32 v4, v8;
	v8 =	vld [tilespmem:s19+$0xFFFFFFD0]  }
0x188: {  	v11 =	vld [tilespmem:s18+$0xFFFFFFD0]  }
.Ltmp7:
0x189: {  	[tilespmem:s1+$0xFFFFFFA0] =	vst v4;
	v4 =	vadd.f32 v3, v6;
	v3 =	vld [tilespmem:s19+$0xFFFFFFE0];
	(pc) =	sbr.rel @p1 .LBB2_17-.Ltmp7, $4  }
0x18a: {  	v5 =	vld [tilespmem:s18+$0xFFFFFFE0]  }
0x18b: {  	[tilespmem:s1+$0xFFFFFFB0] =	vst v4;
	v9 =	vadd.f32 v10, v9;
	v4 =	vld [tilespmem:s19+$0xFFFFFFF0]  }
0x18c: {  	v7 =	vld [tilespmem:s18+$0xFFFFFFF0]  }
0x18d: {  	v6 =	vld [tilespmem:s19+$0xFFFFFF90];
	[tilespmem:s1+$0xFFFFFFC0] =	vst v9;
	v8 =	vadd.f32 v11, v8;
	s19 =	sadd.s32 $0x400, s19  }
0x18e: {  	_ =	sdelay $0x1  }
0x18f: {  	v3 =	vadd.f32 v5, v3  }
0x190: {  	[tilespmem:s1+$0xFFFFFFD0] =	vst v8;
	v4 =	vadd.f32 v7, v4  }
0x191: {  	[tilespmem:s1+$0xFFFFFFE0] =	vst v3;
	v2 =	vadd.f32 v2, v6  }
0x192: {  	s4 =	sshll.u32 s17, $0xC;
	[tilespmem:s1+$0xFFFFFFF0] =	vst v4  }
0x193: {  	s18 =	simm.s32 $0x12000;
	p1 =	seq.s32 s17, $0xF;
	[tilespmem:s1+$0xFFFFFF90] =	vst v2;
	s1 =	sadd.s32 s4, s12  }
0x194: {  	[hbm4b:s1+s5] =	stream.linear.scatter [tilespmem:s18], [sflag:$0x9], $0x2000, $0x38;
	[tilespmem:$0x1A000] =	vst v63  }
0x195: {  	s18 =	sadd.s32 @!p1 $0x4, s16  }
0x196: {  	s19 =	sshll.u32 @!p1 s18, $0x7  }
0x197: {  	s19 =	sand.u32 @!p1 $0x3FFFFF80, s19  }
0x198: {  	v2 =	vld.msk @!p1 [tilespmem:s19+$0x0], $0xff;
	_ =	sdelay $0x4  }
0x199: {  	v3 =	vshll.u32 @!p1 v2, $0x3  }
0x19a: {  	v4 =	vlaneseq.u32 @!p1;
	v2 =	vand.u32 @!p1 $0x7, v2;
	v3 =	vand.u32 @!p1 $0xFFFFFFC0, v3  }
0x19b: {  	v2 =	vor.u32 @!p1 v2, v3;
	v3 =	vand.u32 @!p1 $0x7, v4;
	v4 =	vshrl.u32 @!p1 v4, $0x3  }
0x19c: {  	v2 =	vperm.xlane @!p1 v2, v3;
	v3 =	vmul.u32 @!p1 $0x8, v4;
	_ =	sdelay $0x1  }
0x19d: {  	v2 =	vadd.s32 @!p1 v3, v2;
	_ =	sdelay $0x3  }
0x19e: {  	vm1 =	vmmov @!p1 $0xffff;
	s20 =	simm.s32 @!p1 $0x2000;
	s19 =	simm.s32 @!p1 $0x0  }
0x19f: {  	[tilespmem:s20], [sflag:$0x1] =	stream.indirect_vreg.gather @!p1 [hbm4b:s3+s19], $0x80, v2, vm1, $0xb8;
	[tilespmem:$0x1A000] =	vst v63  }
0x1a0: {  	s20 =	simm.s32 @!p1 $0x2800  }
0x1a1: {  	[tilespmem:s20], [sflag:$0x1] =	stream.indirect_vreg.gather @!p1 [hbm4b:s8+s19], $0x80, v2, vm1, $0xb8;
	[tilespmem:$0x1A000] =	vst v63  }
0x1a2: {  	s20 =	simm.s32 @!p1 $0x3000  }
0x1a3: {  	[tilespmem:s20], [sflag:$0x1] =	stream.indirect_vreg.gather @!p1 [hbm4b:s9+s19], $0x80, v2, vm1, $0xb8;
	[tilespmem:$0x1A000] =	vst v63  }
0x1a4: {  	s18 =	sshll.u32 @!p1 s18, $0xA;
	s20 =	simm.s32 @!p1 $0x3800  }
0x1a5: {  	[tilespmem:s20], [sflag:$0x1] =	stream.indirect_vreg.gather @!p1 [hbm4b:s10+s19], $0x80, v2, vm1, $0xb8;
	[tilespmem:$0x1A000] =	vst v63  }
0x1a6: {  	s18 =	sadd.s32 @!p1 s18, s11;
	s20 =	simm.s32 @!p1 $0xA000  }
0x1a7: {  	[tilespmem:s20], [sflag:$0x5] =	stream.linear.gather @!p1 [hbm4b:s18+s19], $0x2000, $0x38;
	[tilespmem:$0x1A000] =	vst v63  }
0x1a8: {  	_ =	swait.ge [sflag:s26], $0x2000  }
0x1a9: {  	[sflag:s26] =	ssyncset.done $0x0  }
0x1aa: {  	[sflag:s26] =	ssyncadd.s32 $0xFFFFE000  }
0x1ab: {  	_ =	swait.ge [sflag:s28], $0x2000  }
0x1ac: {  	[sflag:s28] =	ssyncset.done $0x0  }
0x1ad: {  	s18 =	simm.s32 @!p0 $0xA;
	[sflag:s28] =	ssyncadd.s32 $0xFFFFE000  }
0x1ae: {  	_ =	swait.ge @!p0 [sflag:s18], $0x2000  }
0x1af: {  	[sflag:s18] =	ssyncset.done @!p0 $0x0  }
0x1b0: {  	s29 =	simm.s32 $0x4070;
	[sflag:s18] =	ssyncadd.s32 @!p0 $0xFFFFE000  }
0x1b1: {  	s18 =	simm.s32 $0xC070;
	v3 =	vld [tilespmem:s29+$0x0]  }
0x1b2: {  	v4 =	vld [tilespmem:s18+$0x0]  }
0x1b3: {  	v2 =	vld [tilespmem:s18+$0xFFFFFF90]  }
0x1b4: {  	v5 =	vld [tilespmem:s29+$0xFFFFFFA0]  }
0x1b5: {  	v6 =	vld [tilespmem:s18+$0xFFFFFFA0]  }
0x1b6: {  	v7 =	vld [tilespmem:s29+$0xFFFFFFB0]  }
0x1b7: {  	v8 =	vld [tilespmem:s18+$0xFFFFFFB0]  }
0x1b8: {  	v9 =	vld [tilespmem:s29+$0xFFFFFFC0]  }
0x1b9: {  	v10 =	vld [tilespmem:s18+$0xFFFFFFC0]  }
0x1ba: {  	v11 =	vld [tilespmem:s29+$0xFFFFFFD0]  }
0x1bb: {  	v12 =	vld [tilespmem:s18+$0xFFFFFFD0];
	v4 =	vadd.f32 v4, v3  }
0x1bc: {  	s21 =	simm.s32 $0x14070;
	v6 =	vadd.f32 v6, v5;
	v3 =	vld [tilespmem:s29+$0xFFFFFFE0]  }
0x1bd: {  	v7 =	vadd.f32 v8, v7;
	v5 =	vld [tilespmem:s18+$0xFFFFFFE0];
	[tilespmem:s21+$0x0] =	vst v4  }
0x1be: {  	v8 =	vadd.f32 v10, v9;
	[tilespmem:s21+$0xFFFFFFA0] =	vst v6;
	v4 =	vld [tilespmem:s29+$0xFFFFFFF0]  }
0x1bf: {  	s25 =	simm.s32 $0x0;
	s22 =	simm.s32 $0x40F0;
	[tilespmem:s21+$0xFFFFFFB0] =	vst v7;
	v6 =	vld [tilespmem:s18+$0xFFFFFFF0]  }
0x1c0: {  	s20 =	simm.s32 $0xC0F0;
	s19 =	simm.s32 $0x140F0;
	v7 =	vld [tilespmem:s29+$0xFFFFFF90];
	[tilespmem:s21+$0xFFFFFFC0] =	vst v8;
	v8 =	vadd.f32 v12, v11;
	s29 =	simm.s32 $0x4470  }
.LBB2_19:
0x1c1: {  	v9 =	vld [tilespmem:s29+$0x0];
	s18 =	sadd.s32 $0x400, s18  }
0x1c2: {  	s25 =	sadd.s32 $0x8, s25;
	v10 =	vld [tilespmem:s18+$0x0];
	[tilespmem:s21+$0xFFFFFFD0] =	vst v8;
	v3 =	vadd.f32 v5, v3  }
0x1c3: {  	p2 =	slt.u32 s25, $0x38;
	v5 =	vld [tilespmem:s18+$0xFFFFFF90]  }
0x1c4: {  	v8 =	vld [tilespmem:s29+$0xFFFFFFA0];
	[tilespmem:s21+$0xFFFFFFE0] =	vst v3;
	v3 =	vadd.f32 v6, v4  }
0x1c5: {  	v4 =	vld [tilespmem:s18+$0xFFFFFFA0];
	v11 =	vadd.f32 v2, v7  }
0x1c6: {  	v6 =	vld [tilespmem:s29+$0xFFFFFFB0];
	[tilespmem:s21+$0xFFFFFFF0] =	vst v3  }
0x1c7: {  	v3 =	vld [tilespmem:s18+$0xFFFFFFB0];
	v7 =	vadd.f32 v10, v9;
	[tilespmem:s21+$0xFFFFFF90] =	vst v11  }
0x1c8: {  	s21 =	sadd.s32 $0x400, s21;
	v9 =	vld [tilespmem:s29+$0xFFFFFFC0];
	v2 =	vmov v5  }
0x1c9: {  	v10 =	vld [tilespmem:s18+$0xFFFFFFC0];
	[tilespmem:s21+$0x0] =	vst v7  }
0x1ca: {  	v4 =	vadd.f32 v4, v8;
	v8 =	vld [tilespmem:s29+$0xFFFFFFD0]  }
0x1cb: {  	v11 =	vld [tilespmem:s18+$0xFFFFFFD0]  }
.Ltmp8:
0x1cc: {  	[tilespmem:s21+$0xFFFFFFA0] =	vst v4;
	v4 =	vadd.f32 v3, v6;
	v3 =	vld [tilespmem:s29+$0xFFFFFFE0];
	(pc) =	sbr.rel @p2 .LBB2_19-.Ltmp8, $4  }
0x1cd: {  	v5 =	vld [tilespmem:s18+$0xFFFFFFE0]  }
0x1ce: {  	[tilespmem:s21+$0xFFFFFFB0] =	vst v4;
	v9 =	vadd.f32 v10, v9;
	v4 =	vld [tilespmem:s29+$0xFFFFFFF0]  }
0x1cf: {  	v6 =	vld [tilespmem:s18+$0xFFFFFFF0]  }
0x1d0: {  	v7 =	vld [tilespmem:s29+$0xFFFFFF90];
	[tilespmem:s21+$0xFFFFFFC0] =	vst v9;
	v8 =	vadd.f32 v11, v8;
	s29 =	sadd.s32 $0x400, s29  }
0x1d1: {  	_ =	sdelay $0x1  }
0x1d2: {  	v3 =	vadd.f32 v5, v3  }
0x1d3: {  	[tilespmem:s21+$0xFFFFFFD0] =	vst v8;
	v4 =	vadd.f32 v6, v4  }
0x1d4: {  	[tilespmem:s21+$0xFFFFFFE0] =	vst v3;
	v2 =	vadd.f32 v2, v7  }
0x1d5: {  	[tilespmem:s21+$0xFFFFFFF0] =	vst v4  }
0x1d6: {  	[tilespmem:s21+$0xFFFFFF90] =	vst v2  }
0x1d7: {  	v3 =	vld [tilespmem:s22+$0x0]  }
0x1d8: {  	v4 =	vld [tilespmem:s20+$0x0]  }
0x1d9: {  	v2 =	vld [tilespmem:s20+$0xFFFFFF90]  }
0x1da: {  	v5 =	vld [tilespmem:s22+$0xFFFFFFA0]  }
0x1db: {  	v6 =	vld [tilespmem:s20+$0xFFFFFFA0]  }
0x1dc: {  	v7 =	vld [tilespmem:s22+$0xFFFFFFB0]  }
0x1dd: {  	v8 =	vld [tilespmem:s20+$0xFFFFFFB0]  }
0x1de: {  	v9 =	vld [tilespmem:s22+$0xFFFFFFC0]  }
0x1df: {  	v10 =	vld [tilespmem:s20+$0xFFFFFFC0]  }
0x1e0: {  	v11 =	vld [tilespmem:s22+$0xFFFFFFD0]  }
0x1e1: {  	v12 =	vld [tilespmem:s20+$0xFFFFFFD0];
	v4 =	vadd.f32 v4, v3  }
0x1e2: {  	v6 =	vadd.f32 v6, v5;
	v3 =	vld [tilespmem:s22+$0xFFFFFFE0]  }
0x1e3: {  	v7 =	vadd.f32 v8, v7;
	v5 =	vld [tilespmem:s20+$0xFFFFFFE0];
	[tilespmem:s19+$0x0] =	vst v4  }
0x1e4: {  	v8 =	vadd.f32 v10, v9;
	[tilespmem:s19+$0xFFFFFFA0] =	vst v6;
	v4 =	vld [tilespmem:s22+$0xFFFFFFF0]  }
0x1e5: {  	s29 =	simm.s32 $0x0;
	s18 =	simm.s32 $0x14170;
	[tilespmem:s19+$0xFFFFFFB0] =	vst v7;
	v6 =	vld [tilespmem:s20+$0xFFFFFFF0]  }
0x1e6: {  	s25 =	simm.s32 $0x4170;
	s21 =	simm.s32 $0xC170;
	v7 =	vld [tilespmem:s22+$0xFFFFFF90];
	[tilespmem:s19+$0xFFFFFFC0] =	vst v8;
	v8 =	vadd.f32 v12, v11;
	s22 =	simm.s32 $0x44F0  }
.LBB2_21:
0x1e7: {  	v9 =	vld [tilespmem:s22+$0x0];
	s20 =	sadd.s32 $0x400, s20  }
0x1e8: {  	s29 =	sadd.s32 $0x8, s29;
	v10 =	vld [tilespmem:s20+$0x0];
	[tilespmem:s19+$0xFFFFFFD0] =	vst v8;
	v3 =	vadd.f32 v5, v3  }
0x1e9: {  	p2 =	slt.u32 s29, $0x38;
	v5 =	vld [tilespmem:s20+$0xFFFFFF90]  }
0x1ea: {  	v8 =	vld [tilespmem:s22+$0xFFFFFFA0];
	[tilespmem:s19+$0xFFFFFFE0] =	vst v3;
	v3 =	vadd.f32 v6, v4  }
0x1eb: {  	v4 =	vld [tilespmem:s20+$0xFFFFFFA0];
	v11 =	vadd.f32 v2, v7  }
0x1ec: {  	v6 =	vld [tilespmem:s22+$0xFFFFFFB0];
	[tilespmem:s19+$0xFFFFFFF0] =	vst v3  }
0x1ed: {  	v3 =	vld [tilespmem:s20+$0xFFFFFFB0];
	v7 =	vadd.f32 v10, v9;
	[tilespmem:s19+$0xFFFFFF90] =	vst v11  }
0x1ee: {  	s19 =	sadd.s32 $0x400, s19;
	v9 =	vld [tilespmem:s22+$0xFFFFFFC0];
	v2 =	vmov v5  }
0x1ef: {  	v10 =	vld [tilespmem:s20+$0xFFFFFFC0];
	[tilespmem:s19+$0x0] =	vst v7  }
0x1f0: {  	v4 =	vadd.f32 v4, v8;
	v8 =	vld [tilespmem:s22+$0xFFFFFFD0]  }
0x1f1: {  	v11 =	vld [tilespmem:s20+$0xFFFFFFD0]  }
.Ltmp9:
0x1f2: {  	[tilespmem:s19+$0xFFFFFFA0] =	vst v4;
	v4 =	vadd.f32 v3, v6;
	v3 =	vld [tilespmem:s22+$0xFFFFFFE0];
	(pc) =	sbr.rel @p2 .LBB2_21-.Ltmp9, $4  }
0x1f3: {  	v5 =	vld [tilespmem:s20+$0xFFFFFFE0]  }
0x1f4: {  	[tilespmem:s19+$0xFFFFFFB0] =	vst v4;
	v9 =	vadd.f32 v10, v9;
	v4 =	vld [tilespmem:s22+$0xFFFFFFF0]  }
0x1f5: {  	v6 =	vld [tilespmem:s20+$0xFFFFFFF0]  }
0x1f6: {  	v7 =	vld [tilespmem:s22+$0xFFFFFF90];
	[tilespmem:s19+$0xFFFFFFC0] =	vst v9;
	v8 =	vadd.f32 v11, v8;
	s22 =	sadd.s32 $0x400, s22  }
0x1f7: {  	_ =	sdelay $0x1  }
0x1f8: {  	v3 =	vadd.f32 v5, v3  }
0x1f9: {  	[tilespmem:s19+$0xFFFFFFD0] =	vst v8;
	v4 =	vadd.f32 v6, v4  }
0x1fa: {  	[tilespmem:s19+$0xFFFFFFE0] =	vst v3;
	v2 =	vadd.f32 v2, v7  }
0x1fb: {  	[tilespmem:s19+$0xFFFFFFF0] =	vst v4  }
0x1fc: {  	[tilespmem:s19+$0xFFFFFF90] =	vst v2  }
0x1fd: {  	v3 =	vld [tilespmem:s25+$0x0]  }
0x1fe: {  	v4 =	vld [tilespmem:s21+$0x0]  }
0x1ff: {  	v2 =	vld [tilespmem:s21+$0xFFFFFF90]  }
0x200: {  	v5 =	vld [tilespmem:s25+$0xFFFFFFA0]  }
0x201: {  	v6 =	vld [tilespmem:s21+$0xFFFFFFA0]  }
0x202: {  	v7 =	vld [tilespmem:s25+$0xFFFFFFB0]  }
0x203: {  	v8 =	vld [tilespmem:s21+$0xFFFFFFB0]  }
0x204: {  	v9 =	vld [tilespmem:s25+$0xFFFFFFC0]  }
0x205: {  	v10 =	vld [tilespmem:s21+$0xFFFFFFC0]  }
0x206: {  	v11 =	vld [tilespmem:s25+$0xFFFFFFD0]  }
0x207: {  	v12 =	vld [tilespmem:s21+$0xFFFFFFD0];
	v4 =	vadd.f32 v4, v3  }
0x208: {  	v6 =	vadd.f32 v6, v5;
	v3 =	vld [tilespmem:s25+$0xFFFFFFE0]  }
0x209: {  	v7 =	vadd.f32 v8, v7;
	v5 =	vld [tilespmem:s21+$0xFFFFFFE0];
	[tilespmem:s18+$0x0] =	vst v4  }
0x20a: {  	v8 =	vadd.f32 v10, v9;
	[tilespmem:s18+$0xFFFFFFA0] =	vst v6;
	v4 =	vld [tilespmem:s25+$0xFFFFFFF0]  }
0x20b: {  	s29 =	simm.s32 $0x0;
	s22 =	simm.s32 $0x41F0;
	[tilespmem:s18+$0xFFFFFFB0] =	vst v7;
	v6 =	vld [tilespmem:s21+$0xFFFFFFF0]  }
0x20c: {  	s20 =	simm.s32 $0xC1F0;
	s19 =	simm.s32 $0x141F0;
	v7 =	vld [tilespmem:s25+$0xFFFFFF90];
	[tilespmem:s18+$0xFFFFFFC0] =	vst v8;
	v8 =	vadd.f32 v12, v11;
	s25 =	simm.s32 $0x4570  }
.LBB2_23:
0x20d: {  	v9 =	vld [tilespmem:s25+$0x0];
	s21 =	sadd.s32 $0x400, s21  }
0x20e: {  	s29 =	sadd.s32 $0x8, s29;
	v10 =	vld [tilespmem:s21+$0x0];
	[tilespmem:s18+$0xFFFFFFD0] =	vst v8;
	v3 =	vadd.f32 v5, v3  }
0x20f: {  	p2 =	slt.u32 s29, $0x38;
	v5 =	vld [tilespmem:s21+$0xFFFFFF90]  }
0x210: {  	v8 =	vld [tilespmem:s25+$0xFFFFFFA0];
	[tilespmem:s18+$0xFFFFFFE0] =	vst v3;
	v3 =	vadd.f32 v6, v4  }
0x211: {  	v4 =	vld [tilespmem:s21+$0xFFFFFFA0];
	v11 =	vadd.f32 v2, v7  }
0x212: {  	v6 =	vld [tilespmem:s25+$0xFFFFFFB0];
	[tilespmem:s18+$0xFFFFFFF0] =	vst v3  }
0x213: {  	v3 =	vld [tilespmem:s21+$0xFFFFFFB0];
	v7 =	vadd.f32 v10, v9;
	[tilespmem:s18+$0xFFFFFF90] =	vst v11  }
0x214: {  	s18 =	sadd.s32 $0x400, s18;
	v9 =	vld [tilespmem:s25+$0xFFFFFFC0];
	v2 =	vmov v5  }
0x215: {  	v10 =	vld [tilespmem:s21+$0xFFFFFFC0];
	[tilespmem:s18+$0x0] =	vst v7  }
0x216: {  	v4 =	vadd.f32 v4, v8;
	v8 =	vld [tilespmem:s25+$0xFFFFFFD0]  }
0x217: {  	v11 =	vld [tilespmem:s21+$0xFFFFFFD0]  }
.Ltmp10:
0x218: {  	[tilespmem:s18+$0xFFFFFFA0] =	vst v4;
	v4 =	vadd.f32 v3, v6;
	v3 =	vld [tilespmem:s25+$0xFFFFFFE0];
	(pc) =	sbr.rel @p2 .LBB2_23-.Ltmp10, $4  }
0x219: {  	v5 =	vld [tilespmem:s21+$0xFFFFFFE0]  }
0x21a: {  	[tilespmem:s18+$0xFFFFFFB0] =	vst v4;
	v9 =	vadd.f32 v10, v9;
	v4 =	vld [tilespmem:s25+$0xFFFFFFF0]  }
0x21b: {  	v6 =	vld [tilespmem:s21+$0xFFFFFFF0]  }
0x21c: {  	v7 =	vld [tilespmem:s25+$0xFFFFFF90];
	[tilespmem:s18+$0xFFFFFFC0] =	vst v9;
	v8 =	vadd.f32 v11, v8;
	s25 =	sadd.s32 $0x400, s25  }
0x21d: {  	_ =	sdelay $0x1  }
0x21e: {  	v3 =	vadd.f32 v5, v3  }
0x21f: {  	[tilespmem:s18+$0xFFFFFFD0] =	vst v8;
	v4 =	vadd.f32 v6, v4  }
0x220: {  	[tilespmem:s18+$0xFFFFFFE0] =	vst v3;
	v2 =	vadd.f32 v2, v7  }
0x221: {  	[tilespmem:s18+$0xFFFFFFF0] =	vst v4  }
0x222: {  	[tilespmem:s18+$0xFFFFFF90] =	vst v2  }
0x223: {  	v3 =	vld [tilespmem:s22+$0x0]  }
0x224: {  	v4 =	vld [tilespmem:s20+$0x0]  }
0x225: {  	v2 =	vld [tilespmem:s20+$0xFFFFFF90]  }
0x226: {  	v5 =	vld [tilespmem:s22+$0xFFFFFFA0]  }
0x227: {  	v6 =	vld [tilespmem:s20+$0xFFFFFFA0]  }
0x228: {  	v7 =	vld [tilespmem:s22+$0xFFFFFFB0]  }
0x229: {  	v8 =	vld [tilespmem:s20+$0xFFFFFFB0]  }
0x22a: {  	v9 =	vld [tilespmem:s22+$0xFFFFFFC0]  }
0x22b: {  	v10 =	vld [tilespmem:s20+$0xFFFFFFC0]  }
0x22c: {  	v11 =	vld [tilespmem:s22+$0xFFFFFFD0]  }
0x22d: {  	v12 =	vld [tilespmem:s20+$0xFFFFFFD0];
	v4 =	vadd.f32 v4, v3  }
0x22e: {  	v6 =	vadd.f32 v6, v5;
	v3 =	vld [tilespmem:s22+$0xFFFFFFE0]  }
0x22f: {  	v7 =	vadd.f32 v8, v7;
	v5 =	vld [tilespmem:s20+$0xFFFFFFE0];
	[tilespmem:s19+$0x0] =	vst v4  }
0x230: {  	v8 =	vadd.f32 v10, v9;
	[tilespmem:s19+$0xFFFFFFA0] =	vst v6;
	v4 =	vld [tilespmem:s22+$0xFFFFFFF0]  }
0x231: {  	s29 =	simm.s32 $0x0;
	s25 =	simm.s32 $0x4270;
	[tilespmem:s19+$0xFFFFFFB0] =	vst v7;
	v6 =	vld [tilespmem:s20+$0xFFFFFFF0]  }
0x232: {  	s21 =	simm.s32 $0xC270;
	s18 =	simm.s32 $0x14270;
	v7 =	vld [tilespmem:s22+$0xFFFFFF90];
	[tilespmem:s19+$0xFFFFFFC0] =	vst v8;
	v8 =	vadd.f32 v12, v11;
	s22 =	simm.s32 $0x45F0  }
.LBB2_25:
0x233: {  	v9 =	vld [tilespmem:s22+$0x0];
	s20 =	sadd.s32 $0x400, s20  }
0x234: {  	s29 =	sadd.s32 $0x8, s29;
	v10 =	vld [tilespmem:s20+$0x0];
	[tilespmem:s19+$0xFFFFFFD0] =	vst v8;
	v3 =	vadd.f32 v5, v3  }
0x235: {  	p2 =	slt.u32 s29, $0x38;
	v5 =	vld [tilespmem:s20+$0xFFFFFF90]  }
0x236: {  	v8 =	vld [tilespmem:s22+$0xFFFFFFA0];
	[tilespmem:s19+$0xFFFFFFE0] =	vst v3;
	v3 =	vadd.f32 v6, v4  }
0x237: {  	v4 =	vld [tilespmem:s20+$0xFFFFFFA0];
	v11 =	vadd.f32 v2, v7  }
0x238: {  	v6 =	vld [tilespmem:s22+$0xFFFFFFB0];
	[tilespmem:s19+$0xFFFFFFF0] =	vst v3  }
0x239: {  	v3 =	vld [tilespmem:s20+$0xFFFFFFB0];
	v7 =	vadd.f32 v10, v9;
	[tilespmem:s19+$0xFFFFFF90] =	vst v11  }
0x23a: {  	s19 =	sadd.s32 $0x400, s19;
	v9 =	vld [tilespmem:s22+$0xFFFFFFC0];
	v2 =	vmov v5  }
0x23b: {  	v10 =	vld [tilespmem:s20+$0xFFFFFFC0];
	[tilespmem:s19+$0x0] =	vst v7  }
0x23c: {  	v4 =	vadd.f32 v4, v8;
	v8 =	vld [tilespmem:s22+$0xFFFFFFD0]  }
0x23d: {  	v11 =	vld [tilespmem:s20+$0xFFFFFFD0]  }
.Ltmp11:
0x23e: {  	[tilespmem:s19+$0xFFFFFFA0] =	vst v4;
	v4 =	vadd.f32 v3, v6;
	v3 =	vld [tilespmem:s22+$0xFFFFFFE0];
	(pc) =	sbr.rel @p2 .LBB2_25-.Ltmp11, $4  }
0x23f: {  	v5 =	vld [tilespmem:s20+$0xFFFFFFE0]  }
0x240: {  	[tilespmem:s19+$0xFFFFFFB0] =	vst v4;
	v9 =	vadd.f32 v10, v9;
	v4 =	vld [tilespmem:s22+$0xFFFFFFF0]  }
0x241: {  	v6 =	vld [tilespmem:s20+$0xFFFFFFF0]  }
0x242: {  	v7 =	vld [tilespmem:s22+$0xFFFFFF90];
	[tilespmem:s19+$0xFFFFFFC0] =	vst v9;
	v8 =	vadd.f32 v11, v8;
	s22 =	sadd.s32 $0x400, s22  }
0x243: {  	_ =	sdelay $0x1  }
0x244: {  	v3 =	vadd.f32 v5, v3  }
0x245: {  	[tilespmem:s19+$0xFFFFFFD0] =	vst v8;
	v4 =	vadd.f32 v6, v4  }
0x246: {  	[tilespmem:s19+$0xFFFFFFE0] =	vst v3;
	v2 =	vadd.f32 v2, v7  }
0x247: {  	[tilespmem:s19+$0xFFFFFFF0] =	vst v4  }
0x248: {  	[tilespmem:s19+$0xFFFFFF90] =	vst v2  }
0x249: {  	v3 =	vld [tilespmem:s25+$0x0]  }
0x24a: {  	v4 =	vld [tilespmem:s21+$0x0]  }
0x24b: {  	v2 =	vld [tilespmem:s21+$0xFFFFFF90]  }
0x24c: {  	v5 =	vld [tilespmem:s25+$0xFFFFFFA0]  }
0x24d: {  	v6 =	vld [tilespmem:s21+$0xFFFFFFA0]  }
0x24e: {  	v7 =	vld [tilespmem:s25+$0xFFFFFFB0]  }
0x24f: {  	v8 =	vld [tilespmem:s21+$0xFFFFFFB0]  }
0x250: {  	v9 =	vld [tilespmem:s25+$0xFFFFFFC0]  }
0x251: {  	v10 =	vld [tilespmem:s21+$0xFFFFFFC0]  }
0x252: {  	v11 =	vld [tilespmem:s25+$0xFFFFFFD0]  }
0x253: {  	v12 =	vld [tilespmem:s21+$0xFFFFFFD0];
	v4 =	vadd.f32 v4, v3  }
0x254: {  	v6 =	vadd.f32 v6, v5;
	v3 =	vld [tilespmem:s25+$0xFFFFFFE0]  }
0x255: {  	v7 =	vadd.f32 v8, v7;
	v5 =	vld [tilespmem:s21+$0xFFFFFFE0];
	[tilespmem:s18+$0x0] =	vst v4  }
0x256: {  	v8 =	vadd.f32 v10, v9;
	[tilespmem:s18+$0xFFFFFFA0] =	vst v6;
	v4 =	vld [tilespmem:s25+$0xFFFFFFF0]  }
0x257: {  	s29 =	simm.s32 $0x0;
	s22 =	simm.s32 $0x42F0;
	[tilespmem:s18+$0xFFFFFFB0] =	vst v7;
	v6 =	vld [tilespmem:s21+$0xFFFFFFF0]  }
0x258: {  	s20 =	simm.s32 $0xC2F0;
	s19 =	simm.s32 $0x142F0;
	v7 =	vld [tilespmem:s25+$0xFFFFFF90];
	[tilespmem:s18+$0xFFFFFFC0] =	vst v8;
	v8 =	vadd.f32 v12, v11;
	s25 =	simm.s32 $0x4670  }
.LBB2_27:
0x259: {  	v9 =	vld [tilespmem:s25+$0x0];
	s21 =	sadd.s32 $0x400, s21  }
0x25a: {  	s29 =	sadd.s32 $0x8, s29;
	v10 =	vld [tilespmem:s21+$0x0];
	[tilespmem:s18+$0xFFFFFFD0] =	vst v8;
	v3 =	vadd.f32 v5, v3  }
0x25b: {  	p2 =	slt.u32 s29, $0x38;
	v5 =	vld [tilespmem:s21+$0xFFFFFF90]  }
0x25c: {  	v8 =	vld [tilespmem:s25+$0xFFFFFFA0];
	[tilespmem:s18+$0xFFFFFFE0] =	vst v3;
	v3 =	vadd.f32 v6, v4  }
0x25d: {  	v4 =	vld [tilespmem:s21+$0xFFFFFFA0];
	v11 =	vadd.f32 v2, v7  }
0x25e: {  	v6 =	vld [tilespmem:s25+$0xFFFFFFB0];
	[tilespmem:s18+$0xFFFFFFF0] =	vst v3  }
0x25f: {  	v3 =	vld [tilespmem:s21+$0xFFFFFFB0];
	v7 =	vadd.f32 v10, v9;
	[tilespmem:s18+$0xFFFFFF90] =	vst v11  }
0x260: {  	s18 =	sadd.s32 $0x400, s18;
	v9 =	vld [tilespmem:s25+$0xFFFFFFC0];
	v2 =	vmov v5  }
0x261: {  	v10 =	vld [tilespmem:s21+$0xFFFFFFC0];
	[tilespmem:s18+$0x0] =	vst v7  }
0x262: {  	v4 =	vadd.f32 v4, v8;
	v8 =	vld [tilespmem:s25+$0xFFFFFFD0]  }
0x263: {  	v11 =	vld [tilespmem:s21+$0xFFFFFFD0]  }
.Ltmp12:
0x264: {  	[tilespmem:s18+$0xFFFFFFA0] =	vst v4;
	v4 =	vadd.f32 v3, v6;
	v3 =	vld [tilespmem:s25+$0xFFFFFFE0];
	(pc) =	sbr.rel @p2 .LBB2_27-.Ltmp12, $4  }
0x265: {  	v5 =	vld [tilespmem:s21+$0xFFFFFFE0]  }
0x266: {  	[tilespmem:s18+$0xFFFFFFB0] =	vst v4;
	v9 =	vadd.f32 v10, v9;
	v4 =	vld [tilespmem:s25+$0xFFFFFFF0]  }
0x267: {  	v6 =	vld [tilespmem:s21+$0xFFFFFFF0]  }
0x268: {  	v7 =	vld [tilespmem:s25+$0xFFFFFF90];
	[tilespmem:s18+$0xFFFFFFC0] =	vst v9;
	v8 =	vadd.f32 v11, v8;
	s25 =	sadd.s32 $0x400, s25  }
0x269: {  	_ =	sdelay $0x1  }
0x26a: {  	v3 =	vadd.f32 v5, v3  }
0x26b: {  	[tilespmem:s18+$0xFFFFFFD0] =	vst v8;
	v4 =	vadd.f32 v6, v4  }
0x26c: {  	[tilespmem:s18+$0xFFFFFFE0] =	vst v3;
	v2 =	vadd.f32 v2, v7  }
0x26d: {  	[tilespmem:s18+$0xFFFFFFF0] =	vst v4  }
0x26e: {  	[tilespmem:s18+$0xFFFFFF90] =	vst v2  }
0x26f: {  	v3 =	vld [tilespmem:s22+$0x0]  }
0x270: {  	v4 =	vld [tilespmem:s20+$0x0]  }
0x271: {  	v2 =	vld [tilespmem:s20+$0xFFFFFF90]  }
0x272: {  	v5 =	vld [tilespmem:s22+$0xFFFFFFA0]  }
0x273: {  	v6 =	vld [tilespmem:s20+$0xFFFFFFA0]  }
0x274: {  	v7 =	vld [tilespmem:s22+$0xFFFFFFB0]  }
0x275: {  	v8 =	vld [tilespmem:s20+$0xFFFFFFB0]  }
0x276: {  	v9 =	vld [tilespmem:s22+$0xFFFFFFC0]  }
0x277: {  	v10 =	vld [tilespmem:s20+$0xFFFFFFC0]  }
0x278: {  	v11 =	vld [tilespmem:s22+$0xFFFFFFD0]  }
0x279: {  	v12 =	vld [tilespmem:s20+$0xFFFFFFD0];
	v4 =	vadd.f32 v4, v3  }
0x27a: {  	v6 =	vadd.f32 v6, v5;
	v3 =	vld [tilespmem:s22+$0xFFFFFFE0]  }
0x27b: {  	v7 =	vadd.f32 v8, v7;
	v5 =	vld [tilespmem:s20+$0xFFFFFFE0];
	[tilespmem:s19+$0x0] =	vst v4  }
0x27c: {  	v8 =	vadd.f32 v10, v9;
	[tilespmem:s19+$0xFFFFFFA0] =	vst v6;
	v4 =	vld [tilespmem:s22+$0xFFFFFFF0]  }
0x27d: {  	s29 =	simm.s32 $0x0;
	s25 =	simm.s32 $0x4370;
	[tilespmem:s19+$0xFFFFFFB0] =	vst v7;
	v6 =	vld [tilespmem:s20+$0xFFFFFFF0]  }
0x27e: {  	s21 =	simm.s32 $0xC370;
	s18 =	simm.s32 $0x14370;
	v7 =	vld [tilespmem:s22+$0xFFFFFF90];
	[tilespmem:s19+$0xFFFFFFC0] =	vst v8;
	v8 =	vadd.f32 v12, v11;
	s22 =	simm.s32 $0x46F0  }
.LBB2_29:
0x27f: {  	v9 =	vld [tilespmem:s22+$0x0];
	s20 =	sadd.s32 $0x400, s20  }
0x280: {  	s29 =	sadd.s32 $0x8, s29;
	v10 =	vld [tilespmem:s20+$0x0];
	[tilespmem:s19+$0xFFFFFFD0] =	vst v8;
	v3 =	vadd.f32 v5, v3  }
0x281: {  	p2 =	slt.u32 s29, $0x38;
	v5 =	vld [tilespmem:s20+$0xFFFFFF90]  }
0x282: {  	v8 =	vld [tilespmem:s22+$0xFFFFFFA0];
	[tilespmem:s19+$0xFFFFFFE0] =	vst v3;
	v3 =	vadd.f32 v6, v4  }
0x283: {  	v4 =	vld [tilespmem:s20+$0xFFFFFFA0];
	v11 =	vadd.f32 v2, v7  }
0x284: {  	v6 =	vld [tilespmem:s22+$0xFFFFFFB0];
	[tilespmem:s19+$0xFFFFFFF0] =	vst v3  }
0x285: {  	v3 =	vld [tilespmem:s20+$0xFFFFFFB0];
	v7 =	vadd.f32 v10, v9;
	[tilespmem:s19+$0xFFFFFF90] =	vst v11  }
0x286: {  	s19 =	sadd.s32 $0x400, s19;
	v9 =	vld [tilespmem:s22+$0xFFFFFFC0];
	v2 =	vmov v5  }
0x287: {  	v10 =	vld [tilespmem:s20+$0xFFFFFFC0];
	[tilespmem:s19+$0x0] =	vst v7  }
0x288: {  	v4 =	vadd.f32 v4, v8;
	v8 =	vld [tilespmem:s22+$0xFFFFFFD0]  }
0x289: {  	v11 =	vld [tilespmem:s20+$0xFFFFFFD0]  }
.Ltmp13:
0x28a: {  	[tilespmem:s19+$0xFFFFFFA0] =	vst v4;
	v4 =	vadd.f32 v3, v6;
	v3 =	vld [tilespmem:s22+$0xFFFFFFE0];
	(pc) =	sbr.rel @p2 .LBB2_29-.Ltmp13, $4  }
0x28b: {  	v5 =	vld [tilespmem:s20+$0xFFFFFFE0]  }
0x28c: {  	[tilespmem:s19+$0xFFFFFFB0] =	vst v4;
	v9 =	vadd.f32 v10, v9;
	v4 =	vld [tilespmem:s22+$0xFFFFFFF0]  }
0x28d: {  	v6 =	vld [tilespmem:s20+$0xFFFFFFF0]  }
0x28e: {  	v7 =	vld [tilespmem:s22+$0xFFFFFF90];
	[tilespmem:s19+$0xFFFFFFC0] =	vst v9;
	v8 =	vadd.f32 v11, v8;
	s22 =	sadd.s32 $0x400, s22  }
0x28f: {  	_ =	sdelay $0x1  }
0x290: {  	v3 =	vadd.f32 v5, v3  }
0x291: {  	[tilespmem:s19+$0xFFFFFFD0] =	vst v8;
	v4 =	vadd.f32 v6, v4  }
0x292: {  	[tilespmem:s19+$0xFFFFFFE0] =	vst v3;
	v2 =	vadd.f32 v2, v7  }
0x293: {  	[tilespmem:s19+$0xFFFFFFF0] =	vst v4  }
0x294: {  	[tilespmem:s19+$0xFFFFFF90] =	vst v2  }
0x295: {  	v3 =	vld [tilespmem:s25+$0x0]  }
0x296: {  	v4 =	vld [tilespmem:s21+$0x0]  }
0x297: {  	v2 =	vld [tilespmem:s21+$0xFFFFFF90]  }
0x298: {  	v5 =	vld [tilespmem:s25+$0xFFFFFFA0]  }
0x299: {  	v6 =	vld [tilespmem:s21+$0xFFFFFFA0]  }
0x29a: {  	v7 =	vld [tilespmem:s25+$0xFFFFFFB0]  }
0x29b: {  	v8 =	vld [tilespmem:s21+$0xFFFFFFB0]  }
0x29c: {  	v9 =	vld [tilespmem:s25+$0xFFFFFFC0]  }
0x29d: {  	v10 =	vld [tilespmem:s21+$0xFFFFFFC0]  }
0x29e: {  	v11 =	vld [tilespmem:s25+$0xFFFFFFD0]  }
0x29f: {  	v12 =	vld [tilespmem:s21+$0xFFFFFFD0];
	v4 =	vadd.f32 v4, v3  }
0x2a0: {  	v6 =	vadd.f32 v6, v5;
	v3 =	vld [tilespmem:s25+$0xFFFFFFE0]  }
0x2a1: {  	v7 =	vadd.f32 v8, v7;
	v5 =	vld [tilespmem:s21+$0xFFFFFFE0];
	[tilespmem:s18+$0x0] =	vst v4  }
0x2a2: {  	v8 =	vadd.f32 v10, v9;
	[tilespmem:s18+$0xFFFFFFA0] =	vst v6;
	v4 =	vld [tilespmem:s25+$0xFFFFFFF0]  }
0x2a3: {  	s29 =	simm.s32 $0x0;
	s22 =	simm.s32 $0x43F0;
	[tilespmem:s18+$0xFFFFFFB0] =	vst v7;
	v6 =	vld [tilespmem:s21+$0xFFFFFFF0]  }
0x2a4: {  	s20 =	simm.s32 $0xC3F0;
	s19 =	simm.s32 $0x143F0;
	v7 =	vld [tilespmem:s25+$0xFFFFFF90];
	[tilespmem:s18+$0xFFFFFFC0] =	vst v8;
	v8 =	vadd.f32 v12, v11;
	s25 =	simm.s32 $0x4770  }
.LBB2_31:
0x2a5: {  	v9 =	vld [tilespmem:s25+$0x0];
	s21 =	sadd.s32 $0x400, s21  }
0x2a6: {  	s29 =	sadd.s32 $0x8, s29;
	v10 =	vld [tilespmem:s21+$0x0];
	[tilespmem:s18+$0xFFFFFFD0] =	vst v8;
	v3 =	vadd.f32 v5, v3  }
0x2a7: {  	p2 =	slt.u32 s29, $0x38;
	v5 =	vld [tilespmem:s21+$0xFFFFFF90]  }
0x2a8: {  	v8 =	vld [tilespmem:s25+$0xFFFFFFA0];
	[tilespmem:s18+$0xFFFFFFE0] =	vst v3;
	v3 =	vadd.f32 v6, v4  }
0x2a9: {  	v4 =	vld [tilespmem:s21+$0xFFFFFFA0];
	v11 =	vadd.f32 v2, v7  }
0x2aa: {  	v6 =	vld [tilespmem:s25+$0xFFFFFFB0];
	[tilespmem:s18+$0xFFFFFFF0] =	vst v3  }
0x2ab: {  	v3 =	vld [tilespmem:s21+$0xFFFFFFB0];
	v7 =	vadd.f32 v10, v9;
	[tilespmem:s18+$0xFFFFFF90] =	vst v11  }
0x2ac: {  	s18 =	sadd.s32 $0x400, s18;
	v9 =	vld [tilespmem:s25+$0xFFFFFFC0];
	v2 =	vmov v5  }
0x2ad: {  	v10 =	vld [tilespmem:s21+$0xFFFFFFC0];
	[tilespmem:s18+$0x0] =	vst v7  }
0x2ae: {  	v4 =	vadd.f32 v4, v8;
	v8 =	vld [tilespmem:s25+$0xFFFFFFD0]  }
0x2af: {  	v11 =	vld [tilespmem:s21+$0xFFFFFFD0]  }
.Ltmp14:
0x2b0: {  	[tilespmem:s18+$0xFFFFFFA0] =	vst v4;
	v4 =	vadd.f32 v3, v6;
	v3 =	vld [tilespmem:s25+$0xFFFFFFE0];
	(pc) =	sbr.rel @p2 .LBB2_31-.Ltmp14, $4  }
0x2b1: {  	v5 =	vld [tilespmem:s21+$0xFFFFFFE0]  }
0x2b2: {  	[tilespmem:s18+$0xFFFFFFB0] =	vst v4;
	v9 =	vadd.f32 v10, v9;
	v4 =	vld [tilespmem:s25+$0xFFFFFFF0]  }
0x2b3: {  	v6 =	vld [tilespmem:s21+$0xFFFFFFF0]  }
0x2b4: {  	v7 =	vld [tilespmem:s25+$0xFFFFFF90];
	[tilespmem:s18+$0xFFFFFFC0] =	vst v9;
	v8 =	vadd.f32 v11, v8;
	s25 =	sadd.s32 $0x400, s25  }
0x2b5: {  	_ =	sdelay $0x1  }
0x2b6: {  	v3 =	vadd.f32 v5, v3  }
0x2b7: {  	[tilespmem:s18+$0xFFFFFFD0] =	vst v8;
	v4 =	vadd.f32 v6, v4  }
0x2b8: {  	[tilespmem:s18+$0xFFFFFFE0] =	vst v3;
	v2 =	vadd.f32 v2, v7  }
0x2b9: {  	[tilespmem:s18+$0xFFFFFFF0] =	vst v4  }
0x2ba: {  	[tilespmem:s18+$0xFFFFFF90] =	vst v2  }
0x2bb: {  	v3 =	vld [tilespmem:s22+$0x0]  }
0x2bc: {  	v4 =	vld [tilespmem:s20+$0x0]  }
0x2bd: {  	v2 =	vld [tilespmem:s20+$0xFFFFFF90]  }
0x2be: {  	v5 =	vld [tilespmem:s22+$0xFFFFFFA0]  }
0x2bf: {  	v6 =	vld [tilespmem:s20+$0xFFFFFFA0]  }
0x2c0: {  	v7 =	vld [tilespmem:s22+$0xFFFFFFB0]  }
0x2c1: {  	v8 =	vld [tilespmem:s20+$0xFFFFFFB0]  }
0x2c2: {  	v9 =	vld [tilespmem:s22+$0xFFFFFFC0]  }
0x2c3: {  	v10 =	vld [tilespmem:s20+$0xFFFFFFC0]  }
0x2c4: {  	v11 =	vld [tilespmem:s22+$0xFFFFFFD0]  }
0x2c5: {  	v12 =	vld [tilespmem:s20+$0xFFFFFFD0];
	v4 =	vadd.f32 v4, v3  }
0x2c6: {  	v6 =	vadd.f32 v6, v5;
	v3 =	vld [tilespmem:s22+$0xFFFFFFE0]  }
0x2c7: {  	v7 =	vadd.f32 v8, v7;
	v5 =	vld [tilespmem:s20+$0xFFFFFFE0];
	[tilespmem:s19+$0x0] =	vst v4  }
0x2c8: {  	v8 =	vadd.f32 v10, v9;
	[tilespmem:s19+$0xFFFFFFA0] =	vst v6;
	v4 =	vld [tilespmem:s22+$0xFFFFFFF0]  }
0x2c9: {  	[tilespmem:s19+$0xFFFFFFB0] =	vst v7;
	v7 =	vld [tilespmem:s20+$0xFFFFFFF0]  }
0x2ca: {  	s21 =	simm.s32 $0x47F0;
	s18 =	simm.s32 $0x0;
	v6 =	vld [tilespmem:s22+$0xFFFFFF90];
	[tilespmem:s19+$0xFFFFFFC0] =	vst v8;
	v8 =	vadd.f32 v12, v11  }
.LBB2_33:
0x2cb: {  	v9 =	vld [tilespmem:s21+$0x0];
	s20 =	sadd.s32 $0x400, s20  }
0x2cc: {  	s18 =	sadd.s32 $0x8, s18;
	v10 =	vld [tilespmem:s20+$0x0];
	[tilespmem:s19+$0xFFFFFFD0] =	vst v8;
	v3 =	vadd.f32 v5, v3  }
0x2cd: {  	p2 =	slt.u32 s18, $0x38;
	v5 =	vld [tilespmem:s20+$0xFFFFFF90]  }
0x2ce: {  	v8 =	vld [tilespmem:s21+$0xFFFFFFA0];
	[tilespmem:s19+$0xFFFFFFE0] =	vst v3;
	v3 =	vadd.f32 v7, v4  }
0x2cf: {  	v4 =	vld [tilespmem:s20+$0xFFFFFFA0];
	v11 =	vadd.f32 v2, v6  }
0x2d0: {  	v6 =	vld [tilespmem:s21+$0xFFFFFFB0];
	[tilespmem:s19+$0xFFFFFFF0] =	vst v3  }
0x2d1: {  	v3 =	vld [tilespmem:s20+$0xFFFFFFB0];
	v7 =	vadd.f32 v10, v9;
	[tilespmem:s19+$0xFFFFFF90] =	vst v11  }
0x2d2: {  	s19 =	sadd.s32 $0x400, s19;
	v9 =	vld [tilespmem:s21+$0xFFFFFFC0];
	v2 =	vmov v5  }
0x2d3: {  	v10 =	vld [tilespmem:s20+$0xFFFFFFC0];
	[tilespmem:s19+$0x0] =	vst v7  }
0x2d4: {  	v4 =	vadd.f32 v4, v8;
	v8 =	vld [tilespmem:s21+$0xFFFFFFD0]  }
0x2d5: {  	v11 =	vld [tilespmem:s20+$0xFFFFFFD0]  }
.Ltmp15:
0x2d6: {  	[tilespmem:s19+$0xFFFFFFA0] =	vst v4;
	v4 =	vadd.f32 v3, v6;
	v3 =	vld [tilespmem:s21+$0xFFFFFFE0];
	(pc) =	sbr.rel @p2 .LBB2_33-.Ltmp15, $4  }
0x2d7: {  	v5 =	vld [tilespmem:s20+$0xFFFFFFE0]  }
0x2d8: {  	[tilespmem:s19+$0xFFFFFFB0] =	vst v4;
	v9 =	vadd.f32 v10, v9;
	v4 =	vld [tilespmem:s21+$0xFFFFFFF0]  }
0x2d9: {  	v7 =	vld [tilespmem:s20+$0xFFFFFFF0]  }
0x2da: {  	v6 =	vld [tilespmem:s21+$0xFFFFFF90];
	[tilespmem:s19+$0xFFFFFFC0] =	vst v9;
	v8 =	vadd.f32 v11, v8;
	s21 =	sadd.s32 $0x400, s21  }
0x2db: {  	_ =	sdelay $0x1  }
0x2dc: {  	v3 =	vadd.f32 v5, v3  }
0x2dd: {  	[tilespmem:s19+$0xFFFFFFD0] =	vst v8;
	v4 =	vadd.f32 v7, v4  }
0x2de: {  	[tilespmem:s19+$0xFFFFFFE0] =	vst v3;
	v2 =	vadd.f32 v2, v6  }
0x2df: {  	[tilespmem:s19+$0xFFFFFFF0] =	vst v4  }
0x2e0: {  	s4 =	sadd.s32 s4, s15;
	s18 =	simm.s32 $0x14000;
	[tilespmem:s19+$0xFFFFFF90] =	vst v2  }
0x2e1: {  	[hbm4b:s4+s5] =	stream.linear.scatter [tilespmem:s18], [sflag:$0xA], $0x2000, $0x38;
	[tilespmem:$0x1A000] =	vst v63  }
0x2e2: {  	s4 =	sadd.s32 @!p1 $0x5, s16  }
0x2e3: {  	s18 =	sshll.u32 @!p1 s4, $0x7  }
0x2e4: {  	s18 =	sand.u32 @!p1 $0x3FFFFF80, s18  }
0x2e5: {  	v2 =	vld.msk @!p1 [tilespmem:s18+$0x0], $0xff;
	_ =	sdelay $0x4  }
0x2e6: {  	v3 =	vshll.u32 @!p1 v2, $0x3  }
0x2e7: {  	v4 =	vlaneseq.u32 @!p1;
	v2 =	vand.u32 @!p1 $0x7, v2;
	v3 =	vand.u32 @!p1 $0xFFFFFFC0, v3  }
0x2e8: {  	v2 =	vor.u32 @!p1 v2, v3;
	v3 =	vand.u32 @!p1 $0x7, v4;
	v4 =	vshrl.u32 @!p1 v4, $0x3  }
0x2e9: {  	v2 =	vperm.xlane @!p1 v2, v3;
	v3 =	vmul.u32 @!p1 $0x8, v4;
	_ =	sdelay $0x1  }
0x2ea: {  	v2 =	vadd.s32 @!p1 v3, v2;
	_ =	sdelay $0x3  }
0x2eb: {  	s19 =	simm.s32 @!p1 $0x4000;
	s18 =	simm.s32 @!p1 $0x0  }
0x2ec: {  	[tilespmem:s19], [sflag:$0x2] =	stream.indirect_vreg.gather @!p1 [hbm4b:s3+s18], $0x80, v2, vm1, $0xb8;
	[tilespmem:$0x1A000] =	vst v63  }
0x2ed: {  	s19 =	simm.s32 @!p1 $0x4800  }
0x2ee: {  	[tilespmem:s19], [sflag:$0x2] =	stream.indirect_vreg.gather @!p1 [hbm4b:s8+s18], $0x80, v2, vm1, $0xb8;
	[tilespmem:$0x1A000] =	vst v63  }
0x2ef: {  	s19 =	simm.s32 @!p1 $0x5000  }
0x2f0: {  	[tilespmem:s19], [sflag:$0x2] =	stream.indirect_vreg.gather @!p1 [hbm4b:s9+s18], $0x80, v2, vm1, $0xb8;
	[tilespmem:$0x1A000] =	vst v63  }
0x2f1: {  	s4 =	sshll.u32 @!p1 s4, $0xA;
	s19 =	simm.s32 @!p1 $0x5800  }
0x2f2: {  	[tilespmem:s19], [sflag:$0x2] =	stream.indirect_vreg.gather @!p1 [hbm4b:s10+s18], $0x80, v2, vm1, $0xb8;
	[tilespmem:$0x1A000] =	vst v63  }
0x2f3: {  	s4 =	sadd.s32 @!p1 s4, s11;
	s19 =	simm.s32 @!p1 $0xC000  }
0x2f4: {  	[tilespmem:s19], [sflag:$0x6] =	stream.linear.gather @!p1 [hbm4b:s4+s18], $0x2000, $0x38;
	[tilespmem:$0x1A000] =	vst v63  }
0x2f5: {  	_ =	swait.ge [sflag:s30], $0x2000  }
0x2f6: {  	[sflag:s30] =	ssyncset.done $0x0  }
0x2f7: {  	[sflag:s30] =	ssyncadd.s32 $0xFFFFE000  }
0x2f8: {  	_ =	swait.ge [sflag:s31], $0x2000  }
0x2f9: {  	[sflag:s31] =	ssyncset.done $0x0  }
0x2fa: {  	s4 =	simm.s32 @!p0 $0xB;
	[sflag:s31] =	ssyncadd.s32 $0xFFFFE000  }
0x2fb: {  	_ =	swait.ge @!p0 [sflag:s4], $0x2000  }
0x2fc: {  	[sflag:s4] =	ssyncset.done @!p0 $0x0  }
0x2fd: {  	[sflag:s4] =	ssyncadd.s32 @!p0 $0xFFFFE000;
	s4 =	simm.s32 $0x0  }
0x2fe: {  	v2 =	vld [tilespmem:s4+$0x6070]  }
0x2ff: {  	v3 =	vld [tilespmem:s4+$0xE070]  }
0x300: {  	v4 =	vld [tilespmem:s4+$0x6000]  }
0x301: {  	v5 =	vld [tilespmem:s4+$0xE000]  }
0x302: {  	v6 =	vld [tilespmem:s4+$0x6010]  }
0x303: {  	v7 =	vld [tilespmem:s4+$0xE010]  }
0x304: {  	v8 =	vld [tilespmem:s4+$0x6020]  }
0x305: {  	v9 =	vld [tilespmem:s4+$0xE020]  }
0x306: {  	v10 =	vld [tilespmem:s4+$0x6030]  }
0x307: {  	v11 =	vld [tilespmem:s4+$0xE030];
	v3 =	vadd.f32 v3, v2  }
0x308: {  	v5 =	vadd.f32 v5, v4;
	v2 =	vld [tilespmem:s4+$0x6040]  }
0x309: {  	v6 =	vadd.f32 v7, v6;
	v4 =	vld [tilespmem:s4+$0xE040];
	[tilespmem:s4+$0x16070] =	vst v3  }
0x30a: {  	v7 =	vadd.f32 v9, v8;
	[tilespmem:s4+$0x16000] =	vst v5;
	v3 =	vld [tilespmem:s4+$0x6050]  }
0x30b: {  	[tilespmem:s4+$0x16010] =	vst v6;
	v5 =	vld [tilespmem:s4+$0xE050]  }
0x30c: {  	s20 =	simm.s32 $0x1000;
	s19 =	simm.s32 $0x0;
	s18 =	simm.s32 $0x0;
	[tilespmem:s4+$0x16020] =	vst v7;
	v7 =	vadd.f32 v11, v10;
	v6 =	vld [tilespmem:s4+$0x6060]  }
.LBB2_35:
0x30d: {  	s21 =	sshra.s32 s20, $0x2;
	v8 =	vld [tilespmem:s18+$0xE060]  }
0x30e: {  	s19 =	sadd.s32 $0x8, s19;
	v9 =	vld [tilespmem:s21+$0x6070];
	[tilespmem:s18+$0x16030] =	vst v7;
	v2 =	vadd.f32 v4, v2  }
0x30f: {  	p2 =	slt.u32 s19, $0x38;
	v4 =	vld [tilespmem:s21+$0xE070]  }
0x310: {  	v7 =	vld [tilespmem:s21+$0x6000];
	[tilespmem:s18+$0x16040] =	vst v2;
	v2 =	vadd.f32 v5, v3  }
0x311: {  	v3 =	vld [tilespmem:s21+$0xE000]  }
0x312: {  	v5 =	vld [tilespmem:s21+$0x6010];
	[tilespmem:s18+$0x16050] =	vst v2;
	v2 =	vadd.f32 v8, v6  }
0x313: {  	v6 =	vld [tilespmem:s21+$0xE010]  }
0x314: {  	v8 =	vld [tilespmem:s21+$0x6020];
	v4 =	vadd.f32 v4, v9;
	[tilespmem:s18+$0x16060] =	vst v2;
	s18 =	smov.u32 s21  }
0x315: {  	v9 =	vld [tilespmem:s18+$0xE020]  }
0x316: {  	v2 =	vadd.f32 v3, v7;
	v7 =	vld [tilespmem:s18+$0x6030];
	[tilespmem:s18+$0x16070] =	vst v4  }
0x317: {  	v10 =	vld [tilespmem:s18+$0xE030]  }
.Ltmp16:
0x318: {  	[tilespmem:s18+$0x16000] =	vst v2;
	v3 =	vadd.f32 v6, v5;
	v2 =	vld [tilespmem:s18+$0x6040];
	(pc) =	sbr.rel @p2 .LBB2_35-.Ltmp16, $4  }
0x319: {  	v4 =	vld [tilespmem:s18+$0xE040]  }
0x31a: {  	[tilespmem:s18+$0x16010] =	vst v3;
	v6 =	vadd.f32 v9, v8;
	v3 =	vld [tilespmem:s18+$0x6050]  }
0x31b: {  	v5 =	vld [tilespmem:s18+$0xE050]  }
0x31c: {  	s20 =	sadd.s32 $0x1000, s20;
	[tilespmem:s18+$0x16020] =	vst v6;
	v7 =	vadd.f32 v10, v7;
	v6 =	vld [tilespmem:s18+$0x6060]  }
0x31d: {  	v8 =	vld [tilespmem:s18+$0xE060];
	_ =	sdelay $0x2  }
0x31e: {  	v2 =	vadd.f32 v4, v2  }
0x31f: {  	[tilespmem:s18+$0x16030] =	vst v7;
	v3 =	vadd.f32 v5, v3  }
0x320: {  	[tilespmem:s18+$0x16040] =	vst v2;
	v2 =	vadd.f32 v8, v6  }
0x321: {  	[tilespmem:s18+$0x16050] =	vst v3  }
0x322: {  	[tilespmem:s18+$0x16060] =	vst v2  }
0x323: {  	v2 =	vld [tilespmem:s4+$0x60F0]  }
0x324: {  	v3 =	vld [tilespmem:s4+$0xE0F0]  }
0x325: {  	v4 =	vld [tilespmem:s4+$0x6080]  }
0x326: {  	v5 =	vld [tilespmem:s4+$0xE080]  }
0x327: {  	v6 =	vld [tilespmem:s4+$0x6090]  }
0x328: {  	v7 =	vld [tilespmem:s4+$0xE090]  }
0x329: {  	v8 =	vld [tilespmem:s4+$0x60A0]  }
0x32a: {  	v9 =	vld [tilespmem:s4+$0xE0A0]  }
0x32b: {  	v10 =	vld [tilespmem:s4+$0x60B0]  }
0x32c: {  	v11 =	vld [tilespmem:s4+$0xE0B0];
	v3 =	vadd.f32 v3, v2  }
0x32d: {  	v5 =	vadd.f32 v5, v4;
	v2 =	vld [tilespmem:s4+$0x60C0]  }
0x32e: {  	v6 =	vadd.f32 v7, v6;
	v4 =	vld [tilespmem:s4+$0xE0C0];
	[tilespmem:s4+$0x160F0] =	vst v3  }
0x32f: {  	v7 =	vadd.f32 v9, v8;
	[tilespmem:s4+$0x16080] =	vst v5;
	v3 =	vld [tilespmem:s4+$0x60D0]  }
0x330: {  	[tilespmem:s4+$0x16090] =	vst v6;
	v5 =	vld [tilespmem:s4+$0xE0D0]  }
0x331: {  	s19 =	simm.s32 $0x1000;
	s18 =	simm.s32 $0x0;
	[tilespmem:s4+$0x160A0] =	vst v7;
	v7 =	vadd.f32 v11, v10;
	v6 =	vld [tilespmem:s4+$0x60E0]  }
.LBB2_37:
0x332: {  	s20 =	sshra.s32 s19, $0x2;
	v8 =	vld [tilespmem:s4+$0xE0E0]  }
0x333: {  	s18 =	sadd.s32 $0x8, s18;
	v9 =	vld [tilespmem:s20+$0x60F0];
	[tilespmem:s4+$0x160B0] =	vst v7;
	v2 =	vadd.f32 v4, v2  }
0x334: {  	p2 =	slt.u32 s18, $0x38;
	v4 =	vld [tilespmem:s20+$0xE0F0]  }
0x335: {  	v7 =	vld [tilespmem:s20+$0x6080];
	[tilespmem:s4+$0x160C0] =	vst v2;
	v2 =	vadd.f32 v5, v3  }
0x336: {  	v3 =	vld [tilespmem:s20+$0xE080]  }
0x337: {  	v5 =	vld [tilespmem:s20+$0x6090];
	[tilespmem:s4+$0x160D0] =	vst v2;
	v2 =	vadd.f32 v8, v6  }
0x338: {  	v6 =	vld [tilespmem:s20+$0xE090]  }
0x339: {  	v8 =	vld [tilespmem:s20+$0x60A0];
	v4 =	vadd.f32 v4, v9;
	[tilespmem:s4+$0x160E0] =	vst v2;
	s4 =	smov.u32 s20  }
0x33a: {  	v9 =	vld [tilespmem:s4+$0xE0A0]  }
0x33b: {  	v2 =	vadd.f32 v3, v7;
	v7 =	vld [tilespmem:s4+$0x60B0];
	[tilespmem:s4+$0x160F0] =	vst v4  }
0x33c: {  	v10 =	vld [tilespmem:s4+$0xE0B0]  }
.Ltmp17:
0x33d: {  	[tilespmem:s4+$0x16080] =	vst v2;
	v3 =	vadd.f32 v6, v5;
	v2 =	vld [tilespmem:s4+$0x60C0];
	(pc) =	sbr.rel @p2 .LBB2_37-.Ltmp17, $4  }
0x33e: {  	v4 =	vld [tilespmem:s4+$0xE0C0]  }
0x33f: {  	[tilespmem:s4+$0x16090] =	vst v3;
	v6 =	vadd.f32 v9, v8;
	v3 =	vld [tilespmem:s4+$0x60D0]  }
0x340: {  	v5 =	vld [tilespmem:s4+$0xE0D0]  }
0x341: {  	s19 =	sadd.s32 $0x1000, s19;
	[tilespmem:s4+$0x160A0] =	vst v6;
	v7 =	vadd.f32 v10, v7;
	v6 =	vld [tilespmem:s4+$0x60E0]  }
0x342: {  	v8 =	vld [tilespmem:s4+$0xE0E0];
	_ =	sdelay $0x2  }
0x343: {  	v2 =	vadd.f32 v4, v2  }
0x344: {  	[tilespmem:s4+$0x160B0] =	vst v7;
	v3 =	vadd.f32 v5, v3  }
0x345: {  	[tilespmem:s4+$0x160C0] =	vst v2;
	v2 =	vadd.f32 v8, v6  }
0x346: {  	[tilespmem:s4+$0x160D0] =	vst v3  }
0x347: {  	[tilespmem:s4+$0x160E0] =	vst v2;
	s4 =	simm.s32 $0x0  }
0x348: {  	v2 =	vld [tilespmem:s4+$0x6170]  }
0x349: {  	v3 =	vld [tilespmem:s4+$0xE170]  }
0x34a: {  	v4 =	vld [tilespmem:s4+$0x6100]  }
0x34b: {  	v5 =	vld [tilespmem:s4+$0xE100]  }
0x34c: {  	v6 =	vld [tilespmem:s4+$0x6110]  }
0x34d: {  	v7 =	vld [tilespmem:s4+$0xE110]  }
0x34e: {  	v8 =	vld [tilespmem:s4+$0x6120]  }
0x34f: {  	v9 =	vld [tilespmem:s4+$0xE120]  }
0x350: {  	v10 =	vld [tilespmem:s4+$0x6130]  }
0x351: {  	v11 =	vld [tilespmem:s4+$0xE130];
	v3 =	vadd.f32 v3, v2  }
0x352: {  	v5 =	vadd.f32 v5, v4;
	v2 =	vld [tilespmem:s4+$0x6140]  }
0x353: {  	v6 =	vadd.f32 v7, v6;
	v4 =	vld [tilespmem:s4+$0xE140];
	[tilespmem:s4+$0x16170] =	vst v3  }
0x354: {  	v7 =	vadd.f32 v9, v8;
	[tilespmem:s4+$0x16100] =	vst v5;
	v3 =	vld [tilespmem:s4+$0x6150]  }
0x355: {  	[tilespmem:s4+$0x16110] =	vst v6;
	v5 =	vld [tilespmem:s4+$0xE150]  }
0x356: {  	s19 =	simm.s32 $0x0;
	s20 =	simm.s32 $0x1000;
	s18 =	simm.s32 $0x0;
	[tilespmem:s4+$0x16120] =	vst v7;
	v7 =	vadd.f32 v11, v10;
	v6 =	vld [tilespmem:s4+$0x6160]  }
.LBB2_39:
0x357: {  	s21 =	sshra.s32 s20, $0x2;
	v8 =	vld [tilespmem:s18+$0xE160]  }
0x358: {  	s19 =	sadd.s32 $0x8, s19;
	v9 =	vld [tilespmem:s21+$0x6170];
	[tilespmem:s18+$0x16130] =	vst v7;
	v2 =	vadd.f32 v4, v2  }
0x359: {  	p2 =	slt.u32 s19, $0x38;
	v4 =	vld [tilespmem:s21+$0xE170]  }
0x35a: {  	v7 =	vld [tilespmem:s21+$0x6100];
	[tilespmem:s18+$0x16140] =	vst v2;
	v2 =	vadd.f32 v5, v3  }
0x35b: {  	v3 =	vld [tilespmem:s21+$0xE100]  }
0x35c: {  	v5 =	vld [tilespmem:s21+$0x6110];
	[tilespmem:s18+$0x16150] =	vst v2;
	v2 =	vadd.f32 v8, v6  }
0x35d: {  	v6 =	vld [tilespmem:s21+$0xE110]  }
0x35e: {  	v8 =	vld [tilespmem:s21+$0x6120];
	v4 =	vadd.f32 v4, v9;
	[tilespmem:s18+$0x16160] =	vst v2;
	s18 =	smov.u32 s21  }
0x35f: {  	v9 =	vld [tilespmem:s18+$0xE120]  }
0x360: {  	v2 =	vadd.f32 v3, v7;
	v7 =	vld [tilespmem:s18+$0x6130];
	[tilespmem:s18+$0x16170] =	vst v4  }
0x361: {  	v10 =	vld [tilespmem:s18+$0xE130]  }
.Ltmp18:
0x362: {  	[tilespmem:s18+$0x16100] =	vst v2;
	v3 =	vadd.f32 v6, v5;
	v2 =	vld [tilespmem:s18+$0x6140];
	(pc) =	sbr.rel @p2 .LBB2_39-.Ltmp18, $4  }
0x363: {  	v4 =	vld [tilespmem:s18+$0xE140]  }
0x364: {  	[tilespmem:s18+$0x16110] =	vst v3;
	v6 =	vadd.f32 v9, v8;
	v3 =	vld [tilespmem:s18+$0x6150]  }
0x365: {  	v5 =	vld [tilespmem:s18+$0xE150]  }
0x366: {  	s20 =	sadd.s32 $0x1000, s20;
	[tilespmem:s18+$0x16120] =	vst v6;
	v7 =	vadd.f32 v10, v7;
	v6 =	vld [tilespmem:s18+$0x6160]  }
0x367: {  	v8 =	vld [tilespmem:s18+$0xE160];
	_ =	sdelay $0x2  }
0x368: {  	v2 =	vadd.f32 v4, v2  }
0x369: {  	[tilespmem:s18+$0x16130] =	vst v7;
	v3 =	vadd.f32 v5, v3  }
0x36a: {  	[tilespmem:s18+$0x16140] =	vst v2;
	v2 =	vadd.f32 v8, v6  }
0x36b: {  	[tilespmem:s18+$0x16150] =	vst v3  }
0x36c: {  	[tilespmem:s18+$0x16160] =	vst v2  }
0x36d: {  	v2 =	vld [tilespmem:s4+$0x61F0]  }
0x36e: {  	v3 =	vld [tilespmem:s4+$0xE1F0]  }
0x36f: {  	v4 =	vld [tilespmem:s4+$0x6180]  }
0x370: {  	v5 =	vld [tilespmem:s4+$0xE180]  }
0x371: {  	v6 =	vld [tilespmem:s4+$0x6190]  }
0x372: {  	v7 =	vld [tilespmem:s4+$0xE190]  }
0x373: {  	v8 =	vld [tilespmem:s4+$0x61A0]  }
0x374: {  	v9 =	vld [tilespmem:s4+$0xE1A0]  }
0x375: {  	v10 =	vld [tilespmem:s4+$0x61B0]  }
0x376: {  	v11 =	vld [tilespmem:s4+$0xE1B0];
	v3 =	vadd.f32 v3, v2  }
0x377: {  	v5 =	vadd.f32 v5, v4;
	v2 =	vld [tilespmem:s4+$0x61C0]  }
0x378: {  	v6 =	vadd.f32 v7, v6;
	v4 =	vld [tilespmem:s4+$0xE1C0];
	[tilespmem:s4+$0x161F0] =	vst v3  }
0x379: {  	v7 =	vadd.f32 v9, v8;
	[tilespmem:s4+$0x16180] =	vst v5;
	v3 =	vld [tilespmem:s4+$0x61D0]  }
0x37a: {  	[tilespmem:s4+$0x16190] =	vst v6;
	v5 =	vld [tilespmem:s4+$0xE1D0]  }
0x37b: {  	s19 =	simm.s32 $0x1000;
	s18 =	simm.s32 $0x0;
	[tilespmem:s4+$0x161A0] =	vst v7;
	v7 =	vadd.f32 v11, v10;
	v6 =	vld [tilespmem:s4+$0x61E0]  }
.LBB2_41:
0x37c: {  	s20 =	sshra.s32 s19, $0x2;
	v8 =	vld [tilespmem:s4+$0xE1E0]  }
0x37d: {  	s18 =	sadd.s32 $0x8, s18;
	v9 =	vld [tilespmem:s20+$0x61F0];
	[tilespmem:s4+$0x161B0] =	vst v7;
	v2 =	vadd.f32 v4, v2  }
0x37e: {  	p2 =	slt.u32 s18, $0x38;
	v4 =	vld [tilespmem:s20+$0xE1F0]  }
0x37f: {  	v7 =	vld [tilespmem:s20+$0x6180];
	[tilespmem:s4+$0x161C0] =	vst v2;
	v2 =	vadd.f32 v5, v3  }
0x380: {  	v3 =	vld [tilespmem:s20+$0xE180]  }
0x381: {  	v5 =	vld [tilespmem:s20+$0x6190];
	[tilespmem:s4+$0x161D0] =	vst v2;
	v2 =	vadd.f32 v8, v6  }
0x382: {  	v6 =	vld [tilespmem:s20+$0xE190]  }
0x383: {  	v8 =	vld [tilespmem:s20+$0x61A0];
	v4 =	vadd.f32 v4, v9;
	[tilespmem:s4+$0x161E0] =	vst v2;
	s4 =	smov.u32 s20  }
0x384: {  	v9 =	vld [tilespmem:s4+$0xE1A0]  }
0x385: {  	v2 =	vadd.f32 v3, v7;
	v7 =	vld [tilespmem:s4+$0x61B0];
	[tilespmem:s4+$0x161F0] =	vst v4  }
0x386: {  	v10 =	vld [tilespmem:s4+$0xE1B0]  }
.Ltmp19:
0x387: {  	[tilespmem:s4+$0x16180] =	vst v2;
	v3 =	vadd.f32 v6, v5;
	v2 =	vld [tilespmem:s4+$0x61C0];
	(pc) =	sbr.rel @p2 .LBB2_41-.Ltmp19, $4  }
0x388: {  	v4 =	vld [tilespmem:s4+$0xE1C0]  }
0x389: {  	[tilespmem:s4+$0x16190] =	vst v3;
	v6 =	vadd.f32 v9, v8;
	v3 =	vld [tilespmem:s4+$0x61D0]  }
0x38a: {  	v5 =	vld [tilespmem:s4+$0xE1D0]  }
0x38b: {  	s19 =	sadd.s32 $0x1000, s19;
	[tilespmem:s4+$0x161A0] =	vst v6;
	v7 =	vadd.f32 v10, v7;
	v6 =	vld [tilespmem:s4+$0x61E0]  }
0x38c: {  	v8 =	vld [tilespmem:s4+$0xE1E0];
	_ =	sdelay $0x2  }
0x38d: {  	v2 =	vadd.f32 v4, v2  }
0x38e: {  	[tilespmem:s4+$0x161B0] =	vst v7;
	v3 =	vadd.f32 v5, v3  }
0x38f: {  	[tilespmem:s4+$0x161C0] =	vst v2;
	v2 =	vadd.f32 v8, v6  }
0x390: {  	[tilespmem:s4+$0x161D0] =	vst v3  }
0x391: {  	[tilespmem:s4+$0x161E0] =	vst v2;
	s4 =	simm.s32 $0x0  }
0x392: {  	v2 =	vld [tilespmem:s4+$0x6270]  }
0x393: {  	v3 =	vld [tilespmem:s4+$0xE270]  }
0x394: {  	v4 =	vld [tilespmem:s4+$0x6200]  }
0x395: {  	v5 =	vld [tilespmem:s4+$0xE200]  }
0x396: {  	v6 =	vld [tilespmem:s4+$0x6210]  }
0x397: {  	v7 =	vld [tilespmem:s4+$0xE210]  }
0x398: {  	v8 =	vld [tilespmem:s4+$0x6220]  }
0x399: {  	v9 =	vld [tilespmem:s4+$0xE220]  }
0x39a: {  	v10 =	vld [tilespmem:s4+$0x6230]  }
0x39b: {  	v11 =	vld [tilespmem:s4+$0xE230];
	v3 =	vadd.f32 v3, v2  }
0x39c: {  	v5 =	vadd.f32 v5, v4;
	v2 =	vld [tilespmem:s4+$0x6240]  }
0x39d: {  	v6 =	vadd.f32 v7, v6;
	v4 =	vld [tilespmem:s4+$0xE240];
	[tilespmem:s4+$0x16270] =	vst v3  }
0x39e: {  	v7 =	vadd.f32 v9, v8;
	[tilespmem:s4+$0x16200] =	vst v5;
	v3 =	vld [tilespmem:s4+$0x6250]  }
0x39f: {  	[tilespmem:s4+$0x16210] =	vst v6;
	v5 =	vld [tilespmem:s4+$0xE250]  }
0x3a0: {  	s19 =	simm.s32 $0x0;
	s20 =	simm.s32 $0x1000;
	s18 =	simm.s32 $0x0;
	[tilespmem:s4+$0x16220] =	vst v7;
	v7 =	vadd.f32 v11, v10;
	v6 =	vld [tilespmem:s4+$0x6260]  }
.LBB2_43:
0x3a1: {  	s21 =	sshra.s32 s20, $0x2;
	v8 =	vld [tilespmem:s18+$0xE260]  }
0x3a2: {  	s19 =	sadd.s32 $0x8, s19;
	v9 =	vld [tilespmem:s21+$0x6270];
	[tilespmem:s18+$0x16230] =	vst v7;
	v2 =	vadd.f32 v4, v2  }
0x3a3: {  	p2 =	slt.u32 s19, $0x38;
	v4 =	vld [tilespmem:s21+$0xE270]  }
0x3a4: {  	v7 =	vld [tilespmem:s21+$0x6200];
	[tilespmem:s18+$0x16240] =	vst v2;
	v2 =	vadd.f32 v5, v3  }
0x3a5: {  	v3 =	vld [tilespmem:s21+$0xE200]  }
0x3a6: {  	v5 =	vld [tilespmem:s21+$0x6210];
	[tilespmem:s18+$0x16250] =	vst v2;
	v2 =	vadd.f32 v8, v6  }
0x3a7: {  	v6 =	vld [tilespmem:s21+$0xE210]  }
0x3a8: {  	v8 =	vld [tilespmem:s21+$0x6220];
	v4 =	vadd.f32 v4, v9;
	[tilespmem:s18+$0x16260] =	vst v2;
	s18 =	smov.u32 s21  }
0x3a9: {  	v9 =	vld [tilespmem:s18+$0xE220]  }
0x3aa: {  	v2 =	vadd.f32 v3, v7;
	v7 =	vld [tilespmem:s18+$0x6230];
	[tilespmem:s18+$0x16270] =	vst v4  }
0x3ab: {  	v10 =	vld [tilespmem:s18+$0xE230]  }
.Ltmp20:
0x3ac: {  	[tilespmem:s18+$0x16200] =	vst v2;
	v3 =	vadd.f32 v6, v5;
	v2 =	vld [tilespmem:s18+$0x6240];
	(pc) =	sbr.rel @p2 .LBB2_43-.Ltmp20, $4  }
0x3ad: {  	v4 =	vld [tilespmem:s18+$0xE240]  }
0x3ae: {  	[tilespmem:s18+$0x16210] =	vst v3;
	v6 =	vadd.f32 v9, v8;
	v3 =	vld [tilespmem:s18+$0x6250]  }
0x3af: {  	v5 =	vld [tilespmem:s18+$0xE250]  }
0x3b0: {  	s20 =	sadd.s32 $0x1000, s20;
	[tilespmem:s18+$0x16220] =	vst v6;
	v7 =	vadd.f32 v10, v7;
	v6 =	vld [tilespmem:s18+$0x6260]  }
0x3b1: {  	v8 =	vld [tilespmem:s18+$0xE260];
	_ =	sdelay $0x2  }
0x3b2: {  	v2 =	vadd.f32 v4, v2  }
0x3b3: {  	[tilespmem:s18+$0x16230] =	vst v7;
	v3 =	vadd.f32 v5, v3  }
0x3b4: {  	[tilespmem:s18+$0x16240] =	vst v2;
	v2 =	vadd.f32 v8, v6  }
0x3b5: {  	[tilespmem:s18+$0x16250] =	vst v3  }
0x3b6: {  	[tilespmem:s18+$0x16260] =	vst v2  }
0x3b7: {  	v2 =	vld [tilespmem:s4+$0x62F0]  }
0x3b8: {  	v3 =	vld [tilespmem:s4+$0xE2F0]  }
0x3b9: {  	v4 =	vld [tilespmem:s4+$0x6280]  }
0x3ba: {  	v5 =	vld [tilespmem:s4+$0xE280]  }
0x3bb: {  	v6 =	vld [tilespmem:s4+$0x6290]  }
0x3bc: {  	v7 =	vld [tilespmem:s4+$0xE290]  }
0x3bd: {  	v8 =	vld [tilespmem:s4+$0x62A0]  }
0x3be: {  	v9 =	vld [tilespmem:s4+$0xE2A0]  }
0x3bf: {  	v10 =	vld [tilespmem:s4+$0x62B0]  }
0x3c0: {  	v11 =	vld [tilespmem:s4+$0xE2B0];
	v3 =	vadd.f32 v3, v2  }
0x3c1: {  	v5 =	vadd.f32 v5, v4;
	v2 =	vld [tilespmem:s4+$0x62C0]  }
0x3c2: {  	v6 =	vadd.f32 v7, v6;
	v4 =	vld [tilespmem:s4+$0xE2C0];
	[tilespmem:s4+$0x162F0] =	vst v3  }
0x3c3: {  	v7 =	vadd.f32 v9, v8;
	[tilespmem:s4+$0x16280] =	vst v5;
	v3 =	vld [tilespmem:s4+$0x62D0]  }
0x3c4: {  	[tilespmem:s4+$0x16290] =	vst v6;
	v5 =	vld [tilespmem:s4+$0xE2D0]  }
0x3c5: {  	s19 =	simm.s32 $0x1000;
	s18 =	simm.s32 $0x0;
	[tilespmem:s4+$0x162A0] =	vst v7;
	v7 =	vadd.f32 v11, v10;
	v6 =	vld [tilespmem:s4+$0x62E0]  }
.LBB2_45:
0x3c6: {  	s20 =	sshra.s32 s19, $0x2;
	v8 =	vld [tilespmem:s4+$0xE2E0]  }
0x3c7: {  	s18 =	sadd.s32 $0x8, s18;
	v9 =	vld [tilespmem:s20+$0x62F0];
	[tilespmem:s4+$0x162B0] =	vst v7;
	v2 =	vadd.f32 v4, v2  }
0x3c8: {  	p2 =	slt.u32 s18, $0x38;
	v4 =	vld [tilespmem:s20+$0xE2F0]  }
0x3c9: {  	v7 =	vld [tilespmem:s20+$0x6280];
	[tilespmem:s4+$0x162C0] =	vst v2;
	v2 =	vadd.f32 v5, v3  }
0x3ca: {  	v3 =	vld [tilespmem:s20+$0xE280]  }
0x3cb: {  	v5 =	vld [tilespmem:s20+$0x6290];
	[tilespmem:s4+$0x162D0] =	vst v2;
	v2 =	vadd.f32 v8, v6  }
0x3cc: {  	v6 =	vld [tilespmem:s20+$0xE290]  }
0x3cd: {  	v8 =	vld [tilespmem:s20+$0x62A0];
	v4 =	vadd.f32 v4, v9;
	[tilespmem:s4+$0x162E0] =	vst v2;
	s4 =	smov.u32 s20  }
0x3ce: {  	v9 =	vld [tilespmem:s4+$0xE2A0]  }
0x3cf: {  	v2 =	vadd.f32 v3, v7;
	v7 =	vld [tilespmem:s4+$0x62B0];
	[tilespmem:s4+$0x162F0] =	vst v4  }
0x3d0: {  	v10 =	vld [tilespmem:s4+$0xE2B0]  }
.Ltmp21:
0x3d1: {  	[tilespmem:s4+$0x16280] =	vst v2;
	v3 =	vadd.f32 v6, v5;
	v2 =	vld [tilespmem:s4+$0x62C0];
	(pc) =	sbr.rel @p2 .LBB2_45-.Ltmp21, $4  }
0x3d2: {  	v4 =	vld [tilespmem:s4+$0xE2C0]  }
0x3d3: {  	[tilespmem:s4+$0x16290] =	vst v3;
	v6 =	vadd.f32 v9, v8;
	v3 =	vld [tilespmem:s4+$0x62D0]  }
0x3d4: {  	v5 =	vld [tilespmem:s4+$0xE2D0]  }
0x3d5: {  	s19 =	sadd.s32 $0x1000, s19;
	[tilespmem:s4+$0x162A0] =	vst v6;
	v7 =	vadd.f32 v10, v7;
	v6 =	vld [tilespmem:s4+$0x62E0]  }
0x3d6: {  	v8 =	vld [tilespmem:s4+$0xE2E0];
	_ =	sdelay $0x2  }
0x3d7: {  	v2 =	vadd.f32 v4, v2  }
0x3d8: {  	[tilespmem:s4+$0x162B0] =	vst v7;
	v3 =	vadd.f32 v5, v3  }
0x3d9: {  	[tilespmem:s4+$0x162C0] =	vst v2;
	v2 =	vadd.f32 v8, v6  }
0x3da: {  	[tilespmem:s4+$0x162D0] =	vst v3  }
0x3db: {  	[tilespmem:s4+$0x162E0] =	vst v2;
	s4 =	simm.s32 $0x0  }
0x3dc: {  	v2 =	vld [tilespmem:s4+$0x6370]  }
0x3dd: {  	v3 =	vld [tilespmem:s4+$0xE370]  }
0x3de: {  	v4 =	vld [tilespmem:s4+$0x6300]  }
0x3df: {  	v5 =	vld [tilespmem:s4+$0xE300]  }
0x3e0: {  	v6 =	vld [tilespmem:s4+$0x6310]  }
0x3e1: {  	v7 =	vld [tilespmem:s4+$0xE310]  }
0x3e2: {  	v8 =	vld [tilespmem:s4+$0x6320]  }
0x3e3: {  	v9 =	vld [tilespmem:s4+$0xE320]  }
0x3e4: {  	v10 =	vld [tilespmem:s4+$0x6330]  }
0x3e5: {  	v11 =	vld [tilespmem:s4+$0xE330];
	v3 =	vadd.f32 v3, v2  }
0x3e6: {  	v5 =	vadd.f32 v5, v4;
	v2 =	vld [tilespmem:s4+$0x6340]  }
0x3e7: {  	v6 =	vadd.f32 v7, v6;
	v4 =	vld [tilespmem:s4+$0xE340];
	[tilespmem:s4+$0x16370] =	vst v3  }
0x3e8: {  	v7 =	vadd.f32 v9, v8;
	[tilespmem:s4+$0x16300] =	vst v5;
	v3 =	vld [tilespmem:s4+$0x6350]  }
0x3e9: {  	[tilespmem:s4+$0x16310] =	vst v6;
	v5 =	vld [tilespmem:s4+$0xE350]  }
0x3ea: {  	s19 =	simm.s32 $0x0;
	s20 =	simm.s32 $0x1000;
	s18 =	simm.s32 $0x0;
	[tilespmem:s4+$0x16320] =	vst v7;
	v7 =	vadd.f32 v11, v10;
	v6 =	vld [tilespmem:s4+$0x6360]  }
.LBB2_47:
0x3eb: {  	s21 =	sshra.s32 s20, $0x2;
	v8 =	vld [tilespmem:s18+$0xE360]  }
0x3ec: {  	s19 =	sadd.s32 $0x8, s19;
	v9 =	vld [tilespmem:s21+$0x6370];
	[tilespmem:s18+$0x16330] =	vst v7;
	v2 =	vadd.f32 v4, v2  }
0x3ed: {  	p2 =	slt.u32 s19, $0x38;
	v4 =	vld [tilespmem:s21+$0xE370]  }
0x3ee: {  	v7 =	vld [tilespmem:s21+$0x6300];
	[tilespmem:s18+$0x16340] =	vst v2;
	v2 =	vadd.f32 v5, v3  }
0x3ef: {  	v3 =	vld [tilespmem:s21+$0xE300]  }
0x3f0: {  	v5 =	vld [tilespmem:s21+$0x6310];
	[tilespmem:s18+$0x16350] =	vst v2;
	v2 =	vadd.f32 v8, v6  }
0x3f1: {  	v6 =	vld [tilespmem:s21+$0xE310]  }
0x3f2: {  	v8 =	vld [tilespmem:s21+$0x6320];
	v4 =	vadd.f32 v4, v9;
	[tilespmem:s18+$0x16360] =	vst v2;
	s18 =	smov.u32 s21  }
0x3f3: {  	v9 =	vld [tilespmem:s18+$0xE320]  }
0x3f4: {  	v2 =	vadd.f32 v3, v7;
	v7 =	vld [tilespmem:s18+$0x6330];
	[tilespmem:s18+$0x16370] =	vst v4  }
0x3f5: {  	v10 =	vld [tilespmem:s18+$0xE330]  }
.Ltmp22:
0x3f6: {  	[tilespmem:s18+$0x16300] =	vst v2;
	v3 =	vadd.f32 v6, v5;
	v2 =	vld [tilespmem:s18+$0x6340];
	(pc) =	sbr.rel @p2 .LBB2_47-.Ltmp22, $4  }
0x3f7: {  	v4 =	vld [tilespmem:s18+$0xE340]  }
0x3f8: {  	[tilespmem:s18+$0x16310] =	vst v3;
	v6 =	vadd.f32 v9, v8;
	v3 =	vld [tilespmem:s18+$0x6350]  }
0x3f9: {  	v5 =	vld [tilespmem:s18+$0xE350]  }
0x3fa: {  	s20 =	sadd.s32 $0x1000, s20;
	[tilespmem:s18+$0x16320] =	vst v6;
	v7 =	vadd.f32 v10, v7;
	v6 =	vld [tilespmem:s18+$0x6360]  }
0x3fb: {  	v8 =	vld [tilespmem:s18+$0xE360];
	_ =	sdelay $0x2  }
0x3fc: {  	v2 =	vadd.f32 v4, v2  }
0x3fd: {  	[tilespmem:s18+$0x16330] =	vst v7;
	v3 =	vadd.f32 v5, v3  }
0x3fe: {  	[tilespmem:s18+$0x16340] =	vst v2;
	v2 =	vadd.f32 v8, v6  }
0x3ff: {  	[tilespmem:s18+$0x16350] =	vst v3  }
0x400: {  	[tilespmem:s18+$0x16360] =	vst v2  }
0x401: {  	v2 =	vld [tilespmem:s4+$0x63F0]  }
0x402: {  	v3 =	vld [tilespmem:s4+$0xE3F0]  }
0x403: {  	v4 =	vld [tilespmem:s4+$0x6380]  }
0x404: {  	v5 =	vld [tilespmem:s4+$0xE380]  }
0x405: {  	v6 =	vld [tilespmem:s4+$0x6390]  }
0x406: {  	v7 =	vld [tilespmem:s4+$0xE390]  }
0x407: {  	v8 =	vld [tilespmem:s4+$0x63A0]  }
0x408: {  	v9 =	vld [tilespmem:s4+$0xE3A0]  }
0x409: {  	v10 =	vld [tilespmem:s4+$0x63B0]  }
0x40a: {  	v11 =	vld [tilespmem:s4+$0xE3B0];
	v3 =	vadd.f32 v3, v2  }
0x40b: {  	v5 =	vadd.f32 v5, v4;
	v2 =	vld [tilespmem:s4+$0x63C0]  }
0x40c: {  	v6 =	vadd.f32 v7, v6;
	v4 =	vld [tilespmem:s4+$0xE3C0];
	[tilespmem:s4+$0x163F0] =	vst v3  }
0x40d: {  	v7 =	vadd.f32 v9, v8;
	[tilespmem:s4+$0x16380] =	vst v5;
	v3 =	vld [tilespmem:s4+$0x63D0]  }
0x40e: {  	[tilespmem:s4+$0x16390] =	vst v6;
	v5 =	vld [tilespmem:s4+$0xE3D0]  }
0x40f: {  	s19 =	simm.s32 $0x1000;
	s18 =	simm.s32 $0x0;
	[tilespmem:s4+$0x163A0] =	vst v7;
	v7 =	vadd.f32 v11, v10;
	v6 =	vld [tilespmem:s4+$0x63E0]  }
.LBB2_49:
0x410: {  	s20 =	sshra.s32 s19, $0x2;
	v8 =	vld [tilespmem:s4+$0xE3E0]  }
0x411: {  	s18 =	sadd.s32 $0x8, s18;
	v9 =	vld [tilespmem:s20+$0x63F0];
	[tilespmem:s4+$0x163B0] =	vst v7;
	v2 =	vadd.f32 v4, v2  }
0x412: {  	p2 =	slt.u32 s18, $0x38;
	v4 =	vld [tilespmem:s20+$0xE3F0]  }
0x413: {  	v7 =	vld [tilespmem:s20+$0x6380];
	[tilespmem:s4+$0x163C0] =	vst v2;
	v2 =	vadd.f32 v5, v3  }
0x414: {  	v3 =	vld [tilespmem:s20+$0xE380]  }
0x415: {  	v5 =	vld [tilespmem:s20+$0x6390];
	[tilespmem:s4+$0x163D0] =	vst v2;
	v2 =	vadd.f32 v8, v6  }
0x416: {  	v6 =	vld [tilespmem:s20+$0xE390]  }
0x417: {  	v8 =	vld [tilespmem:s20+$0x63A0];
	v4 =	vadd.f32 v4, v9;
	[tilespmem:s4+$0x163E0] =	vst v2;
	s4 =	smov.u32 s20  }
0x418: {  	v9 =	vld [tilespmem:s4+$0xE3A0]  }
0x419: {  	v2 =	vadd.f32 v3, v7;
	v7 =	vld [tilespmem:s4+$0x63B0];
	[tilespmem:s4+$0x163F0] =	vst v4  }
0x41a: {  	v10 =	vld [tilespmem:s4+$0xE3B0]  }
.Ltmp23:
0x41b: {  	[tilespmem:s4+$0x16380] =	vst v2;
	v3 =	vadd.f32 v6, v5;
	v2 =	vld [tilespmem:s4+$0x63C0];
	(pc) =	sbr.rel @p2 .LBB2_49-.Ltmp23, $4  }
0x41c: {  	v4 =	vld [tilespmem:s4+$0xE3C0]  }
0x41d: {  	[tilespmem:s4+$0x16390] =	vst v3;
	v6 =	vadd.f32 v9, v8;
	v3 =	vld [tilespmem:s4+$0x63D0]  }
0x41e: {  	v5 =	vld [tilespmem:s4+$0xE3D0]  }
0x41f: {  	s19 =	sadd.s32 $0x1000, s19;
	[tilespmem:s4+$0x163A0] =	vst v6;
	v7 =	vadd.f32 v10, v7;
	v6 =	vld [tilespmem:s4+$0x63E0]  }
0x420: {  	v8 =	vld [tilespmem:s4+$0xE3E0];
	_ =	sdelay $0x2  }
0x421: {  	v2 =	vadd.f32 v4, v2  }
0x422: {  	[tilespmem:s4+$0x163B0] =	vst v7;
	v3 =	vadd.f32 v5, v3  }
0x423: {  	[tilespmem:s4+$0x163C0] =	vst v2;
	v2 =	vadd.f32 v8, v6  }
0x424: {  	[tilespmem:s4+$0x163D0] =	vst v3  }
0x425: {  	s1 =	sadd.s32 $0x800, s1;
	[tilespmem:s4+$0x163E0] =	vst v2  }
0x426: {  	[hbm4b:s1+s5] =	stream.linear.scatter [tilespmem:s0], [sflag:$0xB], $0x2000, $0x38;
	[tilespmem:$0x1A000] =	vst v63  }
0x427: {  	s1 =	sadd.s32 @!p1 $0x6, s16  }
0x428: {  	s4 =	sshll.u32 @!p1 s1, $0x7  }
0x429: {  	s4 =	sand.u32 @!p1 $0x3FFFFF80, s4  }
0x42a: {  	v2 =	vld.msk @!p1 [tilespmem:s4+$0x0], $0xff;
	_ =	sdelay $0x4  }
0x42b: {  	v3 =	vshll.u32 @!p1 v2, $0x3  }
0x42c: {  	v4 =	vlaneseq.u32 @!p1;
	v2 =	vand.u32 @!p1 $0x7, v2;
	v3 =	vand.u32 @!p1 $0xFFFFFFC0, v3  }
0x42d: {  	v2 =	vor.u32 @!p1 v2, v3;
	v3 =	vand.u32 @!p1 $0x7, v4;
	v4 =	vshrl.u32 @!p1 v4, $0x3  }
0x42e: {  	v2 =	vperm.xlane @!p1 v2, v3;
	v3 =	vmul.u32 @!p1 $0x8, v4;
	_ =	sdelay $0x1  }
0x42f: {  	v2 =	vadd.s32 @!p1 v3, v2;
	_ =	sdelay $0x3  }
0x430: {  	s16 =	simm.s32 @!p1 $0x6000;
	s4 =	simm.s32 @!p1 $0x0  }
0x431: {  	[tilespmem:s16], [sflag:$0x3] =	stream.indirect_vreg.gather @!p1 [hbm4b:s3+s4], $0x80, v2, vm1, $0xb8;
	[tilespmem:$0x1A000] =	vst v63  }
0x432: {  	s16 =	simm.s32 @!p1 $0x6800  }
0x433: {  	[tilespmem:s16], [sflag:$0x3] =	stream.indirect_vreg.gather @!p1 [hbm4b:s8+s4], $0x80, v2, vm1, $0xb8;
	[tilespmem:$0x1A000] =	vst v63  }
0x434: {  	s16 =	simm.s32 @!p1 $0x7000  }
0x435: {  	[tilespmem:s16], [sflag:$0x3] =	stream.indirect_vreg.gather @!p1 [hbm4b:s9+s4], $0x80, v2, vm1, $0xb8;
	[tilespmem:$0x1A000] =	vst v63  }
0x436: {  	s1 =	sshll.u32 @!p1 s1, $0xA;
	s16 =	simm.s32 @!p1 $0x7800  }
0x437: {  	[tilespmem:s16], [sflag:$0x3] =	stream.indirect_vreg.gather @!p1 [hbm4b:s10+s4], $0x80, v2, vm1, $0xb8;
	[tilespmem:$0x1A000] =	vst v63  }
0x438: {  	s1 =	sadd.s32 @!p1 s1, s11;
	s16 =	simm.s32 @!p1 $0xE000  }
0x439: {  	[tilespmem:s16], [sflag:$0x7] =	stream.linear.gather @!p1 [hbm4b:s1+s4], $0x2000, $0x38;
	[tilespmem:$0x1A000] =	vst v63  }
0x43a: {  	_ =	swait.ge [sflag:s2], $0x2000  }
0x43b: {  	[sflag:s2] =	ssyncset.done $0x0  }
0x43c: {  	[sflag:s2] =	ssyncadd.s32 $0xFFFFE000  }
0x43d: {  	_ =	swait.ge [sflag:s7], $0x2000  }
0x43e: {  	[sflag:s7] =	ssyncset.done $0x0  }
0x43f: {  	s1 =	simm.s32 @!p0 $0xC;
	[sflag:s7] =	ssyncadd.s32 $0xFFFFE000  }
0x440: {  	_ =	swait.ge @!p0 [sflag:s1], $0x2000  }
0x441: {  	[sflag:s1] =	ssyncset.done @!p0 $0x0  }
0x442: {  	[sflag:s1] =	ssyncadd.s32 @!p0 $0xFFFFE000;
	s1 =	simm.s32 $0x0  }
0x443: {  	v2 =	vld [tilespmem:s1+$0x8070]  }
0x444: {  	v3 =	vld [tilespmem:s1+$0x10070]  }
0x445: {  	v4 =	vld [tilespmem:s1+$0x8000]  }
0x446: {  	v5 =	vld [tilespmem:s1+$0x10000]  }
0x447: {  	v6 =	vld [tilespmem:s1+$0x8010]  }
0x448: {  	v7 =	vld [tilespmem:s1+$0x10010]  }
0x449: {  	v8 =	vld [tilespmem:s1+$0x8020]  }
0x44a: {  	v9 =	vld [tilespmem:s1+$0x10020]  }
0x44b: {  	v10 =	vld [tilespmem:s1+$0x8030]  }
0x44c: {  	v11 =	vld [tilespmem:s1+$0x10030];
	v3 =	vadd.f32 v3, v2  }
0x44d: {  	v5 =	vadd.f32 v5, v4;
	v2 =	vld [tilespmem:s1+$0x8040]  }
0x44e: {  	v6 =	vadd.f32 v7, v6;
	v4 =	vld [tilespmem:s1+$0x10040];
	[tilespmem:s1+$0x18070] =	vst v3  }
0x44f: {  	v7 =	vadd.f32 v9, v8;
	[tilespmem:s1+$0x18000] =	vst v5;
	v3 =	vld [tilespmem:s1+$0x8050]  }
0x450: {  	[tilespmem:s1+$0x18010] =	vst v6;
	v5 =	vld [tilespmem:s1+$0x10050]  }
0x451: {  	s18 =	simm.s32 $0x1000;
	s16 =	simm.s32 $0x0;
	s4 =	simm.s32 $0x0;
	[tilespmem:s1+$0x18020] =	vst v7;
	v7 =	vadd.f32 v11, v10;
	v6 =	vld [tilespmem:s1+$0x8060]  }
.LBB2_51:
0x452: {  	s19 =	sshra.s32 s18, $0x2;
	v8 =	vld [tilespmem:s4+$0x10060]  }
0x453: {  	s16 =	sadd.s32 $0x8, s16;
	v9 =	vld [tilespmem:s19+$0x8070];
	[tilespmem:s4+$0x18030] =	vst v7;
	v2 =	vadd.f32 v4, v2  }
0x454: {  	p0 =	slt.u32 s16, $0x38;
	v4 =	vld [tilespmem:s19+$0x10070]  }
0x455: {  	v7 =	vld [tilespmem:s19+$0x8000];
	[tilespmem:s4+$0x18040] =	vst v2;
	v2 =	vadd.f32 v5, v3  }
0x456: {  	v3 =	vld [tilespmem:s19+$0x10000]  }
0x457: {  	v5 =	vld [tilespmem:s19+$0x8010];
	[tilespmem:s4+$0x18050] =	vst v2;
	v2 =	vadd.f32 v8, v6  }
0x458: {  	v6 =	vld [tilespmem:s19+$0x10010]  }
0x459: {  	v8 =	vld [tilespmem:s19+$0x8020];
	v4 =	vadd.f32 v4, v9;
	[tilespmem:s4+$0x18060] =	vst v2;
	s4 =	smov.u32 s19  }
0x45a: {  	v9 =	vld [tilespmem:s4+$0x10020]  }
0x45b: {  	v2 =	vadd.f32 v3, v7;
	v7 =	vld [tilespmem:s4+$0x8030];
	[tilespmem:s4+$0x18070] =	vst v4  }
0x45c: {  	v10 =	vld [tilespmem:s4+$0x10030]  }
.Ltmp24:
0x45d: {  	[tilespmem:s4+$0x18000] =	vst v2;
	v3 =	vadd.f32 v6, v5;
	v2 =	vld [tilespmem:s4+$0x8040];
	(pc) =	sbr.rel @p0 .LBB2_51-.Ltmp24, $4  }
0x45e: {  	v4 =	vld [tilespmem:s4+$0x10040]  }
0x45f: {  	[tilespmem:s4+$0x18010] =	vst v3;
	v6 =	vadd.f32 v9, v8;
	v3 =	vld [tilespmem:s4+$0x8050]  }
0x460: {  	v5 =	vld [tilespmem:s4+$0x10050]  }
0x461: {  	s18 =	sadd.s32 $0x1000, s18;
	[tilespmem:s4+$0x18020] =	vst v6;
	v7 =	vadd.f32 v10, v7;
	v6 =	vld [tilespmem:s4+$0x8060]  }
0x462: {  	v8 =	vld [tilespmem:s4+$0x10060];
	_ =	sdelay $0x2  }
0x463: {  	v2 =	vadd.f32 v4, v2  }
0x464: {  	[tilespmem:s4+$0x18030] =	vst v7;
	v3 =	vadd.f32 v5, v3  }
0x465: {  	[tilespmem:s4+$0x18040] =	vst v2;
	v2 =	vadd.f32 v8, v6  }
0x466: {  	[tilespmem:s4+$0x18050] =	vst v3  }
0x467: {  	[tilespmem:s4+$0x18060] =	vst v2  }
0x468: {  	v2 =	vld [tilespmem:s1+$0x80F0]  }
0x469: {  	v3 =	vld [tilespmem:s1+$0x100F0]  }
0x46a: {  	v4 =	vld [tilespmem:s1+$0x8080]  }
0x46b: {  	v5 =	vld [tilespmem:s1+$0x10080]  }
0x46c: {  	v6 =	vld [tilespmem:s1+$0x8090]  }
0x46d: {  	v7 =	vld [tilespmem:s1+$0x10090]  }
0x46e: {  	v8 =	vld [tilespmem:s1+$0x80A0]  }
0x46f: {  	v9 =	vld [tilespmem:s1+$0x100A0]  }
0x470: {  	v10 =	vld [tilespmem:s1+$0x80B0]  }
0x471: {  	v11 =	vld [tilespmem:s1+$0x100B0];
	v3 =	vadd.f32 v3, v2  }
0x472: {  	v5 =	vadd.f32 v5, v4;
	v2 =	vld [tilespmem:s1+$0x80C0]  }
0x473: {  	v6 =	vadd.f32 v7, v6;
	v4 =	vld [tilespmem:s1+$0x100C0];
	[tilespmem:s1+$0x180F0] =	vst v3  }
0x474: {  	v7 =	vadd.f32 v9, v8;
	[tilespmem:s1+$0x18080] =	vst v5;
	v3 =	vld [tilespmem:s1+$0x80D0]  }
0x475: {  	[tilespmem:s1+$0x18090] =	vst v6;
	v5 =	vld [tilespmem:s1+$0x100D0]  }
0x476: {  	s16 =	simm.s32 $0x1000;
	s4 =	simm.s32 $0x0;
	[tilespmem:s1+$0x180A0] =	vst v7;
	v7 =	vadd.f32 v11, v10;
	v6 =	vld [tilespmem:s1+$0x80E0]  }
.LBB2_53:
0x477: {  	s18 =	sshra.s32 s16, $0x2;
	v8 =	vld [tilespmem:s1+$0x100E0]  }
0x478: {  	s4 =	sadd.s32 $0x8, s4;
	v9 =	vld [tilespmem:s18+$0x80F0];
	[tilespmem:s1+$0x180B0] =	vst v7;
	v2 =	vadd.f32 v4, v2  }
0x479: {  	p0 =	slt.u32 s4, $0x38;
	v4 =	vld [tilespmem:s18+$0x100F0]  }
0x47a: {  	v7 =	vld [tilespmem:s18+$0x8080];
	[tilespmem:s1+$0x180C0] =	vst v2;
	v2 =	vadd.f32 v5, v3  }
0x47b: {  	v3 =	vld [tilespmem:s18+$0x10080]  }
0x47c: {  	v5 =	vld [tilespmem:s18+$0x8090];
	[tilespmem:s1+$0x180D0] =	vst v2;
	v2 =	vadd.f32 v8, v6  }
0x47d: {  	v6 =	vld [tilespmem:s18+$0x10090]  }
0x47e: {  	v8 =	vld [tilespmem:s18+$0x80A0];
	v4 =	vadd.f32 v4, v9;
	[tilespmem:s1+$0x180E0] =	vst v2;
	s1 =	smov.u32 s18  }
0x47f: {  	v9 =	vld [tilespmem:s1+$0x100A0]  }
0x480: {  	v2 =	vadd.f32 v3, v7;
	v7 =	vld [tilespmem:s1+$0x80B0];
	[tilespmem:s1+$0x180F0] =	vst v4  }
0x481: {  	v10 =	vld [tilespmem:s1+$0x100B0]  }
.Ltmp25:
0x482: {  	[tilespmem:s1+$0x18080] =	vst v2;
	v3 =	vadd.f32 v6, v5;
	v2 =	vld [tilespmem:s1+$0x80C0];
	(pc) =	sbr.rel @p0 .LBB2_53-.Ltmp25, $4  }
0x483: {  	v4 =	vld [tilespmem:s1+$0x100C0]  }
0x484: {  	[tilespmem:s1+$0x18090] =	vst v3;
	v6 =	vadd.f32 v9, v8;
	v3 =	vld [tilespmem:s1+$0x80D0]  }
0x485: {  	v5 =	vld [tilespmem:s1+$0x100D0]  }
0x486: {  	s16 =	sadd.s32 $0x1000, s16;
	[tilespmem:s1+$0x180A0] =	vst v6;
	v7 =	vadd.f32 v10, v7;
	v6 =	vld [tilespmem:s1+$0x80E0]  }
0x487: {  	v8 =	vld [tilespmem:s1+$0x100E0];
	_ =	sdelay $0x2  }
0x488: {  	v2 =	vadd.f32 v4, v2  }
0x489: {  	[tilespmem:s1+$0x180B0] =	vst v7;
	v3 =	vadd.f32 v5, v3  }
0x48a: {  	[tilespmem:s1+$0x180C0] =	vst v2;
	v2 =	vadd.f32 v8, v6  }
0x48b: {  	[tilespmem:s1+$0x180D0] =	vst v3  }
0x48c: {  	[tilespmem:s1+$0x180E0] =	vst v2;
	s1 =	simm.s32 $0x0  }
0x48d: {  	v2 =	vld [tilespmem:s1+$0x8170]  }
0x48e: {  	v3 =	vld [tilespmem:s1+$0x10170]  }
0x48f: {  	v4 =	vld [tilespmem:s1+$0x8100]  }
0x490: {  	v5 =	vld [tilespmem:s1+$0x10100]  }
0x491: {  	v6 =	vld [tilespmem:s1+$0x8110]  }
0x492: {  	v7 =	vld [tilespmem:s1+$0x10110]  }
0x493: {  	v8 =	vld [tilespmem:s1+$0x8120]  }
0x494: {  	v9 =	vld [tilespmem:s1+$0x10120]  }
0x495: {  	v10 =	vld [tilespmem:s1+$0x8130]  }
0x496: {  	v11 =	vld [tilespmem:s1+$0x10130];
	v3 =	vadd.f32 v3, v2  }
0x497: {  	v5 =	vadd.f32 v5, v4;
	v2 =	vld [tilespmem:s1+$0x8140]  }
0x498: {  	v6 =	vadd.f32 v7, v6;
	v4 =	vld [tilespmem:s1+$0x10140];
	[tilespmem:s1+$0x18170] =	vst v3  }
0x499: {  	v7 =	vadd.f32 v9, v8;
	[tilespmem:s1+$0x18100] =	vst v5;
	v3 =	vld [tilespmem:s1+$0x8150]  }
0x49a: {  	[tilespmem:s1+$0x18110] =	vst v6;
	v5 =	vld [tilespmem:s1+$0x10150]  }
0x49b: {  	s16 =	simm.s32 $0x0;
	s18 =	simm.s32 $0x1000;
	s4 =	simm.s32 $0x0;
	[tilespmem:s1+$0x18120] =	vst v7;
	v7 =	vadd.f32 v11, v10;
	v6 =	vld [tilespmem:s1+$0x8160]  }
.LBB2_55:
0x49c: {  	s19 =	sshra.s32 s18, $0x2;
	v8 =	vld [tilespmem:s4+$0x10160]  }
0x49d: {  	s16 =	sadd.s32 $0x8, s16;
	v9 =	vld [tilespmem:s19+$0x8170];
	[tilespmem:s4+$0x18130] =	vst v7;
	v2 =	vadd.f32 v4, v2  }
0x49e: {  	p0 =	slt.u32 s16, $0x38;
	v4 =	vld [tilespmem:s19+$0x10170]  }
0x49f: {  	v7 =	vld [tilespmem:s19+$0x8100];
	[tilespmem:s4+$0x18140] =	vst v2;
	v2 =	vadd.f32 v5, v3  }
0x4a0: {  	v3 =	vld [tilespmem:s19+$0x10100]  }
0x4a1: {  	v5 =	vld [tilespmem:s19+$0x8110];
	[tilespmem:s4+$0x18150] =	vst v2;
	v2 =	vadd.f32 v8, v6  }
0x4a2: {  	v6 =	vld [tilespmem:s19+$0x10110]  }
0x4a3: {  	v8 =	vld [tilespmem:s19+$0x8120];
	v4 =	vadd.f32 v4, v9;
	[tilespmem:s4+$0x18160] =	vst v2;
	s4 =	smov.u32 s19  }
0x4a4: {  	v9 =	vld [tilespmem:s4+$0x10120]  }
0x4a5: {  	v2 =	vadd.f32 v3, v7;
	v7 =	vld [tilespmem:s4+$0x8130];
	[tilespmem:s4+$0x18170] =	vst v4  }
0x4a6: {  	v10 =	vld [tilespmem:s4+$0x10130]  }
.Ltmp26:
0x4a7: {  	[tilespmem:s4+$0x18100] =	vst v2;
	v3 =	vadd.f32 v6, v5;
	v2 =	vld [tilespmem:s4+$0x8140];
	(pc) =	sbr.rel @p0 .LBB2_55-.Ltmp26, $4  }
0x4a8: {  	v4 =	vld [tilespmem:s4+$0x10140]  }
0x4a9: {  	[tilespmem:s4+$0x18110] =	vst v3;
	v6 =	vadd.f32 v9, v8;
	v3 =	vld [tilespmem:s4+$0x8150]  }
0x4aa: {  	v5 =	vld [tilespmem:s4+$0x10150]  }
0x4ab: {  	s18 =	sadd.s32 $0x1000, s18;
	[tilespmem:s4+$0x18120] =	vst v6;
	v7 =	vadd.f32 v10, v7;
	v6 =	vld [tilespmem:s4+$0x8160]  }
0x4ac: {  	v8 =	vld [tilespmem:s4+$0x10160];
	_ =	sdelay $0x2  }
0x4ad: {  	v2 =	vadd.f32 v4, v2  }
0x4ae: {  	[tilespmem:s4+$0x18130] =	vst v7;
	v3 =	vadd.f32 v5, v3  }
0x4af: {  	[tilespmem:s4+$0x18140] =	vst v2;
	v2 =	vadd.f32 v8, v6  }
0x4b0: {  	[tilespmem:s4+$0x18150] =	vst v3  }
0x4b1: {  	[tilespmem:s4+$0x18160] =	vst v2  }
0x4b2: {  	v2 =	vld [tilespmem:s1+$0x81F0]  }
0x4b3: {  	v3 =	vld [tilespmem:s1+$0x101F0]  }
0x4b4: {  	v4 =	vld [tilespmem:s1+$0x8180]  }
0x4b5: {  	v5 =	vld [tilespmem:s1+$0x10180]  }
0x4b6: {  	v6 =	vld [tilespmem:s1+$0x8190]  }
0x4b7: {  	v7 =	vld [tilespmem:s1+$0x10190]  }
0x4b8: {  	v8 =	vld [tilespmem:s1+$0x81A0]  }
0x4b9: {  	v9 =	vld [tilespmem:s1+$0x101A0]  }
0x4ba: {  	v10 =	vld [tilespmem:s1+$0x81B0]  }
0x4bb: {  	v11 =	vld [tilespmem:s1+$0x101B0];
	v3 =	vadd.f32 v3, v2  }
0x4bc: {  	v5 =	vadd.f32 v5, v4;
	v2 =	vld [tilespmem:s1+$0x81C0]  }
0x4bd: {  	v6 =	vadd.f32 v7, v6;
	v4 =	vld [tilespmem:s1+$0x101C0];
	[tilespmem:s1+$0x181F0] =	vst v3  }
0x4be: {  	v7 =	vadd.f32 v9, v8;
	[tilespmem:s1+$0x18180] =	vst v5;
	v3 =	vld [tilespmem:s1+$0x81D0]  }
0x4bf: {  	[tilespmem:s1+$0x18190] =	vst v6;
	v5 =	vld [tilespmem:s1+$0x101D0]  }
0x4c0: {  	s16 =	simm.s32 $0x1000;
	s4 =	simm.s32 $0x0;
	[tilespmem:s1+$0x181A0] =	vst v7;
	v7 =	vadd.f32 v11, v10;
	v6 =	vld [tilespmem:s1+$0x81E0]  }
.LBB2_57:
0x4c1: {  	s18 =	sshra.s32 s16, $0x2;
	v8 =	vld [tilespmem:s1+$0x101E0]  }
0x4c2: {  	s4 =	sadd.s32 $0x8, s4;
	v9 =	vld [tilespmem:s18+$0x81F0];
	[tilespmem:s1+$0x181B0] =	vst v7;
	v2 =	vadd.f32 v4, v2  }
0x4c3: {  	p0 =	slt.u32 s4, $0x38;
	v4 =	vld [tilespmem:s18+$0x101F0]  }
0x4c4: {  	v7 =	vld [tilespmem:s18+$0x8180];
	[tilespmem:s1+$0x181C0] =	vst v2;
	v2 =	vadd.f32 v5, v3  }
0x4c5: {  	v3 =	vld [tilespmem:s18+$0x10180]  }
0x4c6: {  	v5 =	vld [tilespmem:s18+$0x8190];
	[tilespmem:s1+$0x181D0] =	vst v2;
	v2 =	vadd.f32 v8, v6  }
0x4c7: {  	v6 =	vld [tilespmem:s18+$0x10190]  }
0x4c8: {  	v8 =	vld [tilespmem:s18+$0x81A0];
	v4 =	vadd.f32 v4, v9;
	[tilespmem:s1+$0x181E0] =	vst v2;
	s1 =	smov.u32 s18  }
0x4c9: {  	v9 =	vld [tilespmem:s1+$0x101A0]  }
0x4ca: {  	v2 =	vadd.f32 v3, v7;
	v7 =	vld [tilespmem:s1+$0x81B0];
	[tilespmem:s1+$0x181F0] =	vst v4  }
0x4cb: {  	v10 =	vld [tilespmem:s1+$0x101B0]  }
.Ltmp27:
0x4cc: {  	[tilespmem:s1+$0x18180] =	vst v2;
	v3 =	vadd.f32 v6, v5;
	v2 =	vld [tilespmem:s1+$0x81C0];
	(pc) =	sbr.rel @p0 .LBB2_57-.Ltmp27, $4  }
0x4cd: {  	v4 =	vld [tilespmem:s1+$0x101C0]  }
0x4ce: {  	[tilespmem:s1+$0x18190] =	vst v3;
	v6 =	vadd.f32 v9, v8;
	v3 =	vld [tilespmem:s1+$0x81D0]  }
0x4cf: {  	v5 =	vld [tilespmem:s1+$0x101D0]  }
0x4d0: {  	s16 =	sadd.s32 $0x1000, s16;
	[tilespmem:s1+$0x181A0] =	vst v6;
	v7 =	vadd.f32 v10, v7;
	v6 =	vld [tilespmem:s1+$0x81E0]  }
0x4d1: {  	v8 =	vld [tilespmem:s1+$0x101E0];
	_ =	sdelay $0x2  }
0x4d2: {  	v2 =	vadd.f32 v4, v2  }
0x4d3: {  	[tilespmem:s1+$0x181B0] =	vst v7;
	v3 =	vadd.f32 v5, v3  }
0x4d4: {  	[tilespmem:s1+$0x181C0] =	vst v2;
	v2 =	vadd.f32 v8, v6  }
0x4d5: {  	[tilespmem:s1+$0x181D0] =	vst v3  }
0x4d6: {  	[tilespmem:s1+$0x181E0] =	vst v2;
	s1 =	simm.s32 $0x0  }
0x4d7: {  	v2 =	vld [tilespmem:s1+$0x8270]  }
0x4d8: {  	v3 =	vld [tilespmem:s1+$0x10270]  }
0x4d9: {  	v4 =	vld [tilespmem:s1+$0x8200]  }
0x4da: {  	v5 =	vld [tilespmem:s1+$0x10200]  }
0x4db: {  	v6 =	vld [tilespmem:s1+$0x8210]  }
0x4dc: {  	v7 =	vld [tilespmem:s1+$0x10210]  }
0x4dd: {  	v8 =	vld [tilespmem:s1+$0x8220]  }
0x4de: {  	v9 =	vld [tilespmem:s1+$0x10220]  }
0x4df: {  	v10 =	vld [tilespmem:s1+$0x8230]  }
0x4e0: {  	v11 =	vld [tilespmem:s1+$0x10230];
	v3 =	vadd.f32 v3, v2  }
0x4e1: {  	v5 =	vadd.f32 v5, v4;
	v2 =	vld [tilespmem:s1+$0x8240]  }
0x4e2: {  	v6 =	vadd.f32 v7, v6;
	v4 =	vld [tilespmem:s1+$0x10240];
	[tilespmem:s1+$0x18270] =	vst v3  }
0x4e3: {  	v7 =	vadd.f32 v9, v8;
	[tilespmem:s1+$0x18200] =	vst v5;
	v3 =	vld [tilespmem:s1+$0x8250]  }
0x4e4: {  	[tilespmem:s1+$0x18210] =	vst v6;
	v5 =	vld [tilespmem:s1+$0x10250]  }
0x4e5: {  	s16 =	simm.s32 $0x0;
	s18 =	simm.s32 $0x1000;
	s4 =	simm.s32 $0x0;
	[tilespmem:s1+$0x18220] =	vst v7;
	v7 =	vadd.f32 v11, v10;
	v6 =	vld [tilespmem:s1+$0x8260]  }
.LBB2_59:
0x4e6: {  	s19 =	sshra.s32 s18, $0x2;
	v8 =	vld [tilespmem:s4+$0x10260]  }
0x4e7: {  	s16 =	sadd.s32 $0x8, s16;
	v9 =	vld [tilespmem:s19+$0x8270];
	[tilespmem:s4+$0x18230] =	vst v7;
	v2 =	vadd.f32 v4, v2  }
0x4e8: {  	p0 =	slt.u32 s16, $0x38;
	v4 =	vld [tilespmem:s19+$0x10270]  }
0x4e9: {  	v7 =	vld [tilespmem:s19+$0x8200];
	[tilespmem:s4+$0x18240] =	vst v2;
	v2 =	vadd.f32 v5, v3  }
0x4ea: {  	v3 =	vld [tilespmem:s19+$0x10200]  }
0x4eb: {  	v5 =	vld [tilespmem:s19+$0x8210];
	[tilespmem:s4+$0x18250] =	vst v2;
	v2 =	vadd.f32 v8, v6  }
0x4ec: {  	v6 =	vld [tilespmem:s19+$0x10210]  }
0x4ed: {  	v8 =	vld [tilespmem:s19+$0x8220];
	v4 =	vadd.f32 v4, v9;
	[tilespmem:s4+$0x18260] =	vst v2;
	s4 =	smov.u32 s19  }
0x4ee: {  	v9 =	vld [tilespmem:s4+$0x10220]  }
0x4ef: {  	v2 =	vadd.f32 v3, v7;
	v7 =	vld [tilespmem:s4+$0x8230];
	[tilespmem:s4+$0x18270] =	vst v4  }
0x4f0: {  	v10 =	vld [tilespmem:s4+$0x10230]  }
.Ltmp28:
0x4f1: {  	[tilespmem:s4+$0x18200] =	vst v2;
	v3 =	vadd.f32 v6, v5;
	v2 =	vld [tilespmem:s4+$0x8240];
	(pc) =	sbr.rel @p0 .LBB2_59-.Ltmp28, $4  }
0x4f2: {  	v4 =	vld [tilespmem:s4+$0x10240]  }
0x4f3: {  	[tilespmem:s4+$0x18210] =	vst v3;
	v6 =	vadd.f32 v9, v8;
	v3 =	vld [tilespmem:s4+$0x8250]  }
0x4f4: {  	v5 =	vld [tilespmem:s4+$0x10250]  }
0x4f5: {  	s18 =	sadd.s32 $0x1000, s18;
	[tilespmem:s4+$0x18220] =	vst v6;
	v7 =	vadd.f32 v10, v7;
	v6 =	vld [tilespmem:s4+$0x8260]  }
0x4f6: {  	v8 =	vld [tilespmem:s4+$0x10260];
	_ =	sdelay $0x2  }
0x4f7: {  	v2 =	vadd.f32 v4, v2  }
0x4f8: {  	[tilespmem:s4+$0x18230] =	vst v7;
	v3 =	vadd.f32 v5, v3  }
0x4f9: {  	[tilespmem:s4+$0x18240] =	vst v2;
	v2 =	vadd.f32 v8, v6  }
0x4fa: {  	[tilespmem:s4+$0x18250] =	vst v3  }
0x4fb: {  	[tilespmem:s4+$0x18260] =	vst v2  }
0x4fc: {  	v2 =	vld [tilespmem:s1+$0x82F0]  }
0x4fd: {  	v3 =	vld [tilespmem:s1+$0x102F0]  }
0x4fe: {  	v4 =	vld [tilespmem:s1+$0x8280]  }
0x4ff: {  	v5 =	vld [tilespmem:s1+$0x10280]  }
0x500: {  	v6 =	vld [tilespmem:s1+$0x8290]  }
0x501: {  	v7 =	vld [tilespmem:s1+$0x10290]  }
0x502: {  	v8 =	vld [tilespmem:s1+$0x82A0]  }
0x503: {  	v9 =	vld [tilespmem:s1+$0x102A0]  }
0x504: {  	v10 =	vld [tilespmem:s1+$0x82B0]  }
0x505: {  	v11 =	vld [tilespmem:s1+$0x102B0];
	v3 =	vadd.f32 v3, v2  }
0x506: {  	v5 =	vadd.f32 v5, v4;
	v2 =	vld [tilespmem:s1+$0x82C0]  }
0x507: {  	v6 =	vadd.f32 v7, v6;
	v4 =	vld [tilespmem:s1+$0x102C0];
	[tilespmem:s1+$0x182F0] =	vst v3  }
0x508: {  	v7 =	vadd.f32 v9, v8;
	[tilespmem:s1+$0x18280] =	vst v5;
	v3 =	vld [tilespmem:s1+$0x82D0]  }
0x509: {  	[tilespmem:s1+$0x18290] =	vst v6;
	v5 =	vld [tilespmem:s1+$0x102D0]  }
0x50a: {  	s16 =	simm.s32 $0x1000;
	s4 =	simm.s32 $0x0;
	[tilespmem:s1+$0x182A0] =	vst v7;
	v7 =	vadd.f32 v11, v10;
	v6 =	vld [tilespmem:s1+$0x82E0]  }
.LBB2_61:
0x50b: {  	s18 =	sshra.s32 s16, $0x2;
	v8 =	vld [tilespmem:s1+$0x102E0]  }
0x50c: {  	s4 =	sadd.s32 $0x8, s4;
	v9 =	vld [tilespmem:s18+$0x82F0];
	[tilespmem:s1+$0x182B0] =	vst v7;
	v2 =	vadd.f32 v4, v2  }
0x50d: {  	p0 =	slt.u32 s4, $0x38;
	v4 =	vld [tilespmem:s18+$0x102F0]  }
0x50e: {  	v7 =	vld [tilespmem:s18+$0x8280];
	[tilespmem:s1+$0x182C0] =	vst v2;
	v2 =	vadd.f32 v5, v3  }
0x50f: {  	v3 =	vld [tilespmem:s18+$0x10280]  }
0x510: {  	v5 =	vld [tilespmem:s18+$0x8290];
	[tilespmem:s1+$0x182D0] =	vst v2;
	v2 =	vadd.f32 v8, v6  }
0x511: {  	v6 =	vld [tilespmem:s18+$0x10290]  }
0x512: {  	v8 =	vld [tilespmem:s18+$0x82A0];
	v4 =	vadd.f32 v4, v9;
	[tilespmem:s1+$0x182E0] =	vst v2;
	s1 =	smov.u32 s18  }
0x513: {  	v9 =	vld [tilespmem:s1+$0x102A0]  }
0x514: {  	v2 =	vadd.f32 v3, v7;
	v7 =	vld [tilespmem:s1+$0x82B0];
	[tilespmem:s1+$0x182F0] =	vst v4  }
0x515: {  	v10 =	vld [tilespmem:s1+$0x102B0]  }
.Ltmp29:
0x516: {  	[tilespmem:s1+$0x18280] =	vst v2;
	v3 =	vadd.f32 v6, v5;
	v2 =	vld [tilespmem:s1+$0x82C0];
	(pc) =	sbr.rel @p0 .LBB2_61-.Ltmp29, $4  }
0x517: {  	v4 =	vld [tilespmem:s1+$0x102C0]  }
0x518: {  	[tilespmem:s1+$0x18290] =	vst v3;
	v6 =	vadd.f32 v9, v8;
	v3 =	vld [tilespmem:s1+$0x82D0]  }
0x519: {  	v5 =	vld [tilespmem:s1+$0x102D0]  }
0x51a: {  	s16 =	sadd.s32 $0x1000, s16;
	[tilespmem:s1+$0x182A0] =	vst v6;
	v7 =	vadd.f32 v10, v7;
	v6 =	vld [tilespmem:s1+$0x82E0]  }
0x51b: {  	v8 =	vld [tilespmem:s1+$0x102E0];
	_ =	sdelay $0x2  }
0x51c: {  	v2 =	vadd.f32 v4, v2  }
0x51d: {  	[tilespmem:s1+$0x182B0] =	vst v7;
	v3 =	vadd.f32 v5, v3  }
0x51e: {  	[tilespmem:s1+$0x182C0] =	vst v2;
	v2 =	vadd.f32 v8, v6  }
0x51f: {  	[tilespmem:s1+$0x182D0] =	vst v3  }
0x520: {  	[tilespmem:s1+$0x182E0] =	vst v2;
	s1 =	simm.s32 $0x0  }
0x521: {  	v2 =	vld [tilespmem:s1+$0x8370]  }
0x522: {  	v3 =	vld [tilespmem:s1+$0x10370]  }
0x523: {  	v4 =	vld [tilespmem:s1+$0x8300]  }
0x524: {  	v5 =	vld [tilespmem:s1+$0x10300]  }
0x525: {  	v6 =	vld [tilespmem:s1+$0x8310]  }
0x526: {  	v7 =	vld [tilespmem:s1+$0x10310]  }
0x527: {  	v8 =	vld [tilespmem:s1+$0x8320]  }
0x528: {  	v9 =	vld [tilespmem:s1+$0x10320]  }
0x529: {  	v10 =	vld [tilespmem:s1+$0x8330]  }
0x52a: {  	v11 =	vld [tilespmem:s1+$0x10330];
	v3 =	vadd.f32 v3, v2  }
0x52b: {  	v5 =	vadd.f32 v5, v4;
	v2 =	vld [tilespmem:s1+$0x8340]  }
0x52c: {  	v6 =	vadd.f32 v7, v6;
	v4 =	vld [tilespmem:s1+$0x10340];
	[tilespmem:s1+$0x18370] =	vst v3  }
0x52d: {  	v7 =	vadd.f32 v9, v8;
	[tilespmem:s1+$0x18300] =	vst v5;
	v3 =	vld [tilespmem:s1+$0x8350]  }
0x52e: {  	[tilespmem:s1+$0x18310] =	vst v6;
	v5 =	vld [tilespmem:s1+$0x10350]  }
0x52f: {  	s16 =	simm.s32 $0x0;
	s18 =	simm.s32 $0x1000;
	s4 =	simm.s32 $0x0;
	[tilespmem:s1+$0x18320] =	vst v7;
	v7 =	vadd.f32 v11, v10;
	v6 =	vld [tilespmem:s1+$0x8360]  }
.LBB2_63:
0x530: {  	s19 =	sshra.s32 s18, $0x2;
	v8 =	vld [tilespmem:s4+$0x10360]  }
0x531: {  	s16 =	sadd.s32 $0x8, s16;
	v9 =	vld [tilespmem:s19+$0x8370];
	[tilespmem:s4+$0x18330] =	vst v7;
	v2 =	vadd.f32 v4, v2  }
0x532: {  	p0 =	slt.u32 s16, $0x38;
	v4 =	vld [tilespmem:s19+$0x10370]  }
0x533: {  	v7 =	vld [tilespmem:s19+$0x8300];
	[tilespmem:s4+$0x18340] =	vst v2;
	v2 =	vadd.f32 v5, v3  }
0x534: {  	v3 =	vld [tilespmem:s19+$0x10300]  }
0x535: {  	v5 =	vld [tilespmem:s19+$0x8310];
	[tilespmem:s4+$0x18350] =	vst v2;
	v2 =	vadd.f32 v8, v6  }
0x536: {  	v6 =	vld [tilespmem:s19+$0x10310]  }
0x537: {  	v8 =	vld [tilespmem:s19+$0x8320];
	v4 =	vadd.f32 v4, v9;
	[tilespmem:s4+$0x18360] =	vst v2;
	s4 =	smov.u32 s19  }
0x538: {  	v9 =	vld [tilespmem:s4+$0x10320]  }
0x539: {  	v2 =	vadd.f32 v3, v7;
	v7 =	vld [tilespmem:s4+$0x8330];
	[tilespmem:s4+$0x18370] =	vst v4  }
0x53a: {  	v10 =	vld [tilespmem:s4+$0x10330]  }
.Ltmp30:
0x53b: {  	[tilespmem:s4+$0x18300] =	vst v2;
	v3 =	vadd.f32 v6, v5;
	v2 =	vld [tilespmem:s4+$0x8340];
	(pc) =	sbr.rel @p0 .LBB2_63-.Ltmp30, $4  }
0x53c: {  	v4 =	vld [tilespmem:s4+$0x10340]  }
0x53d: {  	[tilespmem:s4+$0x18310] =	vst v3;
	v6 =	vadd.f32 v9, v8;
	v3 =	vld [tilespmem:s4+$0x8350]  }
0x53e: {  	v5 =	vld [tilespmem:s4+$0x10350]  }
0x53f: {  	s18 =	sadd.s32 $0x1000, s18;
	[tilespmem:s4+$0x18320] =	vst v6;
	v7 =	vadd.f32 v10, v7;
	v6 =	vld [tilespmem:s4+$0x8360]  }
0x540: {  	v8 =	vld [tilespmem:s4+$0x10360];
	_ =	sdelay $0x2  }
0x541: {  	v2 =	vadd.f32 v4, v2  }
0x542: {  	[tilespmem:s4+$0x18330] =	vst v7;
	v3 =	vadd.f32 v5, v3  }
0x543: {  	[tilespmem:s4+$0x18340] =	vst v2;
	v2 =	vadd.f32 v8, v6  }
0x544: {  	[tilespmem:s4+$0x18350] =	vst v3  }
0x545: {  	[tilespmem:s4+$0x18360] =	vst v2  }
0x546: {  	v2 =	vld [tilespmem:s1+$0x83F0]  }
0x547: {  	v3 =	vld [tilespmem:s1+$0x103F0]  }
0x548: {  	v4 =	vld [tilespmem:s1+$0x8380]  }
0x549: {  	v5 =	vld [tilespmem:s1+$0x10380]  }
0x54a: {  	v6 =	vld [tilespmem:s1+$0x8390]  }
0x54b: {  	v7 =	vld [tilespmem:s1+$0x10390]  }
0x54c: {  	v8 =	vld [tilespmem:s1+$0x83A0]  }
0x54d: {  	v9 =	vld [tilespmem:s1+$0x103A0]  }
0x54e: {  	v10 =	vld [tilespmem:s1+$0x83B0]  }
0x54f: {  	v11 =	vld [tilespmem:s1+$0x103B0];
	v3 =	vadd.f32 v3, v2  }
0x550: {  	v5 =	vadd.f32 v5, v4;
	v2 =	vld [tilespmem:s1+$0x83C0]  }
0x551: {  	v6 =	vadd.f32 v7, v6;
	v4 =	vld [tilespmem:s1+$0x103C0];
	[tilespmem:s1+$0x183F0] =	vst v3  }
0x552: {  	v7 =	vadd.f32 v9, v8;
	[tilespmem:s1+$0x18380] =	vst v5;
	v3 =	vld [tilespmem:s1+$0x83D0]  }
0x553: {  	[tilespmem:s1+$0x18390] =	vst v6;
	v5 =	vld [tilespmem:s1+$0x103D0]  }
0x554: {  	s16 =	simm.s32 $0x1000;
	s4 =	simm.s32 $0x0;
	[tilespmem:s1+$0x183A0] =	vst v7;
	v7 =	vadd.f32 v11, v10;
	v6 =	vld [tilespmem:s1+$0x83E0]  }
.LBB2_65:
0x555: {  	s18 =	sshra.s32 s16, $0x2;
	v8 =	vld [tilespmem:s1+$0x103E0]  }
0x556: {  	s4 =	sadd.s32 $0x8, s4;
	v9 =	vld [tilespmem:s18+$0x83F0];
	[tilespmem:s1+$0x183B0] =	vst v7;
	v2 =	vadd.f32 v4, v2  }
0x557: {  	p0 =	slt.u32 s4, $0x38;
	v4 =	vld [tilespmem:s18+$0x103F0]  }
0x558: {  	v7 =	vld [tilespmem:s18+$0x8380];
	[tilespmem:s1+$0x183C0] =	vst v2;
	v2 =	vadd.f32 v5, v3  }
0x559: {  	v3 =	vld [tilespmem:s18+$0x10380]  }
0x55a: {  	v5 =	vld [tilespmem:s18+$0x8390];
	[tilespmem:s1+$0x183D0] =	vst v2;
	v2 =	vadd.f32 v8, v6  }
0x55b: {  	v6 =	vld [tilespmem:s18+$0x10390]  }
0x55c: {  	v8 =	vld [tilespmem:s18+$0x83A0];
	v4 =	vadd.f32 v4, v9;
	[tilespmem:s1+$0x183E0] =	vst v2;
	s1 =	smov.u32 s18  }
0x55d: {  	v9 =	vld [tilespmem:s1+$0x103A0]  }
0x55e: {  	v2 =	vadd.f32 v3, v7;
	v7 =	vld [tilespmem:s1+$0x83B0];
	[tilespmem:s1+$0x183F0] =	vst v4  }
0x55f: {  	v10 =	vld [tilespmem:s1+$0x103B0]  }
.Ltmp31:
0x560: {  	[tilespmem:s1+$0x18380] =	vst v2;
	v3 =	vadd.f32 v6, v5;
	v2 =	vld [tilespmem:s1+$0x83C0];
	(pc) =	sbr.rel @p0 .LBB2_65-.Ltmp31, $4  }
0x561: {  	v4 =	vld [tilespmem:s1+$0x103C0]  }
0x562: {  	[tilespmem:s1+$0x18390] =	vst v3;
	v6 =	vadd.f32 v9, v8;
	v3 =	vld [tilespmem:s1+$0x83D0]  }
0x563: {  	v5 =	vld [tilespmem:s1+$0x103D0]  }
0x564: {  	s16 =	sadd.s32 $0x1000, s16;
	[tilespmem:s1+$0x183A0] =	vst v6;
	v7 =	vadd.f32 v10, v7;
	v6 =	vld [tilespmem:s1+$0x83E0]  }
0x565: {  	v8 =	vld [tilespmem:s1+$0x103E0];
	_ =	sdelay $0x1  }
0x566: {  	s17 =	sadd.s32 $0x1, s17  }
0x567: {  	v2 =	vadd.f32 v4, v2;
	p0 =	sne.s32 s17, $0x10  }
.Ltmp32:
0x568: {  	[tilespmem:s1+$0x183B0] =	vst v7;
	v3 =	vadd.f32 v5, v3;
	(pc) =	sbr.rel @p0 .LBB2_2-.Ltmp32, $4  }
0x569: {  	[tilespmem:s1+$0x183C0] =	vst v2;
	v2 =	vadd.f32 v8, v6  }
0x56a: {  	s29 =	rddreg [dreg:$0x3];
	[tilespmem:s1+$0x183D0] =	vst v3  }
0x56b: {  	[tilespmem:s1+$0x183E0] =	vst v2;
	s1 =	sadd.s32 s29, s14  }
0x56c: {  	[hbm4b:s1+s5] =	stream.linear.scatter [tilespmem:s13], [sflag:$0xC], $0x2000, $0x38;
	[tilespmem:$0x1A000] =	vst v63  }
0x56d: {  	s1 =	simm.s32 $0x9  }
0x56e: {  	_ =	swait.ge [sflag:s1], $0x2000  }
0x56f: {  	[sflag:s1] =	ssyncset.done $0x0  }
0x570: {  	s22 =	simm.s32 $0xA;
	[sflag:s1] =	ssyncadd.s32 $0xFFFFE000  }
0x571: {  	_ =	swait.ge [sflag:s22], $0x2000  }
0x572: {  	[sflag:s22] =	ssyncset.done $0x0  }
0x573: {  	s25 =	simm.s32 $0xB;
	[sflag:s22] =	ssyncadd.s32 $0xFFFFE000  }
0x574: {  	_ =	swait.ge [sflag:s25], $0x2000  }
0x575: {  	[sflag:s25] =	ssyncset.done $0x0  }
0x576: {  	s4 =	simm.s32 $0xC;
	[sflag:s25] =	ssyncadd.s32 $0xFFFFE000  }
0x577: {  	_ =	swait.ge [sflag:s4], $0x2000  }
0x578: {  	s14 =	rddreg [dreg:$0x9]  }
0x579: {  	s29 =	rddreg [dreg:$0x8];
	s14 =	sadd.s32 $0x1, s14  }
0x57a: {  	p0 =	sne.s32 s14, s29  }
.Ltmp33:
0x57b: {  	_ = 	snop;
	(pc) =	sbr.rel @p0 .LBB2_1-.Ltmp33, $3  }
0x57c: {  	_ =	sdelay $0x1  }
0x57d: {  	[sflag:s4] =	ssyncset.done $0x0  }
0x57e: {  	[sflag:s4] =	ssyncadd.s32 $0xFFFFE000  }
0x57f: {  	_ =	sfence.sel $0x180000  }
0x580: {  	[bflag:$0x0] =	sbarrier.arrive $0xFFFF  }
0x581: {  	_ =	strace $0x90000047  }
0x582: {  	s0 =	stileid.u32;
	[bflag:$0x2] =	sbarrier.arrive $0xFFFF  }
0x583: {  	p0 =	sne.s32 s0, $0x0;
	s0 =	rddreg [dreg:$0x4]  }
0x584: {  	s0 =	sadd.s32 @!p0 $0x100000, s0  }
0x585: {  	[sflag:s0] =	ssyncadd.tile.s32 @!p0 $0x1;
	_ =	shalt  }
.Lfunc_end2:
_tile_overlayer_lowered:
.L_overlay_start_2:
0x586: {  	(tag) =	ssettag $0x2  }
0x587: {  	s0 =	rddreg [dreg:$0x0];
	s2 =	stileid.u32  }
0x588: {  	s1 =	rddreg [dreg:$0x1];
	p0 =	sne.s32 s2, $0x0  }
0x589: {  	s3 =	rddreg [dreg:$0x2];
	[bflag:$0x3] =	sbarrier.arrive $0xFFFF;
	s2 =	simm.s32 @!p0 $0x1C0D  }
0x58a: {  	[timem:s3], [sflag:s2] =	dma.local @!p0 [hbm:s0], s1  }
0x58b: {  	s0 =	simm.s32 @!p0 $0xD  }
0x58c: {  	_ =	swait.ge @!p0 [sflag:s0], s1  }
0x58d: {  	s1 =	ssub.s32 @!p0 $0x0, s1;
	[sflag:s0] =	ssyncset.done @!p0 $0x0  }
0x58e: {  	[sflag:s0] =	ssyncadd.s32 @!p0 s1  }
0x58f: {  	[bflag:$0x3] =	sbarrier.arrive $0xFFFF  }
0x590: {  	_ =	shalt  }

</sc_bundles>
